<compile_context>
chip_gen: v7x
topology: tpu7x:2x2x1
jax: 0.10.2.dev20260603
libtpu: 0.0.44.dev20260713+nightly
codegen_flags: <defaults>
</compile_context>

<pallas_src>
import functools

import jax
import jax.numpy as jnp
from jax import lax
from jax.experimental import pallas as pl
from jax.experimental.pallas import tpu as pltpu
from jax.experimental.pallas import tpu_sc as plsc

N = 10000
F = 64
H = 128
NC = 2
NS = 16
NW = NC * NS
CHUNK = 128
E = 320000
CPT = 80
EPT = CPT * CHUNK
EPAD = NW * EPT
NPAD = 10112
RPT = NPAD // NS
ZROW = 640
WBOFF = (0, 128, 256, 384, 512)
WBSZ = (128, 128, 128, 128, 120)

_mesh = plsc.VectorSubcoreMesh(core_axis_name="c", subcore_axis_name="s")


@functools.partial(
    pl.kernel,
    mesh=_mesh,
    out_type=jax.ShapeDtypeStruct((NC * NPAD,), jnp.float32),
    scratch_types=[
        pltpu.VMEM((CPT, CHUNK), jnp.int32),
        pltpu.VMEM((CHUNK,), jnp.float32),
        pltpu.VMEM((ZROW,), jnp.float32),
        pltpu.VMEM_SHARED((NPAD,), jnp.float32),
    ],
)
def _sc_degree(dst_hbm, deg_hbm, dstv, ones_v, zbuf, acc):
    cid = lax.axis_index("c")
    sid = lax.axis_index("s")
    wid = sid * NC + cid
    pltpu.sync_copy(dst_hbm.at[pl.ds(wid * CPT, CPT)], dstv)
    for i in range(CHUNK // 16):
        ones_v[pl.ds(i * 16, 16)] = jnp.ones((16,), jnp.float32)

    def zbody(i, carry):
        zbuf[pl.ds(i * 16, 16)] = jnp.zeros((16,), jnp.float32)
        return carry

    lax.fori_loop(0, ZROW // 16, zbody, 0)
    pltpu.sync_copy(zbuf.at[pl.ds(0, RPT)], acc.at[pl.ds(sid * RPT, RPT)])
    plsc.subcore_barrier()

    def body(j, carry):
        pltpu.sync_copy(ones_v, acc.at[dstv.at[j]], add=True)
        return carry

    lax.fori_loop(0, CPT, body, 0)
    plsc.subcore_barrier()
    pltpu.sync_copy(acc.at[pl.ds(sid * RPT, RPT)], zbuf.at[pl.ds(0, RPT)])
    pltpu.sync_copy(zbuf.at[pl.ds(0, RPT)],
                    deg_hbm.at[pl.ds(cid * NPAD + sid * RPT, RPT)])


@functools.partial(
    pl.kernel,
    mesh=_mesh,
    out_type=jax.ShapeDtypeStruct((NC, NPAD, H), jnp.float32),
    scratch_types=[pltpu.VMEM((CHUNK,), jnp.int32) for _ in range(3)]
    + [pltpu.VMEM((CHUNK,), jnp.int32) for _ in range(3)]
    + [pltpu.VMEM((CHUNK, H), jnp.float32) for _ in range(3)]
    + [pltpu.VMEM_SHARED((NPAD, H), jnp.float32)]
    + [pltpu.SemaphoreType.DMA for _ in range(6)],
)
def _sc_spmm(g_hbm, src_hbm, dst_hbm, out_hbm, *rest):
    srcv = rest[:3]
    dstv = rest[3:6]
    rows = rest[6:9]
    acc = rest[9]
    gsem = rest[10:13]
    isem = rest[13:16]
    cid = lax.axis_index("c")
    sid = lax.axis_index("s")
    wid = sid * NC + cid
    ibase = wid * CPT * CHUNK

    def iload(j, s):
        pltpu.async_copy(src_hbm.at[pl.ds(ibase + j * CHUNK, CHUNK)],
                         srcv[s], isem[s])
        pltpu.async_copy(dst_hbm.at[pl.ds(ibase + j * CHUNK, CHUNK)],
                         dstv[s], isem[s])

    def iwait(s):
        pltpu.make_async_copy(src_hbm.at[pl.ds(ibase, CHUNK)],
                              srcv[s], isem[s]).wait()
        pltpu.make_async_copy(dst_hbm.at[pl.ds(ibase, CHUNK)],
                              dstv[s], isem[s]).wait()

    def gissue(s):
        pltpu.async_copy(g_hbm.at[srcv[s]], rows[s], gsem[s])

    def gwait(s):
        pltpu.make_async_copy(g_hbm.at[srcv[s]], rows[s], gsem[s]).wait()

    def scat(s):
        pltpu.sync_copy(rows[s], acc.at[dstv[s]], add=True)

    iload(0, 0)
    iload(1, 1)
    iload(2, 2)

    def zbody(i, carry):
        for k in range(H // 16):
            rows[0][i, pl.ds(k * 16, 16)] = jnp.zeros((16,), jnp.float32)
        return carry

    lax.fori_loop(0, CHUNK, zbody, 0)

    def zissue(k, carry):
        pltpu.async_copy(rows[0].at[pl.ds(0, RPT // 8)],
                         acc.at[pl.ds(sid * RPT + k * (RPT // 8), RPT // 8)],
                         gsem[0])
        return carry

    def zdrain(k, carry):
        pltpu.make_async_copy(rows[0].at[pl.ds(0, RPT // 8)],
                              acc.at[pl.ds(sid * RPT, RPT // 8)],
                              gsem[0]).wait()
        return carry

    lax.fori_loop(0, 8, zissue, 0)
    lax.fori_loop(0, 8, zdrain, 0)
    plsc.subcore_barrier()

    iwait(0)
    gissue(0)
    iwait(1)
    gissue(1)

    def step(j, s, tail):
        gwait(s)
        scat(s)
        if not tail:
            iwait((s + 2) % 3)
            gissue((s + 2) % 3)
            iload(j + 3, s)

    def body(i, carry):
        for r in range(3):
            step(3 * i + r, r, False)
        return carry

    lax.fori_loop(0, (CPT - 2) // 3, body, 0)
    step(CPT - 2, (CPT - 2) % 3, True)
    step(CPT - 1, (CPT - 1) % 3, True)
    iwait(CPT % 3)
    plsc.subcore_barrier()
    pltpu.sync_copy(acc.at[pl.ds(sid * RPT + WBOFF[0], WBSZ[0])],
                    rows[0].at[pl.ds(0, WBSZ[0])])
    for k in range(len(WBOFF)):
        b = k % 2
        pltpu.async_copy(rows[b].at[pl.ds(0, WBSZ[k])],
                         out_hbm.at[cid, pl.ds(sid * RPT + WBOFF[k], WBSZ[k])],
                         gsem[b])
        if k + 1 < len(WBOFF):
            pltpu.sync_copy(
                acc.at[pl.ds(sid * RPT + WBOFF[k + 1], WBSZ[k + 1])],
                rows[1 - b].at[pl.ds(0, WBSZ[k + 1])])
        pltpu.make_async_copy(
            rows[b].at[pl.ds(0, WBSZ[k])],
            out_hbm.at[cid, pl.ds(sid * RPT + WBOFF[k], WBSZ[k])],
            gsem[b]).wait()


def _tc_z0_body(x_ref, xm_ref, w0a_ref, w0b_ref, z_ref):
    z_ref[...] = (
        jnp.dot(x_ref[...].astype(jnp.bfloat16),
                w0a_ref[...].astype(jnp.bfloat16),
                preferred_element_type=jnp.float32)
        + jnp.dot(xm_ref[...].astype(jnp.bfloat16),
                  w0b_ref[...].astype(jnp.bfloat16),
                  preferred_element_type=jnp.float32))


_tc_z0 = pl.pallas_call(
    _tc_z0_body,
    out_shape=jax.ShapeDtypeStruct((N, H), jnp.float32),
)


def _tc_scale_body(z_ref, degp_ref, g_ref, dinv_ref):
    deg = 1.0 + degp_ref[0, :N, :] + degp_ref[1, :N, :]
    dinv = lax.rsqrt(deg)
    dinv = dinv * (1.5 - 0.5 * deg * dinv * dinv)
    dinv_ref[...] = dinv
    g_ref[...] = dinv * z_ref[...]


_tc_scale = pl.pallas_call(
    _tc_scale_body,
    out_shape=(jax.ShapeDtypeStruct((N, H), jnp.float32),
               jax.ShapeDtypeStruct((N, 1), jnp.float32)),
)


def _tc_mid_body(p_ref, g_ref, dinv_ref, b_ref, w_ref, gout_ref):
    dinv = dinv_ref[...]
    agg = p_ref[0, :N, :] + p_ref[1, :N, :] + g_ref[...]
    h = jnp.maximum(dinv * agg + b_ref[...], 0.0)
    gout_ref[...] = dinv * jnp.dot(h.astype(jnp.bfloat16),
                                   w_ref[...].astype(jnp.bfloat16),
                                   preferred_element_type=jnp.float32)


_tc_mid = pl.pallas_call(
    _tc_mid_body,
    out_shape=jax.ShapeDtypeStruct((N, H), jnp.float32),
)


def _tc_last_body(p_ref, g_ref, dinv_ref, b_ref, wr1_ref, br1_ref,
                  wr2r_ref, br2_ref, emb_ref, pred_ref):
    dinv = dinv_ref[...]
    emb = dinv * (p_ref[0, :N, :] + p_ref[1, :N, :] + g_ref[...]) + b_ref[...]
    emb_ref[...] = emb
    h = jnp.maximum(emb, 0.0)
    t = jnp.maximum(jnp.dot(h.astype(jnp.bfloat16),
                            wr1_ref[...].astype(jnp.bfloat16),
                            preferred_element_type=jnp.float32)
                    + br1_ref[...], 0.0)
    tb = t.astype(jnp.bfloat16).astype(jnp.float32)
    wb = wr2r_ref[...].astype(jnp.bfloat16).astype(jnp.float32)
    pred_ref[...] = jnp.sum(tb * wb, axis=1, keepdims=True) + br2_ref[...]


_tc_last = pl.pallas_call(
    _tc_last_body,
    out_shape=(jax.ShapeDtypeStruct((N, H), jnp.float32),
               jax.ShapeDtypeStruct((N, 1), jnp.float32)),
)


def kernel(x, x_mask, edge_index, W0, b0, W1, b1, W2, b2, W3, b3,
           Wr1, br1, Wr2, br2):
    src = edge_index[0].astype(jnp.int32)
    dst = edge_index[1].astype(jnp.int32)
    pad = EPAD - E + 8 * CHUNK
    ar = jnp.arange(pad, dtype=jnp.int32)
    src_p = jnp.concatenate([src, (ar * 97) % N]).reshape(NW * CPT + 8, CHUNK)
    dst_p = jnp.concatenate([dst, N + (ar % (NPAD - N))]).reshape(NW * CPT + 8, CHUNK)
    src1 = src_p.reshape(-1)
    dst1 = dst_p.reshape(-1)

    degp = _sc_degree(dst_p).reshape(NC, NPAD, 1)
    z0 = _tc_z0(x[:, :F], x_mask[:, :F], W0[:F], W0[F:])
    g0, dinv = _tc_scale(z0, degp)
    p = _sc_spmm(g0, src1, dst1)
    g1 = _tc_mid(p, g0, dinv, b0.reshape(1, H), W1)
    p = _sc_spmm(g1, src1, dst1)
    g2 = _tc_mid(p, g1, dinv, b1.reshape(1, H), W2)
    p = _sc_spmm(g2, src1, dst1)
    g3 = _tc_mid(p, g2, dinv, b2.reshape(1, H), W3)
    p = _sc_spmm(g3, src1, dst1)
    emb, pred = _tc_last(p, g3, dinv, b3.reshape(1, H), Wr1,
                         br1.reshape(1, H), Wr2.reshape(1, H),
                         br2.reshape(1, 1))
    return emb, pred

# --- scband reference (transcript-rebuilt; emitter-appended) ---
"""Pipeline reference for scband-baseline-model-15290083574239 (READ-ONLY COPY).

The authoritative reference and input builder live on the scoring server;
editing this copy changes nothing except your own understanding.
"""

import jax, jax.numpy as jnp
import numpy as np

N_NODES = 10000
N_EDGES = 320000
F_KEEP = 64
HIDDEN = 128
OUT_DIM = 1


def setup_inputs(seed: int = 0) -> dict:
    key = jax.random.key(seed)
    ks = jax.random.split(key, 20)
    inp = {}
    inp['x'] = jax.random.normal(ks[0], (N_NODES, F_KEEP), dtype=jnp.float32)
    inp['x_mask'] = jax.random.uniform(ks[1], (N_NODES, F_KEEP), dtype=jnp.float32)
    inp['edge_index'] = jax.random.randint(ks[2], (2, N_EDGES), 0, N_NODES, dtype=jnp.int64)
    # 4 GCN layers: encode (128 -> 128) + 3 message passing layers (128 -> 128)
    inp['W0'] = jax.random.normal(ks[3], (2 * F_KEEP, HIDDEN), dtype=jnp.float32) * 0.05
    inp['b0'] = jnp.zeros((HIDDEN,), dtype=jnp.float32)
    inp['W1'] = jax.random.normal(ks[4], (HIDDEN, HIDDEN), dtype=jnp.float32) * 0.05
    inp['b1'] = jnp.zeros((HIDDEN,), dtype=jnp.float32)
    inp['W2'] = jax.random.normal(ks[5], (HIDDEN, HIDDEN), dtype=jnp.float32) * 0.05
    inp['b2'] = jnp.zeros((HIDDEN,), dtype=jnp.float32)
    inp['W3'] = jax.random.normal(ks[6], (HIDDEN, HIDDEN), dtype=jnp.float32) * 0.05
    inp['b3'] = jnp.zeros((HIDDEN,), dtype=jnp.float32)
    # regressor MLP: Linear(128,128) -> ReLU -> Linear(128,1)
    inp['Wr1'] = jax.random.normal(ks[7], (HIDDEN, HIDDEN), dtype=jnp.float32) * 0.05
    inp['br1'] = jnp.zeros((HIDDEN,), dtype=jnp.float32)
    inp['Wr2'] = jax.random.normal(ks[8], (HIDDEN, OUT_DIM), dtype=jnp.float32) * 0.05
    inp['br2'] = jnp.zeros((OUT_DIM,), dtype=jnp.float32)
    return inp


def reference(x, x_mask, edge_index, W0, b0, W1, b1, W2, b2, W3, b3, Wr1, br1, Wr2, br2):
    # slice per conf.graph_node_feature_dict (len 65 -> keep 64 cols) and concat mask
    h = jnp.concatenate([x[:, :F_KEEP], x_mask[:, :F_KEEP]], axis=1)
    N = h.shape[0]
    src, dst = edge_index[0], edge_index[1]
    loop = jnp.arange(N)
    src_a = jnp.concatenate([src, loop])
    dst_a = jnp.concatenate([dst, loop])
    # symmetric GCN normalization with self-loops (PyG GCNConv defaults)
    deg = jax.ops.segment_sum(jnp.ones(src_a.shape[0], dtype=jnp.float32), dst_a, num_segments=N)
    dinv = jnp.where(deg > 0, jax.lax.rsqrt(deg), 0.0)
    norm = dinv[src_a] * dinv[dst_a]

    def gcn(h, W, b):
        hw = h @ W
        msg = hw[src_a] * norm[:, None]
        return jax.ops.segment_sum(msg, dst_a, num_segments=N) + b

    emb = None
    for W, b in ((W0, b0), (W1, b1), (W2, b2), (W3, b3)):
        h = gcn(h, W, b)
        emb = h
        h = jax.nn.relu(h)
    pred = jax.nn.relu(h @ Wr1 + br1) @ Wr2 + br2
    return (emb, pred)

if __name__ == "__main__":
    import jax
    _d = setup_inputs()
    print(jax.jit(kernel)(*tuple(_d.values())))

</pallas_src>

<mosaic_0001>
#map = affine_map<(d0, d1) -> (0, 0)>
#map1 = affine_map<(d0, d1) -> (0)>
#map2 = affine_map<(d0, d1) -> (0, 0, 0)>
module attributes {stable_mosaic.version = 14 : i64} {
  func.func @_sc_spmm(%arg0: i32, %arg1: i32, %arg2: memref<10000x128xf32, #tpu.memory_space<hbm>>, %arg3: memref<328704xi32, #tpu.memory_space<hbm>>, %arg4: memref<328704xi32, #tpu.memory_space<hbm>>, %arg5: memref<2x10112x128xf32, #tpu.memory_space<hbm>>, %arg6: memref<128xi32, #tpu.memory_space<vmem>>, %arg7: memref<128xi32, #tpu.memory_space<vmem>>, %arg8: memref<128xi32, #tpu.memory_space<vmem>>, %arg9: memref<128xi32, #tpu.memory_space<vmem>>, %arg10: memref<128xi32, #tpu.memory_space<vmem>>, %arg11: memref<128xi32, #tpu.memory_space<vmem>>, %arg12: memref<128x128xf32, #tpu.memory_space<vmem>>, %arg13: memref<128x128xf32, #tpu.memory_space<vmem>>, %arg14: memref<128x128xf32, #tpu.memory_space<vmem>>, %arg15: memref<10112x128xf32, #tpu.memory_space<vmem_shared>>, %arg16: memref<!tpu.dma_semaphore, #tpu.memory_space<semaphore_mem>>, %arg17: memref<!tpu.dma_semaphore, #tpu.memory_space<semaphore_mem>>, %arg18: memref<!tpu.dma_semaphore, #tpu.memory_space<semaphore_mem>>, %arg19: memref<!tpu.dma_semaphore, #tpu.memory_space<semaphore_mem>>, %arg20: memref<!tpu.dma_semaphore, #tpu.memory_space<semaphore_mem>>, %arg21: memref<!tpu.dma_semaphore, #tpu.memory_space<semaphore_mem>>) attributes {dimension_semantics = [#tpu.dimension_semantics<core_parallel>, #tpu.dimension_semantics<subcore_parallel>], iteration_bounds = array<i64: 2, 16>, scalar_prefetch = 0 : i64, scratch_operands = 16 : i64, tpu.core_type = #tpu.core_type<sc_vector_subcore>, window_params = [{transform_indices = #map}, {transform_indices = #map1}, {transform_indices = #map1}, {transform_indices = #map2}]} {
    %mul3A = arith.constant 2 : i32
    %mul3A_0 = arith.muli %arg1, %mul3A : i32
    %add3A = arith.addi %mul3A_0, %arg0 : i32
    %mul3A_1 = arith.constant 80 : i32
    %mul3A_2 = arith.muli %add3A, %mul3A_1 : i32
    %mul3A_3 = arith.constant 128 : i32
    %mul3A_4 = arith.muli %mul3A_2, %mul3A_3 : i32
    %add3A_5 = arith.constant 0 : i32
    %add3A_6 = arith.addi %mul3A_4, %add3A_5 : i32
    %dma_start3A = tpu.memref_slice %arg3[%add3A_6] : memref<328704xi32, #tpu.memory_space<hbm>> -> memref<128xi32, #tpu.memory_space<hbm>>
    %dma_start3A_7 = tpu.memref_slice %arg3[%add3A_6] : memref<328704xi32, #tpu.memory_space<hbm>> -> memref<128xi32, #tpu.memory_space<hbm>>
    tpu.enqueue_dma source(%dma_start3A_7 : memref<128xi32, #tpu.memory_space<hbm>>) target(%arg6 : memref<128xi32, #tpu.memory_space<vmem>>) target_semaphore(%arg19 : memref<!tpu.dma_semaphore, #tpu.memory_space<semaphore_mem>>)
    %add3A_8 = arith.constant 0 : i32
    %add3A_9 = arith.addi %mul3A_4, %add3A_8 : i32
    %dma_start3A_10 = tpu.memref_slice %arg4[%add3A_9] : memref<328704xi32, #tpu.memory_space<hbm>> -> memref<128xi32, #tpu.memory_space<hbm>>
    %dma_start3A_11 = tpu.memref_slice %arg4[%add3A_9] : memref<328704xi32, #tpu.memory_space<hbm>> -> memref<128xi32, #tpu.memory_space<hbm>>
    tpu.enqueue_dma source(%dma_start3A_11 : memref<128xi32, #tpu.memory_space<hbm>>) target(%arg9 : memref<128xi32, #tpu.memory_space<vmem>>) target_semaphore(%arg19 : memref<!tpu.dma_semaphore, #tpu.memory_space<semaphore_mem>>)
    %add3A_12 = arith.constant 128 : i32
    %add3A_13 = arith.addi %mul3A_4, %add3A_12 : i32
    %dma_start3A_14 = tpu.memref_slice %arg3[%add3A_13] : memref<328704xi32, #tpu.memory_space<hbm>> -> memref<128xi32, #tpu.memory_space<hbm>>
    %dma_start3A_15 = tpu.memref_slice %arg3[%add3A_13] : memref<328704xi32, #tpu.memory_space<hbm>> -> memref<128xi32, #tpu.memory_space<hbm>>
    tpu.enqueue_dma source(%dma_start3A_15 : memref<128xi32, #tpu.memory_space<hbm>>) target(%arg7 : memref<128xi32, #tpu.memory_space<vmem>>) target_semaphore(%arg20 : memref<!tpu.dma_semaphore, #tpu.memory_space<semaphore_mem>>)
    %add3A_16 = arith.constant 128 : i32
    %add3A_17 = arith.addi %mul3A_4, %add3A_16 : i32
    %dma_start3A_18 = tpu.memref_slice %arg4[%add3A_17] : memref<328704xi32, #tpu.memory_space<hbm>> -> memref<128xi32, #tpu.memory_space<hbm>>
    %dma_start3A_19 = tpu.memref_slice %arg4[%add3A_17] : memref<328704xi32, #tpu.memory_space<hbm>> -> memref<128xi32, #tpu.memory_space<hbm>>
    tpu.enqueue_dma source(%dma_start3A_19 : memref<128xi32, #tpu.memory_space<hbm>>) target(%arg10 : memref<128xi32, #tpu.memory_space<vmem>>) target_semaphore(%arg20 : memref<!tpu.dma_semaphore, #tpu.memory_space<semaphore_mem>>)
    %add3A_20 = arith.constant 256 : i32
    %add3A_21 = arith.addi %mul3A_4, %add3A_20 : i32
    %dma_start3A_22 = tpu.memref_slice %arg3[%add3A_21] : memref<328704xi32, #tpu.memory_space<hbm>> -> memref<128xi32, #tpu.memory_space<hbm>>
    %dma_start3A_23 = tpu.memref_slice %arg3[%add3A_21] : memref<328704xi32, #tpu.memory_space<hbm>> -> memref<128xi32, #tpu.memory_space<hbm>>
    tpu.enqueue_dma source(%dma_start3A_23 : memref<128xi32, #tpu.memory_space<hbm>>) target(%arg8 : memref<128xi32, #tpu.memory_space<vmem>>) target_semaphore(%arg21 : memref<!tpu.dma_semaphore, #tpu.memory_space<semaphore_mem>>)
    %add3A_24 = arith.constant 256 : i32
    %add3A_25 = arith.addi %mul3A_4, %add3A_24 : i32
    %dma_start3A_26 = tpu.memref_slice %arg4[%add3A_25] : memref<328704xi32, #tpu.memory_space<hbm>> -> memref<128xi32, #tpu.memory_space<hbm>>
    %dma_start3A_27 = tpu.memref_slice %arg4[%add3A_25] : memref<328704xi32, #tpu.memory_space<hbm>> -> memref<128xi32, #tpu.memory_space<hbm>>
    tpu.enqueue_dma source(%dma_start3A_27 : memref<128xi32, #tpu.memory_space<hbm>>) target(%arg11 : memref<128xi32, #tpu.memory_space<vmem>>) target_semaphore(%arg21 : memref<!tpu.dma_semaphore, #tpu.memory_space<semaphore_mem>>)
    %scan3A = arith.constant 0 : i32
    %scan3A_28 = arith.constant 0 : i32
    %scan3A_29 = arith.constant 128 : i32
    %scan3A_30 = arith.addi %scan3A_28, %scan3A_29 : i32
    %scan3A_31 = arith.constant 1 : i32
    scf.for %scan3A_255 = %scan3A_28 to %scan3A_30 step %scan3A_31  : i32 {
      %broadcast_in_dim3A = arith.constant 0.000000e+00 : f32
      %broadcast_in_dim3A_256 = vector.broadcast %broadcast_in_dim3A : f32 to vector<16xf32>
      %swap3A = arith.index_cast %scan3A_255 : i32 to index
      %swap3A_257 = arith.constant 0 : index
      %swap3A_258 = tpu.vector_load %arg12[%swap3A, %swap3A_257] {strides = array<i32>} : memref<128x128xf32, #tpu.memory_space<vmem>>, vector<1x16xf32>,
      %swap3A_259 = vector.shape_cast %swap3A_258 : vector<1x16xf32> to vector<16xf32>
      %swap3A_260 = vector.shape_cast %broadcast_in_dim3A_256 : vector<16xf32> to vector<1x16xf32>
      tpu.vector_store %arg12[%swap3A, %swap3A_257], %swap3A_260 {strides = array<i32>} : memref<128x128xf32, #tpu.memory_space<vmem>>, vector<1x16xf32>,
      %broadcast_in_dim3A_261 = arith.constant 0.000000e+00 : f32
      %broadcast_in_dim3A_262 = vector.broadcast %broadcast_in_dim3A_261 : f32 to vector<16xf32>
      %swap3A_263 = arith.index_cast %scan3A_255 : i32 to index
      %swap3A_264 = arith.constant 16 : index
      %swap3A_265 = tpu.vector_load %arg12[%swap3A_263, %swap3A_264] {strides = array<i32>} : memref<128x128xf32, #tpu.memory_space<vmem>>, vector<1x16xf32>,
      %swap3A_266 = vector.shape_cast %swap3A_265 : vector<1x16xf32> to vector<16xf32>
      %swap3A_267 = vector.shape_cast %broadcast_in_dim3A_262 : vector<16xf32> to vector<1x16xf32>
      tpu.vector_store %arg12[%swap3A_263, %swap3A_264], %swap3A_267 {strides = array<i32>} : memref<128x128xf32, #tpu.memory_space<vmem>>, vector<1x16xf32>,
      %broadcast_in_dim3A_268 = arith.constant 0.000000e+00 : f32
      %broadcast_in_dim3A_269 = vector.broadcast %broadcast_in_dim3A_268 : f32 to vector<16xf32>
      %swap3A_270 = arith.index_cast %scan3A_255 : i32 to index
      %swap3A_271 = arith.constant 32 : index
      %swap3A_272 = tpu.vector_load %arg12[%swap3A_270, %swap3A_271] {strides = array<i32>} : memref<128x128xf32, #tpu.memory_space<vmem>>, vector<1x16xf32>,
      %swap3A_273 = vector.shape_cast %swap3A_272 : vector<1x16xf32> to vector<16xf32>
      %swap3A_274 = vector.shape_cast %broadcast_in_dim3A_269 : vector<16xf32> to vector<1x16xf32>
      tpu.vector_store %arg12[%swap3A_270, %swap3A_271], %swap3A_274 {strides = array<i32>} : memref<128x128xf32, #tpu.memory_space<vmem>>, vector<1x16xf32>,
      %broadcast_in_dim3A_275 = arith.constant 0.000000e+00 : f32
      %broadcast_in_dim3A_276 = vector.broadcast %broadcast_in_dim3A_275 : f32 to vector<16xf32>
      %swap3A_277 = arith.index_cast %scan3A_255 : i32 to index
      %swap3A_278 = arith.constant 48 : index
      %swap3A_279 = tpu.vector_load %arg12[%swap3A_277, %swap3A_278] {strides = array<i32>} : memref<128x128xf32, #tpu.memory_space<vmem>>, vector<1x16xf32>,
      %swap3A_280 = vector.shape_cast %swap3A_279 : vector<1x16xf32> to vector<16xf32>
      %swap3A_281 = vector.shape_cast %broadcast_in_dim3A_276 : vector<16xf32> to vector<1x16xf32>
      tpu.vector_store %arg12[%swap3A_277, %swap3A_278], %swap3A_281 {strides = array<i32>} : memref<128x128xf32, #tpu.memory_space<vmem>>, vector<1x16xf32>,
      %broadcast_in_dim3A_282 = arith.constant 0.000000e+00 : f32
      %broadcast_in_dim3A_283 = vector.broadcast %broadcast_in_dim3A_282 : f32 to vector<16xf32>
      %swap3A_284 = arith.index_cast %scan3A_255 : i32 to index
      %swap3A_285 = arith.constant 64 : index
      %swap3A_286 = tpu.vector_load %arg12[%swap3A_284, %swap3A_285] {strides = array<i32>} : memref<128x128xf32, #tpu.memory_space<vmem>>, vector<1x16xf32>,
      %swap3A_287 = vector.shape_cast %swap3A_286 : vector<1x16xf32> to vector<16xf32>
      %swap3A_288 = vector.shape_cast %broadcast_in_dim3A_283 : vector<16xf32> to vector<1x16xf32>
      tpu.vector_store %arg12[%swap3A_284, %swap3A_285], %swap3A_288 {strides = array<i32>} : memref<128x128xf32, #tpu.memory_space<vmem>>, vector<1x16xf32>,
      %broadcast_in_dim3A_289 = arith.constant 0.000000e+00 : f32
      %broadcast_in_dim3A_290 = vector.broadcast %broadcast_in_dim3A_289 : f32 to vector<16xf32>
      %swap3A_291 = arith.index_cast %scan3A_255 : i32 to index
      %swap3A_292 = arith.constant 80 : index
      %swap3A_293 = tpu.vector_load %arg12[%swap3A_291, %swap3A_292] {strides = array<i32>} : memref<128x128xf32, #tpu.memory_space<vmem>>, vector<1x16xf32>,
      %swap3A_294 = vector.shape_cast %swap3A_293 : vector<1x16xf32> to vector<16xf32>
      %swap3A_295 = vector.shape_cast %broadcast_in_dim3A_290 : vector<16xf32> to vector<1x16xf32>
      tpu.vector_store %arg12[%swap3A_291, %swap3A_292], %swap3A_295 {strides = array<i32>} : memref<128x128xf32, #tpu.memory_space<vmem>>, vector<1x16xf32>,
      %broadcast_in_dim3A_296 = arith.constant 0.000000e+00 : f32
      %broadcast_in_dim3A_297 = vector.broadcast %broadcast_in_dim3A_296 : f32 to vector<16xf32>
      %swap3A_298 = arith.index_cast %scan3A_255 : i32 to index
      %swap3A_299 = arith.constant 96 : index
      %swap3A_300 = tpu.vector_load %arg12[%swap3A_298, %swap3A_299] {strides = array<i32>} : memref<128x128xf32, #tpu.memory_space<vmem>>, vector<1x16xf32>,
      %swap3A_301 = vector.shape_cast %swap3A_300 : vector<1x16xf32> to vector<16xf32>
      %swap3A_302 = vector.shape_cast %broadcast_in_dim3A_297 : vector<16xf32> to vector<1x16xf32>
      tpu.vector_store %arg12[%swap3A_298, %swap3A_299], %swap3A_302 {strides = array<i32>} : memref<128x128xf32, #tpu.memory_space<vmem>>, vector<1x16xf32>,
      %broadcast_in_dim3A_303 = arith.constant 0.000000e+00 : f32
      %broadcast_in_dim3A_304 = vector.broadcast %broadcast_in_dim3A_303 : f32 to vector<16xf32>
      %swap3A_305 = arith.index_cast %scan3A_255 : i32 to index
      %swap3A_306 = arith.constant 112 : index
      %swap3A_307 = tpu.vector_load %arg12[%swap3A_305, %swap3A_306] {strides = array<i32>} : memref<128x128xf32, #tpu.memory_space<vmem>>, vector<1x16xf32>,
      %swap3A_308 = vector.shape_cast %swap3A_307 : vector<1x16xf32> to vector<16xf32>
      %swap3A_309 = vector.shape_cast %broadcast_in_dim3A_304 : vector<16xf32> to vector<1x16xf32>
      tpu.vector_store %arg12[%swap3A_305, %swap3A_306], %swap3A_309 {strides = array<i32>} : memref<128x128xf32, #tpu.memory_space<vmem>>, vector<1x16xf32>,
    }
    %scan3A_32 = arith.constant 128 : i32
    %scan3A_33 = arith.constant 0 : i32
    %scan3A_34 = arith.constant 0 : i32
    %scan3A_35 = arith.constant 8 : i32
    %scan3A_36 = arith.addi %scan3A_34, %scan3A_35 : i32
    %scan3A_37 = arith.constant 1 : i32
    scf.for %scan3A_255 = %scan3A_34 to %scan3A_36 step %scan3A_37  : i32 {
      %mul3A_256 = arith.constant 632 : i32
      %mul3A_257 = arith.muli %arg1, %mul3A_256 : i32
      %mul3A_258 = arith.constant 79 : i32
      %mul3A_259 = arith.muli %scan3A_255, %mul3A_258 : i32
      %add3A_260 = arith.addi %mul3A_257, %mul3A_259 : i32
      %dma_start3A_261 = arith.constant 0 : i32
      %dma_start3A_262 = arith.constant 0 : i32
      %dma_start3A_263 = tpu.memref_slice %arg12[%dma_start3A_261, %dma_start3A_262] : memref<128x128xf32, #tpu.memory_space<vmem>> -> memref<79x128xf32, #tpu.memory_space<vmem>>
      %dma_start3A_264 = arith.constant 0 : i32
      %dma_start3A_265 = tpu.memref_slice %arg15[%add3A_260, %dma_start3A_264] : memref<10112x128xf32, #tpu.memory_space<vmem_shared>> -> memref<79x128xf32, #tpu.memory_space<vmem_shared>>
      %dma_start3A_266 = arith.constant 0 : i32
      %dma_start3A_267 = tpu.memref_slice %arg15[%add3A_260, %dma_start3A_266] : memref<10112x128xf32, #tpu.memory_space<vmem_shared>> -> memref<79x128xf32, #tpu.memory_space<vmem_shared>>
      %dma_start3A_268 = arith.constant 0 : i32
      %dma_start3A_269 = arith.constant 0 : i32
      %dma_start3A_270 = tpu.memref_slice %arg12[%dma_start3A_268, %dma_start3A_269] : memref<128x128xf32, #tpu.memory_space<vmem>> -> memref<79x128xf32, #tpu.memory_space<vmem>>
      tpu.enqueue_dma source(%dma_start3A_270 : memref<79x128xf32, #tpu.memory_space<vmem>>) target(%dma_start3A_267 : memref<79x128xf32, #tpu.memory_space<vmem_shared>>) target_semaphore(%arg16 : memref<!tpu.dma_semaphore, #tpu.memory_space<semaphore_mem>>)
    }
    %scan3A_38 = arith.constant 8 : i32
    %scan3A_39 = arith.constant 0 : i32
    %scan3A_40 = arith.constant 0 : i32
    %scan3A_41 = arith.constant 8 : i32
    %scan3A_42 = arith.addi %scan3A_40, %scan3A_41 : i32
    %scan3A_43 = arith.constant 1 : i32
    scf.for %scan3A_255 = %scan3A_40 to %scan3A_42 step %scan3A_43  : i32 {
      %mul3A_256 = arith.constant 632 : i32
      %mul3A_257 = arith.muli %arg1, %mul3A_256 : i32
      %dma_wait3A_258 = arith.constant 0 : i32
      %dma_wait3A_259 = arith.constant 0 : i32
      %dma_wait3A_260 = tpu.memref_slice %arg12[%dma_wait3A_258, %dma_wait3A_259] : memref<128x128xf32, #tpu.memory_space<vmem>> -> memref<79x128xf32, #tpu.memory_space<vmem>>
      %dma_wait3A_261 = arith.constant 0 : i32
      %dma_wait3A_262 = tpu.memref_slice %arg15[%mul3A_257, %dma_wait3A_261] : memref<10112x128xf32, #tpu.memory_space<vmem_shared>> -> memref<79x128xf32, #tpu.memory_space<vmem_shared>>
      %dma_wait3A_263 = arith.constant 0 : i32
      %dma_wait3A_264 = tpu.memref_slice %arg15[%mul3A_257, %dma_wait3A_263] : memref<10112x128xf32, #tpu.memory_space<vmem_shared>> -> memref<79x128xf32, #tpu.memory_space<vmem_shared>>
      %dma_wait3A_265 = arith.constant 0 : i32
      %dma_wait3A_266 = arith.constant 0 : i32
      %dma_wait3A_267 = tpu.memref_slice %arg12[%dma_wait3A_265, %dma_wait3A_266] : memref<128x128xf32, #tpu.memory_space<vmem>> -> memref<79x128xf32, #tpu.memory_space<vmem>>
      tpu.wait_dma2 semaphore(%arg16 : memref<!tpu.dma_semaphore, #tpu.memory_space<semaphore_mem>>) src(%dma_wait3A_267 : memref<79x128xf32, #tpu.memory_space<vmem>>) dst(%dma_wait3A_264 : memref<79x128xf32, #tpu.memory_space<vmem_shared>>)
    }
    %scan3A_44 = arith.constant 8 : i32
    %barrier3A = arith.constant 0 : index
    tpu.barrier barrier_id(%barrier3A)
    %dma_wait3A = tpu.memref_slice %arg3[%mul3A_4] : memref<328704xi32, #tpu.memory_space<hbm>> -> memref<128xi32, #tpu.memory_space<hbm>>
    %dma_wait3A_45 = tpu.memref_slice %arg3[%mul3A_4] : memref<328704xi32, #tpu.memory_space<hbm>> -> memref<128xi32, #tpu.memory_space<hbm>>
    tpu.wait_dma2 semaphore(%arg19 : memref<!tpu.dma_semaphore, #tpu.memory_space<semaphore_mem>>) src(%dma_wait3A_45 : memref<128xi32, #tpu.memory_space<hbm>>) dst(%arg6 : memref<128xi32, #tpu.memory_space<vmem>>)
    %dma_wait3A_46 = tpu.memref_slice %arg4[%mul3A_4] : memref<328704xi32, #tpu.memory_space<hbm>> -> memref<128xi32, #tpu.memory_space<hbm>>
    %dma_wait3A_47 = tpu.memref_slice %arg4[%mul3A_4] : memref<328704xi32, #tpu.memory_space<hbm>> -> memref<128xi32, #tpu.memory_space<hbm>>
    tpu.wait_dma2 semaphore(%arg19 : memref<!tpu.dma_semaphore, #tpu.memory_space<semaphore_mem>>) src(%dma_wait3A_47 : memref<128xi32, #tpu.memory_space<hbm>>) dst(%arg9 : memref<128xi32, #tpu.memory_space<vmem>>)
    %dma_start3A_48 = arith.constant 0 : i32
    %dma_start3A_49 = arith.constant 0 : i32
    %dma_start3A_50 = tpu.memref_slice %arg2[%dma_start3A_48, %dma_start3A_49] : memref<10000x128xf32, #tpu.memory_space<hbm>> -> memref<10000x128xf32, #tpu.memory_space<hbm>>
    tpu.enqueue_indirect_dma source(%dma_start3A_50 : memref<10000x128xf32, #tpu.memory_space<hbm>>) target(%arg12 : memref<128x128xf32, #tpu.memory_space<vmem>>) offsets(%arg6 : memref<128xi32, #tpu.memory_space<vmem>>) semaphore(%arg16 : memref<!tpu.dma_semaphore, #tpu.memory_space<semaphore_mem>>)
    %dma_wait3A_51 = tpu.memref_slice %arg3[%mul3A_4] : memref<328704xi32, #tpu.memory_space<hbm>> -> memref<128xi32, #tpu.memory_space<hbm>>
    %dma_wait3A_52 = tpu.memref_slice %arg3[%mul3A_4] : memref<328704xi32, #tpu.memory_space<hbm>> -> memref<128xi32, #tpu.memory_space<hbm>>
    tpu.wait_dma2 semaphore(%arg20 : memref<!tpu.dma_semaphore, #tpu.memory_space<semaphore_mem>>) src(%dma_wait3A_52 : memref<128xi32, #tpu.memory_space<hbm>>) dst(%arg7 : memref<128xi32, #tpu.memory_space<vmem>>)
    %dma_wait3A_53 = tpu.memref_slice %arg4[%mul3A_4] : memref<328704xi32, #tpu.memory_space<hbm>> -> memref<128xi32, #tpu.memory_space<hbm>>
    %dma_wait3A_54 = tpu.memref_slice %arg4[%mul3A_4] : memref<328704xi32, #tpu.memory_space<hbm>> -> memref<128xi32, #tpu.memory_space<hbm>>
    tpu.wait_dma2 semaphore(%arg20 : memref<!tpu.dma_semaphore, #tpu.memory_space<semaphore_mem>>) src(%dma_wait3A_54 : memref<128xi32, #tpu.memory_space<hbm>>) dst(%arg10 : memref<128xi32, #tpu.memory_space<vmem>>)
    %dma_start3A_55 = arith.constant 0 : i32
    %dma_start3A_56 = arith.constant 0 : i32
    %dma_start3A_57 = tpu.memref_slice %arg2[%dma_start3A_55, %dma_start3A_56] : memref<10000x128xf32, #tpu.memory_space<hbm>> -> memref<10000x128xf32, #tpu.memory_space<hbm>>
    tpu.enqueue_indirect_dma source(%dma_start3A_57 : memref<10000x128xf32, #tpu.memory_space<hbm>>) target(%arg13 : memref<128x128xf32, #tpu.memory_space<vmem>>) offsets(%arg7 : memref<128xi32, #tpu.memory_space<vmem>>) semaphore(%arg17 : memref<!tpu.dma_semaphore, #tpu.memory_space<semaphore_mem>>)
    %scan3A_58 = arith.constant 0 : i32
    %scan3A_59 = arith.constant 0 : i32
    %scan3A_60 = arith.constant 26 : i32
    %scan3A_61 = arith.addi %scan3A_59, %scan3A_60 : i32
    %scan3A_62 = arith.constant 1 : i32
    scf.for %scan3A_255 = %scan3A_59 to %scan3A_61 step %scan3A_62  : i32 {
      %mul3A_256 = arith.constant 3 : i32
      %mul3A_257 = arith.muli %mul3A_256, %scan3A_255 : i32
      %add3A_258 = arith.constant 0 : i32
      %add3A_259 = arith.addi %mul3A_257, %add3A_258 : i32
      %dma_wait3A_260 = arith.constant 0 : i32
      %dma_wait3A_261 = arith.constant 0 : i32
      %dma_wait3A_262 = tpu.memref_slice %arg2[%dma_wait3A_260, %dma_wait3A_261] : memref<10000x128xf32, #tpu.memory_space<hbm>> -> memref<10000x128xf32, #tpu.memory_space<hbm>>
      tpu.wait_indirect_dma semaphore(%arg16 : memref<!tpu.dma_semaphore, #tpu.memory_space<semaphore_mem>>) src(%dma_wait3A_262 : memref<10000x128xf32, #tpu.memory_space<hbm>>) dst(%arg12 : memref<128x128xf32, #tpu.memory_space<vmem>>)
      "tpu.region"() ({
        %run_scoped3A = tpu.sem_alloc : memref<!tpu.dma_semaphore, #tpu.memory_space<semaphore_mem>>
        %dma_start3A_334 = arith.constant 0 : i32
        %dma_start3A_335 = arith.constant 0 : i32
        %dma_start3A_336 = tpu.memref_slice %arg15[%dma_start3A_334, %dma_start3A_335] : memref<10112x128xf32, #tpu.memory_space<vmem_shared>> -> memref<10112x128xf32, #tpu.memory_space<vmem_shared>>
        tpu.enqueue_indirect_dma source(%arg12 : memref<128x128xf32, #tpu.memory_space<vmem>>) target(%dma_start3A_336 : memref<10112x128xf32, #tpu.memory_space<vmem_shared>>) offsets(%arg9 : memref<128xi32, #tpu.memory_space<vmem>>) semaphore(%run_scoped3A : memref<!tpu.dma_semaphore, #tpu.memory_space<semaphore_mem>>) {add = true}
        %dma_wait3A_337 = arith.constant 0 : i32
        %dma_wait3A_338 = arith.constant 0 : i32
        %dma_wait3A_339 = tpu.memref_slice %arg15[%dma_wait3A_337, %dma_wait3A_338] : memref<10112x128xf32, #tpu.memory_space<vmem_shared>> -> memref<10112x128xf32, #tpu.memory_space<vmem_shared>>
        tpu.wait_indirect_dma semaphore(%run_scoped3A : memref<!tpu.dma_semaphore, #tpu.memory_space<semaphore_mem>>) src(%arg12 : memref<128x128xf32, #tpu.memory_space<vmem>>) dst(%dma_wait3A_339 : memref<10112x128xf32, #tpu.memory_space<vmem_shared>>)
        tpu.yield
      }) : () -> ()
      %dma_wait3A_263 = tpu.memref_slice %arg3[%mul3A_4] : memref<328704xi32, #tpu.memory_space<hbm>> -> memref<128xi32, #tpu.memory_space<hbm>>
      %dma_wait3A_264 = tpu.memref_slice %arg3[%mul3A_4] : memref<328704xi32, #tpu.memory_space<hbm>> -> memref<128xi32, #tpu.memory_space<hbm>>
      tpu.wait_dma2 semaphore(%arg21 : memref<!tpu.dma_semaphore, #tpu.memory_space<semaphore_mem>>) src(%dma_wait3A_264 : memref<128xi32, #tpu.memory_space<hbm>>) dst(%arg8 : memref<128xi32, #tpu.memory_space<vmem>>)
      %dma_wait3A_265 = tpu.memref_slice %arg4[%mul3A_4] : memref<328704xi32, #tpu.memory_space<hbm>> -> memref<128xi32, #tpu.memory_space<hbm>>
      %dma_wait3A_266 = tpu.memref_slice %arg4[%mul3A_4] : memref<328704xi32, #tpu.memory_space<hbm>> -> memref<128xi32, #tpu.memory_space<hbm>>
      tpu.wait_dma2 semaphore(%arg21 : memref<!tpu.dma_semaphore, #tpu.memory_space<semaphore_mem>>) src(%dma_wait3A_266 : memref<128xi32, #tpu.memory_space<hbm>>) dst(%arg11 : memref<128xi32, #tpu.memory_space<vmem>>)
      %dma_start3A_267 = arith.constant 0 : i32
      %dma_start3A_268 = arith.constant 0 : i32
      %dma_start3A_269 = tpu.memref_slice %arg2[%dma_start3A_267, %dma_start3A_268] : memref<10000x128xf32, #tpu.memory_space<hbm>> -> memref<10000x128xf32, #tpu.memory_space<hbm>>
      tpu.enqueue_indirect_dma source(%dma_start3A_269 : memref<10000x128xf32, #tpu.memory_space<hbm>>) target(%arg14 : memref<128x128xf32, #tpu.memory_space<vmem>>) offsets(%arg8 : memref<128xi32, #tpu.memory_space<vmem>>) semaphore(%arg18 : memref<!tpu.dma_semaphore, #tpu.memory_space<semaphore_mem>>)
      %add3A_270 = arith.constant 3 : i32
      %add3A_271 = arith.addi %add3A_259, %add3A_270 : i32
      %mul3A_272 = arith.constant 128 : i32
      %mul3A_273 = arith.muli %add3A_271, %mul3A_272 : i32
      %add3A_274 = arith.addi %mul3A_4, %mul3A_273 : i32
      %dma_start3A_275 = tpu.memref_slice %arg3[%add3A_274] : memref<328704xi32, #tpu.memory_space<hbm>> -> memref<128xi32, #tpu.memory_space<hbm>>
      %dma_start3A_276 = tpu.memref_slice %arg3[%add3A_274] : memref<328704xi32, #tpu.memory_space<hbm>> -> memref<128xi32, #tpu.memory_space<hbm>>
      tpu.enqueue_dma source(%dma_start3A_276 : memref<128xi32, #tpu.memory_space<hbm>>) target(%arg6 : memref<128xi32, #tpu.memory_space<vmem>>) target_semaphore(%arg19 : memref<!tpu.dma_semaphore, #tpu.memory_space<semaphore_mem>>)
      %mul3A_277 = arith.constant 128 : i32
      %mul3A_278 = arith.muli %add3A_271, %mul3A_277 : i32
      %add3A_279 = arith.addi %mul3A_4, %mul3A_278 : i32
      %dma_start3A_280 = tpu.memref_slice %arg4[%add3A_279] : memref<328704xi32, #tpu.memory_space<hbm>> -> memref<128xi32, #tpu.memory_space<hbm>>
      %dma_start3A_281 = tpu.memref_slice %arg4[%add3A_279] : memref<328704xi32, #tpu.memory_space<hbm>> -> memref<128xi32, #tpu.memory_space<hbm>>
      tpu.enqueue_dma source(%dma_start3A_281 : memref<128xi32, #tpu.memory_space<hbm>>) target(%arg9 : memref<128xi32, #tpu.memory_space<vmem>>) target_semaphore(%arg19 : memref<!tpu.dma_semaphore, #tpu.memory_space<semaphore_mem>>)
      %mul3A_282 = arith.constant 3 : i32
      %mul3A_283 = arith.muli %mul3A_282, %scan3A_255 : i32
      %add3A_284 = arith.constant 1 : i32
      %add3A_285 = arith.addi %mul3A_283, %add3A_284 : i32
      %dma_wait3A_286 = arith.constant 0 : i32
      %dma_wait3A_287 = arith.constant 0 : i32
      %dma_wait3A_288 = tpu.memref_slice %arg2[%dma_wait3A_286, %dma_wait3A_287] : memref<10000x128xf32, #tpu.memory_space<hbm>> -> memref<10000x128xf32, #tpu.memory_space<hbm>>
      tpu.wait_indirect_dma semaphore(%arg17 : memref<!tpu.dma_semaphore, #tpu.memory_space<semaphore_mem>>) src(%dma_wait3A_288 : memref<10000x128xf32, #tpu.memory_space<hbm>>) dst(%arg13 : memref<128x128xf32, #tpu.memory_space<vmem>>)
      "tpu.region"() ({
        %run_scoped3A = tpu.sem_alloc : memref<!tpu.dma_semaphore, #tpu.memory_space<semaphore_mem>>
        %dma_start3A_334 = arith.constant 0 : i32
        %dma_start3A_335 = arith.constant 0 : i32
        %dma_start3A_336 = tpu.memref_slice %arg15[%dma_start3A_334, %dma_start3A_335] : memref<10112x128xf32, #tpu.memory_space<vmem_shared>> -> memref<10112x128xf32, #tpu.memory_space<vmem_shared>>
        tpu.enqueue_indirect_dma source(%arg13 : memref<128x128xf32, #tpu.memory_space<vmem>>) target(%dma_start3A_336 : memref<10112x128xf32, #tpu.memory_space<vmem_shared>>) offsets(%arg10 : memref<128xi32, #tpu.memory_space<vmem>>) semaphore(%run_scoped3A : memref<!tpu.dma_semaphore, #tpu.memory_space<semaphore_mem>>) {add = true}
        %dma_wait3A_337 = arith.constant 0 : i32
        %dma_wait3A_338 = arith.constant 0 : i32
        %dma_wait3A_339 = tpu.memref_slice %arg15[%dma_wait3A_337, %dma_wait3A_338] : memref<10112x128xf32, #tpu.memory_space<vmem_shared>> -> memref<10112x128xf32, #tpu.memory_space<vmem_shared>>
        tpu.wait_indirect_dma semaphore(%run_scoped3A : memref<!tpu.dma_semaphore, #tpu.memory_space<semaphore_mem>>) src(%arg13 : memref<128x128xf32, #tpu.memory_space<vmem>>) dst(%dma_wait3A_339 : memref<10112x128xf32, #tpu.memory_space<vmem_shared>>)
        tpu.yield
      }) : () -> ()
      %dma_wait3A_289 = tpu.memref_slice %arg3[%mul3A_4] : memref<328704xi32, #tpu.memory_space<hbm>> -> memref<128xi32, #tpu.memory_space<hbm>>
      %dma_wait3A_290 = tpu.memref_slice %arg3[%mul3A_4] : memref<328704xi32, #tpu.memory_space<hbm>> -> memref<128xi32, #tpu.memory_space<hbm>>
      tpu.wait_dma2 semaphore(%arg19 : memref<!tpu.dma_semaphore, #tpu.memory_space<semaphore_mem>>) src(%dma_wait3A_290 : memref<128xi32, #tpu.memory_space<hbm>>) dst(%arg6 : memref<128xi32, #tpu.memory_space<vmem>>)
      %dma_wait3A_291 = tpu.memref_slice %arg4[%mul3A_4] : memref<328704xi32, #tpu.memory_space<hbm>> -> memref<128xi32, #tpu.memory_space<hbm>>
      %dma_wait3A_292 = tpu.memref_slice %arg4[%mul3A_4] : memref<328704xi32, #tpu.memory_space<hbm>> -> memref<128xi32, #tpu.memory_space<hbm>>
      tpu.wait_dma2 semaphore(%arg19 : memref<!tpu.dma_semaphore, #tpu.memory_space<semaphore_mem>>) src(%dma_wait3A_292 : memref<128xi32, #tpu.memory_space<hbm>>) dst(%arg9 : memref<128xi32, #tpu.memory_space<vmem>>)
      %dma_start3A_293 = arith.constant 0 : i32
      %dma_start3A_294 = arith.constant 0 : i32
      %dma_start3A_295 = tpu.memref_slice %arg2[%dma_start3A_293, %dma_start3A_294] : memref<10000x128xf32, #tpu.memory_space<hbm>> -> memref<10000x128xf32, #tpu.memory_space<hbm>>
      tpu.enqueue_indirect_dma source(%dma_start3A_295 : memref<10000x128xf32, #tpu.memory_space<hbm>>) target(%arg12 : memref<128x128xf32, #tpu.memory_space<vmem>>) offsets(%arg6 : memref<128xi32, #tpu.memory_space<vmem>>) semaphore(%arg16 : memref<!tpu.dma_semaphore, #tpu.memory_space<semaphore_mem>>)
      %add3A_296 = arith.constant 3 : i32
      %add3A_297 = arith.addi %add3A_285, %add3A_296 : i32
      %mul3A_298 = arith.constant 128 : i32
      %mul3A_299 = arith.muli %add3A_297, %mul3A_298 : i32
      %add3A_300 = arith.addi %mul3A_4, %mul3A_299 : i32
      %dma_start3A_301 = tpu.memref_slice %arg3[%add3A_300] : memref<328704xi32, #tpu.memory_space<hbm>> -> memref<128xi32, #tpu.memory_space<hbm>>
      %dma_start3A_302 = tpu.memref_slice %arg3[%add3A_300] : memref<328704xi32, #tpu.memory_space<hbm>> -> memref<128xi32, #tpu.memory_space<hbm>>
      tpu.enqueue_dma source(%dma_start3A_302 : memref<128xi32, #tpu.memory_space<hbm>>) target(%arg7 : memref<128xi32, #tpu.memory_space<vmem>>) target_semaphore(%arg20 : memref<!tpu.dma_semaphore, #tpu.memory_space<semaphore_mem>>)
      %mul3A_303 = arith.constant 128 : i32
      %mul3A_304 = arith.muli %add3A_297, %mul3A_303 : i32
      %add3A_305 = arith.addi %mul3A_4, %mul3A_304 : i32
      %dma_start3A_306 = tpu.memref_slice %arg4[%add3A_305] : memref<328704xi32, #tpu.memory_space<hbm>> -> memref<128xi32, #tpu.memory_space<hbm>>
      %dma_start3A_307 = tpu.memref_slice %arg4[%add3A_305] : memref<328704xi32, #tpu.memory_space<hbm>> -> memref<128xi32, #tpu.memory_space<hbm>>
      tpu.enqueue_dma source(%dma_start3A_307 : memref<128xi32, #tpu.memory_space<hbm>>) target(%arg10 : memref<128xi32, #tpu.memory_space<vmem>>) target_semaphore(%arg20 : memref<!tpu.dma_semaphore, #tpu.memory_space<semaphore_mem>>)
      %mul3A_308 = arith.constant 3 : i32
      %mul3A_309 = arith.muli %mul3A_308, %scan3A_255 : i32
      %add3A_310 = arith.constant 2 : i32
      %add3A_311 = arith.addi %mul3A_309, %add3A_310 : i32
      %dma_wait3A_312 = arith.constant 0 : i32
      %dma_wait3A_313 = arith.constant 0 : i32
      %dma_wait3A_314 = tpu.memref_slice %arg2[%dma_wait3A_312, %dma_wait3A_313] : memref<10000x128xf32, #tpu.memory_space<hbm>> -> memref<10000x128xf32, #tpu.memory_space<hbm>>
      tpu.wait_indirect_dma semaphore(%arg18 : memref<!tpu.dma_semaphore, #tpu.memory_space<semaphore_mem>>) src(%dma_wait3A_314 : memref<10000x128xf32, #tpu.memory_space<hbm>>) dst(%arg14 : memref<128x128xf32, #tpu.memory_space<vmem>>)
      "tpu.region"() ({
        %run_scoped3A = tpu.sem_alloc : memref<!tpu.dma_semaphore, #tpu.memory_space<semaphore_mem>>
        %dma_start3A_334 = arith.constant 0 : i32
        %dma_start3A_335 = arith.constant 0 : i32
        %dma_start3A_336 = tpu.memref_slice %arg15[%dma_start3A_334, %dma_start3A_335] : memref<10112x128xf32, #tpu.memory_space<vmem_shared>> -> memref<10112x128xf32, #tpu.memory_space<vmem_shared>>
        tpu.enqueue_indirect_dma source(%arg14 : memref<128x128xf32, #tpu.memory_space<vmem>>) target(%dma_start3A_336 : memref<10112x128xf32, #tpu.memory_space<vmem_shared>>) offsets(%arg11 : memref<128xi32, #tpu.memory_space<vmem>>) semaphore(%run_scoped3A : memref<!tpu.dma_semaphore, #tpu.memory_space<semaphore_mem>>) {add = true}
        %dma_wait3A_337 = arith.constant 0 : i32
        %dma_wait3A_338 = arith.constant 0 : i32
        %dma_wait3A_339 = tpu.memref_slice %arg15[%dma_wait3A_337, %dma_wait3A_338] : memref<10112x128xf32, #tpu.memory_space<vmem_shared>> -> memref<10112x128xf32, #tpu.memory_space<vmem_shared>>
        tpu.wait_indirect_dma semaphore(%run_scoped3A : memref<!tpu.dma_semaphore, #tpu.memory_space<semaphore_mem>>) src(%arg14 : memref<128x128xf32, #tpu.memory_space<vmem>>) dst(%dma_wait3A_339 : memref<10112x128xf32, #tpu.memory_space<vmem_shared>>)
        tpu.yield
      }) : () -> ()
      %dma_wait3A_315 = tpu.memref_slice %arg3[%mul3A_4] : memref<328704xi32, #tpu.memory_space<hbm>> -> memref<128xi32, #tpu.memory_space<hbm>>
      %dma_wait3A_316 = tpu.memref_slice %arg3[%mul3A_4] : memref<328704xi32, #tpu.memory_space<hbm>> -> memref<128xi32, #tpu.memory_space<hbm>>
      tpu.wait_dma2 semaphore(%arg20 : memref<!tpu.dma_semaphore, #tpu.memory_space<semaphore_mem>>) src(%dma_wait3A_316 : memref<128xi32, #tpu.memory_space<hbm>>) dst(%arg7 : memref<128xi32, #tpu.memory_space<vmem>>)
      %dma_wait3A_317 = tpu.memref_slice %arg4[%mul3A_4] : memref<328704xi32, #tpu.memory_space<hbm>> -> memref<128xi32, #tpu.memory_space<hbm>>
      %dma_wait3A_318 = tpu.memref_slice %arg4[%mul3A_4] : memref<328704xi32, #tpu.memory_space<hbm>> -> memref<128xi32, #tpu.memory_space<hbm>>
      tpu.wait_dma2 semaphore(%arg20 : memref<!tpu.dma_semaphore, #tpu.memory_space<semaphore_mem>>) src(%dma_wait3A_318 : memref<128xi32, #tpu.memory_space<hbm>>) dst(%arg10 : memref<128xi32, #tpu.memory_space<vmem>>)
      %dma_start3A_319 = arith.constant 0 : i32
      %dma_start3A_320 = arith.constant 0 : i32
      %dma_start3A_321 = tpu.memref_slice %arg2[%dma_start3A_319, %dma_start3A_320] : memref<10000x128xf32, #tpu.memory_space<hbm>> -> memref<10000x128xf32, #tpu.memory_space<hbm>>
      tpu.enqueue_indirect_dma source(%dma_start3A_321 : memref<10000x128xf32, #tpu.memory_space<hbm>>) target(%arg13 : memref<128x128xf32, #tpu.memory_space<vmem>>) offsets(%arg7 : memref<128xi32, #tpu.memory_space<vmem>>) semaphore(%arg17 : memref<!tpu.dma_semaphore, #tpu.memory_space<semaphore_mem>>)
      %add3A_322 = arith.constant 3 : i32
      %add3A_323 = arith.addi %add3A_311, %add3A_322 : i32
      %mul3A_324 = arith.constant 128 : i32
      %mul3A_325 = arith.muli %add3A_323, %mul3A_324 : i32
      %add3A_326 = arith.addi %mul3A_4, %mul3A_325 : i32
      %dma_start3A_327 = tpu.memref_slice %arg3[%add3A_326] : memref<328704xi32, #tpu.memory_space<hbm>> -> memref<128xi32, #tpu.memory_space<hbm>>
      %dma_start3A_328 = tpu.memref_slice %arg3[%add3A_326] : memref<328704xi32, #tpu.memory_space<hbm>> -> memref<128xi32, #tpu.memory_space<hbm>>
      tpu.enqueue_dma source(%dma_start3A_328 : memref<128xi32, #tpu.memory_space<hbm>>) target(%arg8 : memref<128xi32, #tpu.memory_space<vmem>>) target_semaphore(%arg21 : memref<!tpu.dma_semaphore, #tpu.memory_space<semaphore_mem>>)
      %mul3A_329 = arith.constant 128 : i32
      %mul3A_330 = arith.muli %add3A_323, %mul3A_329 : i32
      %add3A_331 = arith.addi %mul3A_4, %mul3A_330 : i32
      %dma_start3A_332 = tpu.memref_slice %arg4[%add3A_331] : memref<328704xi32, #tpu.memory_space<hbm>> -> memref<128xi32, #tpu.memory_space<hbm>>
      %dma_start3A_333 = tpu.memref_slice %arg4[%add3A_331] : memref<328704xi32, #tpu.memory_space<hbm>> -> memref<128xi32, #tpu.memory_space<hbm>>
      tpu.enqueue_dma source(%dma_start3A_333 : memref<128xi32, #tpu.memory_space<hbm>>) target(%arg11 : memref<128xi32, #tpu.memory_space<vmem>>) target_semaphore(%arg21 : memref<!tpu.dma_semaphore, #tpu.memory_space<semaphore_mem>>)
    }
    %scan3A_63 = arith.constant 26 : i32
    %dma_wait3A_64 = arith.constant 0 : i32
    %dma_wait3A_65 = arith.constant 0 : i32
    %dma_wait3A_66 = tpu.memref_slice %arg2[%dma_wait3A_64, %dma_wait3A_65] : memref<10000x128xf32, #tpu.memory_space<hbm>> -> memref<10000x128xf32, #tpu.memory_space<hbm>>
    tpu.wait_indirect_dma semaphore(%arg16 : memref<!tpu.dma_semaphore, #tpu.memory_space<semaphore_mem>>) src(%dma_wait3A_66 : memref<10000x128xf32, #tpu.memory_space<hbm>>) dst(%arg12 : memref<128x128xf32, #tpu.memory_space<vmem>>)
    "tpu.region"() ({
      %run_scoped3A = tpu.sem_alloc : memref<!tpu.dma_semaphore, #tpu.memory_space<semaphore_mem>>
      %dma_start3A_255 = arith.constant 0 : i32
      %dma_start3A_256 = arith.constant 0 : i32
      %dma_start3A_257 = tpu.memref_slice %arg15[%dma_start3A_255, %dma_start3A_256] : memref<10112x128xf32, #tpu.memory_space<vmem_shared>> -> memref<10112x128xf32, #tpu.memory_space<vmem_shared>>
      tpu.enqueue_indirect_dma source(%arg12 : memref<128x128xf32, #tpu.memory_space<vmem>>) target(%dma_start3A_257 : memref<10112x128xf32, #tpu.memory_space<vmem_shared>>) offsets(%arg9 : memref<128xi32, #tpu.memory_space<vmem>>) semaphore(%run_scoped3A : memref<!tpu.dma_semaphore, #tpu.memory_space<semaphore_mem>>) {add = true}
      %dma_wait3A_258 = arith.constant 0 : i32
      %dma_wait3A_259 = arith.constant 0 : i32
      %dma_wait3A_260 = tpu.memref_slice %arg15[%dma_wait3A_258, %dma_wait3A_259] : memref<10112x128xf32, #tpu.memory_space<vmem_shared>> -> memref<10112x128xf32, #tpu.memory_space<vmem_shared>>
      tpu.wait_indirect_dma semaphore(%run_scoped3A : memref<!tpu.dma_semaphore, #tpu.memory_space<semaphore_mem>>) src(%arg12 : memref<128x128xf32, #tpu.memory_space<vmem>>) dst(%dma_wait3A_260 : memref<10112x128xf32, #tpu.memory_space<vmem_shared>>)
      tpu.yield
    }) : () -> ()
    %dma_wait3A_67 = arith.constant 0 : i32
    %dma_wait3A_68 = arith.constant 0 : i32
    %dma_wait3A_69 = tpu.memref_slice %arg2[%dma_wait3A_67, %dma_wait3A_68] : memref<10000x128xf32, #tpu.memory_space<hbm>> -> memref<10000x128xf32, #tpu.memory_space<hbm>>
    tpu.wait_indirect_dma semaphore(%arg17 : memref<!tpu.dma_semaphore, #tpu.memory_space<semaphore_mem>>) src(%dma_wait3A_69 : memref<10000x128xf32, #tpu.memory_space<hbm>>) dst(%arg13 : memref<128x128xf32, #tpu.memory_space<vmem>>)
    "tpu.region"() ({
      %run_scoped3A = tpu.sem_alloc : memref<!tpu.dma_semaphore, #tpu.memory_space<semaphore_mem>>
      %dma_start3A_255 = arith.constant 0 : i32
      %dma_start3A_256 = arith.constant 0 : i32
      %dma_start3A_257 = tpu.memref_slice %arg15[%dma_start3A_255, %dma_start3A_256] : memref<10112x128xf32, #tpu.memory_space<vmem_shared>> -> memref<10112x128xf32, #tpu.memory_space<vmem_shared>>
      tpu.enqueue_indirect_dma source(%arg13 : memref<128x128xf32, #tpu.memory_space<vmem>>) target(%dma_start3A_257 : memref<10112x128xf32, #tpu.memory_space<vmem_shared>>) offsets(%arg10 : memref<128xi32, #tpu.memory_space<vmem>>) semaphore(%run_scoped3A : memref<!tpu.dma_semaphore, #tpu.memory_space<semaphore_mem>>) {add = true}
      %dma_wait3A_258 = arith.constant 0 : i32
      %dma_wait3A_259 = arith.constant 0 : i32
      %dma_wait3A_260 = tpu.memref_slice %arg15[%dma_wait3A_258, %dma_wait3A_259] : memref<10112x128xf32, #tpu.memory_space<vmem_shared>> -> memref<10112x128xf32, #tpu.memory_space<vmem_shared>>
      tpu.wait_indirect_dma semaphore(%run_scoped3A : memref<!tpu.dma_semaphore, #tpu.memory_space<semaphore_mem>>) src(%arg13 : memref<128x128xf32, #tpu.memory_space<vmem>>) dst(%dma_wait3A_260 : memref<10112x128xf32, #tpu.memory_space<vmem_shared>>)
      tpu.yield
    }) : () -> ()
    %dma_wait3A_70 = tpu.memref_slice %arg3[%mul3A_4] : memref<328704xi32, #tpu.memory_space<hbm>> -> memref<128xi32, #tpu.memory_space<hbm>>
    %dma_wait3A_71 = tpu.memref_slice %arg3[%mul3A_4] : memref<328704xi32, #tpu.memory_space<hbm>> -> memref<128xi32, #tpu.memory_space<hbm>>
    tpu.wait_dma2 semaphore(%arg21 : memref<!tpu.dma_semaphore, #tpu.memory_space<semaphore_mem>>) src(%dma_wait3A_71 : memref<128xi32, #tpu.memory_space<hbm>>) dst(%arg8 : memref<128xi32, #tpu.memory_space<vmem>>)
    %dma_wait3A_72 = tpu.memref_slice %arg4[%mul3A_4] : memref<328704xi32, #tpu.memory_space<hbm>> -> memref<128xi32, #tpu.memory_space<hbm>>
    %dma_wait3A_73 = tpu.memref_slice %arg4[%mul3A_4] : memref<328704xi32, #tpu.memory_space<hbm>> -> memref<128xi32, #tpu.memory_space<hbm>>
    tpu.wait_dma2 semaphore(%arg21 : memref<!tpu.dma_semaphore, #tpu.memory_space<semaphore_mem>>) src(%dma_wait3A_73 : memref<128xi32, #tpu.memory_space<hbm>>) dst(%arg11 : memref<128xi32, #tpu.memory_space<vmem>>)
    %barrier3A_74 = arith.constant 0 : index
    tpu.barrier barrier_id(%barrier3A_74)
    %mul3A_75 = arith.constant 632 : i32
    %mul3A_76 = arith.muli %arg1, %mul3A_75 : i32
    %add3A_77 = arith.constant 0 : i32
    %add3A_78 = arith.addi %mul3A_76, %add3A_77 : i32
    "tpu.region"() ({
      %run_scoped3A = tpu.sem_alloc : memref<!tpu.dma_semaphore, #tpu.memory_space<semaphore_mem>>
      %dma_start3A_255 = arith.constant 0 : i32
      %dma_start3A_256 = arith.constant 0 : i32
      %dma_start3A_257 = tpu.memref_slice %arg12[%dma_start3A_255, %dma_start3A_256] : memref<128x128xf32, #tpu.memory_space<vmem>> -> memref<128x128xf32, #tpu.memory_space<vmem>>
      %dma_start3A_258 = arith.constant 0 : i32
      %dma_start3A_259 = tpu.memref_slice %arg15[%add3A_78, %dma_start3A_258] : memref<10112x128xf32, #tpu.memory_space<vmem_shared>> -> memref<128x128xf32, #tpu.memory_space<vmem_shared>>
      %dma_start3A_260 = arith.constant 0 : i32
      %dma_start3A_261 = arith.constant 0 : i32
      %dma_start3A_262 = tpu.memref_slice %arg12[%dma_start3A_260, %dma_start3A_261] : memref<128x128xf32, #tpu.memory_space<vmem>> -> memref<128x128xf32, #tpu.memory_space<vmem>>
      %dma_start3A_263 = arith.constant 0 : i32
      %dma_start3A_264 = tpu.memref_slice %arg15[%add3A_78, %dma_start3A_263] : memref<10112x128xf32, #tpu.memory_space<vmem_shared>> -> memref<128x128xf32, #tpu.memory_space<vmem_shared>>
      tpu.enqueue_dma source(%dma_start3A_264 : memref<128x128xf32, #tpu.memory_space<vmem_shared>>) target(%dma_start3A_262 : memref<128x128xf32, #tpu.memory_space<vmem>>) target_semaphore(%run_scoped3A : memref<!tpu.dma_semaphore, #tpu.memory_space<semaphore_mem>>)
      %dma_wait3A_265 = arith.constant 0 : i32
      %dma_wait3A_266 = arith.constant 0 : i32
      %dma_wait3A_267 = tpu.memref_slice %arg12[%dma_wait3A_265, %dma_wait3A_266] : memref<128x128xf32, #tpu.memory_space<vmem>> -> memref<128x128xf32, #tpu.memory_space<vmem>>
      %dma_wait3A_268 = arith.constant 0 : i32
      %dma_wait3A_269 = tpu.memref_slice %arg15[%add3A_78, %dma_wait3A_268] : memref<10112x128xf32, #tpu.memory_space<vmem_shared>> -> memref<128x128xf32, #tpu.memory_space<vmem_shared>>
      %dma_wait3A_270 = arith.constant 0 : i32
      %dma_wait3A_271 = arith.constant 0 : i32
      %dma_wait3A_272 = tpu.memref_slice %arg12[%dma_wait3A_270, %dma_wait3A_271] : memref<128x128xf32, #tpu.memory_space<vmem>> -> memref<128x128xf32, #tpu.memory_space<vmem>>
      %dma_wait3A_273 = arith.constant 0 : i32
      %dma_wait3A_274 = tpu.memref_slice %arg15[%add3A_78, %dma_wait3A_273] : memref<10112x128xf32, #tpu.memory_space<vmem_shared>> -> memref<128x128xf32, #tpu.memory_space<vmem_shared>>
      tpu.wait_dma2 semaphore(%run_scoped3A : memref<!tpu.dma_semaphore, #tpu.memory_space<semaphore_mem>>) src(%dma_wait3A_274 : memref<128x128xf32, #tpu.memory_space<vmem_shared>>) dst(%dma_wait3A_272 : memref<128x128xf32, #tpu.memory_space<vmem>>)
      tpu.yield
    }) : () -> ()
    %mul3A_79 = arith.constant 632 : i32
    %mul3A_80 = arith.muli %arg1, %mul3A_79 : i32
    %add3A_81 = arith.constant 0 : i32
    %add3A_82 = arith.addi %mul3A_80, %add3A_81 : i32
    %dma_start3A_83 = arith.constant 0 : i32
    %dma_start3A_84 = arith.constant 0 : i32
    %dma_start3A_85 = tpu.memref_slice %arg12[%dma_start3A_83, %dma_start3A_84] : memref<128x128xf32, #tpu.memory_space<vmem>> -> memref<128x128xf32, #tpu.memory_space<vmem>>
    %dma_start3A_86 = arith.constant 0 : i32
    %dma_start3A_87 = tpu.memref_slice %arg5[%arg0, %add3A_82, %dma_start3A_86] : memref<2x10112x128xf32, #tpu.memory_space<hbm>> -> memref<1x128x128xf32, #tpu.memory_space<hbm>>
    %dma_start3A_88 = tpu.memref_squeeze %dma_start3A_87 : memref<1x128x128xf32, #tpu.memory_space<hbm>> -> memref<128x128xf32, #tpu.memory_space<hbm>>
    %dma_start3A_89 = arith.constant 0 : i32
    %dma_start3A_90 = tpu.memref_slice %arg5[%arg0, %add3A_82, %dma_start3A_89] : memref<2x10112x128xf32, #tpu.memory_space<hbm>> -> memref<1x128x128xf32, #tpu.memory_space<hbm>>
    %dma_start3A_91 = tpu.memref_squeeze %dma_start3A_90 : memref<1x128x128xf32, #tpu.memory_space<hbm>> -> memref<128x128xf32, #tpu.memory_space<hbm>>
    %dma_start3A_92 = arith.constant 0 : i32
    %dma_start3A_93 = arith.constant 0 : i32
    %dma_start3A_94 = tpu.memref_slice %arg12[%dma_start3A_92, %dma_start3A_93] : memref<128x128xf32, #tpu.memory_space<vmem>> -> memref<128x128xf32, #tpu.memory_space<vmem>>
    tpu.enqueue_dma source(%dma_start3A_94 : memref<128x128xf32, #tpu.memory_space<vmem>>) target(%dma_start3A_91 : memref<128x128xf32, #tpu.memory_space<hbm>>) target_semaphore(%arg16 : memref<!tpu.dma_semaphore, #tpu.memory_space<semaphore_mem>>)
    %mul3A_95 = arith.constant 632 : i32
    %mul3A_96 = arith.muli %arg1, %mul3A_95 : i32
    %add3A_97 = arith.constant 128 : i32
    %add3A_98 = arith.addi %mul3A_96, %add3A_97 : i32
    "tpu.region"() ({
      %run_scoped3A = tpu.sem_alloc : memref<!tpu.dma_semaphore, #tpu.memory_space<semaphore_mem>>
      %dma_start3A_255 = arith.constant 0 : i32
      %dma_start3A_256 = arith.constant 0 : i32
      %dma_start3A_257 = tpu.memref_slice %arg13[%dma_start3A_255, %dma_start3A_256] : memref<128x128xf32, #tpu.memory_space<vmem>> -> memref<128x128xf32, #tpu.memory_space<vmem>>
      %dma_start3A_258 = arith.constant 0 : i32
      %dma_start3A_259 = tpu.memref_slice %arg15[%add3A_98, %dma_start3A_258] : memref<10112x128xf32, #tpu.memory_space<vmem_shared>> -> memref<128x128xf32, #tpu.memory_space<vmem_shared>>
      %dma_start3A_260 = arith.constant 0 : i32
      %dma_start3A_261 = arith.constant 0 : i32
      %dma_start3A_262 = tpu.memref_slice %arg13[%dma_start3A_260, %dma_start3A_261] : memref<128x128xf32, #tpu.memory_space<vmem>> -> memref<128x128xf32, #tpu.memory_space<vmem>>
      %dma_start3A_263 = arith.constant 0 : i32
      %dma_start3A_264 = tpu.memref_slice %arg15[%add3A_98, %dma_start3A_263] : memref<10112x128xf32, #tpu.memory_space<vmem_shared>> -> memref<128x128xf32, #tpu.memory_space<vmem_shared>>
      tpu.enqueue_dma source(%dma_start3A_264 : memref<128x128xf32, #tpu.memory_space<vmem_shared>>) target(%dma_start3A_262 : memref<128x128xf32, #tpu.memory_space<vmem>>) target_semaphore(%run_scoped3A : memref<!tpu.dma_semaphore, #tpu.memory_space<semaphore_mem>>)
      %dma_wait3A_265 = arith.constant 0 : i32
      %dma_wait3A_266 = arith.constant 0 : i32
      %dma_wait3A_267 = tpu.memref_slice %arg13[%dma_wait3A_265, %dma_wait3A_266] : memref<128x128xf32, #tpu.memory_space<vmem>> -> memref<128x128xf32, #tpu.memory_space<vmem>>
      %dma_wait3A_268 = arith.constant 0 : i32
      %dma_wait3A_269 = tpu.memref_slice %arg15[%add3A_98, %dma_wait3A_268] : memref<10112x128xf32, #tpu.memory_space<vmem_shared>> -> memref<128x128xf32, #tpu.memory_space<vmem_shared>>
      %dma_wait3A_270 = arith.constant 0 : i32
      %dma_wait3A_271 = arith.constant 0 : i32
      %dma_wait3A_272 = tpu.memref_slice %arg13[%dma_wait3A_270, %dma_wait3A_271] : memref<128x128xf32, #tpu.memory_space<vmem>> -> memref<128x128xf32, #tpu.memory_space<vmem>>
      %dma_wait3A_273 = arith.constant 0 : i32
      %dma_wait3A_274 = tpu.memref_slice %arg15[%add3A_98, %dma_wait3A_273] : memref<10112x128xf32, #tpu.memory_space<vmem_shared>> -> memref<128x128xf32, #tpu.memory_space<vmem_shared>>
      tpu.wait_dma2 semaphore(%run_scoped3A : memref<!tpu.dma_semaphore, #tpu.memory_space<semaphore_mem>>) src(%dma_wait3A_274 : memref<128x128xf32, #tpu.memory_space<vmem_shared>>) dst(%dma_wait3A_272 : memref<128x128xf32, #tpu.memory_space<vmem>>)
      tpu.yield
    }) : () -> ()
    %mul3A_99 = arith.constant 632 : i32
    %mul3A_100 = arith.muli %arg1, %mul3A_99 : i32
    %add3A_101 = arith.constant 0 : i32
    %add3A_102 = arith.addi %mul3A_100, %add3A_101 : i32
    %dma_wait3A_103 = arith.constant 0 : i32
    %dma_wait3A_104 = arith.constant 0 : i32
    %dma_wait3A_105 = tpu.memref_slice %arg12[%dma_wait3A_103, %dma_wait3A_104] : memref<128x128xf32, #tpu.memory_space<vmem>> -> memref<128x128xf32, #tpu.memory_space<vmem>>
    %dma_wait3A_106 = arith.constant 0 : i32
    %dma_wait3A_107 = tpu.memref_slice %arg5[%arg0, %add3A_102, %dma_wait3A_106] : memref<2x10112x128xf32, #tpu.memory_space<hbm>> -> memref<1x128x128xf32, #tpu.memory_space<hbm>>
    %dma_wait3A_108 = tpu.memref_squeeze %dma_wait3A_107 : memref<1x128x128xf32, #tpu.memory_space<hbm>> -> memref<128x128xf32, #tpu.memory_space<hbm>>
    %dma_wait3A_109 = arith.constant 0 : i32
    %dma_wait3A_110 = tpu.memref_slice %arg5[%arg0, %add3A_102, %dma_wait3A_109] : memref<2x10112x128xf32, #tpu.memory_space<hbm>> -> memref<1x128x128xf32, #tpu.memory_space<hbm>>
    %dma_wait3A_111 = tpu.memref_squeeze %dma_wait3A_110 : memref<1x128x128xf32, #tpu.memory_space<hbm>> -> memref<128x128xf32, #tpu.memory_space<hbm>>
    %dma_wait3A_112 = arith.constant 0 : i32
    %dma_wait3A_113 = arith.constant 0 : i32
    %dma_wait3A_114 = tpu.memref_slice %arg12[%dma_wait3A_112, %dma_wait3A_113] : memref<128x128xf32, #tpu.memory_space<vmem>> -> memref<128x128xf32, #tpu.memory_space<vmem>>
    tpu.wait_dma2 semaphore(%arg16 : memref<!tpu.dma_semaphore, #tpu.memory_space<semaphore_mem>>) src(%dma_wait3A_114 : memref<128x128xf32, #tpu.memory_space<vmem>>) dst(%dma_wait3A_111 : memref<128x128xf32, #tpu.memory_space<hbm>>)
    %mul3A_115 = arith.constant 632 : i32
    %mul3A_116 = arith.muli %arg1, %mul3A_115 : i32
    %add3A_117 = arith.constant 128 : i32
    %add3A_118 = arith.addi %mul3A_116, %add3A_117 : i32
    %dma_start3A_119 = arith.constant 0 : i32
    %dma_start3A_120 = arith.constant 0 : i32
    %dma_start3A_121 = tpu.memref_slice %arg13[%dma_start3A_119, %dma_start3A_120] : memref<128x128xf32, #tpu.memory_space<vmem>> -> memref<128x128xf32, #tpu.memory_space<vmem>>
    %dma_start3A_122 = arith.constant 0 : i32
    %dma_start3A_123 = tpu.memref_slice %arg5[%arg0, %add3A_118, %dma_start3A_122] : memref<2x10112x128xf32, #tpu.memory_space<hbm>> -> memref<1x128x128xf32, #tpu.memory_space<hbm>>
    %dma_start3A_124 = tpu.memref_squeeze %dma_start3A_123 : memref<1x128x128xf32, #tpu.memory_space<hbm>> -> memref<128x128xf32, #tpu.memory_space<hbm>>
    %dma_start3A_125 = arith.constant 0 : i32
    %dma_start3A_126 = tpu.memref_slice %arg5[%arg0, %add3A_118, %dma_start3A_125] : memref<2x10112x128xf32, #tpu.memory_space<hbm>> -> memref<1x128x128xf32, #tpu.memory_space<hbm>>
    %dma_start3A_127 = tpu.memref_squeeze %dma_start3A_126 : memref<1x128x128xf32, #tpu.memory_space<hbm>> -> memref<128x128xf32, #tpu.memory_space<hbm>>
    %dma_start3A_128 = arith.constant 0 : i32
    %dma_start3A_129 = arith.constant 0 : i32
    %dma_start3A_130 = tpu.memref_slice %arg13[%dma_start3A_128, %dma_start3A_129] : memref<128x128xf32, #tpu.memory_space<vmem>> -> memref<128x128xf32, #tpu.memory_space<vmem>>
    tpu.enqueue_dma source(%dma_start3A_130 : memref<128x128xf32, #tpu.memory_space<vmem>>) target(%dma_start3A_127 : memref<128x128xf32, #tpu.memory_space<hbm>>) target_semaphore(%arg17 : memref<!tpu.dma_semaphore, #tpu.memory_space<semaphore_mem>>)
    %mul3A_131 = arith.constant 632 : i32
    %mul3A_132 = arith.muli %arg1, %mul3A_131 : i32
    %add3A_133 = arith.constant 256 : i32
    %add3A_134 = arith.addi %mul3A_132, %add3A_133 : i32
    "tpu.region"() ({
      %run_scoped3A = tpu.sem_alloc : memref<!tpu.dma_semaphore, #tpu.memory_space<semaphore_mem>>
      %dma_start3A_255 = arith.constant 0 : i32
      %dma_start3A_256 = arith.constant 0 : i32
      %dma_start3A_257 = tpu.memref_slice %arg12[%dma_start3A_255, %dma_start3A_256] : memref<128x128xf32, #tpu.memory_space<vmem>> -> memref<128x128xf32, #tpu.memory_space<vmem>>
      %dma_start3A_258 = arith.constant 0 : i32
      %dma_start3A_259 = tpu.memref_slice %arg15[%add3A_134, %dma_start3A_258] : memref<10112x128xf32, #tpu.memory_space<vmem_shared>> -> memref<128x128xf32, #tpu.memory_space<vmem_shared>>
      %dma_start3A_260 = arith.constant 0 : i32
      %dma_start3A_261 = arith.constant 0 : i32
      %dma_start3A_262 = tpu.memref_slice %arg12[%dma_start3A_260, %dma_start3A_261] : memref<128x128xf32, #tpu.memory_space<vmem>> -> memref<128x128xf32, #tpu.memory_space<vmem>>
      %dma_start3A_263 = arith.constant 0 : i32
      %dma_start3A_264 = tpu.memref_slice %arg15[%add3A_134, %dma_start3A_263] : memref<10112x128xf32, #tpu.memory_space<vmem_shared>> -> memref<128x128xf32, #tpu.memory_space<vmem_shared>>
      tpu.enqueue_dma source(%dma_start3A_264 : memref<128x128xf32, #tpu.memory_space<vmem_shared>>) target(%dma_start3A_262 : memref<128x128xf32, #tpu.memory_space<vmem>>) target_semaphore(%run_scoped3A : memref<!tpu.dma_semaphore, #tpu.memory_space<semaphore_mem>>)
      %dma_wait3A_265 = arith.constant 0 : i32
      %dma_wait3A_266 = arith.constant 0 : i32
      %dma_wait3A_267 = tpu.memref_slice %arg12[%dma_wait3A_265, %dma_wait3A_266] : memref<128x128xf32, #tpu.memory_space<vmem>> -> memref<128x128xf32, #tpu.memory_space<vmem>>
      %dma_wait3A_268 = arith.constant 0 : i32
      %dma_wait3A_269 = tpu.memref_slice %arg15[%add3A_134, %dma_wait3A_268] : memref<10112x128xf32, #tpu.memory_space<vmem_shared>> -> memref<128x128xf32, #tpu.memory_space<vmem_shared>>
      %dma_wait3A_270 = arith.constant 0 : i32
      %dma_wait3A_271 = arith.constant 0 : i32
      %dma_wait3A_272 = tpu.memref_slice %arg12[%dma_wait3A_270, %dma_wait3A_271] : memref<128x128xf32, #tpu.memory_space<vmem>> -> memref<128x128xf32, #tpu.memory_space<vmem>>
      %dma_wait3A_273 = arith.constant 0 : i32
      %dma_wait3A_274 = tpu.memref_slice %arg15[%add3A_134, %dma_wait3A_273] : memref<10112x128xf32, #tpu.memory_space<vmem_shared>> -> memref<128x128xf32, #tpu.memory_space<vmem_shared>>
      tpu.wait_dma2 semaphore(%run_scoped3A : memref<!tpu.dma_semaphore, #tpu.memory_space<semaphore_mem>>) src(%dma_wait3A_274 : memref<128x128xf32, #tpu.memory_space<vmem_shared>>) dst(%dma_wait3A_272 : memref<128x128xf32, #tpu.memory_space<vmem>>)
      tpu.yield
    }) : () -> ()
    %mul3A_135 = arith.constant 632 : i32
    %mul3A_136 = arith.muli %arg1, %mul3A_135 : i32
    %add3A_137 = arith.constant 128 : i32
    %add3A_138 = arith.addi %mul3A_136, %add3A_137 : i32
    %dma_wait3A_139 = arith.constant 0 : i32
    %dma_wait3A_140 = arith.constant 0 : i32
    %dma_wait3A_141 = tpu.memref_slice %arg13[%dma_wait3A_139, %dma_wait3A_140] : memref<128x128xf32, #tpu.memory_space<vmem>> -> memref<128x128xf32, #tpu.memory_space<vmem>>
    %dma_wait3A_142 = arith.constant 0 : i32
    %dma_wait3A_143 = tpu.memref_slice %arg5[%arg0, %add3A_138, %dma_wait3A_142] : memref<2x10112x128xf32, #tpu.memory_space<hbm>> -> memref<1x128x128xf32, #tpu.memory_space<hbm>>
    %dma_wait3A_144 = tpu.memref_squeeze %dma_wait3A_143 : memref<1x128x128xf32, #tpu.memory_space<hbm>> -> memref<128x128xf32, #tpu.memory_space<hbm>>
    %dma_wait3A_145 = arith.constant 0 : i32
    %dma_wait3A_146 = tpu.memref_slice %arg5[%arg0, %add3A_138, %dma_wait3A_145] : memref<2x10112x128xf32, #tpu.memory_space<hbm>> -> memref<1x128x128xf32, #tpu.memory_space<hbm>>
    %dma_wait3A_147 = tpu.memref_squeeze %dma_wait3A_146 : memref<1x128x128xf32, #tpu.memory_space<hbm>> -> memref<128x128xf32, #tpu.memory_space<hbm>>
    %dma_wait3A_148 = arith.constant 0 : i32
    %dma_wait3A_149 = arith.constant 0 : i32
    %dma_wait3A_150 = tpu.memref_slice %arg13[%dma_wait3A_148, %dma_wait3A_149] : memref<128x128xf32, #tpu.memory_space<vmem>> -> memref<128x128xf32, #tpu.memory_space<vmem>>
    tpu.wait_dma2 semaphore(%arg17 : memref<!tpu.dma_semaphore, #tpu.memory_space<semaphore_mem>>) src(%dma_wait3A_150 : memref<128x128xf32, #tpu.memory_space<vmem>>) dst(%dma_wait3A_147 : memref<128x128xf32, #tpu.memory_space<hbm>>)
    %mul3A_151 = arith.constant 632 : i32
    %mul3A_152 = arith.muli %arg1, %mul3A_151 : i32
    %add3A_153 = arith.constant 256 : i32
    %add3A_154 = arith.addi %mul3A_152, %add3A_153 : i32
    %dma_start3A_155 = arith.constant 0 : i32
    %dma_start3A_156 = arith.constant 0 : i32
    %dma_start3A_157 = tpu.memref_slice %arg12[%dma_start3A_155, %dma_start3A_156] : memref<128x128xf32, #tpu.memory_space<vmem>> -> memref<128x128xf32, #tpu.memory_space<vmem>>
    %dma_start3A_158 = arith.constant 0 : i32
    %dma_start3A_159 = tpu.memref_slice %arg5[%arg0, %add3A_154, %dma_start3A_158] : memref<2x10112x128xf32, #tpu.memory_space<hbm>> -> memref<1x128x128xf32, #tpu.memory_space<hbm>>
    %dma_start3A_160 = tpu.memref_squeeze %dma_start3A_159 : memref<1x128x128xf32, #tpu.memory_space<hbm>> -> memref<128x128xf32, #tpu.memory_space<hbm>>
    %dma_start3A_161 = arith.constant 0 : i32
    %dma_start3A_162 = tpu.memref_slice %arg5[%arg0, %add3A_154, %dma_start3A_161] : memref<2x10112x128xf32, #tpu.memory_space<hbm>> -> memref<1x128x128xf32, #tpu.memory_space<hbm>>
    %dma_start3A_163 = tpu.memref_squeeze %dma_start3A_162 : memref<1x128x128xf32, #tpu.memory_space<hbm>> -> memref<128x128xf32, #tpu.memory_space<hbm>>
    %dma_start3A_164 = arith.constant 0 : i32
    %dma_start3A_165 = arith.constant 0 : i32
    %dma_start3A_166 = tpu.memref_slice %arg12[%dma_start3A_164, %dma_start3A_165] : memref<128x128xf32, #tpu.memory_space<vmem>> -> memref<128x128xf32, #tpu.memory_space<vmem>>
    tpu.enqueue_dma source(%dma_start3A_166 : memref<128x128xf32, #tpu.memory_space<vmem>>) target(%dma_start3A_163 : memref<128x128xf32, #tpu.memory_space<hbm>>) target_semaphore(%arg16 : memref<!tpu.dma_semaphore, #tpu.memory_space<semaphore_mem>>)
    %mul3A_167 = arith.constant 632 : i32
    %mul3A_168 = arith.muli %arg1, %mul3A_167 : i32
    %add3A_169 = arith.constant 384 : i32
    %add3A_170 = arith.addi %mul3A_168, %add3A_169 : i32
    "tpu.region"() ({
      %run_scoped3A = tpu.sem_alloc : memref<!tpu.dma_semaphore, #tpu.memory_space<semaphore_mem>>
      %dma_start3A_255 = arith.constant 0 : i32
      %dma_start3A_256 = arith.constant 0 : i32
      %dma_start3A_257 = tpu.memref_slice %arg13[%dma_start3A_255, %dma_start3A_256] : memref<128x128xf32, #tpu.memory_space<vmem>> -> memref<128x128xf32, #tpu.memory_space<vmem>>
      %dma_start3A_258 = arith.constant 0 : i32
      %dma_start3A_259 = tpu.memref_slice %arg15[%add3A_170, %dma_start3A_258] : memref<10112x128xf32, #tpu.memory_space<vmem_shared>> -> memref<128x128xf32, #tpu.memory_space<vmem_shared>>
      %dma_start3A_260 = arith.constant 0 : i32
      %dma_start3A_261 = arith.constant 0 : i32
      %dma_start3A_262 = tpu.memref_slice %arg13[%dma_start3A_260, %dma_start3A_261] : memref<128x128xf32, #tpu.memory_space<vmem>> -> memref<128x128xf32, #tpu.memory_space<vmem>>
      %dma_start3A_263 = arith.constant 0 : i32
      %dma_start3A_264 = tpu.memref_slice %arg15[%add3A_170, %dma_start3A_263] : memref<10112x128xf32, #tpu.memory_space<vmem_shared>> -> memref<128x128xf32, #tpu.memory_space<vmem_shared>>
      tpu.enqueue_dma source(%dma_start3A_264 : memref<128x128xf32, #tpu.memory_space<vmem_shared>>) target(%dma_start3A_262 : memref<128x128xf32, #tpu.memory_space<vmem>>) target_semaphore(%run_scoped3A : memref<!tpu.dma_semaphore, #tpu.memory_space<semaphore_mem>>)
      %dma_wait3A_265 = arith.constant 0 : i32
      %dma_wait3A_266 = arith.constant 0 : i32
      %dma_wait3A_267 = tpu.memref_slice %arg13[%dma_wait3A_265, %dma_wait3A_266] : memref<128x128xf32, #tpu.memory_space<vmem>> -> memref<128x128xf32, #tpu.memory_space<vmem>>
      %dma_wait3A_268 = arith.constant 0 : i32
      %dma_wait3A_269 = tpu.memref_slice %arg15[%add3A_170, %dma_wait3A_268] : memref<10112x128xf32, #tpu.memory_space<vmem_shared>> -> memref<128x128xf32, #tpu.memory_space<vmem_shared>>
      %dma_wait3A_270 = arith.constant 0 : i32
      %dma_wait3A_271 = arith.constant 0 : i32
      %dma_wait3A_272 = tpu.memref_slice %arg13[%dma_wait3A_270, %dma_wait3A_271] : memref<128x128xf32, #tpu.memory_space<vmem>> -> memref<128x128xf32, #tpu.memory_space<vmem>>
      %dma_wait3A_273 = arith.constant 0 : i32
      %dma_wait3A_274 = tpu.memref_slice %arg15[%add3A_170, %dma_wait3A_273] : memref<10112x128xf32, #tpu.memory_space<vmem_shared>> -> memref<128x128xf32, #tpu.memory_space<vmem_shared>>
      tpu.wait_dma2 semaphore(%run_scoped3A : memref<!tpu.dma_semaphore, #tpu.memory_space<semaphore_mem>>) src(%dma_wait3A_274 : memref<128x128xf32, #tpu.memory_space<vmem_shared>>) dst(%dma_wait3A_272 : memref<128x128xf32, #tpu.memory_space<vmem>>)
      tpu.yield
    }) : () -> ()
    %mul3A_171 = arith.constant 632 : i32
    %mul3A_172 = arith.muli %arg1, %mul3A_171 : i32
    %add3A_173 = arith.constant 256 : i32
    %add3A_174 = arith.addi %mul3A_172, %add3A_173 : i32
    %dma_wait3A_175 = arith.constant 0 : i32
    %dma_wait3A_176 = arith.constant 0 : i32
    %dma_wait3A_177 = tpu.memref_slice %arg12[%dma_wait3A_175, %dma_wait3A_176] : memref<128x128xf32, #tpu.memory_space<vmem>> -> memref<128x128xf32, #tpu.memory_space<vmem>>
    %dma_wait3A_178 = arith.constant 0 : i32
    %dma_wait3A_179 = tpu.memref_slice %arg5[%arg0, %add3A_174, %dma_wait3A_178] : memref<2x10112x128xf32, #tpu.memory_space<hbm>> -> memref<1x128x128xf32, #tpu.memory_space<hbm>>
    %dma_wait3A_180 = tpu.memref_squeeze %dma_wait3A_179 : memref<1x128x128xf32, #tpu.memory_space<hbm>> -> memref<128x128xf32, #tpu.memory_space<hbm>>
    %dma_wait3A_181 = arith.constant 0 : i32
    %dma_wait3A_182 = tpu.memref_slice %arg5[%arg0, %add3A_174, %dma_wait3A_181] : memref<2x10112x128xf32, #tpu.memory_space<hbm>> -> memref<1x128x128xf32, #tpu.memory_space<hbm>>
    %dma_wait3A_183 = tpu.memref_squeeze %dma_wait3A_182 : memref<1x128x128xf32, #tpu.memory_space<hbm>> -> memref<128x128xf32, #tpu.memory_space<hbm>>
    %dma_wait3A_184 = arith.constant 0 : i32
    %dma_wait3A_185 = arith.constant 0 : i32
    %dma_wait3A_186 = tpu.memref_slice %arg12[%dma_wait3A_184, %dma_wait3A_185] : memref<128x128xf32, #tpu.memory_space<vmem>> -> memref<128x128xf32, #tpu.memory_space<vmem>>
    tpu.wait_dma2 semaphore(%arg16 : memref<!tpu.dma_semaphore, #tpu.memory_space<semaphore_mem>>) src(%dma_wait3A_186 : memref<128x128xf32, #tpu.memory_space<vmem>>) dst(%dma_wait3A_183 : memref<128x128xf32, #tpu.memory_space<hbm>>)
    %mul3A_187 = arith.constant 632 : i32
    %mul3A_188 = arith.muli %arg1, %mul3A_187 : i32
    %add3A_189 = arith.constant 384 : i32
    %add3A_190 = arith.addi %mul3A_188, %add3A_189 : i32
    %dma_start3A_191 = arith.constant 0 : i32
    %dma_start3A_192 = arith.constant 0 : i32
    %dma_start3A_193 = tpu.memref_slice %arg13[%dma_start3A_191, %dma_start3A_192] : memref<128x128xf32, #tpu.memory_space<vmem>> -> memref<128x128xf32, #tpu.memory_space<vmem>>
    %dma_start3A_194 = arith.constant 0 : i32
    %dma_start3A_195 = tpu.memref_slice %arg5[%arg0, %add3A_190, %dma_start3A_194] : memref<2x10112x128xf32, #tpu.memory_space<hbm>> -> memref<1x128x128xf32, #tpu.memory_space<hbm>>
    %dma_start3A_196 = tpu.memref_squeeze %dma_start3A_195 : memref<1x128x128xf32, #tpu.memory_space<hbm>> -> memref<128x128xf32, #tpu.memory_space<hbm>>
    %dma_start3A_197 = arith.constant 0 : i32
    %dma_start3A_198 = tpu.memref_slice %arg5[%arg0, %add3A_190, %dma_start3A_197] : memref<2x10112x128xf32, #tpu.memory_space<hbm>> -> memref<1x128x128xf32, #tpu.memory_space<hbm>>
    %dma_start3A_199 = tpu.memref_squeeze %dma_start3A_198 : memref<1x128x128xf32, #tpu.memory_space<hbm>> -> memref<128x128xf32, #tpu.memory_space<hbm>>
    %dma_start3A_200 = arith.constant 0 : i32
    %dma_start3A_201 = arith.constant 0 : i32
    %dma_start3A_202 = tpu.memref_slice %arg13[%dma_start3A_200, %dma_start3A_201] : memref<128x128xf32, #tpu.memory_space<vmem>> -> memref<128x128xf32, #tpu.memory_space<vmem>>
    tpu.enqueue_dma source(%dma_start3A_202 : memref<128x128xf32, #tpu.memory_space<vmem>>) target(%dma_start3A_199 : memref<128x128xf32, #tpu.memory_space<hbm>>) target_semaphore(%arg17 : memref<!tpu.dma_semaphore, #tpu.memory_space<semaphore_mem>>)
    %mul3A_203 = arith.constant 632 : i32
    %mul3A_204 = arith.muli %arg1, %mul3A_203 : i32
    %add3A_205 = arith.constant 512 : i32
    %add3A_206 = arith.addi %mul3A_204, %add3A_205 : i32
    "tpu.region"() ({
      %run_scoped3A = tpu.sem_alloc : memref<!tpu.dma_semaphore, #tpu.memory_space<semaphore_mem>>
      %dma_start3A_255 = arith.constant 0 : i32
      %dma_start3A_256 = arith.constant 0 : i32
      %dma_start3A_257 = tpu.memref_slice %arg12[%dma_start3A_255, %dma_start3A_256] : memref<128x128xf32, #tpu.memory_space<vmem>> -> memref<120x128xf32, #tpu.memory_space<vmem>>
      %dma_start3A_258 = arith.constant 0 : i32
      %dma_start3A_259 = tpu.memref_slice %arg15[%add3A_206, %dma_start3A_258] : memref<10112x128xf32, #tpu.memory_space<vmem_shared>> -> memref<120x128xf32, #tpu.memory_space<vmem_shared>>
      %dma_start3A_260 = arith.constant 0 : i32
      %dma_start3A_261 = arith.constant 0 : i32
      %dma_start3A_262 = tpu.memref_slice %arg12[%dma_start3A_260, %dma_start3A_261] : memref<128x128xf32, #tpu.memory_space<vmem>> -> memref<120x128xf32, #tpu.memory_space<vmem>>
      %dma_start3A_263 = arith.constant 0 : i32
      %dma_start3A_264 = tpu.memref_slice %arg15[%add3A_206, %dma_start3A_263] : memref<10112x128xf32, #tpu.memory_space<vmem_shared>> -> memref<120x128xf32, #tpu.memory_space<vmem_shared>>
      tpu.enqueue_dma source(%dma_start3A_264 : memref<120x128xf32, #tpu.memory_space<vmem_shared>>) target(%dma_start3A_262 : memref<120x128xf32, #tpu.memory_space<vmem>>) target_semaphore(%run_scoped3A : memref<!tpu.dma_semaphore, #tpu.memory_space<semaphore_mem>>)
      %dma_wait3A_265 = arith.constant 0 : i32
      %dma_wait3A_266 = arith.constant 0 : i32
      %dma_wait3A_267 = tpu.memref_slice %arg12[%dma_wait3A_265, %dma_wait3A_266] : memref<128x128xf32, #tpu.memory_space<vmem>> -> memref<120x128xf32, #tpu.memory_space<vmem>>
      %dma_wait3A_268 = arith.constant 0 : i32
      %dma_wait3A_269 = tpu.memref_slice %arg15[%add3A_206, %dma_wait3A_268] : memref<10112x128xf32, #tpu.memory_space<vmem_shared>> -> memref<120x128xf32, #tpu.memory_space<vmem_shared>>
      %dma_wait3A_270 = arith.constant 0 : i32
      %dma_wait3A_271 = arith.constant 0 : i32
      %dma_wait3A_272 = tpu.memref_slice %arg12[%dma_wait3A_270, %dma_wait3A_271] : memref<128x128xf32, #tpu.memory_space<vmem>> -> memref<120x128xf32, #tpu.memory_space<vmem>>
      %dma_wait3A_273 = arith.constant 0 : i32
      %dma_wait3A_274 = tpu.memref_slice %arg15[%add3A_206, %dma_wait3A_273] : memref<10112x128xf32, #tpu.memory_space<vmem_shared>> -> memref<120x128xf32, #tpu.memory_space<vmem_shared>>
      tpu.wait_dma2 semaphore(%run_scoped3A : memref<!tpu.dma_semaphore, #tpu.memory_space<semaphore_mem>>) src(%dma_wait3A_274 : memref<120x128xf32, #tpu.memory_space<vmem_shared>>) dst(%dma_wait3A_272 : memref<120x128xf32, #tpu.memory_space<vmem>>)
      tpu.yield
    }) : () -> ()
    %mul3A_207 = arith.constant 632 : i32
    %mul3A_208 = arith.muli %arg1, %mul3A_207 : i32
    %add3A_209 = arith.constant 384 : i32
    %add3A_210 = arith.addi %mul3A_208, %add3A_209 : i32
    %dma_wait3A_211 = arith.constant 0 : i32
    %dma_wait3A_212 = arith.constant 0 : i32
    %dma_wait3A_213 = tpu.memref_slice %arg13[%dma_wait3A_211, %dma_wait3A_212] : memref<128x128xf32, #tpu.memory_space<vmem>> -> memref<128x128xf32, #tpu.memory_space<vmem>>
    %dma_wait3A_214 = arith.constant 0 : i32
    %dma_wait3A_215 = tpu.memref_slice %arg5[%arg0, %add3A_210, %dma_wait3A_214] : memref<2x10112x128xf32, #tpu.memory_space<hbm>> -> memref<1x128x128xf32, #tpu.memory_space<hbm>>
    %dma_wait3A_216 = tpu.memref_squeeze %dma_wait3A_215 : memref<1x128x128xf32, #tpu.memory_space<hbm>> -> memref<128x128xf32, #tpu.memory_space<hbm>>
    %dma_wait3A_217 = arith.constant 0 : i32
    %dma_wait3A_218 = tpu.memref_slice %arg5[%arg0, %add3A_210, %dma_wait3A_217] : memref<2x10112x128xf32, #tpu.memory_space<hbm>> -> memref<1x128x128xf32, #tpu.memory_space<hbm>>
    %dma_wait3A_219 = tpu.memref_squeeze %dma_wait3A_218 : memref<1x128x128xf32, #tpu.memory_space<hbm>> -> memref<128x128xf32, #tpu.memory_space<hbm>>
    %dma_wait3A_220 = arith.constant 0 : i32
    %dma_wait3A_221 = arith.constant 0 : i32
    %dma_wait3A_222 = tpu.memref_slice %arg13[%dma_wait3A_220, %dma_wait3A_221] : memref<128x128xf32, #tpu.memory_space<vmem>> -> memref<128x128xf32, #tpu.memory_space<vmem>>
    tpu.wait_dma2 semaphore(%arg17 : memref<!tpu.dma_semaphore, #tpu.memory_space<semaphore_mem>>) src(%dma_wait3A_222 : memref<128x128xf32, #tpu.memory_space<vmem>>) dst(%dma_wait3A_219 : memref<128x128xf32, #tpu.memory_space<hbm>>)
    %mul3A_223 = arith.constant 632 : i32
    %mul3A_224 = arith.muli %arg1, %mul3A_223 : i32
    %add3A_225 = arith.constant 512 : i32
    %add3A_226 = arith.addi %mul3A_224, %add3A_225 : i32
    %dma_start3A_227 = arith.constant 0 : i32
    %dma_start3A_228 = arith.constant 0 : i32
    %dma_start3A_229 = tpu.memref_slice %arg12[%dma_start3A_227, %dma_start3A_228] : memref<128x128xf32, #tpu.memory_space<vmem>> -> memref<120x128xf32, #tpu.memory_space<vmem>>
    %dma_start3A_230 = arith.constant 0 : i32
    %dma_start3A_231 = tpu.memref_slice %arg5[%arg0, %add3A_226, %dma_start3A_230] : memref<2x10112x128xf32, #tpu.memory_space<hbm>> -> memref<1x120x128xf32, #tpu.memory_space<hbm>>
    %dma_start3A_232 = tpu.memref_squeeze %dma_start3A_231 : memref<1x120x128xf32, #tpu.memory_space<hbm>> -> memref<120x128xf32, #tpu.memory_space<hbm>>
    %dma_start3A_233 = arith.constant 0 : i32
    %dma_start3A_234 = tpu.memref_slice %arg5[%arg0, %add3A_226, %dma_start3A_233] : memref<2x10112x128xf32, #tpu.memory_space<hbm>> -> memref<1x120x128xf32, #tpu.memory_space<hbm>>
    %dma_start3A_235 = tpu.memref_squeeze %dma_start3A_234 : memref<1x120x128xf32, #tpu.memory_space<hbm>> -> memref<120x128xf32, #tpu.memory_space<hbm>>
    %dma_start3A_236 = arith.constant 0 : i32
    %dma_start3A_237 = arith.constant 0 : i32
    %dma_start3A_238 = tpu.memref_slice %arg12[%dma_start3A_236, %dma_start3A_237] : memref<128x128xf32, #tpu.memory_space<vmem>> -> memref<120x128xf32, #tpu.memory_space<vmem>>
    tpu.enqueue_dma source(%dma_start3A_238 : memref<120x128xf32, #tpu.memory_space<vmem>>) target(%dma_start3A_235 : memref<120x128xf32, #tpu.memory_space<hbm>>) target_semaphore(%arg16 : memref<!tpu.dma_semaphore, #tpu.memory_space<semaphore_mem>>)
    %mul3A_239 = arith.constant 632 : i32
    %mul3A_240 = arith.muli %arg1, %mul3A_239 : i32
    %add3A_241 = arith.constant 512 : i32
    %add3A_242 = arith.addi %mul3A_240, %add3A_241 : i32
    %dma_wait3A_243 = arith.constant 0 : i32
    %dma_wait3A_244 = arith.constant 0 : i32
    %dma_wait3A_245 = tpu.memref_slice %arg12[%dma_wait3A_243, %dma_wait3A_244] : memref<128x128xf32, #tpu.memory_space<vmem>> -> memref<120x128xf32, #tpu.memory_space<vmem>>
    %dma_wait3A_246 = arith.constant 0 : i32
    %dma_wait3A_247 = tpu.memref_slice %arg5[%arg0, %add3A_242, %dma_wait3A_246] : memref<2x10112x128xf32, #tpu.memory_space<hbm>> -> memref<1x120x128xf32, #tpu.memory_space<hbm>>
    %dma_wait3A_248 = tpu.memref_squeeze %dma_wait3A_247 : memref<1x120x128xf32, #tpu.memory_space<hbm>> -> memref<120x128xf32, #tpu.memory_space<hbm>>
    %dma_wait3A_249 = arith.constant 0 : i32
    %dma_wait3A_250 = tpu.memref_slice %arg5[%arg0, %add3A_242, %dma_wait3A_249] : memref<2x10112x128xf32, #tpu.memory_space<hbm>> -> memref<1x120x128xf32, #tpu.memory_space<hbm>>
    %dma_wait3A_251 = tpu.memref_squeeze %dma_wait3A_250 : memref<1x120x128xf32, #tpu.memory_space<hbm>> -> memref<120x128xf32, #tpu.memory_space<hbm>>
    %dma_wait3A_252 = arith.constant 0 : i32
    %dma_wait3A_253 = arith.constant 0 : i32
    %dma_wait3A_254 = tpu.memref_slice %arg12[%dma_wait3A_252, %dma_wait3A_253] : memref<128x128xf32, #tpu.memory_space<vmem>> -> memref<120x128xf32, #tpu.memory_space<vmem>>
    tpu.wait_dma2 semaphore(%arg16 : memref<!tpu.dma_semaphore, #tpu.memory_space<semaphore_mem>>) src(%dma_wait3A_254 : memref<120x128xf32, #tpu.memory_space<vmem>>) dst(%dma_wait3A_251 : memref<120x128xf32, #tpu.memory_space<hbm>>)
    return
  }
}

#map = affine_map<(d0, d1) -> (0, 0)>
#map1 = affine_map<(d0, d1) -> (0)>
module attributes {stable_mosaic.version = 14 : i64} {
  func.func @_sc_degree(%arg0: i32, %arg1: i32, %arg2: memref<2568x128xi32, #tpu.memory_space<hbm>>, %arg3: memref<20224xf32, #tpu.memory_space<hbm>>, %arg4: memref<80x128xi32, #tpu.memory_space<vmem>>, %arg5: memref<128xf32, #tpu.memory_space<vmem>>, %arg6: memref<640xf32, #tpu.memory_space<vmem>>, %arg7: memref<10112xf32, #tpu.memory_space<vmem_shared>>) attributes {dimension_semantics = [#tpu.dimension_semantics<core_parallel>, #tpu.dimension_semantics<subcore_parallel>], iteration_bounds = array<i64: 2, 16>, scalar_prefetch = 0 : i64, scratch_operands = 4 : i64, tpu.core_type = #tpu.core_type<sc_vector_subcore>, window_params = [{transform_indices = #map}, {transform_indices = #map1}]} {
    %mul3A = arith.constant 2 : i32
    %mul3A_0 = arith.muli %arg1, %mul3A : i32
    %add3A = arith.addi %mul3A_0, %arg0 : i32
    %mul3A_1 = arith.constant 80 : i32
    %mul3A_2 = arith.muli %add3A, %mul3A_1 : i32
    "tpu.region"() ({
      %run_scoped3A = tpu.sem_alloc : memref<!tpu.dma_semaphore, #tpu.memory_space<semaphore_mem>>
      %dma_start3A = arith.constant 0 : i32
      %dma_start3A_70 = tpu.memref_slice %arg2[%mul3A_2, %dma_start3A] : memref<2568x128xi32, #tpu.memory_space<hbm>> -> memref<80x128xi32, #tpu.memory_space<hbm>>
      %dma_start3A_71 = arith.constant 0 : i32
      %dma_start3A_72 = tpu.memref_slice %arg2[%mul3A_2, %dma_start3A_71] : memref<2568x128xi32, #tpu.memory_space<hbm>> -> memref<80x128xi32, #tpu.memory_space<hbm>>
      tpu.enqueue_dma source(%dma_start3A_72 : memref<80x128xi32, #tpu.memory_space<hbm>>) target(%arg4 : memref<80x128xi32, #tpu.memory_space<vmem>>) target_semaphore(%run_scoped3A : memref<!tpu.dma_semaphore, #tpu.memory_space<semaphore_mem>>)
      %dma_wait3A = arith.constant 0 : i32
      %dma_wait3A_73 = tpu.memref_slice %arg2[%mul3A_2, %dma_wait3A] : memref<2568x128xi32, #tpu.memory_space<hbm>> -> memref<80x128xi32, #tpu.memory_space<hbm>>
      %dma_wait3A_74 = arith.constant 0 : i32
      %dma_wait3A_75 = tpu.memref_slice %arg2[%mul3A_2, %dma_wait3A_74] : memref<2568x128xi32, #tpu.memory_space<hbm>> -> memref<80x128xi32, #tpu.memory_space<hbm>>
      tpu.wait_dma2 semaphore(%run_scoped3A : memref<!tpu.dma_semaphore, #tpu.memory_space<semaphore_mem>>) src(%dma_wait3A_75 : memref<80x128xi32, #tpu.memory_space<hbm>>) dst(%arg4 : memref<80x128xi32, #tpu.memory_space<vmem>>)
      tpu.yield
    }) : () -> ()
    %broadcast_in_dim3A = arith.constant 1.000000e+00 : f32
    %broadcast_in_dim3A_3 = vector.broadcast %broadcast_in_dim3A : f32 to vector<16xf32>
    %swap3A = arith.constant 0 : index
    %swap3A_4 = tpu.vector_load %arg5[%swap3A] {strides = array<i32>} : memref<128xf32, #tpu.memory_space<vmem>>, vector<16xf32>,
    %swap3A_5 = vector.shape_cast %swap3A_4 : vector<16xf32> to vector<16xf32>
    %swap3A_6 = vector.shape_cast %broadcast_in_dim3A_3 : vector<16xf32> to vector<16xf32>
    tpu.vector_store %arg5[%swap3A], %swap3A_6 {strides = array<i32>} : memref<128xf32, #tpu.memory_space<vmem>>, vector<16xf32>,
    %broadcast_in_dim3A_7 = arith.constant 1.000000e+00 : f32
    %broadcast_in_dim3A_8 = vector.broadcast %broadcast_in_dim3A_7 : f32 to vector<16xf32>
    %swap3A_9 = arith.constant 16 : index
    %swap3A_10 = tpu.vector_load %arg5[%swap3A_9] {strides = array<i32>} : memref<128xf32, #tpu.memory_space<vmem>>, vector<16xf32>,
    %swap3A_11 = vector.shape_cast %swap3A_10 : vector<16xf32> to vector<16xf32>
    %swap3A_12 = vector.shape_cast %broadcast_in_dim3A_8 : vector<16xf32> to vector<16xf32>
    tpu.vector_store %arg5[%swap3A_9], %swap3A_12 {strides = array<i32>} : memref<128xf32, #tpu.memory_space<vmem>>, vector<16xf32>,
    %broadcast_in_dim3A_13 = arith.constant 1.000000e+00 : f32
    %broadcast_in_dim3A_14 = vector.broadcast %broadcast_in_dim3A_13 : f32 to vector<16xf32>
    %swap3A_15 = arith.constant 32 : index
    %swap3A_16 = tpu.vector_load %arg5[%swap3A_15] {strides = array<i32>} : memref<128xf32, #tpu.memory_space<vmem>>, vector<16xf32>,
    %swap3A_17 = vector.shape_cast %swap3A_16 : vector<16xf32> to vector<16xf32>
    %swap3A_18 = vector.shape_cast %broadcast_in_dim3A_14 : vector<16xf32> to vector<16xf32>
    tpu.vector_store %arg5[%swap3A_15], %swap3A_18 {strides = array<i32>} : memref<128xf32, #tpu.memory_space<vmem>>, vector<16xf32>,
    %broadcast_in_dim3A_19 = arith.constant 1.000000e+00 : f32
    %broadcast_in_dim3A_20 = vector.broadcast %broadcast_in_dim3A_19 : f32 to vector<16xf32>
    %swap3A_21 = arith.constant 48 : index
    %swap3A_22 = tpu.vector_load %arg5[%swap3A_21] {strides = array<i32>} : memref<128xf32, #tpu.memory_space<vmem>>, vector<16xf32>,
    %swap3A_23 = vector.shape_cast %swap3A_22 : vector<16xf32> to vector<16xf32>
    %swap3A_24 = vector.shape_cast %broadcast_in_dim3A_20 : vector<16xf32> to vector<16xf32>
    tpu.vector_store %arg5[%swap3A_21], %swap3A_24 {strides = array<i32>} : memref<128xf32, #tpu.memory_space<vmem>>, vector<16xf32>,
    %broadcast_in_dim3A_25 = arith.constant 1.000000e+00 : f32
    %broadcast_in_dim3A_26 = vector.broadcast %broadcast_in_dim3A_25 : f32 to vector<16xf32>
    %swap3A_27 = arith.constant 64 : index
    %swap3A_28 = tpu.vector_load %arg5[%swap3A_27] {strides = array<i32>} : memref<128xf32, #tpu.memory_space<vmem>>, vector<16xf32>,
    %swap3A_29 = vector.shape_cast %swap3A_28 : vector<16xf32> to vector<16xf32>
    %swap3A_30 = vector.shape_cast %broadcast_in_dim3A_26 : vector<16xf32> to vector<16xf32>
    tpu.vector_store %arg5[%swap3A_27], %swap3A_30 {strides = array<i32>} : memref<128xf32, #tpu.memory_space<vmem>>, vector<16xf32>,
    %broadcast_in_dim3A_31 = arith.constant 1.000000e+00 : f32
    %broadcast_in_dim3A_32 = vector.broadcast %broadcast_in_dim3A_31 : f32 to vector<16xf32>
    %swap3A_33 = arith.constant 80 : index
    %swap3A_34 = tpu.vector_load %arg5[%swap3A_33] {strides = array<i32>} : memref<128xf32, #tpu.memory_space<vmem>>, vector<16xf32>,
    %swap3A_35 = vector.shape_cast %swap3A_34 : vector<16xf32> to vector<16xf32>
    %swap3A_36 = vector.shape_cast %broadcast_in_dim3A_32 : vector<16xf32> to vector<16xf32>
    tpu.vector_store %arg5[%swap3A_33], %swap3A_36 {strides = array<i32>} : memref<128xf32, #tpu.memory_space<vmem>>, vector<16xf32>,
    %broadcast_in_dim3A_37 = arith.constant 1.000000e+00 : f32
    %broadcast_in_dim3A_38 = vector.broadcast %broadcast_in_dim3A_37 : f32 to vector<16xf32>
    %swap3A_39 = arith.constant 96 : index
    %swap3A_40 = tpu.vector_load %arg5[%swap3A_39] {strides = array<i32>} : memref<128xf32, #tpu.memory_space<vmem>>, vector<16xf32>,
    %swap3A_41 = vector.shape_cast %swap3A_40 : vector<16xf32> to vector<16xf32>
    %swap3A_42 = vector.shape_cast %broadcast_in_dim3A_38 : vector<16xf32> to vector<16xf32>
    tpu.vector_store %arg5[%swap3A_39], %swap3A_42 {strides = array<i32>} : memref<128xf32, #tpu.memory_space<vmem>>, vector<16xf32>,
    %broadcast_in_dim3A_43 = arith.constant 1.000000e+00 : f32
    %broadcast_in_dim3A_44 = vector.broadcast %broadcast_in_dim3A_43 : f32 to vector<16xf32>
    %swap3A_45 = arith.constant 112 : index
    %swap3A_46 = tpu.vector_load %arg5[%swap3A_45] {strides = array<i32>} : memref<128xf32, #tpu.memory_space<vmem>>, vector<16xf32>,
    %swap3A_47 = vector.shape_cast %swap3A_46 : vector<16xf32> to vector<16xf32>
    %swap3A_48 = vector.shape_cast %broadcast_in_dim3A_44 : vector<16xf32> to vector<16xf32>
    tpu.vector_store %arg5[%swap3A_45], %swap3A_48 {strides = array<i32>} : memref<128xf32, #tpu.memory_space<vmem>>, vector<16xf32>,
    %scan3A = arith.constant 0 : i32
    %scan3A_49 = arith.constant 0 : i32
    %scan3A_50 = arith.constant 40 : i32
    %scan3A_51 = arith.addi %scan3A_49, %scan3A_50 : i32
    %scan3A_52 = arith.constant 1 : i32
    scf.for %scan3A_70 = %scan3A_49 to %scan3A_51 step %scan3A_52  : i32 {
      %broadcast_in_dim3A_71 = arith.constant 0.000000e+00 : f32
      %broadcast_in_dim3A_72 = vector.broadcast %broadcast_in_dim3A_71 : f32 to vector<16xf32>
      %mul3A_73 = arith.constant 16 : i32
      %mul3A_74 = arith.muli %scan3A_70, %mul3A_73 : i32
      %swap3A_75 = arith.index_cast %mul3A_74 : i32 to index
      %swap3A_76 = tpu.vector_load %arg6[%swap3A_75] {strides = array<i32>} : memref<640xf32, #tpu.memory_space<vmem>>, vector<16xf32>,
      %swap3A_77 = vector.shape_cast %swap3A_76 : vector<16xf32> to vector<16xf32>
      %swap3A_78 = vector.shape_cast %broadcast_in_dim3A_72 : vector<16xf32> to vector<16xf32>
      tpu.vector_store %arg6[%swap3A_75], %swap3A_78 {strides = array<i32>} : memref<640xf32, #tpu.memory_space<vmem>>, vector<16xf32>,
    }
    %scan3A_53 = arith.constant 40 : i32
    %mul3A_54 = arith.constant 632 : i32
    %mul3A_55 = arith.muli %arg1, %mul3A_54 : i32
    "tpu.region"() ({
      %run_scoped3A = tpu.sem_alloc : memref<!tpu.dma_semaphore, #tpu.memory_space<semaphore_mem>>
      %dma_start3A = arith.constant 0 : i32
      %dma_start3A_70 = tpu.memref_slice %arg6[%dma_start3A] : memref<640xf32, #tpu.memory_space<vmem>> -> memref<632xf32, #tpu.memory_space<vmem>>
      %dma_start3A_71 = tpu.memref_slice %arg7[%mul3A_55] : memref<10112xf32, #tpu.memory_space<vmem_shared>> -> memref<632xf32, #tpu.memory_space<vmem_shared>>
      %dma_start3A_72 = tpu.memref_slice %arg7[%mul3A_55] : memref<10112xf32, #tpu.memory_space<vmem_shared>> -> memref<632xf32, #tpu.memory_space<vmem_shared>>
      %dma_start3A_73 = arith.constant 0 : i32
      %dma_start3A_74 = tpu.memref_slice %arg6[%dma_start3A_73] : memref<640xf32, #tpu.memory_space<vmem>> -> memref<632xf32, #tpu.memory_space<vmem>>
      tpu.enqueue_dma source(%dma_start3A_74 : memref<632xf32, #tpu.memory_space<vmem>>) target(%dma_start3A_72 : memref<632xf32, #tpu.memory_space<vmem_shared>>) target_semaphore(%run_scoped3A : memref<!tpu.dma_semaphore, #tpu.memory_space<semaphore_mem>>)
      %dma_wait3A = arith.constant 0 : i32
      %dma_wait3A_75 = tpu.memref_slice %arg6[%dma_wait3A] : memref<640xf32, #tpu.memory_space<vmem>> -> memref<632xf32, #tpu.memory_space<vmem>>
      %dma_wait3A_76 = tpu.memref_slice %arg7[%mul3A_55] : memref<10112xf32, #tpu.memory_space<vmem_shared>> -> memref<632xf32, #tpu.memory_space<vmem_shared>>
      %dma_wait3A_77 = tpu.memref_slice %arg7[%mul3A_55] : memref<10112xf32, #tpu.memory_space<vmem_shared>> -> memref<632xf32, #tpu.memory_space<vmem_shared>>
      %dma_wait3A_78 = arith.constant 0 : i32
      %dma_wait3A_79 = tpu.memref_slice %arg6[%dma_wait3A_78] : memref<640xf32, #tpu.memory_space<vmem>> -> memref<632xf32, #tpu.memory_space<vmem>>
      tpu.wait_dma2 semaphore(%run_scoped3A : memref<!tpu.dma_semaphore, #tpu.memory_space<semaphore_mem>>) src(%dma_wait3A_79 : memref<632xf32, #tpu.memory_space<vmem>>) dst(%dma_wait3A_77 : memref<632xf32, #tpu.memory_space<vmem_shared>>)
      tpu.yield
    }) : () -> ()
    %barrier3A = arith.constant 0 : index
    tpu.barrier barrier_id(%barrier3A)
    %scan3A_56 = arith.constant 0 : i32
    %scan3A_57 = arith.constant 0 : i32
    %scan3A_58 = arith.constant 80 : i32
    %scan3A_59 = arith.addi %scan3A_57, %scan3A_58 : i32
    %scan3A_60 = arith.constant 1 : i32
    scf.for %scan3A_70 = %scan3A_57 to %scan3A_59 step %scan3A_60  : i32 {
      "tpu.region"() ({
        %run_scoped3A = tpu.sem_alloc : memref<!tpu.dma_semaphore, #tpu.memory_space<semaphore_mem>>
        %dma_start3A = arith.constant 0 : i32
        %dma_start3A_71 = tpu.memref_slice %arg4[%scan3A_70, %dma_start3A] : memref<80x128xi32, #tpu.memory_space<vmem>> -> memref<1x128xi32, #tpu.memory_space<vmem>>
        %dma_start3A_72 = tpu.memref_squeeze %dma_start3A_71 : memref<1x128xi32, #tpu.memory_space<vmem>> -> memref<128xi32, #tpu.memory_space<vmem>>
        %dma_start3A_73 = arith.constant 0 : i32
        %dma_start3A_74 = tpu.memref_slice %arg7[%dma_start3A_73] : memref<10112xf32, #tpu.memory_space<vmem_shared>> -> memref<10112xf32, #tpu.memory_space<vmem_shared>>
        tpu.enqueue_indirect_dma source(%arg5 : memref<128xf32, #tpu.memory_space<vmem>>) target(%dma_start3A_74 : memref<10112xf32, #tpu.memory_space<vmem_shared>>) offsets(%dma_start3A_72 : memref<128xi32, #tpu.memory_space<vmem>>) semaphore(%run_scoped3A : memref<!tpu.dma_semaphore, #tpu.memory_space<semaphore_mem>>) {add = true}
        %dma_wait3A = arith.constant 0 : i32
        %dma_wait3A_75 = tpu.memref_slice %arg4[%scan3A_70, %dma_wait3A] : memref<80x128xi32, #tpu.memory_space<vmem>> -> memref<1x128xi32, #tpu.memory_space<vmem>>
        %dma_wait3A_76 = tpu.memref_squeeze %dma_wait3A_75 : memref<1x128xi32, #tpu.memory_space<vmem>> -> memref<128xi32, #tpu.memory_space<vmem>>
        %dma_wait3A_77 = arith.constant 0 : i32
        %dma_wait3A_78 = tpu.memref_slice %arg7[%dma_wait3A_77] : memref<10112xf32, #tpu.memory_space<vmem_shared>> -> memref<10112xf32, #tpu.memory_space<vmem_shared>>
        tpu.wait_indirect_dma semaphore(%run_scoped3A : memref<!tpu.dma_semaphore, #tpu.memory_space<semaphore_mem>>) src(%arg5 : memref<128xf32, #tpu.memory_space<vmem>>) dst(%dma_wait3A_78 : memref<10112xf32, #tpu.memory_space<vmem_shared>>)
        tpu.yield
      }) : () -> ()
    }
    %scan3A_61 = arith.constant 80 : i32
    %barrier3A_62 = arith.constant 0 : index
    tpu.barrier barrier_id(%barrier3A_62)
    %mul3A_63 = arith.constant 632 : i32
    %mul3A_64 = arith.muli %arg1, %mul3A_63 : i32
    "tpu.region"() ({
      %run_scoped3A = tpu.sem_alloc : memref<!tpu.dma_semaphore, #tpu.memory_space<semaphore_mem>>
      %dma_start3A = arith.constant 0 : i32
      %dma_start3A_70 = tpu.memref_slice %arg6[%dma_start3A] : memref<640xf32, #tpu.memory_space<vmem>> -> memref<632xf32, #tpu.memory_space<vmem>>
      %dma_start3A_71 = tpu.memref_slice %arg7[%mul3A_64] : memref<10112xf32, #tpu.memory_space<vmem_shared>> -> memref<632xf32, #tpu.memory_space<vmem_shared>>
      %dma_start3A_72 = arith.constant 0 : i32
      %dma_start3A_73 = tpu.memref_slice %arg6[%dma_start3A_72] : memref<640xf32, #tpu.memory_space<vmem>> -> memref<632xf32, #tpu.memory_space<vmem>>
      %dma_start3A_74 = tpu.memref_slice %arg7[%mul3A_64] : memref<10112xf32, #tpu.memory_space<vmem_shared>> -> memref<632xf32, #tpu.memory_space<vmem_shared>>
      tpu.enqueue_dma source(%dma_start3A_74 : memref<632xf32, #tpu.memory_space<vmem_shared>>) target(%dma_start3A_73 : memref<632xf32, #tpu.memory_space<vmem>>) target_semaphore(%run_scoped3A : memref<!tpu.dma_semaphore, #tpu.memory_space<semaphore_mem>>)
      %dma_wait3A = arith.constant 0 : i32
      %dma_wait3A_75 = tpu.memref_slice %arg6[%dma_wait3A] : memref<640xf32, #tpu.memory_space<vmem>> -> memref<632xf32, #tpu.memory_space<vmem>>
      %dma_wait3A_76 = tpu.memref_slice %arg7[%mul3A_64] : memref<10112xf32, #tpu.memory_space<vmem_shared>> -> memref<632xf32, #tpu.memory_space<vmem_shared>>
      %dma_wait3A_77 = arith.constant 0 : i32
      %dma_wait3A_78 = tpu.memref_slice %arg6[%dma_wait3A_77] : memref<640xf32, #tpu.memory_space<vmem>> -> memref<632xf32, #tpu.memory_space<vmem>>
      %dma_wait3A_79 = tpu.memref_slice %arg7[%mul3A_64] : memref<10112xf32, #tpu.memory_space<vmem_shared>> -> memref<632xf32, #tpu.memory_space<vmem_shared>>
      tpu.wait_dma2 semaphore(%run_scoped3A : memref<!tpu.dma_semaphore, #tpu.memory_space<semaphore_mem>>) src(%dma_wait3A_79 : memref<632xf32, #tpu.memory_space<vmem_shared>>) dst(%dma_wait3A_78 : memref<632xf32, #tpu.memory_space<vmem>>)
      tpu.yield
    }) : () -> ()
    %mul3A_65 = arith.constant 10112 : i32
    %mul3A_66 = arith.muli %arg0, %mul3A_65 : i32
    %mul3A_67 = arith.constant 632 : i32
    %mul3A_68 = arith.muli %arg1, %mul3A_67 : i32
    %add3A_69 = arith.addi %mul3A_66, %mul3A_68 : i32
    "tpu.region"() ({
      %run_scoped3A = tpu.sem_alloc : memref<!tpu.dma_semaphore, #tpu.memory_space<semaphore_mem>>
      %dma_start3A = arith.constant 0 : i32
      %dma_start3A_70 = tpu.memref_slice %arg6[%dma_start3A] : memref<640xf32, #tpu.memory_space<vmem>> -> memref<632xf32, #tpu.memory_space<vmem>>
      %dma_start3A_71 = tpu.memref_slice %arg3[%add3A_69] : memref<20224xf32, #tpu.memory_space<hbm>> -> memref<632xf32, #tpu.memory_space<hbm>>
      %dma_start3A_72 = tpu.memref_slice %arg3[%add3A_69] : memref<20224xf32, #tpu.memory_space<hbm>> -> memref<632xf32, #tpu.memory_space<hbm>>
      %dma_start3A_73 = arith.constant 0 : i32
      %dma_start3A_74 = tpu.memref_slice %arg6[%dma_start3A_73] : memref<640xf32, #tpu.memory_space<vmem>> -> memref<632xf32, #tpu.memory_space<vmem>>
      tpu.enqueue_dma source(%dma_start3A_74 : memref<632xf32, #tpu.memory_space<vmem>>) target(%dma_start3A_72 : memref<632xf32, #tpu.memory_space<hbm>>) target_semaphore(%run_scoped3A : memref<!tpu.dma_semaphore, #tpu.memory_space<semaphore_mem>>)
      %dma_wait3A = arith.constant 0 : i32
      %dma_wait3A_75 = tpu.memref_slice %arg6[%dma_wait3A] : memref<640xf32, #tpu.memory_space<vmem>> -> memref<632xf32, #tpu.memory_space<vmem>>
      %dma_wait3A_76 = tpu.memref_slice %arg3[%add3A_69] : memref<20224xf32, #tpu.memory_space<hbm>> -> memref<632xf32, #tpu.memory_space<hbm>>
      %dma_wait3A_77 = tpu.memref_slice %arg3[%add3A_69] : memref<20224xf32, #tpu.memory_space<hbm>> -> memref<632xf32, #tpu.memory_space<hbm>>
      %dma_wait3A_78 = arith.constant 0 : i32
      %dma_wait3A_79 = tpu.memref_slice %arg6[%dma_wait3A_78] : memref<640xf32, #tpu.memory_space<vmem>> -> memref<632xf32, #tpu.memory_space<vmem>>
      tpu.wait_dma2 semaphore(%run_scoped3A : memref<!tpu.dma_semaphore, #tpu.memory_space<semaphore_mem>>) src(%dma_wait3A_79 : memref<632xf32, #tpu.memory_space<vmem>>) dst(%dma_wait3A_77 : memref<632xf32, #tpu.memory_space<hbm>>)
      tpu.yield
    }) : () -> ()
    return
  }
}

#map = affine_map<(d0, d1) -> (0, 0)>
#map1 = affine_map<(d0, d1) -> (0)>
#map2 = affine_map<(d0, d1) -> (0, 0, 0)>
module attributes {stable_mosaic.version = 14 : i64} {
  func.func @_sc_spmm(%arg0: i32, %arg1: i32, %arg2: memref<10000x128xf32, #tpu.memory_space<hbm>>, %arg3: memref<328704xi32, #tpu.memory_space<hbm>>, %arg4: memref<328704xi32, #tpu.memory_space<hbm>>, %arg5: memref<2x10112x128xf32, #tpu.memory_space<hbm>>, %arg6: memref<128xi32, #tpu.memory_space<vmem>>, %arg7: memref<128xi32, #tpu.memory_space<vmem>>, %arg8: memref<128xi32, #tpu.memory_space<vmem>>, %arg9: memref<128xi32, #tpu.memory_space<vmem>>, %arg10: memref<128xi32, #tpu.memory_space<vmem>>, %arg11: memref<128xi32, #tpu.memory_space<vmem>>, %arg12: memref<128x128xf32, #tpu.memory_space<vmem>>, %arg13: memref<128x128xf32, #tpu.memory_space<vmem>>, %arg14: memref<128x128xf32, #tpu.memory_space<vmem>>, %arg15: memref<10112x128xf32, #tpu.memory_space<vmem_shared>>, %arg16: memref<!tpu.dma_semaphore, #tpu.memory_space<semaphore_mem>>, %arg17: memref<!tpu.dma_semaphore, #tpu.memory_space<semaphore_mem>>, %arg18: memref<!tpu.dma_semaphore, #tpu.memory_space<semaphore_mem>>, %arg19: memref<!tpu.dma_semaphore, #tpu.memory_space<semaphore_mem>>, %arg20: memref<!tpu.dma_semaphore, #tpu.memory_space<semaphore_mem>>, %arg21: memref<!tpu.dma_semaphore, #tpu.memory_space<semaphore_mem>>) attributes {dimension_semantics = [#tpu.dimension_semantics<core_parallel>, #tpu.dimension_semantics<subcore_parallel>], iteration_bounds = array<i64: 2, 16>, scalar_prefetch = 0 : i64, scratch_operands = 16 : i64, tpu.core_type = #tpu.core_type<sc_vector_subcore>, window_params = [{transform_indices = #map}, {transform_indices = #map1}, {transform_indices = #map1}, {transform_indices = #map2}]} {
    %mul3A = arith.constant 2 : i32
    %mul3A_0 = arith.muli %arg1, %mul3A : i32
    %add3A = arith.addi %mul3A_0, %arg0 : i32
    %mul3A_1 = arith.constant 80 : i32
    %mul3A_2 = arith.muli %add3A, %mul3A_1 : i32
    %mul3A_3 = arith.constant 128 : i32
    %mul3A_4 = arith.muli %mul3A_2, %mul3A_3 : i32
    %add3A_5 = arith.constant 0 : i32
    %add3A_6 = arith.addi %mul3A_4, %add3A_5 : i32
    %dma_start3A = tpu.memref_slice %arg3[%add3A_6] : memref<328704xi32, #tpu.memory_space<hbm>> -> memref<128xi32, #tpu.memory_space<hbm>>
    %dma_start3A_7 = tpu.memref_slice %arg3[%add3A_6] : memref<328704xi32, #tpu.memory_space<hbm>> -> memref<128xi32, #tpu.memory_space<hbm>>
    tpu.enqueue_dma source(%dma_start3A_7 : memref<128xi32, #tpu.memory_space<hbm>>) target(%arg6 : memref<128xi32, #tpu.memory_space<vmem>>) target_semaphore(%arg19 : memref<!tpu.dma_semaphore, #tpu.memory_space<semaphore_mem>>)
    %add3A_8 = arith.constant 0 : i32
    %add3A_9 = arith.addi %mul3A_4, %add3A_8 : i32
    %dma_start3A_10 = tpu.memref_slice %arg4[%add3A_9] : memref<328704xi32, #tpu.memory_space<hbm>> -> memref<128xi32, #tpu.memory_space<hbm>>
    %dma_start3A_11 = tpu.memref_slice %arg4[%add3A_9] : memref<328704xi32, #tpu.memory_space<hbm>> -> memref<128xi32, #tpu.memory_space<hbm>>
    tpu.enqueue_dma source(%dma_start3A_11 : memref<128xi32, #tpu.memory_space<hbm>>) target(%arg9 : memref<128xi32, #tpu.memory_space<vmem>>) target_semaphore(%arg19 : memref<!tpu.dma_semaphore, #tpu.memory_space<semaphore_mem>>)
    %add3A_12 = arith.constant 128 : i32
    %add3A_13 = arith.addi %mul3A_4, %add3A_12 : i32
    %dma_start3A_14 = tpu.memref_slice %arg3[%add3A_13] : memref<328704xi32, #tpu.memory_space<hbm>> -> memref<128xi32, #tpu.memory_space<hbm>>
    %dma_start3A_15 = tpu.memref_slice %arg3[%add3A_13] : memref<328704xi32, #tpu.memory_space<hbm>> -> memref<128xi32, #tpu.memory_space<hbm>>
    tpu.enqueue_dma source(%dma_start3A_15 : memref<128xi32, #tpu.memory_space<hbm>>) target(%arg7 : memref<128xi32, #tpu.memory_space<vmem>>) target_semaphore(%arg20 : memref<!tpu.dma_semaphore, #tpu.memory_space<semaphore_mem>>)
    %add3A_16 = arith.constant 128 : i32
    %add3A_17 = arith.addi %mul3A_4, %add3A_16 : i32
    %dma_start3A_18 = tpu.memref_slice %arg4[%add3A_17] : memref<328704xi32, #tpu.memory_space<hbm>> -> memref<128xi32, #tpu.memory_space<hbm>>
    %dma_start3A_19 = tpu.memref_slice %arg4[%add3A_17] : memref<328704xi32, #tpu.memory_space<hbm>> -> memref<128xi32, #tpu.memory_space<hbm>>
    tpu.enqueue_dma source(%dma_start3A_19 : memref<128xi32, #tpu.memory_space<hbm>>) target(%arg10 : memref<128xi32, #tpu.memory_space<vmem>>) target_semaphore(%arg20 : memref<!tpu.dma_semaphore, #tpu.memory_space<semaphore_mem>>)
    %add3A_20 = arith.constant 256 : i32
    %add3A_21 = arith.addi %mul3A_4, %add3A_20 : i32
    %dma_start3A_22 = tpu.memref_slice %arg3[%add3A_21] : memref<328704xi32, #tpu.memory_space<hbm>> -> memref<128xi32, #tpu.memory_space<hbm>>
    %dma_start3A_23 = tpu.memref_slice %arg3[%add3A_21] : memref<328704xi32, #tpu.memory_space<hbm>> -> memref<128xi32, #tpu.memory_space<hbm>>
    tpu.enqueue_dma source(%dma_start3A_23 : memref<128xi32, #tpu.memory_space<hbm>>) target(%arg8 : memref<128xi32, #tpu.memory_space<vmem>>) target_semaphore(%arg21 : memref<!tpu.dma_semaphore, #tpu.memory_space<semaphore_mem>>)
    %add3A_24 = arith.constant 256 : i32
    %add3A_25 = arith.addi %mul3A_4, %add3A_24 : i32
    %dma_start3A_26 = tpu.memref_slice %arg4[%add3A_25] : memref<328704xi32, #tpu.memory_space<hbm>> -> memref<128xi32, #tpu.memory_space<hbm>>
    %dma_start3A_27 = tpu.memref_slice %arg4[%add3A_25] : memref<328704xi32, #tpu.memory_space<hbm>> -> memref<128xi32, #tpu.memory_space<hbm>>
    tpu.enqueue_dma source(%dma_start3A_27 : memref<128xi32, #tpu.memory_space<hbm>>) target(%arg11 : memref<128xi32, #tpu.memory_space<vmem>>) target_semaphore(%arg21 : memref<!tpu.dma_semaphore, #tpu.memory_space<semaphore_mem>>)
    %scan3A = arith.constant 0 : i32
    %scan3A_28 = arith.constant 0 : i32
    %scan3A_29 = arith.constant 128 : i32
    %scan3A_30 = arith.addi %scan3A_28, %scan3A_29 : i32
    %scan3A_31 = arith.constant 1 : i32
    scf.for %scan3A_255 = %scan3A_28 to %scan3A_30 step %scan3A_31  : i32 {
      %broadcast_in_dim3A = arith.constant 0.000000e+00 : f32
      %broadcast_in_dim3A_256 = vector.broadcast %broadcast_in_dim3A : f32 to vector<16xf32>
      %swap3A = arith.index_cast %scan3A_255 : i32 to index
      %swap3A_257 = arith.constant 0 : index
      %swap3A_258 = tpu.vector_load %arg12[%swap3A, %swap3A_257] {strides = array<i32>} : memref<128x128xf32, #tpu.memory_space<vmem>>, vector<1x16xf32>,
      %swap3A_259 = vector.shape_cast %swap3A_258 : vector<1x16xf32> to vector<16xf32>
      %swap3A_260 = vector.shape_cast %broadcast_in_dim3A_256 : vector<16xf32> to vector<1x16xf32>
      tpu.vector_store %arg12[%swap3A, %swap3A_257], %swap3A_260 {strides = array<i32>} : memref<128x128xf32, #tpu.memory_space<vmem>>, vector<1x16xf32>,
      %broadcast_in_dim3A_261 = arith.constant 0.000000e+00 : f32
      %broadcast_in_dim3A_262 = vector.broadcast %broadcast_in_dim3A_261 : f32 to vector<16xf32>
      %swap3A_263 = arith.index_cast %scan3A_255 : i32 to index
      %swap3A_264 = arith.constant 16 : index
      %swap3A_265 = tpu.vector_load %arg12[%swap3A_263, %swap3A_264] {strides = array<i32>} : memref<128x128xf32, #tpu.memory_space<vmem>>, vector<1x16xf32>,
      %swap3A_266 = vector.shape_cast %swap3A_265 : vector<1x16xf32> to vector<16xf32>
      %swap3A_267 = vector.shape_cast %broadcast_in_dim3A_262 : vector<16xf32> to vector<1x16xf32>
      tpu.vector_store %arg12[%swap3A_263, %swap3A_264], %swap3A_267 {strides = array<i32>} : memref<128x128xf32, #tpu.memory_space<vmem>>, vector<1x16xf32>,
      %broadcast_in_dim3A_268 = arith.constant 0.000000e+00 : f32
      %broadcast_in_dim3A_269 = vector.broadcast %broadcast_in_dim3A_268 : f32 to vector<16xf32>
      %swap3A_270 = arith.index_cast %scan3A_255 : i32 to index
      %swap3A_271 = arith.constant 32 : index
      %swap3A_272 = tpu.vector_load %arg12[%swap3A_270, %swap3A_271] {strides = array<i32>} : memref<128x128xf32, #tpu.memory_space<vmem>>, vector<1x16xf32>,
      %swap3A_273 = vector.shape_cast %swap3A_272 : vector<1x16xf32> to vector<16xf32>
      %swap3A_274 = vector.shape_cast %broadcast_in_dim3A_269 : vector<16xf32> to vector<1x16xf32>
      tpu.vector_store %arg12[%swap3A_270, %swap3A_271], %swap3A_274 {strides = array<i32>} : memref<128x128xf32, #tpu.memory_space<vmem>>, vector<1x16xf32>,
      %broadcast_in_dim3A_275 = arith.constant 0.000000e+00 : f32
      %broadcast_in_dim3A_276 = vector.broadcast %broadcast_in_dim3A_275 : f32 to vector<16xf32>
      %swap3A_277 = arith.index_cast %scan3A_255 : i32 to index
      %swap3A_278 = arith.constant 48 : index
      %swap3A_279 = tpu.vector_load %arg12[%swap3A_277, %swap3A_278] {strides = array<i32>} : memref<128x128xf32, #tpu.memory_space<vmem>>, vector<1x16xf32>,
      %swap3A_280 = vector.shape_cast %swap3A_279 : vector<1x16xf32> to vector<16xf32>
      %swap3A_281 = vector.shape_cast %broadcast_in_dim3A_276 : vector<16xf32> to vector<1x16xf32>
      tpu.vector_store %arg12[%swap3A_277, %swap3A_278], %swap3A_281 {strides = array<i32>} : memref<128x128xf32, #tpu.memory_space<vmem>>, vector<1x16xf32>,
      %broadcast_in_dim3A_282 = arith.constant 0.000000e+00 : f32
      %broadcast_in_dim3A_283 = vector.broadcast %broadcast_in_dim3A_282 : f32 to vector<16xf32>
      %swap3A_284 = arith.index_cast %scan3A_255 : i32 to index
      %swap3A_285 = arith.constant 64 : index
      %swap3A_286 = tpu.vector_load %arg12[%swap3A_284, %swap3A_285] {strides = array<i32>} : memref<128x128xf32, #tpu.memory_space<vmem>>, vector<1x16xf32>,
      %swap3A_287 = vector.shape_cast %swap3A_286 : vector<1x16xf32> to vector<16xf32>
      %swap3A_288 = vector.shape_cast %broadcast_in_dim3A_283 : vector<16xf32> to vector<1x16xf32>
      tpu.vector_store %arg12[%swap3A_284, %swap3A_285], %swap3A_288 {strides = array<i32>} : memref<128x128xf32, #tpu.memory_space<vmem>>, vector<1x16xf32>,
      %broadcast_in_dim3A_289 = arith.constant 0.000000e+00 : f32
      %broadcast_in_dim3A_290 = vector.broadcast %broadcast_in_dim3A_289 : f32 to vector<16xf32>
      %swap3A_291 = arith.index_cast %scan3A_255 : i32 to index
      %swap3A_292 = arith.constant 80 : index
      %swap3A_293 = tpu.vector_load %arg12[%swap3A_291, %swap3A_292] {strides = array<i32>} : memref<128x128xf32, #tpu.memory_space<vmem>>, vector<1x16xf32>,
      %swap3A_294 = vector.shape_cast %swap3A_293 : vector<1x16xf32> to vector<16xf32>
      %swap3A_295 = vector.shape_cast %broadcast_in_dim3A_290 : vector<16xf32> to vector<1x16xf32>
      tpu.vector_store %arg12[%swap3A_291, %swap3A_292], %swap3A_295 {strides = array<i32>} : memref<128x128xf32, #tpu.memory_space<vmem>>, vector<1x16xf32>,
      %broadcast_in_dim3A_296 = arith.constant 0.000000e+00 : f32
      %broadcast_in_dim3A_297 = vector.broadcast %broadcast_in_dim3A_296 : f32 to vector<16xf32>
      %swap3A_298 = arith.index_cast %scan3A_255 : i32 to index
      %swap3A_299 = arith.constant 96 : index
      %swap3A_300 = tpu.vector_load %arg12[%swap3A_298, %swap3A_299] {strides = array<i32>} : memref<128x128xf32, #tpu.memory_space<vmem>>, vector<1x16xf32>,
      %swap3A_301 = vector.shape_cast %swap3A_300 : vector<1x16xf32> to vector<16xf32>
      %swap3A_302 = vector.shape_cast %broadcast_in_dim3A_297 : vector<16xf32> to vector<1x16xf32>
      tpu.vector_store %arg12[%swap3A_298, %swap3A_299], %swap3A_302 {strides = array<i32>} : memref<128x128xf32, #tpu.memory_space<vmem>>, vector<1x16xf32>,
      %broadcast_in_dim3A_303 = arith.constant 0.000000e+00 : f32
      %broadcast_in_dim3A_304 = vector.broadcast %broadcast_in_dim3A_303 : f32 to vector<16xf32>
      %swap3A_305 = arith.index_cast %scan3A_255 : i32 to index
      %swap3A_306 = arith.constant 112 : index
      %swap3A_307 = tpu.vector_load %arg12[%swap3A_305, %swap3A_306] {strides = array<i32>} : memref<128x128xf32, #tpu.memory_space<vmem>>, vector<1x16xf32>,
      %swap3A_308 = vector.shape_cast %swap3A_307 : vector<1x16xf32> to vector<16xf32>
      %swap3A_309 = vector.shape_cast %broadcast_in_dim3A_304 : vector<16xf32> to vector<1x16xf32>
      tpu.vector_store %arg12[%swap3A_305, %swap3A_306], %swap3A_309 {strides = array<i32>} : memref<128x128xf32, #tpu.memory_space<vmem>>, vector<1x16xf32>,
    }
    %scan3A_32 = arith.constant 128 : i32
    %scan3A_33 = arith.constant 0 : i32
    %scan3A_34 = arith.constant 0 : i32
    %scan3A_35 = arith.constant 8 : i32
    %scan3A_36 = arith.addi %scan3A_34, %scan3A_35 : i32
    %scan3A_37 = arith.constant 1 : i32
    scf.for %scan3A_255 = %scan3A_34 to %scan3A_36 step %scan3A_37  : i32 {
      %mul3A_256 = arith.constant 632 : i32
      %mul3A_257 = arith.muli %arg1, %mul3A_256 : i32
      %mul3A_258 = arith.constant 79 : i32
      %mul3A_259 = arith.muli %scan3A_255, %mul3A_258 : i32
      %add3A_260 = arith.addi %mul3A_257, %mul3A_259 : i32
      %dma_start3A_261 = arith.constant 0 : i32
      %dma_start3A_262 = arith.constant 0 : i32
      %dma_start3A_263 = tpu.memref_slice %arg12[%dma_start3A_261, %dma_start3A_262] : memref<128x128xf32, #tpu.memory_space<vmem>> -> memref<79x128xf32, #tpu.memory_space<vmem>>
      %dma_start3A_264 = arith.constant 0 : i32
      %dma_start3A_265 = tpu.memref_slice %arg15[%add3A_260, %dma_start3A_264] : memref<10112x128xf32, #tpu.memory_space<vmem_shared>> -> memref<79x128xf32, #tpu.memory_space<vmem_shared>>
      %dma_start3A_266 = arith.constant 0 : i32
      %dma_start3A_267 = tpu.memref_slice %arg15[%add3A_260, %dma_start3A_266] : memref<10112x128xf32, #tpu.memory_space<vmem_shared>> -> memref<79x128xf32, #tpu.memory_space<vmem_shared>>
      %dma_start3A_268 = arith.constant 0 : i32
      %dma_start3A_269 = arith.constant 0 : i32
      %dma_start3A_270 = tpu.memref_slice %arg12[%dma_start3A_268, %dma_start3A_269] : memref<128x128xf32, #tpu.memory_space<vmem>> -> memref<79x128xf32, #tpu.memory_space<vmem>>
      tpu.enqueue_dma source(%dma_start3A_270 : memref<79x128xf32, #tpu.memory_space<vmem>>) target(%dma_start3A_267 : memref<79x128xf32, #tpu.memory_space<vmem_shared>>) target_semaphore(%arg16 : memref<!tpu.dma_semaphore, #tpu.memory_space<semaphore_mem>>)
    }
    %scan3A_38 = arith.constant 8 : i32
    %scan3A_39 = arith.constant 0 : i32
    %scan3A_40 = arith.constant 0 : i32
    %scan3A_41 = arith.constant 8 : i32
    %scan3A_42 = arith.addi %scan3A_40, %scan3A_41 : i32
    %scan3A_43 = arith.constant 1 : i32
    scf.for %scan3A_255 = %scan3A_40 to %scan3A_42 step %scan3A_43  : i32 {
      %mul3A_256 = arith.constant 632 : i32
      %mul3A_257 = arith.muli %arg1, %mul3A_256 : i32
      %dma_wait3A_258 = arith.constant 0 : i32
      %dma_wait3A_259 = arith.constant 0 : i32
      %dma_wait3A_260 = tpu.memref_slice %arg12[%dma_wait3A_258, %dma_wait3A_259] : memref<128x128xf32, #tpu.memory_space<vmem>> -> memref<79x128xf32, #tpu.memory_space<vmem>>
      %dma_wait3A_261 = arith.constant 0 : i32
      %dma_wait3A_262 = tpu.memref_slice %arg15[%mul3A_257, %dma_wait3A_261] : memref<10112x128xf32, #tpu.memory_space<vmem_shared>> -> memref<79x128xf32, #tpu.memory_space<vmem_shared>>
      %dma_wait3A_263 = arith.constant 0 : i32
      %dma_wait3A_264 = tpu.memref_slice %arg15[%mul3A_257, %dma_wait3A_263] : memref<10112x128xf32, #tpu.memory_space<vmem_shared>> -> memref<79x128xf32, #tpu.memory_space<vmem_shared>>
      %dma_wait3A_265 = arith.constant 0 : i32
      %dma_wait3A_266 = arith.constant 0 : i32
      %dma_wait3A_267 = tpu.memref_slice %arg12[%dma_wait3A_265, %dma_wait3A_266] : memref<128x128xf32, #tpu.memory_space<vmem>> -> memref<79x128xf32, #tpu.memory_space<vmem>>
      tpu.wait_dma2 semaphore(%arg16 : memref<!tpu.dma_semaphore, #tpu.memory_space<semaphore_mem>>) src(%dma_wait3A_267 : memref<79x128xf32, #tpu.memory_space<vmem>>) dst(%dma_wait3A_264 : memref<79x128xf32, #tpu.memory_space<vmem_shared>>)
    }
    %scan3A_44 = arith.constant 8 : i32
    %barrier3A = arith.constant 0 : index
    tpu.barrier barrier_id(%barrier3A)
    %dma_wait3A = tpu.memref_slice %arg3[%mul3A_4] : memref<328704xi32, #tpu.memory_space<hbm>> -> memref<128xi32, #tpu.memory_space<hbm>>
    %dma_wait3A_45 = tpu.memref_slice %arg3[%mul3A_4] : memref<328704xi32, #tpu.memory_space<hbm>> -> memref<128xi32, #tpu.memory_space<hbm>>
    tpu.wait_dma2 semaphore(%arg19 : memref<!tpu.dma_semaphore, #tpu.memory_space<semaphore_mem>>) src(%dma_wait3A_45 : memref<128xi32, #tpu.memory_space<hbm>>) dst(%arg6 : memref<128xi32, #tpu.memory_space<vmem>>)
    %dma_wait3A_46 = tpu.memref_slice %arg4[%mul3A_4] : memref<328704xi32, #tpu.memory_space<hbm>> -> memref<128xi32, #tpu.memory_space<hbm>>
    %dma_wait3A_47 = tpu.memref_slice %arg4[%mul3A_4] : memref<328704xi32, #tpu.memory_space<hbm>> -> memref<128xi32, #tpu.memory_space<hbm>>
    tpu.wait_dma2 semaphore(%arg19 : memref<!tpu.dma_semaphore, #tpu.memory_space<semaphore_mem>>) src(%dma_wait3A_47 : memref<128xi32, #tpu.memory_space<hbm>>) dst(%arg9 : memref<128xi32, #tpu.memory_space<vmem>>)
    %dma_start3A_48 = arith.constant 0 : i32
    %dma_start3A_49 = arith.constant 0 : i32
    %dma_start3A_50 = tpu.memref_slice %arg2[%dma_start3A_48, %dma_start3A_49] : memref<10000x128xf32, #tpu.memory_space<hbm>> -> memref<10000x128xf32, #tpu.memory_space<hbm>>
    tpu.enqueue_indirect_dma source(%dma_start3A_50 : memref<10000x128xf32, #tpu.memory_space<hbm>>) target(%arg12 : memref<128x128xf32, #tpu.memory_space<vmem>>) offsets(%arg6 : memref<128xi32, #tpu.memory_space<vmem>>) semaphore(%arg16 : memref<!tpu.dma_semaphore, #tpu.memory_space<semaphore_mem>>)
    %dma_wait3A_51 = tpu.memref_slice %arg3[%mul3A_4] : memref<328704xi32, #tpu.memory_space<hbm>> -> memref<128xi32, #tpu.memory_space<hbm>>
    %dma_wait3A_52 = tpu.memref_slice %arg3[%mul3A_4] : memref<328704xi32, #tpu.memory_space<hbm>> -> memref<128xi32, #tpu.memory_space<hbm>>
    tpu.wait_dma2 semaphore(%arg20 : memref<!tpu.dma_semaphore, #tpu.memory_space<semaphore_mem>>) src(%dma_wait3A_52 : memref<128xi32, #tpu.memory_space<hbm>>) dst(%arg7 : memref<128xi32, #tpu.memory_space<vmem>>)
    %dma_wait3A_53 = tpu.memref_slice %arg4[%mul3A_4] : memref<328704xi32, #tpu.memory_space<hbm>> -> memref<128xi32, #tpu.memory_space<hbm>>
    %dma_wait3A_54 = tpu.memref_slice %arg4[%mul3A_4] : memref<328704xi32, #tpu.memory_space<hbm>> -> memref<128xi32, #tpu.memory_space<hbm>>
    tpu.wait_dma2 semaphore(%arg20 : memref<!tpu.dma_semaphore, #tpu.memory_space<semaphore_mem>>) src(%dma_wait3A_54 : memref<128xi32, #tpu.memory_space<hbm>>) dst(%arg10 : memref<128xi32, #tpu.memory_space<vmem>>)
    %dma_start3A_55 = arith.constant 0 : i32
    %dma_start3A_56 = arith.constant 0 : i32
    %dma_start3A_57 = tpu.memref_slice %arg2[%dma_start3A_55, %dma_start3A_56] : memref<10000x128xf32, #tpu.memory_space<hbm>> -> memref<10000x128xf32, #tpu.memory_space<hbm>>
    tpu.enqueue_indirect_dma source(%dma_start3A_57 : memref<10000x128xf32, #tpu.memory_space<hbm>>) target(%arg13 : memref<128x128xf32, #tpu.memory_space<vmem>>) offsets(%arg7 : memref<128xi32, #tpu.memory_space<vmem>>) semaphore(%arg17 : memref<!tpu.dma_semaphore, #tpu.memory_space<semaphore_mem>>)
    %scan3A_58 = arith.constant 0 : i32
    %scan3A_59 = arith.constant 0 : i32
    %scan3A_60 = arith.constant 26 : i32
    %scan3A_61 = arith.addi %scan3A_59, %scan3A_60 : i32
    %scan3A_62 = arith.constant 1 : i32
    scf.for %scan3A_255 = %scan3A_59 to %scan3A_61 step %scan3A_62  : i32 {
      %mul3A_256 = arith.constant 3 : i32
      %mul3A_257 = arith.muli %mul3A_256, %scan3A_255 : i32
      %add3A_258 = arith.constant 0 : i32
      %add3A_259 = arith.addi %mul3A_257, %add3A_258 : i32
      %dma_wait3A_260 = arith.constant 0 : i32
      %dma_wait3A_261 = arith.constant 0 : i32
      %dma_wait3A_262 = tpu.memref_slice %arg2[%dma_wait3A_260, %dma_wait3A_261] : memref<10000x128xf32, #tpu.memory_space<hbm>> -> memref<10000x128xf32, #tpu.memory_space<hbm>>
      tpu.wait_indirect_dma semaphore(%arg16 : memref<!tpu.dma_semaphore, #tpu.memory_space<semaphore_mem>>) src(%dma_wait3A_262 : memref<10000x128xf32, #tpu.memory_space<hbm>>) dst(%arg12 : memref<128x128xf32, #tpu.memory_space<vmem>>)
      "tpu.region"() ({
        %run_scoped3A = tpu.sem_alloc : memref<!tpu.dma_semaphore, #tpu.memory_space<semaphore_mem>>
        %dma_start3A_334 = arith.constant 0 : i32
        %dma_start3A_335 = arith.constant 0 : i32
        %dma_start3A_336 = tpu.memref_slice %arg15[%dma_start3A_334, %dma_start3A_335] : memref<10112x128xf32, #tpu.memory_space<vmem_shared>> -> memref<10112x128xf32, #tpu.memory_space<vmem_shared>>
        tpu.enqueue_indirect_dma source(%arg12 : memref<128x128xf32, #tpu.memory_space<vmem>>) target(%dma_start3A_336 : memref<10112x128xf32, #tpu.memory_space<vmem_shared>>) offsets(%arg9 : memref<128xi32, #tpu.memory_space<vmem>>) semaphore(%run_scoped3A : memref<!tpu.dma_semaphore, #tpu.memory_space<semaphore_mem>>) {add = true}
        %dma_wait3A_337 = arith.constant 0 : i32
        %dma_wait3A_338 = arith.constant 0 : i32
        %dma_wait3A_339 = tpu.memref_slice %arg15[%dma_wait3A_337, %dma_wait3A_338] : memref<10112x128xf32, #tpu.memory_space<vmem_shared>> -> memref<10112x128xf32, #tpu.memory_space<vmem_shared>>
        tpu.wait_indirect_dma semaphore(%run_scoped3A : memref<!tpu.dma_semaphore, #tpu.memory_space<semaphore_mem>>) src(%arg12 : memref<128x128xf32, #tpu.memory_space<vmem>>) dst(%dma_wait3A_339 : memref<10112x128xf32, #tpu.memory_space<vmem_shared>>)
        tpu.yield
      }) : () -> ()
      %dma_wait3A_263 = tpu.memref_slice %arg3[%mul3A_4] : memref<328704xi32, #tpu.memory_space<hbm>> -> memref<128xi32, #tpu.memory_space<hbm>>
      %dma_wait3A_264 = tpu.memref_slice %arg3[%mul3A_4] : memref<328704xi32, #tpu.memory_space<hbm>> -> memref<128xi32, #tpu.memory_space<hbm>>
      tpu.wait_dma2 semaphore(%arg21 : memref<!tpu.dma_semaphore, #tpu.memory_space<semaphore_mem>>) src(%dma_wait3A_264 : memref<128xi32, #tpu.memory_space<hbm>>) dst(%arg8 : memref<128xi32, #tpu.memory_space<vmem>>)
      %dma_wait3A_265 = tpu.memref_slice %arg4[%mul3A_4] : memref<328704xi32, #tpu.memory_space<hbm>> -> memref<128xi32, #tpu.memory_space<hbm>>
      %dma_wait3A_266 = tpu.memref_slice %arg4[%mul3A_4] : memref<328704xi32, #tpu.memory_space<hbm>> -> memref<128xi32, #tpu.memory_space<hbm>>
      tpu.wait_dma2 semaphore(%arg21 : memref<!tpu.dma_semaphore, #tpu.memory_space<semaphore_mem>>) src(%dma_wait3A_266 : memref<128xi32, #tpu.memory_space<hbm>>) dst(%arg11 : memref<128xi32, #tpu.memory_space<vmem>>)
      %dma_start3A_267 = arith.constant 0 : i32
      %dma_start3A_268 = arith.constant 0 : i32
      %dma_start3A_269 = tpu.memref_slice %arg2[%dma_start3A_267, %dma_start3A_268] : memref<10000x128xf32, #tpu.memory_space<hbm>> -> memref<10000x128xf32, #tpu.memory_space<hbm>>
      tpu.enqueue_indirect_dma source(%dma_start3A_269 : memref<10000x128xf32, #tpu.memory_space<hbm>>) target(%arg14 : memref<128x128xf32, #tpu.memory_space<vmem>>) offsets(%arg8 : memref<128xi32, #tpu.memory_space<vmem>>) semaphore(%arg18 : memref<!tpu.dma_semaphore, #tpu.memory_space<semaphore_mem>>)
      %add3A_270 = arith.constant 3 : i32
      %add3A_271 = arith.addi %add3A_259, %add3A_270 : i32
      %mul3A_272 = arith.constant 128 : i32
      %mul3A_273 = arith.muli %add3A_271, %mul3A_272 : i32
      %add3A_274 = arith.addi %mul3A_4, %mul3A_273 : i32
      %dma_start3A_275 = tpu.memref_slice %arg3[%add3A_274] : memref<328704xi32, #tpu.memory_space<hbm>> -> memref<128xi32, #tpu.memory_space<hbm>>
      %dma_start3A_276 = tpu.memref_slice %arg3[%add3A_274] : memref<328704xi32, #tpu.memory_space<hbm>> -> memref<128xi32, #tpu.memory_space<hbm>>
      tpu.enqueue_dma source(%dma_start3A_276 : memref<128xi32, #tpu.memory_space<hbm>>) target(%arg6 : memref<128xi32, #tpu.memory_space<vmem>>) target_semaphore(%arg19 : memref<!tpu.dma_semaphore, #tpu.memory_space<semaphore_mem>>)
      %mul3A_277 = arith.constant 128 : i32
      %mul3A_278 = arith.muli %add3A_271, %mul3A_277 : i32
      %add3A_279 = arith.addi %mul3A_4, %mul3A_278 : i32
      %dma_start3A_280 = tpu.memref_slice %arg4[%add3A_279] : memref<328704xi32, #tpu.memory_space<hbm>> -> memref<128xi32, #tpu.memory_space<hbm>>
      %dma_start3A_281 = tpu.memref_slice %arg4[%add3A_279] : memref<328704xi32, #tpu.memory_space<hbm>> -> memref<128xi32, #tpu.memory_space<hbm>>
      tpu.enqueue_dma source(%dma_start3A_281 : memref<128xi32, #tpu.memory_space<hbm>>) target(%arg9 : memref<128xi32, #tpu.memory_space<vmem>>) target_semaphore(%arg19 : memref<!tpu.dma_semaphore, #tpu.memory_space<semaphore_mem>>)
      %mul3A_282 = arith.constant 3 : i32
      %mul3A_283 = arith.muli %mul3A_282, %scan3A_255 : i32
      %add3A_284 = arith.constant 1 : i32
      %add3A_285 = arith.addi %mul3A_283, %add3A_284 : i32
      %dma_wait3A_286 = arith.constant 0 : i32
      %dma_wait3A_287 = arith.constant 0 : i32
      %dma_wait3A_288 = tpu.memref_slice %arg2[%dma_wait3A_286, %dma_wait3A_287] : memref<10000x128xf32, #tpu.memory_space<hbm>> -> memref<10000x128xf32, #tpu.memory_space<hbm>>
      tpu.wait_indirect_dma semaphore(%arg17 : memref<!tpu.dma_semaphore, #tpu.memory_space<semaphore_mem>>) src(%dma_wait3A_288 : memref<10000x128xf32, #tpu.memory_space<hbm>>) dst(%arg13 : memref<128x128xf32, #tpu.memory_space<vmem>>)
      "tpu.region"() ({
        %run_scoped3A = tpu.sem_alloc : memref<!tpu.dma_semaphore, #tpu.memory_space<semaphore_mem>>
        %dma_start3A_334 = arith.constant 0 : i32
        %dma_start3A_335 = arith.constant 0 : i32
        %dma_start3A_336 = tpu.memref_slice %arg15[%dma_start3A_334, %dma_start3A_335] : memref<10112x128xf32, #tpu.memory_space<vmem_shared>> -> memref<10112x128xf32, #tpu.memory_space<vmem_shared>>
        tpu.enqueue_indirect_dma source(%arg13 : memref<128x128xf32, #tpu.memory_space<vmem>>) target(%dma_start3A_336 : memref<10112x128xf32, #tpu.memory_space<vmem_shared>>) offsets(%arg10 : memref<128xi32, #tpu.memory_space<vmem>>) semaphore(%run_scoped3A : memref<!tpu.dma_semaphore, #tpu.memory_space<semaphore_mem>>) {add = true}
        %dma_wait3A_337 = arith.constant 0 : i32
        %dma_wait3A_338 = arith.constant 0 : i32
        %dma_wait3A_339 = tpu.memref_slice %arg15[%dma_wait3A_337, %dma_wait3A_338] : memref<10112x128xf32, #tpu.memory_space<vmem_shared>> -> memref<10112x128xf32, #tpu.memory_space<vmem_shared>>
        tpu.wait_indirect_dma semaphore(%run_scoped3A : memref<!tpu.dma_semaphore, #tpu.memory_space<semaphore_mem>>) src(%arg13 : memref<128x128xf32, #tpu.memory_space<vmem>>) dst(%dma_wait3A_339 : memref<10112x128xf32, #tpu.memory_space<vmem_shared>>)
        tpu.yield
      }) : () -> ()
      %dma_wait3A_289 = tpu.memref_slice %arg3[%mul3A_4] : memref<328704xi32, #tpu.memory_space<hbm>> -> memref<128xi32, #tpu.memory_space<hbm>>
      %dma_wait3A_290 = tpu.memref_slice %arg3[%mul3A_4] : memref<328704xi32, #tpu.memory_space<hbm>> -> memref<128xi32, #tpu.memory_space<hbm>>
      tpu.wait_dma2 semaphore(%arg19 : memref<!tpu.dma_semaphore, #tpu.memory_space<semaphore_mem>>) src(%dma_wait3A_290 : memref<128xi32, #tpu.memory_space<hbm>>) dst(%arg6 : memref<128xi32, #tpu.memory_space<vmem>>)
      %dma_wait3A_291 = tpu.memref_slice %arg4[%mul3A_4] : memref<328704xi32, #tpu.memory_space<hbm>> -> memref<128xi32, #tpu.memory_space<hbm>>
      %dma_wait3A_292 = tpu.memref_slice %arg4[%mul3A_4] : memref<328704xi32, #tpu.memory_space<hbm>> -> memref<128xi32, #tpu.memory_space<hbm>>
      tpu.wait_dma2 semaphore(%arg19 : memref<!tpu.dma_semaphore, #tpu.memory_space<semaphore_mem>>) src(%dma_wait3A_292 : memref<128xi32, #tpu.memory_space<hbm>>) dst(%arg9 : memref<128xi32, #tpu.memory_space<vmem>>)
      %dma_start3A_293 = arith.constant 0 : i32
      %dma_start3A_294 = arith.constant 0 : i32
      %dma_start3A_295 = tpu.memref_slice %arg2[%dma_start3A_293, %dma_start3A_294] : memref<10000x128xf32, #tpu.memory_space<hbm>> -> memref<10000x128xf32, #tpu.memory_space<hbm>>
      tpu.enqueue_indirect_dma source(%dma_start3A_295 : memref<10000x128xf32, #tpu.memory_space<hbm>>) target(%arg12 : memref<128x128xf32, #tpu.memory_space<vmem>>) offsets(%arg6 : memref<128xi32, #tpu.memory_space<vmem>>) semaphore(%arg16 : memref<!tpu.dma_semaphore, #tpu.memory_space<semaphore_mem>>)
      %add3A_296 = arith.constant 3 : i32
      %add3A_297 = arith.addi %add3A_285, %add3A_296 : i32
      %mul3A_298 = arith.constant 128 : i32
      %mul3A_299 = arith.muli %add3A_297, %mul3A_298 : i32
      %add3A_300 = arith.addi %mul3A_4, %mul3A_299 : i32
      %dma_start3A_301 = tpu.memref_slice %arg3[%add3A_300] : memref<328704xi32, #tpu.memory_space<hbm>> -> memref<128xi32, #tpu.memory_space<hbm>>
      %dma_start3A_302 = tpu.memref_slice %arg3[%add3A_300] : memref<328704xi32, #tpu.memory_space<hbm>> -> memref<128xi32, #tpu.memory_space<hbm>>
      tpu.enqueue_dma source(%dma_start3A_302 : memref<128xi32, #tpu.memory_space<hbm>>) target(%arg7 : memref<128xi32, #tpu.memory_space<vmem>>) target_semaphore(%arg20 : memref<!tpu.dma_semaphore, #tpu.memory_space<semaphore_mem>>)
      %mul3A_303 = arith.constant 128 : i32
      %mul3A_304 = arith.muli %add3A_297, %mul3A_303 : i32
      %add3A_305 = arith.addi %mul3A_4, %mul3A_304 : i32
      %dma_start3A_306 = tpu.memref_slice %arg4[%add3A_305] : memref<328704xi32, #tpu.memory_space<hbm>> -> memref<128xi32, #tpu.memory_space<hbm>>
      %dma_start3A_307 = tpu.memref_slice %arg4[%add3A_305] : memref<328704xi32, #tpu.memory_space<hbm>> -> memref<128xi32, #tpu.memory_space<hbm>>
      tpu.enqueue_dma source(%dma_start3A_307 : memref<128xi32, #tpu.memory_space<hbm>>) target(%arg10 : memref<128xi32, #tpu.memory_space<vmem>>) target_semaphore(%arg20 : memref<!tpu.dma_semaphore, #tpu.memory_space<semaphore_mem>>)
      %mul3A_308 = arith.constant 3 : i32
      %mul3A_309 = arith.muli %mul3A_308, %scan3A_255 : i32
      %add3A_310 = arith.constant 2 : i32
      %add3A_311 = arith.addi %mul3A_309, %add3A_310 : i32
      %dma_wait3A_312 = arith.constant 0 : i32
      %dma_wait3A_313 = arith.constant 0 : i32
      %dma_wait3A_314 = tpu.memref_slice %arg2[%dma_wait3A_312, %dma_wait3A_313] : memref<10000x128xf32, #tpu.memory_space<hbm>> -> memref<10000x128xf32, #tpu.memory_space<hbm>>
      tpu.wait_indirect_dma semaphore(%arg18 : memref<!tpu.dma_semaphore, #tpu.memory_space<semaphore_mem>>) src(%dma_wait3A_314 : memref<10000x128xf32, #tpu.memory_space<hbm>>) dst(%arg14 : memref<128x128xf32, #tpu.memory_space<vmem>>)
      "tpu.region"() ({
        %run_scoped3A = tpu.sem_alloc : memref<!tpu.dma_semaphore, #tpu.memory_space<semaphore_mem>>
        %dma_start3A_334 = arith.constant 0 : i32
        %dma_start3A_335 = arith.constant 0 : i32
        %dma_start3A_336 = tpu.memref_slice %arg15[%dma_start3A_334, %dma_start3A_335] : memref<10112x128xf32, #tpu.memory_space<vmem_shared>> -> memref<10112x128xf32, #tpu.memory_space<vmem_shared>>
        tpu.enqueue_indirect_dma source(%arg14 : memref<128x128xf32, #tpu.memory_space<vmem>>) target(%dma_start3A_336 : memref<10112x128xf32, #tpu.memory_space<vmem_shared>>) offsets(%arg11 : memref<128xi32, #tpu.memory_space<vmem>>) semaphore(%run_scoped3A : memref<!tpu.dma_semaphore, #tpu.memory_space<semaphore_mem>>) {add = true}
        %dma_wait3A_337 = arith.constant 0 : i32
        %dma_wait3A_338 = arith.constant 0 : i32
        %dma_wait3A_339 = tpu.memref_slice %arg15[%dma_wait3A_337, %dma_wait3A_338] : memref<10112x128xf32, #tpu.memory_space<vmem_shared>> -> memref<10112x128xf32, #tpu.memory_space<vmem_shared>>
        tpu.wait_indirect_dma semaphore(%run_scoped3A : memref<!tpu.dma_semaphore, #tpu.memory_space<semaphore_mem>>) src(%arg14 : memref<128x128xf32, #tpu.memory_space<vmem>>) dst(%dma_wait3A_339 : memref<10112x128xf32, #tpu.memory_space<vmem_shared>>)
        tpu.yield
      }) : () -> ()
      %dma_wait3A_315 = tpu.memref_slice %arg3[%mul3A_4] : memref<328704xi32, #tpu.memory_space<hbm>> -> memref<128xi32, #tpu.memory_space<hbm>>
      %dma_wait3A_316 = tpu.memref_slice %arg3[%mul3A_4] : memref<328704xi32, #tpu.memory_space<hbm>> -> memref<128xi32, #tpu.memory_space<hbm>>
      tpu.wait_dma2 semaphore(%arg20 : memref<!tpu.dma_semaphore, #tpu.memory_space<semaphore_mem>>) src(%dma_wait3A_316 : memref<128xi32, #tpu.memory_space<hbm>>) dst(%arg7 : memref<128xi32, #tpu.memory_space<vmem>>)
      %dma_wait3A_317 = tpu.memref_slice %arg4[%mul3A_4] : memref<328704xi32, #tpu.memory_space<hbm>> -> memref<128xi32, #tpu.memory_space<hbm>>
      %dma_wait3A_318 = tpu.memref_slice %arg4[%mul3A_4] : memref<328704xi32, #tpu.memory_space<hbm>> -> memref<128xi32, #tpu.memory_space<hbm>>
      tpu.wait_dma2 semaphore(%arg20 : memref<!tpu.dma_semaphore, #tpu.memory_space<semaphore_mem>>) src(%dma_wait3A_318 : memref<128xi32, #tpu.memory_space<hbm>>) dst(%arg10 : memref<128xi32, #tpu.memory_space<vmem>>)
      %dma_start3A_319 = arith.constant 0 : i32
      %dma_start3A_320 = arith.constant 0 : i32
      %dma_start3A_321 = tpu.memref_slice %arg2[%dma_start3A_319, %dma_start3A_320] : memref<10000x128xf32, #tpu.memory_space<hbm>> -> memref<10000x128xf32, #tpu.memory_space<hbm>>
      tpu.enqueue_indirect_dma source(%dma_start3A_321 : memref<10000x128xf32, #tpu.memory_space<hbm>>) target(%arg13 : memref<128x128xf32, #tpu.memory_space<vmem>>) offsets(%arg7 : memref<128xi32, #tpu.memory_space<vmem>>) semaphore(%arg17 : memref<!tpu.dma_semaphore, #tpu.memory_space<semaphore_mem>>)
      %add3A_322 = arith.constant 3 : i32
      %add3A_323 = arith.addi %add3A_311, %add3A_322 : i32
      %mul3A_324 = arith.constant 128 : i32
      %mul3A_325 = arith.muli %add3A_323, %mul3A_324 : i32
      %add3A_326 = arith.addi %mul3A_4, %mul3A_325 : i32
      %dma_start3A_327 = tpu.memref_slice %arg3[%add3A_326] : memref<328704xi32, #tpu.memory_space<hbm>> -> memref<128xi32, #tpu.memory_space<hbm>>
      %dma_start3A_328 = tpu.memref_slice %arg3[%add3A_326] : memref<328704xi32, #tpu.memory_space<hbm>> -> memref<128xi32, #tpu.memory_space<hbm>>
      tpu.enqueue_dma source(%dma_start3A_328 : memref<128xi32, #tpu.memory_space<hbm>>) target(%arg8 : memref<128xi32, #tpu.memory_space<vmem>>) target_semaphore(%arg21 : memref<!tpu.dma_semaphore, #tpu.memory_space<semaphore_mem>>)
      %mul3A_329 = arith.constant 128 : i32
      %mul3A_330 = arith.muli %add3A_323, %mul3A_329 : i32
      %add3A_331 = arith.addi %mul3A_4, %mul3A_330 : i32
      %dma_start3A_332 = tpu.memref_slice %arg4[%add3A_331] : memref<328704xi32, #tpu.memory_space<hbm>> -> memref<128xi32, #tpu.memory_space<hbm>>
      %dma_start3A_333 = tpu.memref_slice %arg4[%add3A_331] : memref<328704xi32, #tpu.memory_space<hbm>> -> memref<128xi32, #tpu.memory_space<hbm>>
      tpu.enqueue_dma source(%dma_start3A_333 : memref<128xi32, #tpu.memory_space<hbm>>) target(%arg11 : memref<128xi32, #tpu.memory_space<vmem>>) target_semaphore(%arg21 : memref<!tpu.dma_semaphore, #tpu.memory_space<semaphore_mem>>)
    }
    %scan3A_63 = arith.constant 26 : i32
    %dma_wait3A_64 = arith.constant 0 : i32
    %dma_wait3A_65 = arith.constant 0 : i32
    %dma_wait3A_66 = tpu.memref_slice %arg2[%dma_wait3A_64, %dma_wait3A_65] : memref<10000x128xf32, #tpu.memory_space<hbm>> -> memref<10000x128xf32, #tpu.memory_space<hbm>>
    tpu.wait_indirect_dma semaphore(%arg16 : memref<!tpu.dma_semaphore, #tpu.memory_space<semaphore_mem>>) src(%dma_wait3A_66 : memref<10000x128xf32, #tpu.memory_space<hbm>>) dst(%arg12 : memref<128x128xf32, #tpu.memory_space<vmem>>)
    "tpu.region"() ({
      %run_scoped3A = tpu.sem_alloc : memref<!tpu.dma_semaphore, #tpu.memory_space<semaphore_mem>>
      %dma_start3A_255 = arith.constant 0 : i32
      %dma_start3A_256 = arith.constant 0 : i32
      %dma_start3A_257 = tpu.memref_slice %arg15[%dma_start3A_255, %dma_start3A_256] : memref<10112x128xf32, #tpu.memory_space<vmem_shared>> -> memref<10112x128xf32, #tpu.memory_space<vmem_shared>>
      tpu.enqueue_indirect_dma source(%arg12 : memref<128x128xf32, #tpu.memory_space<vmem>>) target(%dma_start3A_257 : memref<10112x128xf32, #tpu.memory_space<vmem_shared>>) offsets(%arg9 : memref<128xi32, #tpu.memory_space<vmem>>) semaphore(%run_scoped3A : memref<!tpu.dma_semaphore, #tpu.memory_space<semaphore_mem>>) {add = true}
      %dma_wait3A_258 = arith.constant 0 : i32
      %dma_wait3A_259 = arith.constant 0 : i32
      %dma_wait3A_260 = tpu.memref_slice %arg15[%dma_wait3A_258, %dma_wait3A_259] : memref<10112x128xf32, #tpu.memory_space<vmem_shared>> -> memref<10112x128xf32, #tpu.memory_space<vmem_shared>>
      tpu.wait_indirect_dma semaphore(%run_scoped3A : memref<!tpu.dma_semaphore, #tpu.memory_space<semaphore_mem>>) src(%arg12 : memref<128x128xf32, #tpu.memory_space<vmem>>) dst(%dma_wait3A_260 : memref<10112x128xf32, #tpu.memory_space<vmem_shared>>)
      tpu.yield
    }) : () -> ()
    %dma_wait3A_67 = arith.constant 0 : i32
    %dma_wait3A_68 = arith.constant 0 : i32
    %dma_wait3A_69 = tpu.memref_slice %arg2[%dma_wait3A_67, %dma_wait3A_68] : memref<10000x128xf32, #tpu.memory_space<hbm>> -> memref<10000x128xf32, #tpu.memory_space<hbm>>
    tpu.wait_indirect_dma semaphore(%arg17 : memref<!tpu.dma_semaphore, #tpu.memory_space<semaphore_mem>>) src(%dma_wait3A_69 : memref<10000x128xf32, #tpu.memory_space<hbm>>) dst(%arg13 : memref<128x128xf32, #tpu.memory_space<vmem>>)
    "tpu.region"() ({
      %run_scoped3A = tpu.sem_alloc : memref<!tpu.dma_semaphore, #tpu.memory_space<semaphore_mem>>
      %dma_start3A_255 = arith.constant 0 : i32
      %dma_start3A_256 = arith.constant 0 : i32
      %dma_start3A_257 = tpu.memref_slice %arg15[%dma_start3A_255, %dma_start3A_256] : memref<10112x128xf32, #tpu.memory_space<vmem_shared>> -> memref<10112x128xf32, #tpu.memory_space<vmem_shared>>
      tpu.enqueue_indirect_dma source(%arg13 : memref<128x128xf32, #tpu.memory_space<vmem>>) target(%dma_start3A_257 : memref<10112x128xf32, #tpu.memory_space<vmem_shared>>) offsets(%arg10 : memref<128xi32, #tpu.memory_space<vmem>>) semaphore(%run_scoped3A : memref<!tpu.dma_semaphore, #tpu.memory_space<semaphore_mem>>) {add = true}
      %dma_wait3A_258 = arith.constant 0 : i32
      %dma_wait3A_259 = arith.constant 0 : i32
      %dma_wait3A_260 = tpu.memref_slice %arg15[%dma_wait3A_258, %dma_wait3A_259] : memref<10112x128xf32, #tpu.memory_space<vmem_shared>> -> memref<10112x128xf32, #tpu.memory_space<vmem_shared>>
      tpu.wait_indirect_dma semaphore(%run_scoped3A : memref<!tpu.dma_semaphore, #tpu.memory_space<semaphore_mem>>) src(%arg13 : memref<128x128xf32, #tpu.memory_space<vmem>>) dst(%dma_wait3A_260 : memref<10112x128xf32, #tpu.memory_space<vmem_shared>>)
      tpu.yield
    }) : () -> ()
    %dma_wait3A_70 = tpu.memref_slice %arg3[%mul3A_4] : memref<328704xi32, #tpu.memory_space<hbm>> -> memref<128xi32, #tpu.memory_space<hbm>>
    %dma_wait3A_71 = tpu.memref_slice %arg3[%mul3A_4] : memref<328704xi32, #tpu.memory_space<hbm>> -> memref<128xi32, #tpu.memory_space<hbm>>
    tpu.wait_dma2 semaphore(%arg21 : memref<!tpu.dma_semaphore, #tpu.memory_space<semaphore_mem>>) src(%dma_wait3A_71 : memref<128xi32, #tpu.memory_space<hbm>>) dst(%arg8 : memref<128xi32, #tpu.memory_space<vmem>>)
    %dma_wait3A_72 = tpu.memref_slice %arg4[%mul3A_4] : memref<328704xi32, #tpu.memory_space<hbm>> -> memref<128xi32, #tpu.memory_space<hbm>>
    %dma_wait3A_73 = tpu.memref_slice %arg4[%mul3A_4] : memref<328704xi32, #tpu.memory_space<hbm>> -> memref<128xi32, #tpu.memory_space<hbm>>
    tpu.wait_dma2 semaphore(%arg21 : memref<!tpu.dma_semaphore, #tpu.memory_space<semaphore_mem>>) src(%dma_wait3A_73 : memref<128xi32, #tpu.memory_space<hbm>>) dst(%arg11 : memref<128xi32, #tpu.memory_space<vmem>>)
    %barrier3A_74 = arith.constant 0 : index
    tpu.barrier barrier_id(%barrier3A_74)
    %mul3A_75 = arith.constant 632 : i32
    %mul3A_76 = arith.muli %arg1, %mul3A_75 : i32
    %add3A_77 = arith.constant 0 : i32
    %add3A_78 = arith.addi %mul3A_76, %add3A_77 : i32
    "tpu.region"() ({
      %run_scoped3A = tpu.sem_alloc : memref<!tpu.dma_semaphore, #tpu.memory_space<semaphore_mem>>
      %dma_start3A_255 = arith.constant 0 : i32
      %dma_start3A_256 = arith.constant 0 : i32
      %dma_start3A_257 = tpu.memref_slice %arg12[%dma_start3A_255, %dma_start3A_256] : memref<128x128xf32, #tpu.memory_space<vmem>> -> memref<128x128xf32, #tpu.memory_space<vmem>>
      %dma_start3A_258 = arith.constant 0 : i32
      %dma_start3A_259 = tpu.memref_slice %arg15[%add3A_78, %dma_start3A_258] : memref<10112x128xf32, #tpu.memory_space<vmem_shared>> -> memref<128x128xf32, #tpu.memory_space<vmem_shared>>
      %dma_start3A_260 = arith.constant 0 : i32
      %dma_start3A_261 = arith.constant 0 : i32
      %dma_start3A_262 = tpu.memref_slice %arg12[%dma_start3A_260, %dma_start3A_261] : memref<128x128xf32, #tpu.memory_space<vmem>> -> memref<128x128xf32, #tpu.memory_space<vmem>>
      %dma_start3A_263 = arith.constant 0 : i32
      %dma_start3A_264 = tpu.memref_slice %arg15[%add3A_78, %dma_start3A_263] : memref<10112x128xf32, #tpu.memory_space<vmem_shared>> -> memref<128x128xf32, #tpu.memory_space<vmem_shared>>
      tpu.enqueue_dma source(%dma_start3A_264 : memref<128x128xf32, #tpu.memory_space<vmem_shared>>) target(%dma_start3A_262 : memref<128x128xf32, #tpu.memory_space<vmem>>) target_semaphore(%run_scoped3A : memref<!tpu.dma_semaphore, #tpu.memory_space<semaphore_mem>>)
      %dma_wait3A_265 = arith.constant 0 : i32
      %dma_wait3A_266 = arith.constant 0 : i32
      %dma_wait3A_267 = tpu.memref_slice %arg12[%dma_wait3A_265, %dma_wait3A_266] : memref<128x128xf32, #tpu.memory_space<vmem>> -> memref<128x128xf32, #tpu.memory_space<vmem>>
      %dma_wait3A_268 = arith.constant 0 : i32
      %dma_wait3A_269 = tpu.memref_slice %arg15[%add3A_78, %dma_wait3A_268] : memref<10112x128xf32, #tpu.memory_space<vmem_shared>> -> memref<128x128xf32, #tpu.memory_space<vmem_shared>>
      %dma_wait3A_270 = arith.constant 0 : i32
      %dma_wait3A_271 = arith.constant 0 : i32
      %dma_wait3A_272 = tpu.memref_slice %arg12[%dma_wait3A_270, %dma_wait3A_271] : memref<128x128xf32, #tpu.memory_space<vmem>> -> memref<128x128xf32, #tpu.memory_space<vmem>>
      %dma_wait3A_273 = arith.constant 0 : i32
      %dma_wait3A_274 = tpu.memref_slice %arg15[%add3A_78, %dma_wait3A_273] : memref<10112x128xf32, #tpu.memory_space<vmem_shared>> -> memref<128x128xf32, #tpu.memory_space<vmem_shared>>
      tpu.wait_dma2 semaphore(%run_scoped3A : memref<!tpu.dma_semaphore, #tpu.memory_space<semaphore_mem>>) src(%dma_wait3A_274 : memref<128x128xf32, #tpu.memory_space<vmem_shared>>) dst(%dma_wait3A_272 : memref<128x128xf32, #tpu.memory_space<vmem>>)
      tpu.yield
    }) : () -> ()
    %mul3A_79 = arith.constant 632 : i32
    %mul3A_80 = arith.muli %arg1, %mul3A_79 : i32
    %add3A_81 = arith.constant 0 : i32
    %add3A_82 = arith.addi %mul3A_80, %add3A_81 : i32
    %dma_start3A_83 = arith.constant 0 : i32
    %dma_start3A_84 = arith.constant 0 : i32
    %dma_start3A_85 = tpu.memref_slice %arg12[%dma_start3A_83, %dma_start3A_84] : memref<128x128xf32, #tpu.memory_space<vmem>> -> memref<128x128xf32, #tpu.memory_space<vmem>>
    %dma_start3A_86 = arith.constant 0 : i32
    %dma_start3A_87 = tpu.memref_slice %arg5[%arg0, %add3A_82, %dma_start3A_86] : memref<2x10112x128xf32, #tpu.memory_space<hbm>> -> memref<1x128x128xf32, #tpu.memory_space<hbm>>
    %dma_start3A_88 = tpu.memref_squeeze %dma_start3A_87 : memref<1x128x128xf32, #tpu.memory_space<hbm>> -> memref<128x128xf32, #tpu.memory_space<hbm>>
    %dma_start3A_89 = arith.constant 0 : i32
    %dma_start3A_90 = tpu.memref_slice %arg5[%arg0, %add3A_82, %dma_start3A_89] : memref<2x10112x128xf32, #tpu.memory_space<hbm>> -> memref<1x128x128xf32, #tpu.memory_space<hbm>>
    %dma_start3A_91 = tpu.memref_squeeze %dma_start3A_90 : memref<1x128x128xf32, #tpu.memory_space<hbm>> -> memref<128x128xf32, #tpu.memory_space<hbm>>
    %dma_start3A_92 = arith.constant 0 : i32
    %dma_start3A_93 = arith.constant 0 : i32
    %dma_start3A_94 = tpu.memref_slice %arg12[%dma_start3A_92, %dma_start3A_93] : memref<128x128xf32, #tpu.memory_space<vmem>> -> memref<128x128xf32, #tpu.memory_space<vmem>>
    tpu.enqueue_dma source(%dma_start3A_94 : memref<128x128xf32, #tpu.memory_space<vmem>>) target(%dma_start3A_91 : memref<128x128xf32, #tpu.memory_space<hbm>>) target_semaphore(%arg16 : memref<!tpu.dma_semaphore, #tpu.memory_space<semaphore_mem>>)
    %mul3A_95 = arith.constant 632 : i32
    %mul3A_96 = arith.muli %arg1, %mul3A_95 : i32
    %add3A_97 = arith.constant 128 : i32
    %add3A_98 = arith.addi %mul3A_96, %add3A_97 : i32
    "tpu.region"() ({
      %run_scoped3A = tpu.sem_alloc : memref<!tpu.dma_semaphore, #tpu.memory_space<semaphore_mem>>
      %dma_start3A_255 = arith.constant 0 : i32
      %dma_start3A_256 = arith.constant 0 : i32
      %dma_start3A_257 = tpu.memref_slice %arg13[%dma_start3A_255, %dma_start3A_256] : memref<128x128xf32, #tpu.memory_space<vmem>> -> memref<128x128xf32, #tpu.memory_space<vmem>>
      %dma_start3A_258 = arith.constant 0 : i32
      %dma_start3A_259 = tpu.memref_slice %arg15[%add3A_98, %dma_start3A_258] : memref<10112x128xf32, #tpu.memory_space<vmem_shared>> -> memref<128x128xf32, #tpu.memory_space<vmem_shared>>
      %dma_start3A_260 = arith.constant 0 : i32
      %dma_start3A_261 = arith.constant 0 : i32
      %dma_start3A_262 = tpu.memref_slice %arg13[%dma_start3A_260, %dma_start3A_261] : memref<128x128xf32, #tpu.memory_space<vmem>> -> memref<128x128xf32, #tpu.memory_space<vmem>>
      %dma_start3A_263 = arith.constant 0 : i32
      %dma_start3A_264 = tpu.memref_slice %arg15[%add3A_98, %dma_start3A_263] : memref<10112x128xf32, #tpu.memory_space<vmem_shared>> -> memref<128x128xf32, #tpu.memory_space<vmem_shared>>
      tpu.enqueue_dma source(%dma_start3A_264 : memref<128x128xf32, #tpu.memory_space<vmem_shared>>) target(%dma_start3A_262 : memref<128x128xf32, #tpu.memory_space<vmem>>) target_semaphore(%run_scoped3A : memref<!tpu.dma_semaphore, #tpu.memory_space<semaphore_mem>>)
      %dma_wait3A_265 = arith.constant 0 : i32
      %dma_wait3A_266 = arith.constant 0 : i32
      %dma_wait3A_267 = tpu.memref_slice %arg13[%dma_wait3A_265, %dma_wait3A_266] : memref<128x128xf32, #tpu.memory_space<vmem>> -> memref<128x128xf32, #tpu.memory_space<vmem>>
      %dma_wait3A_268 = arith.constant 0 : i32
      %dma_wait3A_269 = tpu.memref_slice %arg15[%add3A_98, %dma_wait3A_268] : memref<10112x128xf32, #tpu.memory_space<vmem_shared>> -> memref<128x128xf32, #tpu.memory_space<vmem_shared>>
      %dma_wait3A_270 = arith.constant 0 : i32
      %dma_wait3A_271 = arith.constant 0 : i32
      %dma_wait3A_272 = tpu.memref_slice %arg13[%dma_wait3A_270, %dma_wait3A_271] : memref<128x128xf32, #tpu.memory_space<vmem>> -> memref<128x128xf32, #tpu.memory_space<vmem>>
      %dma_wait3A_273 = arith.constant 0 : i32
      %dma_wait3A_274 = tpu.memref_slice %arg15[%add3A_98, %dma_wait3A_273] : memref<10112x128xf32, #tpu.memory_space<vmem_shared>> -> memref<128x128xf32, #tpu.memory_space<vmem_shared>>
      tpu.wait_dma2 semaphore(%run_scoped3A : memref<!tpu.dma_semaphore, #tpu.memory_space<semaphore_mem>>) src(%dma_wait3A_274 : memref<128x128xf32, #tpu.memory_space<vmem_shared>>) dst(%dma_wait3A_272 : memref<128x128xf32, #tpu.memory_space<vmem>>)
      tpu.yield
    }) : () -> ()
    %mul3A_99 = arith.constant 632 : i32
    %mul3A_100 = arith.muli %arg1, %mul3A_99 : i32
    %add3A_101 = arith.constant 0 : i32
    %add3A_102 = arith.addi %mul3A_100, %add3A_101 : i32
    %dma_wait3A_103 = arith.constant 0 : i32
    %dma_wait3A_104 = arith.constant 0 : i32
    %dma_wait3A_105 = tpu.memref_slice %arg12[%dma_wait3A_103, %dma_wait3A_104] : memref<128x128xf32, #tpu.memory_space<vmem>> -> memref<128x128xf32, #tpu.memory_space<vmem>>
    %dma_wait3A_106 = arith.constant 0 : i32
    %dma_wait3A_107 = tpu.memref_slice %arg5[%arg0, %add3A_102, %dma_wait3A_106] : memref<2x10112x128xf32, #tpu.memory_space<hbm>> -> memref<1x128x128xf32, #tpu.memory_space<hbm>>
    %dma_wait3A_108 = tpu.memref_squeeze %dma_wait3A_107 : memref<1x128x128xf32, #tpu.memory_space<hbm>> -> memref<128x128xf32, #tpu.memory_space<hbm>>
    %dma_wait3A_109 = arith.constant 0 : i32
    %dma_wait3A_110 = tpu.memref_slice %arg5[%arg0, %add3A_102, %dma_wait3A_109] : memref<2x10112x128xf32, #tpu.memory_space<hbm>> -> memref<1x128x128xf32, #tpu.memory_space<hbm>>
    %dma_wait3A_111 = tpu.memref_squeeze %dma_wait3A_110 : memref<1x128x128xf32, #tpu.memory_space<hbm>> -> memref<128x128xf32, #tpu.memory_space<hbm>>
    %dma_wait3A_112 = arith.constant 0 : i32
    %dma_wait3A_113 = arith.constant 0 : i32
    %dma_wait3A_114 = tpu.memref_slice %arg12[%dma_wait3A_112, %dma_wait3A_113] : memref<128x128xf32, #tpu.memory_space<vmem>> -> memref<128x128xf32, #tpu.memory_space<vmem>>
    tpu.wait_dma2 semaphore(%arg16 : memref<!tpu.dma_semaphore, #tpu.memory_space<semaphore_mem>>) src(%dma_wait3A_114 : memref<128x128xf32, #tpu.memory_space<vmem>>) dst(%dma_wait3A_111 : memref<128x128xf32, #tpu.memory_space<hbm>>)
    %mul3A_115 = arith.constant 632 : i32
    %mul3A_116 = arith.muli %arg1, %mul3A_115 : i32
    %add3A_117 = arith.constant 128 : i32
    %add3A_118 = arith.addi %mul3A_116, %add3A_117 : i32
    %dma_start3A_119 = arith.constant 0 : i32
    %dma_start3A_120 = arith.constant 0 : i32
    %dma_start3A_121 = tpu.memref_slice %arg13[%dma_start3A_119, %dma_start3A_120] : memref<128x128xf32, #tpu.memory_space<vmem>> -> memref<128x128xf32, #tpu.memory_space<vmem>>
    %dma_start3A_122 = arith.constant 0 : i32
    %dma_start3A_123 = tpu.memref_slice %arg5[%arg0, %add3A_118, %dma_start3A_122] : memref<2x10112x128xf32, #tpu.memory_space<hbm>> -> memref<1x128x128xf32, #tpu.memory_space<hbm>>
    %dma_start3A_124 = tpu.memref_squeeze %dma_start3A_123 : memref<1x128x128xf32, #tpu.memory_space<hbm>> -> memref<128x128xf32, #tpu.memory_space<hbm>>
    %dma_start3A_125 = arith.constant 0 : i32
    %dma_start3A_126 = tpu.memref_slice %arg5[%arg0, %add3A_118, %dma_start3A_125] : memref<2x10112x128xf32, #tpu.memory_space<hbm>> -> memref<1x128x128xf32, #tpu.memory_space<hbm>>
    %dma_start3A_127 = tpu.memref_squeeze %dma_start3A_126 : memref<1x128x128xf32, #tpu.memory_space<hbm>> -> memref<128x128xf32, #tpu.memory_space<hbm>>
    %dma_start3A_128 = arith.constant 0 : i32
    %dma_start3A_129 = arith.constant 0 : i32
    %dma_start3A_130 = tpu.memref_slice %arg13[%dma_start3A_128, %dma_start3A_129] : memref<128x128xf32, #tpu.memory_space<vmem>> -> memref<128x128xf32, #tpu.memory_space<vmem>>
    tpu.enqueue_dma source(%dma_start3A_130 : memref<128x128xf32, #tpu.memory_space<vmem>>) target(%dma_start3A_127 : memref<128x128xf32, #tpu.memory_space<hbm>>) target_semaphore(%arg17 : memref<!tpu.dma_semaphore, #tpu.memory_space<semaphore_mem>>)
    %mul3A_131 = arith.constant 632 : i32
    %mul3A_132 = arith.muli %arg1, %mul3A_131 : i32
    %add3A_133 = arith.constant 256 : i32
    %add3A_134 = arith.addi %mul3A_132, %add3A_133 : i32
    "tpu.region"() ({
      %run_scoped3A = tpu.sem_alloc : memref<!tpu.dma_semaphore, #tpu.memory_space<semaphore_mem>>
      %dma_start3A_255 = arith.constant 0 : i32
      %dma_start3A_256 = arith.constant 0 : i32
      %dma_start3A_257 = tpu.memref_slice %arg12[%dma_start3A_255, %dma_start3A_256] : memref<128x128xf32, #tpu.memory_space<vmem>> -> memref<128x128xf32, #tpu.memory_space<vmem>>
      %dma_start3A_258 = arith.constant 0 : i32
      %dma_start3A_259 = tpu.memref_slice %arg15[%add3A_134, %dma_start3A_258] : memref<10112x128xf32, #tpu.memory_space<vmem_shared>> -> memref<128x128xf32, #tpu.memory_space<vmem_shared>>
      %dma_start3A_260 = arith.constant 0 : i32
      %dma_start3A_261 = arith.constant 0 : i32
      %dma_start3A_262 = tpu.memref_slice %arg12[%dma_start3A_260, %dma_start3A_261] : memref<128x128xf32, #tpu.memory_space<vmem>> -> memref<128x128xf32, #tpu.memory_space<vmem>>
      %dma_start3A_263 = arith.constant 0 : i32
      %dma_start3A_264 = tpu.memref_slice %arg15[%add3A_134, %dma_start3A_263] : memref<10112x128xf32, #tpu.memory_space<vmem_shared>> -> memref<128x128xf32, #tpu.memory_space<vmem_shared>>
      tpu.enqueue_dma source(%dma_start3A_264 : memref<128x128xf32, #tpu.memory_space<vmem_shared>>) target(%dma_start3A_262 : memref<128x128xf32, #tpu.memory_space<vmem>>) target_semaphore(%run_scoped3A : memref<!tpu.dma_semaphore, #tpu.memory_space<semaphore_mem>>)
      %dma_wait3A_265 = arith.constant 0 : i32
      %dma_wait3A_266 = arith.constant 0 : i32
      %dma_wait3A_267 = tpu.memref_slice %arg12[%dma_wait3A_265, %dma_wait3A_266] : memref<128x128xf32, #tpu.memory_space<vmem>> -> memref<128x128xf32, #tpu.memory_space<vmem>>
      %dma_wait3A_268 = arith.constant 0 : i32
      %dma_wait3A_269 = tpu.memref_slice %arg15[%add3A_134, %dma_wait3A_268] : memref<10112x128xf32, #tpu.memory_space<vmem_shared>> -> memref<128x128xf32, #tpu.memory_space<vmem_shared>>
      %dma_wait3A_270 = arith.constant 0 : i32
      %dma_wait3A_271 = arith.constant 0 : i32
      %dma_wait3A_272 = tpu.memref_slice %arg12[%dma_wait3A_270, %dma_wait3A_271] : memref<128x128xf32, #tpu.memory_space<vmem>> -> memref<128x128xf32, #tpu.memory_space<vmem>>
      %dma_wait3A_273 = arith.constant 0 : i32
      %dma_wait3A_274 = tpu.memref_slice %arg15[%add3A_134, %dma_wait3A_273] : memref<10112x128xf32, #tpu.memory_space<vmem_shared>> -> memref<128x128xf32, #tpu.memory_space<vmem_shared>>
      tpu.wait_dma2 semaphore(%run_scoped3A : memref<!tpu.dma_semaphore, #tpu.memory_space<semaphore_mem>>) src(%dma_wait3A_274 : memref<128x128xf32, #tpu.memory_space<vmem_shared>>) dst(%dma_wait3A_272 : memref<128x128xf32, #tpu.memory_space<vmem>>)
      tpu.yield
    }) : () -> ()
    %mul3A_135 = arith.constant 632 : i32
    %mul3A_136 = arith.muli %arg1, %mul3A_135 : i32
    %add3A_137 = arith.constant 128 : i32
    %add3A_138 = arith.addi %mul3A_136, %add3A_137 : i32
    %dma_wait3A_139 = arith.constant 0 : i32
    %dma_wait3A_140 = arith.constant 0 : i32
    %dma_wait3A_141 = tpu.memref_slice %arg13[%dma_wait3A_139, %dma_wait3A_140] : memref<128x128xf32, #tpu.memory_space<vmem>> -> memref<128x128xf32, #tpu.memory_space<vmem>>
    %dma_wait3A_142 = arith.constant 0 : i32
    %dma_wait3A_143 = tpu.memref_slice %arg5[%arg0, %add3A_138, %dma_wait3A_142] : memref<2x10112x128xf32, #tpu.memory_space<hbm>> -> memref<1x128x128xf32, #tpu.memory_space<hbm>>
    %dma_wait3A_144 = tpu.memref_squeeze %dma_wait3A_143 : memref<1x128x128xf32, #tpu.memory_space<hbm>> -> memref<128x128xf32, #tpu.memory_space<hbm>>
    %dma_wait3A_145 = arith.constant 0 : i32
    %dma_wait3A_146 = tpu.memref_slice %arg5[%arg0, %add3A_138, %dma_wait3A_145] : memref<2x10112x128xf32, #tpu.memory_space<hbm>> -> memref<1x128x128xf32, #tpu.memory_space<hbm>>
    %dma_wait3A_147 = tpu.memref_squeeze %dma_wait3A_146 : memref<1x128x128xf32, #tpu.memory_space<hbm>> -> memref<128x128xf32, #tpu.memory_space<hbm>>
    %dma_wait3A_148 = arith.constant 0 : i32
    %dma_wait3A_149 = arith.constant 0 : i32
    %dma_wait3A_150 = tpu.memref_slice %arg13[%dma_wait3A_148, %dma_wait3A_149] : memref<128x128xf32, #tpu.memory_space<vmem>> -> memref<128x128xf32, #tpu.memory_space<vmem>>
    tpu.wait_dma2 semaphore(%arg17 : memref<!tpu.dma_semaphore, #tpu.memory_space<semaphore_mem>>) src(%dma_wait3A_150 : memref<128x128xf32, #tpu.memory_space<vmem>>) dst(%dma_wait3A_147 : memref<128x128xf32, #tpu.memory_space<hbm>>)
    %mul3A_151 = arith.constant 632 : i32
    %mul3A_152 = arith.muli %arg1, %mul3A_151 : i32
    %add3A_153 = arith.constant 256 : i32
    %add3A_154 = arith.addi %mul3A_152, %add3A_153 : i32
    %dma_start3A_155 = arith.constant 0 : i32
    %dma_start3A_156 = arith.constant 0 : i32
    %dma_start3A_157 = tpu.memref_slice %arg12[%dma_start3A_155, %dma_start3A_156] : memref<128x128xf32, #tpu.memory_space<vmem>> -> memref<128x128xf32, #tpu.memory_space<vmem>>
    %dma_start3A_158 = arith.constant 0 : i32
    %dma_start3A_159 = tpu.memref_slice %arg5[%arg0, %add3A_154, %dma_start3A_158] : memref<2x10112x128xf32, #tpu.memory_space<hbm>> -> memref<1x128x128xf32, #tpu.memory_space<hbm>>
    %dma_start3A_160 = tpu.memref_squeeze %dma_start3A_159 : memref<1x128x128xf32, #tpu.memory_space<hbm>> -> memref<128x128xf32, #tpu.memory_space<hbm>>
    %dma_start3A_161 = arith.constant 0 : i32
    %dma_start3A_162 = tpu.memref_slice %arg5[%arg0, %add3A_154, %dma_start3A_161] : memref<2x10112x128xf32, #tpu.memory_space<hbm>> -> memref<1x128x128xf32, #tpu.memory_space<hbm>>
    %dma_start3A_163 = tpu.memref_squeeze %dma_start3A_162 : memref<1x128x128xf32, #tpu.memory_space<hbm>> -> memref<128x128xf32, #tpu.memory_space<hbm>>
    %dma_start3A_164 = arith.constant 0 : i32
    %dma_start3A_165 = arith.constant 0 : i32
    %dma_start3A_166 = tpu.memref_slice %arg12[%dma_start3A_164, %dma_start3A_165] : memref<128x128xf32, #tpu.memory_space<vmem>> -> memref<128x128xf32, #tpu.memory_space<vmem>>
    tpu.enqueue_dma source(%dma_start3A_166 : memref<128x128xf32, #tpu.memory_space<vmem>>) target(%dma_start3A_163 : memref<128x128xf32, #tpu.memory_space<hbm>>) target_semaphore(%arg16 : memref<!tpu.dma_semaphore, #tpu.memory_space<semaphore_mem>>)
    %mul3A_167 = arith.constant 632 : i32
    %mul3A_168 = arith.muli %arg1, %mul3A_167 : i32
    %add3A_169 = arith.constant 384 : i32
    %add3A_170 = arith.addi %mul3A_168, %add3A_169 : i32
    "tpu.region"() ({
      %run_scoped3A = tpu.sem_alloc : memref<!tpu.dma_semaphore, #tpu.memory_space<semaphore_mem>>
      %dma_start3A_255 = arith.constant 0 : i32
      %dma_start3A_256 = arith.constant 0 : i32
      %dma_start3A_257 = tpu.memref_slice %arg13[%dma_start3A_255, %dma_start3A_256] : memref<128x128xf32, #tpu.memory_space<vmem>> -> memref<128x128xf32, #tpu.memory_space<vmem>>
      %dma_start3A_258 = arith.constant 0 : i32
      %dma_start3A_259 = tpu.memref_slice %arg15[%add3A_170, %dma_start3A_258] : memref<10112x128xf32, #tpu.memory_space<vmem_shared>> -> memref<128x128xf32, #tpu.memory_space<vmem_shared>>
      %dma_start3A_260 = arith.constant 0 : i32
      %dma_start3A_261 = arith.constant 0 : i32
      %dma_start3A_262 = tpu.memref_slice %arg13[%dma_start3A_260, %dma_start3A_261] : memref<128x128xf32, #tpu.memory_space<vmem>> -> memref<128x128xf32, #tpu.memory_space<vmem>>
      %dma_start3A_263 = arith.constant 0 : i32
      %dma_start3A_264 = tpu.memref_slice %arg15[%add3A_170, %dma_start3A_263] : memref<10112x128xf32, #tpu.memory_space<vmem_shared>> -> memref<128x128xf32, #tpu.memory_space<vmem_shared>>
      tpu.enqueue_dma source(%dma_start3A_264 : memref<128x128xf32, #tpu.memory_space<vmem_shared>>) target(%dma_start3A_262 : memref<128x128xf32, #tpu.memory_space<vmem>>) target_semaphore(%run_scoped3A : memref<!tpu.dma_semaphore, #tpu.memory_space<semaphore_mem>>)
      %dma_wait3A_265 = arith.constant 0 : i32
      %dma_wait3A_266 = arith.constant 0 : i32
      %dma_wait3A_267 = tpu.memref_slice %arg13[%dma_wait3A_265, %dma_wait3A_266] : memref<128x128xf32, #tpu.memory_space<vmem>> -> memref<128x128xf32, #tpu.memory_space<vmem>>
      %dma_wait3A_268 = arith.constant 0 : i32
      %dma_wait3A_269 = tpu.memref_slice %arg15[%add3A_170, %dma_wait3A_268] : memref<10112x128xf32, #tpu.memory_space<vmem_shared>> -> memref<128x128xf32, #tpu.memory_space<vmem_shared>>
      %dma_wait3A_270 = arith.constant 0 : i32
      %dma_wait3A_271 = arith.constant 0 : i32
      %dma_wait3A_272 = tpu.memref_slice %arg13[%dma_wait3A_270, %dma_wait3A_271] : memref<128x128xf32, #tpu.memory_space<vmem>> -> memref<128x128xf32, #tpu.memory_space<vmem>>
      %dma_wait3A_273 = arith.constant 0 : i32
      %dma_wait3A_274 = tpu.memref_slice %arg15[%add3A_170, %dma_wait3A_273] : memref<10112x128xf32, #tpu.memory_space<vmem_shared>> -> memref<128x128xf32, #tpu.memory_space<vmem_shared>>
      tpu.wait_dma2 semaphore(%run_scoped3A : memref<!tpu.dma_semaphore, #tpu.memory_space<semaphore_mem>>) src(%dma_wait3A_274 : memref<128x128xf32, #tpu.memory_space<vmem_shared>>) dst(%dma_wait3A_272 : memref<128x128xf32, #tpu.memory_space<vmem>>)
      tpu.yield
    }) : () -> ()
    %mul3A_171 = arith.constant 632 : i32
    %mul3A_172 = arith.muli %arg1, %mul3A_171 : i32
    %add3A_173 = arith.constant 256 : i32
    %add3A_174 = arith.addi %mul3A_172, %add3A_173 : i32
    %dma_wait3A_175 = arith.constant 0 : i32
    %dma_wait3A_176 = arith.constant 0 : i32
    %dma_wait3A_177 = tpu.memref_slice %arg12[%dma_wait3A_175, %dma_wait3A_176] : memref<128x128xf32, #tpu.memory_space<vmem>> -> memref<128x128xf32, #tpu.memory_space<vmem>>
    %dma_wait3A_178 = arith.constant 0 : i32
    %dma_wait3A_179 = tpu.memref_slice %arg5[%arg0, %add3A_174, %dma_wait3A_178] : memref<2x10112x128xf32, #tpu.memory_space<hbm>> -> memref<1x128x128xf32, #tpu.memory_space<hbm>>
    %dma_wait3A_180 = tpu.memref_squeeze %dma_wait3A_179 : memref<1x128x128xf32, #tpu.memory_space<hbm>> -> memref<128x128xf32, #tpu.memory_space<hbm>>
    %dma_wait3A_181 = arith.constant 0 : i32
    %dma_wait3A_182 = tpu.memref_slice %arg5[%arg0, %add3A_174, %dma_wait3A_181] : memref<2x10112x128xf32, #tpu.memory_space<hbm>> -> memref<1x128x128xf32, #tpu.memory_space<hbm>>
    %dma_wait3A_183 = tpu.memref_squeeze %dma_wait3A_182 : memref<1x128x128xf32, #tpu.memory_space<hbm>> -> memref<128x128xf32, #tpu.memory_space<hbm>>
    %dma_wait3A_184 = arith.constant 0 : i32
    %dma_wait3A_185 = arith.constant 0 : i32
    %dma_wait3A_186 = tpu.memref_slice %arg12[%dma_wait3A_184, %dma_wait3A_185] : memref<128x128xf32, #tpu.memory_space<vmem>> -> memref<128x128xf32, #tpu.memory_space<vmem>>
    tpu.wait_dma2 semaphore(%arg16 : memref<!tpu.dma_semaphore, #tpu.memory_space<semaphore_mem>>) src(%dma_wait3A_186 : memref<128x128xf32, #tpu.memory_space<vmem>>) dst(%dma_wait3A_183 : memref<128x128xf32, #tpu.memory_space<hbm>>)
    %mul3A_187 = arith.constant 632 : i32
    %mul3A_188 = arith.muli %arg1, %mul3A_187 : i32
    %add3A_189 = arith.constant 384 : i32
    %add3A_190 = arith.addi %mul3A_188, %add3A_189 : i32
    %dma_start3A_191 = arith.constant 0 : i32
    %dma_start3A_192 = arith.constant 0 : i32
    %dma_start3A_193 = tpu.memref_slice %arg13[%dma_start3A_191, %dma_start3A_192] : memref<128x128xf32, #tpu.memory_space<vmem>> -> memref<128x128xf32, #tpu.memory_space<vmem>>
    %dma_start3A_194 = arith.constant 0 : i32
    %dma_start3A_195 = tpu.memref_slice %arg5[%arg0, %add3A_190, %dma_start3A_194] : memref<2x10112x128xf32, #tpu.memory_space<hbm>> -> memref<1x128x128xf32, #tpu.memory_space<hbm>>
    %dma_start3A_196 = tpu.memref_squeeze %dma_start3A_195 : memref<1x128x128xf32, #tpu.memory_space<hbm>> -> memref<128x128xf32, #tpu.memory_space<hbm>>
    %dma_start3A_197 = arith.constant 0 : i32
    %dma_start3A_198 = tpu.memref_slice %arg5[%arg0, %add3A_190, %dma_start3A_197] : memref<2x10112x128xf32, #tpu.memory_space<hbm>> -> memref<1x128x128xf32, #tpu.memory_space<hbm>>
    %dma_start3A_199 = tpu.memref_squeeze %dma_start3A_198 : memref<1x128x128xf32, #tpu.memory_space<hbm>> -> memref<128x128xf32, #tpu.memory_space<hbm>>
    %dma_start3A_200 = arith.constant 0 : i32
    %dma_start3A_201 = arith.constant 0 : i32
    %dma_start3A_202 = tpu.memref_slice %arg13[%dma_start3A_200, %dma_start3A_201] : memref<128x128xf32, #tpu.memory_space<vmem>> -> memref<128x128xf32, #tpu.memory_space<vmem>>
    tpu.enqueue_dma source(%dma_start3A_202 : memref<128x128xf32, #tpu.memory_space<vmem>>) target(%dma_start3A_199 : memref<128x128xf32, #tpu.memory_space<hbm>>) target_semaphore(%arg17 : memref<!tpu.dma_semaphore, #tpu.memory_space<semaphore_mem>>)
    %mul3A_203 = arith.constant 632 : i32
    %mul3A_204 = arith.muli %arg1, %mul3A_203 : i32
    %add3A_205 = arith.constant 512 : i32
    %add3A_206 = arith.addi %mul3A_204, %add3A_205 : i32
    "tpu.region"() ({
      %run_scoped3A = tpu.sem_alloc : memref<!tpu.dma_semaphore, #tpu.memory_space<semaphore_mem>>
      %dma_start3A_255 = arith.constant 0 : i32
      %dma_start3A_256 = arith.constant 0 : i32
      %dma_start3A_257 = tpu.memref_slice %arg12[%dma_start3A_255, %dma_start3A_256] : memref<128x128xf32, #tpu.memory_space<vmem>> -> memref<120x128xf32, #tpu.memory_space<vmem>>
      %dma_start3A_258 = arith.constant 0 : i32
      %dma_start3A_259 = tpu.memref_slice %arg15[%add3A_206, %dma_start3A_258] : memref<10112x128xf32, #tpu.memory_space<vmem_shared>> -> memref<120x128xf32, #tpu.memory_space<vmem_shared>>
      %dma_start3A_260 = arith.constant 0 : i32
      %dma_start3A_261 = arith.constant 0 : i32
      %dma_start3A_262 = tpu.memref_slice %arg12[%dma_start3A_260, %dma_start3A_261] : memref<128x128xf32, #tpu.memory_space<vmem>> -> memref<120x128xf32, #tpu.memory_space<vmem>>
      %dma_start3A_263 = arith.constant 0 : i32
      %dma_start3A_264 = tpu.memref_slice %arg15[%add3A_206, %dma_start3A_263] : memref<10112x128xf32, #tpu.memory_space<vmem_shared>> -> memref<120x128xf32, #tpu.memory_space<vmem_shared>>
      tpu.enqueue_dma source(%dma_start3A_264 : memref<120x128xf32, #tpu.memory_space<vmem_shared>>) target(%dma_start3A_262 : memref<120x128xf32, #tpu.memory_space<vmem>>) target_semaphore(%run_scoped3A : memref<!tpu.dma_semaphore, #tpu.memory_space<semaphore_mem>>)
      %dma_wait3A_265 = arith.constant 0 : i32
      %dma_wait3A_266 = arith.constant 0 : i32
      %dma_wait3A_267 = tpu.memref_slice %arg12[%dma_wait3A_265, %dma_wait3A_266] : memref<128x128xf32, #tpu.memory_space<vmem>> -> memref<120x128xf32, #tpu.memory_space<vmem>>
      %dma_wait3A_268 = arith.constant 0 : i32
      %dma_wait3A_269 = tpu.memref_slice %arg15[%add3A_206, %dma_wait3A_268] : memref<10112x128xf32, #tpu.memory_space<vmem_shared>> -> memref<120x128xf32, #tpu.memory_space<vmem_shared>>
      %dma_wait3A_270 = arith.constant 0 : i32
      %dma_wait3A_271 = arith.constant 0 : i32
      %dma_wait3A_272 = tpu.memref_slice %arg12[%dma_wait3A_270, %dma_wait3A_271] : memref<128x128xf32, #tpu.memory_space<vmem>> -> memref<120x128xf32, #tpu.memory_space<vmem>>
      %dma_wait3A_273 = arith.constant 0 : i32
      %dma_wait3A_274 = tpu.memref_slice %arg15[%add3A_206, %dma_wait3A_273] : memref<10112x128xf32, #tpu.memory_space<vmem_shared>> -> memref<120x128xf32, #tpu.memory_space<vmem_shared>>
      tpu.wait_dma2 semaphore(%run_scoped3A : memref<!tpu.dma_semaphore, #tpu.memory_space<semaphore_mem>>) src(%dma_wait3A_274 : memref<120x128xf32, #tpu.memory_space<vmem_shared>>) dst(%dma_wait3A_272 : memref<120x128xf32, #tpu.memory_space<vmem>>)
      tpu.yield
    }) : () -> ()
    %mul3A_207 = arith.constant 632 : i32
    %mul3A_208 = arith.muli %arg1, %mul3A_207 : i32
    %add3A_209 = arith.constant 384 : i32
    %add3A_210 = arith.addi %mul3A_208, %add3A_209 : i32
    %dma_wait3A_211 = arith.constant 0 : i32
    %dma_wait3A_212 = arith.constant 0 : i32
    %dma_wait3A_213 = tpu.memref_slice %arg13[%dma_wait3A_211, %dma_wait3A_212] : memref<128x128xf32, #tpu.memory_space<vmem>> -> memref<128x128xf32, #tpu.memory_space<vmem>>
    %dma_wait3A_214 = arith.constant 0 : i32
    %dma_wait3A_215 = tpu.memref_slice %arg5[%arg0, %add3A_210, %dma_wait3A_214] : memref<2x10112x128xf32, #tpu.memory_space<hbm>> -> memref<1x128x128xf32, #tpu.memory_space<hbm>>
    %dma_wait3A_216 = tpu.memref_squeeze %dma_wait3A_215 : memref<1x128x128xf32, #tpu.memory_space<hbm>> -> memref<128x128xf32, #tpu.memory_space<hbm>>
    %dma_wait3A_217 = arith.constant 0 : i32
    %dma_wait3A_218 = tpu.memref_slice %arg5[%arg0, %add3A_210, %dma_wait3A_217] : memref<2x10112x128xf32, #tpu.memory_space<hbm>> -> memref<1x128x128xf32, #tpu.memory_space<hbm>>
    %dma_wait3A_219 = tpu.memref_squeeze %dma_wait3A_218 : memref<1x128x128xf32, #tpu.memory_space<hbm>> -> memref<128x128xf32, #tpu.memory_space<hbm>>
    %dma_wait3A_220 = arith.constant 0 : i32
    %dma_wait3A_221 = arith.constant 0 : i32
    %dma_wait3A_222 = tpu.memref_slice %arg13[%dma_wait3A_220, %dma_wait3A_221] : memref<128x128xf32, #tpu.memory_space<vmem>> -> memref<128x128xf32, #tpu.memory_space<vmem>>
    tpu.wait_dma2 semaphore(%arg17 : memref<!tpu.dma_semaphore, #tpu.memory_space<semaphore_mem>>) src(%dma_wait3A_222 : memref<128x128xf32, #tpu.memory_space<vmem>>) dst(%dma_wait3A_219 : memref<128x128xf32, #tpu.memory_space<hbm>>)
    %mul3A_223 = arith.constant 632 : i32
    %mul3A_224 = arith.muli %arg1, %mul3A_223 : i32
    %add3A_225 = arith.constant 512 : i32
    %add3A_226 = arith.addi %mul3A_224, %add3A_225 : i32
    %dma_start3A_227 = arith.constant 0 : i32
    %dma_start3A_228 = arith.constant 0 : i32
    %dma_start3A_229 = tpu.memref_slice %arg12[%dma_start3A_227, %dma_start3A_228] : memref<128x128xf32, #tpu.memory_space<vmem>> -> memref<120x128xf32, #tpu.memory_space<vmem>>
    %dma_start3A_230 = arith.constant 0 : i32
    %dma_start3A_231 = tpu.memref_slice %arg5[%arg0, %add3A_226, %dma_start3A_230] : memref<2x10112x128xf32, #tpu.memory_space<hbm>> -> memref<1x120x128xf32, #tpu.memory_space<hbm>>
    %dma_start3A_232 = tpu.memref_squeeze %dma_start3A_231 : memref<1x120x128xf32, #tpu.memory_space<hbm>> -> memref<120x128xf32, #tpu.memory_space<hbm>>
    %dma_start3A_233 = arith.constant 0 : i32
    %dma_start3A_234 = tpu.memref_slice %arg5[%arg0, %add3A_226, %dma_start3A_233] : memref<2x10112x128xf32, #tpu.memory_space<hbm>> -> memref<1x120x128xf32, #tpu.memory_space<hbm>>
    %dma_start3A_235 = tpu.memref_squeeze %dma_start3A_234 : memref<1x120x128xf32, #tpu.memory_space<hbm>> -> memref<120x128xf32, #tpu.memory_space<hbm>>
    %dma_start3A_236 = arith.constant 0 : i32
    %dma_start3A_237 = arith.constant 0 : i32
    %dma_start3A_238 = tpu.memref_slice %arg12[%dma_start3A_236, %dma_start3A_237] : memref<128x128xf32, #tpu.memory_space<vmem>> -> memref<120x128xf32, #tpu.memory_space<vmem>>
    tpu.enqueue_dma source(%dma_start3A_238 : memref<120x128xf32, #tpu.memory_space<vmem>>) target(%dma_start3A_235 : memref<120x128xf32, #tpu.memory_space<hbm>>) target_semaphore(%arg16 : memref<!tpu.dma_semaphore, #tpu.memory_space<semaphore_mem>>)
    %mul3A_239 = arith.constant 632 : i32
    %mul3A_240 = arith.muli %arg1, %mul3A_239 : i32
    %add3A_241 = arith.constant 512 : i32
    %add3A_242 = arith.addi %mul3A_240, %add3A_241 : i32
    %dma_wait3A_243 = arith.constant 0 : i32
    %dma_wait3A_244 = arith.constant 0 : i32
    %dma_wait3A_245 = tpu.memref_slice %arg12[%dma_wait3A_243, %dma_wait3A_244] : memref<128x128xf32, #tpu.memory_space<vmem>> -> memref<120x128xf32, #tpu.memory_space<vmem>>
    %dma_wait3A_246 = arith.constant 0 : i32
    %dma_wait3A_247 = tpu.memref_slice %arg5[%arg0, %add3A_242, %dma_wait3A_246] : memref<2x10112x128xf32, #tpu.memory_space<hbm>> -> memref<1x120x128xf32, #tpu.memory_space<hbm>>
    %dma_wait3A_248 = tpu.memref_squeeze %dma_wait3A_247 : memref<1x120x128xf32, #tpu.memory_space<hbm>> -> memref<120x128xf32, #tpu.memory_space<hbm>>
    %dma_wait3A_249 = arith.constant 0 : i32
    %dma_wait3A_250 = tpu.memref_slice %arg5[%arg0, %add3A_242, %dma_wait3A_249] : memref<2x10112x128xf32, #tpu.memory_space<hbm>> -> memref<1x120x128xf32, #tpu.memory_space<hbm>>
    %dma_wait3A_251 = tpu.memref_squeeze %dma_wait3A_250 : memref<1x120x128xf32, #tpu.memory_space<hbm>> -> memref<120x128xf32, #tpu.memory_space<hbm>>
    %dma_wait3A_252 = arith.constant 0 : i32
    %dma_wait3A_253 = arith.constant 0 : i32
    %dma_wait3A_254 = tpu.memref_slice %arg12[%dma_wait3A_252, %dma_wait3A_253] : memref<128x128xf32, #tpu.memory_space<vmem>> -> memref<120x128xf32, #tpu.memory_space<vmem>>
    tpu.wait_dma2 semaphore(%arg16 : memref<!tpu.dma_semaphore, #tpu.memory_space<semaphore_mem>>) src(%dma_wait3A_254 : memref<120x128xf32, #tpu.memory_space<vmem>>) dst(%dma_wait3A_251 : memref<120x128xf32, #tpu.memory_space<hbm>>)
    return
  }
}

#map = affine_map<(d0, d1) -> (0, 0)>
#map1 = affine_map<(d0, d1) -> (0)>
#map2 = affine_map<(d0, d1) -> (0, 0, 0)>
module attributes {stable_mosaic.version = 14 : i64} {
  func.func @_sc_spmm(%arg0: i32, %arg1: i32, %arg2: memref<10000x128xf32, #tpu.memory_space<hbm>>, %arg3: memref<328704xi32, #tpu.memory_space<hbm>>, %arg4: memref<328704xi32, #tpu.memory_space<hbm>>, %arg5: memref<2x10112x128xf32, #tpu.memory_space<hbm>>, %arg6: memref<128xi32, #tpu.memory_space<vmem>>, %arg7: memref<128xi32, #tpu.memory_space<vmem>>, %arg8: memref<128xi32, #tpu.memory_space<vmem>>, %arg9: memref<128xi32, #tpu.memory_space<vmem>>, %arg10: memref<128xi32, #tpu.memory_space<vmem>>, %arg11: memref<128xi32, #tpu.memory_space<vmem>>, %arg12: memref<128x128xf32, #tpu.memory_space<vmem>>, %arg13: memref<128x128xf32, #tpu.memory_space<vmem>>, %arg14: memref<128x128xf32, #tpu.memory_space<vmem>>, %arg15: memref<10112x128xf32, #tpu.memory_space<vmem_shared>>, %arg16: memref<!tpu.dma_semaphore, #tpu.memory_space<semaphore_mem>>, %arg17: memref<!tpu.dma_semaphore, #tpu.memory_space<semaphore_mem>>, %arg18: memref<!tpu.dma_semaphore, #tpu.memory_space<semaphore_mem>>, %arg19: memref<!tpu.dma_semaphore, #tpu.memory_space<semaphore_mem>>, %arg20: memref<!tpu.dma_semaphore, #tpu.memory_space<semaphore_mem>>, %arg21: memref<!tpu.dma_semaphore, #tpu.memory_space<semaphore_mem>>) attributes {dimension_semantics = [#tpu.dimension_semantics<core_parallel>, #tpu.dimension_semantics<subcore_parallel>], iteration_bounds = array<i64: 2, 16>, scalar_prefetch = 0 : i64, scratch_operands = 16 : i64, tpu.core_type = #tpu.core_type<sc_vector_subcore>, window_params = [{transform_indices = #map}, {transform_indices = #map1}, {transform_indices = #map1}, {transform_indices = #map2}]} {
    %mul3A = arith.constant 2 : i32
    %mul3A_0 = arith.muli %arg1, %mul3A : i32
    %add3A = arith.addi %mul3A_0, %arg0 : i32
    %mul3A_1 = arith.constant 80 : i32
    %mul3A_2 = arith.muli %add3A, %mul3A_1 : i32
    %mul3A_3 = arith.constant 128 : i32
    %mul3A_4 = arith.muli %mul3A_2, %mul3A_3 : i32
    %add3A_5 = arith.constant 0 : i32
    %add3A_6 = arith.addi %mul3A_4, %add3A_5 : i32
    %dma_start3A = tpu.memref_slice %arg3[%add3A_6] : memref<328704xi32, #tpu.memory_space<hbm>> -> memref<128xi32, #tpu.memory_space<hbm>>
    %dma_start3A_7 = tpu.memref_slice %arg3[%add3A_6] : memref<328704xi32, #tpu.memory_space<hbm>> -> memref<128xi32, #tpu.memory_space<hbm>>
    tpu.enqueue_dma source(%dma_start3A_7 : memref<128xi32, #tpu.memory_space<hbm>>) target(%arg6 : memref<128xi32, #tpu.memory_space<vmem>>) target_semaphore(%arg19 : memref<!tpu.dma_semaphore, #tpu.memory_space<semaphore_mem>>)
    %add3A_8 = arith.constant 0 : i32
    %add3A_9 = arith.addi %mul3A_4, %add3A_8 : i32
    %dma_start3A_10 = tpu.memref_slice %arg4[%add3A_9] : memref<328704xi32, #tpu.memory_space<hbm>> -> memref<128xi32, #tpu.memory_space<hbm>>
    %dma_start3A_11 = tpu.memref_slice %arg4[%add3A_9] : memref<328704xi32, #tpu.memory_space<hbm>> -> memref<128xi32, #tpu.memory_space<hbm>>
    tpu.enqueue_dma source(%dma_start3A_11 : memref<128xi32, #tpu.memory_space<hbm>>) target(%arg9 : memref<128xi32, #tpu.memory_space<vmem>>) target_semaphore(%arg19 : memref<!tpu.dma_semaphore, #tpu.memory_space<semaphore_mem>>)
    %add3A_12 = arith.constant 128 : i32
    %add3A_13 = arith.addi %mul3A_4, %add3A_12 : i32
    %dma_start3A_14 = tpu.memref_slice %arg3[%add3A_13] : memref<328704xi32, #tpu.memory_space<hbm>> -> memref<128xi32, #tpu.memory_space<hbm>>
    %dma_start3A_15 = tpu.memref_slice %arg3[%add3A_13] : memref<328704xi32, #tpu.memory_space<hbm>> -> memref<128xi32, #tpu.memory_space<hbm>>
    tpu.enqueue_dma source(%dma_start3A_15 : memref<128xi32, #tpu.memory_space<hbm>>) target(%arg7 : memref<128xi32, #tpu.memory_space<vmem>>) target_semaphore(%arg20 : memref<!tpu.dma_semaphore, #tpu.memory_space<semaphore_mem>>)
    %add3A_16 = arith.constant 128 : i32
    %add3A_17 = arith.addi %mul3A_4, %add3A_16 : i32
    %dma_start3A_18 = tpu.memref_slice %arg4[%add3A_17] : memref<328704xi32, #tpu.memory_space<hbm>> -> memref<128xi32, #tpu.memory_space<hbm>>
    %dma_start3A_19 = tpu.memref_slice %arg4[%add3A_17] : memref<328704xi32, #tpu.memory_space<hbm>> -> memref<128xi32, #tpu.memory_space<hbm>>
    tpu.enqueue_dma source(%dma_start3A_19 : memref<128xi32, #tpu.memory_space<hbm>>) target(%arg10 : memref<128xi32, #tpu.memory_space<vmem>>) target_semaphore(%arg20 : memref<!tpu.dma_semaphore, #tpu.memory_space<semaphore_mem>>)
    %add3A_20 = arith.constant 256 : i32
    %add3A_21 = arith.addi %mul3A_4, %add3A_20 : i32
    %dma_start3A_22 = tpu.memref_slice %arg3[%add3A_21] : memref<328704xi32, #tpu.memory_space<hbm>> -> memref<128xi32, #tpu.memory_space<hbm>>
    %dma_start3A_23 = tpu.memref_slice %arg3[%add3A_21] : memref<328704xi32, #tpu.memory_space<hbm>> -> memref<128xi32, #tpu.memory_space<hbm>>
    tpu.enqueue_dma source(%dma_start3A_23 : memref<128xi32, #tpu.memory_space<hbm>>) target(%arg8 : memref<128xi32, #tpu.memory_space<vmem>>) target_semaphore(%arg21 : memref<!tpu.dma_semaphore, #tpu.memory_space<semaphore_mem>>)
    %add3A_24 = arith.constant 256 : i32
    %add3A_25 = arith.addi %mul3A_4, %add3A_24 : i32
    %dma_start3A_26 = tpu.memref_slice %arg4[%add3A_25] : memref<328704xi32, #tpu.memory_space<hbm>> -> memref<128xi32, #tpu.memory_space<hbm>>
    %dma_start3A_27 = tpu.memref_slice %arg4[%add3A_25] : memref<328704xi32, #tpu.memory_space<hbm>> -> memref<128xi32, #tpu.memory_space<hbm>>
    tpu.enqueue_dma source(%dma_start3A_27 : memref<128xi32, #tpu.memory_space<hbm>>) target(%arg11 : memref<128xi32, #tpu.memory_space<vmem>>) target_semaphore(%arg21 : memref<!tpu.dma_semaphore, #tpu.memory_space<semaphore_mem>>)
    %scan3A = arith.constant 0 : i32
    %scan3A_28 = arith.constant 0 : i32
    %scan3A_29 = arith.constant 128 : i32
    %scan3A_30 = arith.addi %scan3A_28, %scan3A_29 : i32
    %scan3A_31 = arith.constant 1 : i32
    scf.for %scan3A_255 = %scan3A_28 to %scan3A_30 step %scan3A_31  : i32 {
      %broadcast_in_dim3A = arith.constant 0.000000e+00 : f32
      %broadcast_in_dim3A_256 = vector.broadcast %broadcast_in_dim3A : f32 to vector<16xf32>
      %swap3A = arith.index_cast %scan3A_255 : i32 to index
      %swap3A_257 = arith.constant 0 : index
      %swap3A_258 = tpu.vector_load %arg12[%swap3A, %swap3A_257] {strides = array<i32>} : memref<128x128xf32, #tpu.memory_space<vmem>>, vector<1x16xf32>,
      %swap3A_259 = vector.shape_cast %swap3A_258 : vector<1x16xf32> to vector<16xf32>
      %swap3A_260 = vector.shape_cast %broadcast_in_dim3A_256 : vector<16xf32> to vector<1x16xf32>
      tpu.vector_store %arg12[%swap3A, %swap3A_257], %swap3A_260 {strides = array<i32>} : memref<128x128xf32, #tpu.memory_space<vmem>>, vector<1x16xf32>,
      %broadcast_in_dim3A_261 = arith.constant 0.000000e+00 : f32
      %broadcast_in_dim3A_262 = vector.broadcast %broadcast_in_dim3A_261 : f32 to vector<16xf32>
      %swap3A_263 = arith.index_cast %scan3A_255 : i32 to index
      %swap3A_264 = arith.constant 16 : index
      %swap3A_265 = tpu.vector_load %arg12[%swap3A_263, %swap3A_264] {strides = array<i32>} : memref<128x128xf32, #tpu.memory_space<vmem>>, vector<1x16xf32>,
      %swap3A_266 = vector.shape_cast %swap3A_265 : vector<1x16xf32> to vector<16xf32>
      %swap3A_267 = vector.shape_cast %broadcast_in_dim3A_262 : vector<16xf32> to vector<1x16xf32>
      tpu.vector_store %arg12[%swap3A_263, %swap3A_264], %swap3A_267 {strides = array<i32>} : memref<128x128xf32, #tpu.memory_space<vmem>>, vector<1x16xf32>,
      %broadcast_in_dim3A_268 = arith.constant 0.000000e+00 : f32
      %broadcast_in_dim3A_269 = vector.broadcast %broadcast_in_dim3A_268 : f32 to vector<16xf32>
      %swap3A_270 = arith.index_cast %scan3A_255 : i32 to index
      %swap3A_271 = arith.constant 32 : index
      %swap3A_272 = tpu.vector_load %arg12[%swap3A_270, %swap3A_271] {strides = array<i32>} : memref<128x128xf32, #tpu.memory_space<vmem>>, vector<1x16xf32>,
      %swap3A_273 = vector.shape_cast %swap3A_272 : vector<1x16xf32> to vector<16xf32>
      %swap3A_274 = vector.shape_cast %broadcast_in_dim3A_269 : vector<16xf32> to vector<1x16xf32>
      tpu.vector_store %arg12[%swap3A_270, %swap3A_271], %swap3A_274 {strides = array<i32>} : memref<128x128xf32, #tpu.memory_space<vmem>>, vector<1x16xf32>,
      %broadcast_in_dim3A_275 = arith.constant 0.000000e+00 : f32
      %broadcast_in_dim3A_276 = vector.broadcast %broadcast_in_dim3A_275 : f32 to vector<16xf32>
      %swap3A_277 = arith.index_cast %scan3A_255 : i32 to index
      %swap3A_278 = arith.constant 48 : index
      %swap3A_279 = tpu.vector_load %arg12[%swap3A_277, %swap3A_278] {strides = array<i32>} : memref<128x128xf32, #tpu.memory_space<vmem>>, vector<1x16xf32>,
      %swap3A_280 = vector.shape_cast %swap3A_279 : vector<1x16xf32> to vector<16xf32>
      %swap3A_281 = vector.shape_cast %broadcast_in_dim3A_276 : vector<16xf32> to vector<1x16xf32>
      tpu.vector_store %arg12[%swap3A_277, %swap3A_278], %swap3A_281 {strides = array<i32>} : memref<128x128xf32, #tpu.memory_space<vmem>>, vector<1x16xf32>,
      %broadcast_in_dim3A_282 = arith.constant 0.000000e+00 : f32
      %broadcast_in_dim3A_283 = vector.broadcast %broadcast_in_dim3A_282 : f32 to vector<16xf32>
      %swap3A_284 = arith.index_cast %scan3A_255 : i32 to index
      %swap3A_285 = arith.constant 64 : index
      %swap3A_286 = tpu.vector_load %arg12[%swap3A_284, %swap3A_285] {strides = array<i32>} : memref<128x128xf32, #tpu.memory_space<vmem>>, vector<1x16xf32>,
      %swap3A_287 = vector.shape_cast %swap3A_286 : vector<1x16xf32> to vector<16xf32>
      %swap3A_288 = vector.shape_cast %broadcast_in_dim3A_283 : vector<16xf32> to vector<1x16xf32>
      tpu.vector_store %arg12[%swap3A_284, %swap3A_285], %swap3A_288 {strides = array<i32>} : memref<128x128xf32, #tpu.memory_space<vmem>>, vector<1x16xf32>,
      %broadcast_in_dim3A_289 = arith.constant 0.000000e+00 : f32
      %broadcast_in_dim3A_290 = vector.broadcast %broadcast_in_dim3A_289 : f32 to vector<16xf32>
      %swap3A_291 = arith.index_cast %scan3A_255 : i32 to index
      %swap3A_292 = arith.constant 80 : index
      %swap3A_293 = tpu.vector_load %arg12[%swap3A_291, %swap3A_292] {strides = array<i32>} : memref<128x128xf32, #tpu.memory_space<vmem>>, vector<1x16xf32>,
      %swap3A_294 = vector.shape_cast %swap3A_293 : vector<1x16xf32> to vector<16xf32>
      %swap3A_295 = vector.shape_cast %broadcast_in_dim3A_290 : vector<16xf32> to vector<1x16xf32>
      tpu.vector_store %arg12[%swap3A_291, %swap3A_292], %swap3A_295 {strides = array<i32>} : memref<128x128xf32, #tpu.memory_space<vmem>>, vector<1x16xf32>,
      %broadcast_in_dim3A_296 = arith.constant 0.000000e+00 : f32
      %broadcast_in_dim3A_297 = vector.broadcast %broadcast_in_dim3A_296 : f32 to vector<16xf32>
      %swap3A_298 = arith.index_cast %scan3A_255 : i32 to index
      %swap3A_299 = arith.constant 96 : index
      %swap3A_300 = tpu.vector_load %arg12[%swap3A_298, %swap3A_299] {strides = array<i32>} : memref<128x128xf32, #tpu.memory_space<vmem>>, vector<1x16xf32>,
      %swap3A_301 = vector.shape_cast %swap3A_300 : vector<1x16xf32> to vector<16xf32>
      %swap3A_302 = vector.shape_cast %broadcast_in_dim3A_297 : vector<16xf32> to vector<1x16xf32>
      tpu.vector_store %arg12[%swap3A_298, %swap3A_299], %swap3A_302 {strides = array<i32>} : memref<128x128xf32, #tpu.memory_space<vmem>>, vector<1x16xf32>,
      %broadcast_in_dim3A_303 = arith.constant 0.000000e+00 : f32
      %broadcast_in_dim3A_304 = vector.broadcast %broadcast_in_dim3A_303 : f32 to vector<16xf32>
      %swap3A_305 = arith.index_cast %scan3A_255 : i32 to index
      %swap3A_306 = arith.constant 112 : index
      %swap3A_307 = tpu.vector_load %arg12[%swap3A_305, %swap3A_306] {strides = array<i32>} : memref<128x128xf32, #tpu.memory_space<vmem>>, vector<1x16xf32>,
      %swap3A_308 = vector.shape_cast %swap3A_307 : vector<1x16xf32> to vector<16xf32>
      %swap3A_309 = vector.shape_cast %broadcast_in_dim3A_304 : vector<16xf32> to vector<1x16xf32>
      tpu.vector_store %arg12[%swap3A_305, %swap3A_306], %swap3A_309 {strides = array<i32>} : memref<128x128xf32, #tpu.memory_space<vmem>>, vector<1x16xf32>,
    }
    %scan3A_32 = arith.constant 128 : i32
    %scan3A_33 = arith.constant 0 : i32
    %scan3A_34 = arith.constant 0 : i32
    %scan3A_35 = arith.constant 8 : i32
    %scan3A_36 = arith.addi %scan3A_34, %scan3A_35 : i32
    %scan3A_37 = arith.constant 1 : i32
    scf.for %scan3A_255 = %scan3A_34 to %scan3A_36 step %scan3A_37  : i32 {
      %mul3A_256 = arith.constant 632 : i32
      %mul3A_257 = arith.muli %arg1, %mul3A_256 : i32
      %mul3A_258 = arith.constant 79 : i32
      %mul3A_259 = arith.muli %scan3A_255, %mul3A_258 : i32
      %add3A_260 = arith.addi %mul3A_257, %mul3A_259 : i32
      %dma_start3A_261 = arith.constant 0 : i32
      %dma_start3A_262 = arith.constant 0 : i32
      %dma_start3A_263 = tpu.memref_slice %arg12[%dma_start3A_261, %dma_start3A_262] : memref<128x128xf32, #tpu.memory_space<vmem>> -> memref<79x128xf32, #tpu.memory_space<vmem>>
      %dma_start3A_264 = arith.constant 0 : i32
      %dma_start3A_265 = tpu.memref_slice %arg15[%add3A_260, %dma_start3A_264] : memref<10112x128xf32, #tpu.memory_space<vmem_shared>> -> memref<79x128xf32, #tpu.memory_space<vmem_shared>>
      %dma_start3A_266 = arith.constant 0 : i32
      %dma_start3A_267 = tpu.memref_slice %arg15[%add3A_260, %dma_start3A_266] : memref<10112x128xf32, #tpu.memory_space<vmem_shared>> -> memref<79x128xf32, #tpu.memory_space<vmem_shared>>
      %dma_start3A_268 = arith.constant 0 : i32
      %dma_start3A_269 = arith.constant 0 : i32
      %dma_start3A_270 = tpu.memref_slice %arg12[%dma_start3A_268, %dma_start3A_269] : memref<128x128xf32, #tpu.memory_space<vmem>> -> memref<79x128xf32, #tpu.memory_space<vmem>>
      tpu.enqueue_dma source(%dma_start3A_270 : memref<79x128xf32, #tpu.memory_space<vmem>>) target(%dma_start3A_267 : memref<79x128xf32, #tpu.memory_space<vmem_shared>>) target_semaphore(%arg16 : memref<!tpu.dma_semaphore, #tpu.memory_space<semaphore_mem>>)
    }
    %scan3A_38 = arith.constant 8 : i32
    %scan3A_39 = arith.constant 0 : i32
    %scan3A_40 = arith.constant 0 : i32
    %scan3A_41 = arith.constant 8 : i32
    %scan3A_42 = arith.addi %scan3A_40, %scan3A_41 : i32
    %scan3A_43 = arith.constant 1 : i32
    scf.for %scan3A_255 = %scan3A_40 to %scan3A_42 step %scan3A_43  : i32 {
      %mul3A_256 = arith.constant 632 : i32
      %mul3A_257 = arith.muli %arg1, %mul3A_256 : i32
      %dma_wait3A_258 = arith.constant 0 : i32
      %dma_wait3A_259 = arith.constant 0 : i32
      %dma_wait3A_260 = tpu.memref_slice %arg12[%dma_wait3A_258, %dma_wait3A_259] : memref<128x128xf32, #tpu.memory_space<vmem>> -> memref<79x128xf32, #tpu.memory_space<vmem>>
      %dma_wait3A_261 = arith.constant 0 : i32
      %dma_wait3A_262 = tpu.memref_slice %arg15[%mul3A_257, %dma_wait3A_261] : memref<10112x128xf32, #tpu.memory_space<vmem_shared>> -> memref<79x128xf32, #tpu.memory_space<vmem_shared>>
      %dma_wait3A_263 = arith.constant 0 : i32
      %dma_wait3A_264 = tpu.memref_slice %arg15[%mul3A_257, %dma_wait3A_263] : memref<10112x128xf32, #tpu.memory_space<vmem_shared>> -> memref<79x128xf32, #tpu.memory_space<vmem_shared>>
      %dma_wait3A_265 = arith.constant 0 : i32
      %dma_wait3A_266 = arith.constant 0 : i32
      %dma_wait3A_267 = tpu.memref_slice %arg12[%dma_wait3A_265, %dma_wait3A_266] : memref<128x128xf32, #tpu.memory_space<vmem>> -> memref<79x128xf32, #tpu.memory_space<vmem>>
      tpu.wait_dma2 semaphore(%arg16 : memref<!tpu.dma_semaphore, #tpu.memory_space<semaphore_mem>>) src(%dma_wait3A_267 : memref<79x128xf32, #tpu.memory_space<vmem>>) dst(%dma_wait3A_264 : memref<79x128xf32, #tpu.memory_space<vmem_shared>>)
    }
    %scan3A_44 = arith.constant 8 : i32
    %barrier3A = arith.constant 0 : index
    tpu.barrier barrier_id(%barrier3A)
    %dma_wait3A = tpu.memref_slice %arg3[%mul3A_4] : memref<328704xi32, #tpu.memory_space<hbm>> -> memref<128xi32, #tpu.memory_space<hbm>>
    %dma_wait3A_45 = tpu.memref_slice %arg3[%mul3A_4] : memref<328704xi32, #tpu.memory_space<hbm>> -> memref<128xi32, #tpu.memory_space<hbm>>
    tpu.wait_dma2 semaphore(%arg19 : memref<!tpu.dma_semaphore, #tpu.memory_space<semaphore_mem>>) src(%dma_wait3A_45 : memref<128xi32, #tpu.memory_space<hbm>>) dst(%arg6 : memref<128xi32, #tpu.memory_space<vmem>>)
    %dma_wait3A_46 = tpu.memref_slice %arg4[%mul3A_4] : memref<328704xi32, #tpu.memory_space<hbm>> -> memref<128xi32, #tpu.memory_space<hbm>>
    %dma_wait3A_47 = tpu.memref_slice %arg4[%mul3A_4] : memref<328704xi32, #tpu.memory_space<hbm>> -> memref<128xi32, #tpu.memory_space<hbm>>
    tpu.wait_dma2 semaphore(%arg19 : memref<!tpu.dma_semaphore, #tpu.memory_space<semaphore_mem>>) src(%dma_wait3A_47 : memref<128xi32, #tpu.memory_space<hbm>>) dst(%arg9 : memref<128xi32, #tpu.memory_space<vmem>>)
    %dma_start3A_48 = arith.constant 0 : i32
    %dma_start3A_49 = arith.constant 0 : i32
    %dma_start3A_50 = tpu.memref_slice %arg2[%dma_start3A_48, %dma_start3A_49] : memref<10000x128xf32, #tpu.memory_space<hbm>> -> memref<10000x128xf32, #tpu.memory_space<hbm>>
    tpu.enqueue_indirect_dma source(%dma_start3A_50 : memref<10000x128xf32, #tpu.memory_space<hbm>>) target(%arg12 : memref<128x128xf32, #tpu.memory_space<vmem>>) offsets(%arg6 : memref<128xi32, #tpu.memory_space<vmem>>) semaphore(%arg16 : memref<!tpu.dma_semaphore, #tpu.memory_space<semaphore_mem>>)
    %dma_wait3A_51 = tpu.memref_slice %arg3[%mul3A_4] : memref<328704xi32, #tpu.memory_space<hbm>> -> memref<128xi32, #tpu.memory_space<hbm>>
    %dma_wait3A_52 = tpu.memref_slice %arg3[%mul3A_4] : memref<328704xi32, #tpu.memory_space<hbm>> -> memref<128xi32, #tpu.memory_space<hbm>>
    tpu.wait_dma2 semaphore(%arg20 : memref<!tpu.dma_semaphore, #tpu.memory_space<semaphore_mem>>) src(%dma_wait3A_52 : memref<128xi32, #tpu.memory_space<hbm>>) dst(%arg7 : memref<128xi32, #tpu.memory_space<vmem>>)
    %dma_wait3A_53 = tpu.memref_slice %arg4[%mul3A_4] : memref<328704xi32, #tpu.memory_space<hbm>> -> memref<128xi32, #tpu.memory_space<hbm>>
    %dma_wait3A_54 = tpu.memref_slice %arg4[%mul3A_4] : memref<328704xi32, #tpu.memory_space<hbm>> -> memref<128xi32, #tpu.memory_space<hbm>>
    tpu.wait_dma2 semaphore(%arg20 : memref<!tpu.dma_semaphore, #tpu.memory_space<semaphore_mem>>) src(%dma_wait3A_54 : memref<128xi32, #tpu.memory_space<hbm>>) dst(%arg10 : memref<128xi32, #tpu.memory_space<vmem>>)
    %dma_start3A_55 = arith.constant 0 : i32
    %dma_start3A_56 = arith.constant 0 : i32
    %dma_start3A_57 = tpu.memref_slice %arg2[%dma_start3A_55, %dma_start3A_56] : memref<10000x128xf32, #tpu.memory_space<hbm>> -> memref<10000x128xf32, #tpu.memory_space<hbm>>
    tpu.enqueue_indirect_dma source(%dma_start3A_57 : memref<10000x128xf32, #tpu.memory_space<hbm>>) target(%arg13 : memref<128x128xf32, #tpu.memory_space<vmem>>) offsets(%arg7 : memref<128xi32, #tpu.memory_space<vmem>>) semaphore(%arg17 : memref<!tpu.dma_semaphore, #tpu.memory_space<semaphore_mem>>)
    %scan3A_58 = arith.constant 0 : i32
    %scan3A_59 = arith.constant 0 : i32
    %scan3A_60 = arith.constant 26 : i32
    %scan3A_61 = arith.addi %scan3A_59, %scan3A_60 : i32
    %scan3A_62 = arith.constant 1 : i32
    scf.for %scan3A_255 = %scan3A_59 to %scan3A_61 step %scan3A_62  : i32 {
      %mul3A_256 = arith.constant 3 : i32
      %mul3A_257 = arith.muli %mul3A_256, %scan3A_255 : i32
      %add3A_258 = arith.constant 0 : i32
      %add3A_259 = arith.addi %mul3A_257, %add3A_258 : i32
      %dma_wait3A_260 = arith.constant 0 : i32
      %dma_wait3A_261 = arith.constant 0 : i32
      %dma_wait3A_262 = tpu.memref_slice %arg2[%dma_wait3A_260, %dma_wait3A_261] : memref<10000x128xf32, #tpu.memory_space<hbm>> -> memref<10000x128xf32, #tpu.memory_space<hbm>>
      tpu.wait_indirect_dma semaphore(%arg16 : memref<!tpu.dma_semaphore, #tpu.memory_space<semaphore_mem>>) src(%dma_wait3A_262 : memref<10000x128xf32, #tpu.memory_space<hbm>>) dst(%arg12 : memref<128x128xf32, #tpu.memory_space<vmem>>)
      "tpu.region"() ({
        %run_scoped3A = tpu.sem_alloc : memref<!tpu.dma_semaphore, #tpu.memory_space<semaphore_mem>>
        %dma_start3A_334 = arith.constant 0 : i32
        %dma_start3A_335 = arith.constant 0 : i32
        %dma_start3A_336 = tpu.memref_slice %arg15[%dma_start3A_334, %dma_start3A_335] : memref<10112x128xf32, #tpu.memory_space<vmem_shared>> -> memref<10112x128xf32, #tpu.memory_space<vmem_shared>>
        tpu.enqueue_indirect_dma source(%arg12 : memref<128x128xf32, #tpu.memory_space<vmem>>) target(%dma_start3A_336 : memref<10112x128xf32, #tpu.memory_space<vmem_shared>>) offsets(%arg9 : memref<128xi32, #tpu.memory_space<vmem>>) semaphore(%run_scoped3A : memref<!tpu.dma_semaphore, #tpu.memory_space<semaphore_mem>>) {add = true}
        %dma_wait3A_337 = arith.constant 0 : i32
        %dma_wait3A_338 = arith.constant 0 : i32
        %dma_wait3A_339 = tpu.memref_slice %arg15[%dma_wait3A_337, %dma_wait3A_338] : memref<10112x128xf32, #tpu.memory_space<vmem_shared>> -> memref<10112x128xf32, #tpu.memory_space<vmem_shared>>
        tpu.wait_indirect_dma semaphore(%run_scoped3A : memref<!tpu.dma_semaphore, #tpu.memory_space<semaphore_mem>>) src(%arg12 : memref<128x128xf32, #tpu.memory_space<vmem>>) dst(%dma_wait3A_339 : memref<10112x128xf32, #tpu.memory_space<vmem_shared>>)
        tpu.yield
      }) : () -> ()
      %dma_wait3A_263 = tpu.memref_slice %arg3[%mul3A_4] : memref<328704xi32, #tpu.memory_space<hbm>> -> memref<128xi32, #tpu.memory_space<hbm>>
      %dma_wait3A_264 = tpu.memref_slice %arg3[%mul3A_4] : memref<328704xi32, #tpu.memory_space<hbm>> -> memref<128xi32, #tpu.memory_space<hbm>>
      tpu.wait_dma2 semaphore(%arg21 : memref<!tpu.dma_semaphore, #tpu.memory_space<semaphore_mem>>) src(%dma_wait3A_264 : memref<128xi32, #tpu.memory_space<hbm>>) dst(%arg8 : memref<128xi32, #tpu.memory_space<vmem>>)
      %dma_wait3A_265 = tpu.memref_slice %arg4[%mul3A_4] : memref<328704xi32, #tpu.memory_space<hbm>> -> memref<128xi32, #tpu.memory_space<hbm>>
      %dma_wait3A_266 = tpu.memref_slice %arg4[%mul3A_4] : memref<328704xi32, #tpu.memory_space<hbm>> -> memref<128xi32, #tpu.memory_space<hbm>>
      tpu.wait_dma2 semaphore(%arg21 : memref<!tpu.dma_semaphore, #tpu.memory_space<semaphore_mem>>) src(%dma_wait3A_266 : memref<128xi32, #tpu.memory_space<hbm>>) dst(%arg11 : memref<128xi32, #tpu.memory_space<vmem>>)
      %dma_start3A_267 = arith.constant 0 : i32
      %dma_start3A_268 = arith.constant 0 : i32
      %dma_start3A_269 = tpu.memref_slice %arg2[%dma_start3A_267, %dma_start3A_268] : memref<10000x128xf32, #tpu.memory_space<hbm>> -> memref<10000x128xf32, #tpu.memory_space<hbm>>
      tpu.enqueue_indirect_dma source(%dma_start3A_269 : memref<10000x128xf32, #tpu.memory_space<hbm>>) target(%arg14 : memref<128x128xf32, #tpu.memory_space<vmem>>) offsets(%arg8 : memref<128xi32, #tpu.memory_space<vmem>>) semaphore(%arg18 : memref<!tpu.dma_semaphore, #tpu.memory_space<semaphore_mem>>)
      %add3A_270 = arith.constant 3 : i32
      %add3A_271 = arith.addi %add3A_259, %add3A_270 : i32
      %mul3A_272 = arith.constant 128 : i32
      %mul3A_273 = arith.muli %add3A_271, %mul3A_272 : i32
      %add3A_274 = arith.addi %mul3A_4, %mul3A_273 : i32
      %dma_start3A_275 = tpu.memref_slice %arg3[%add3A_274] : memref<328704xi32, #tpu.memory_space<hbm>> -> memref<128xi32, #tpu.memory_space<hbm>>
      %dma_start3A_276 = tpu.memref_slice %arg3[%add3A_274] : memref<328704xi32, #tpu.memory_space<hbm>> -> memref<128xi32, #tpu.memory_space<hbm>>
      tpu.enqueue_dma source(%dma_start3A_276 : memref<128xi32, #tpu.memory_space<hbm>>) target(%arg6 : memref<128xi32, #tpu.memory_space<vmem>>) target_semaphore(%arg19 : memref<!tpu.dma_semaphore, #tpu.memory_space<semaphore_mem>>)
      %mul3A_277 = arith.constant 128 : i32
      %mul3A_278 = arith.muli %add3A_271, %mul3A_277 : i32
      %add3A_279 = arith.addi %mul3A_4, %mul3A_278 : i32
      %dma_start3A_280 = tpu.memref_slice %arg4[%add3A_279] : memref<328704xi32, #tpu.memory_space<hbm>> -> memref<128xi32, #tpu.memory_space<hbm>>
      %dma_start3A_281 = tpu.memref_slice %arg4[%add3A_279] : memref<328704xi32, #tpu.memory_space<hbm>> -> memref<128xi32, #tpu.memory_space<hbm>>
      tpu.enqueue_dma source(%dma_start3A_281 : memref<128xi32, #tpu.memory_space<hbm>>) target(%arg9 : memref<128xi32, #tpu.memory_space<vmem>>) target_semaphore(%arg19 : memref<!tpu.dma_semaphore, #tpu.memory_space<semaphore_mem>>)
      %mul3A_282 = arith.constant 3 : i32
      %mul3A_283 = arith.muli %mul3A_282, %scan3A_255 : i32
      %add3A_284 = arith.constant 1 : i32
      %add3A_285 = arith.addi %mul3A_283, %add3A_284 : i32
      %dma_wait3A_286 = arith.constant 0 : i32
      %dma_wait3A_287 = arith.constant 0 : i32
      %dma_wait3A_288 = tpu.memref_slice %arg2[%dma_wait3A_286, %dma_wait3A_287] : memref<10000x128xf32, #tpu.memory_space<hbm>> -> memref<10000x128xf32, #tpu.memory_space<hbm>>
      tpu.wait_indirect_dma semaphore(%arg17 : memref<!tpu.dma_semaphore, #tpu.memory_space<semaphore_mem>>) src(%dma_wait3A_288 : memref<10000x128xf32, #tpu.memory_space<hbm>>) dst(%arg13 : memref<128x128xf32, #tpu.memory_space<vmem>>)
      "tpu.region"() ({
        %run_scoped3A = tpu.sem_alloc : memref<!tpu.dma_semaphore, #tpu.memory_space<semaphore_mem>>
        %dma_start3A_334 = arith.constant 0 : i32
        %dma_start3A_335 = arith.constant 0 : i32
        %dma_start3A_336 = tpu.memref_slice %arg15[%dma_start3A_334, %dma_start3A_335] : memref<10112x128xf32, #tpu.memory_space<vmem_shared>> -> memref<10112x128xf32, #tpu.memory_space<vmem_shared>>
        tpu.enqueue_indirect_dma source(%arg13 : memref<128x128xf32, #tpu.memory_space<vmem>>) target(%dma_start3A_336 : memref<10112x128xf32, #tpu.memory_space<vmem_shared>>) offsets(%arg10 : memref<128xi32, #tpu.memory_space<vmem>>) semaphore(%run_scoped3A : memref<!tpu.dma_semaphore, #tpu.memory_space<semaphore_mem>>) {add = true}
        %dma_wait3A_337 = arith.constant 0 : i32
        %dma_wait3A_338 = arith.constant 0 : i32
        %dma_wait3A_339 = tpu.memref_slice %arg15[%dma_wait3A_337, %dma_wait3A_338] : memref<10112x128xf32, #tpu.memory_space<vmem_shared>> -> memref<10112x128xf32, #tpu.memory_space<vmem_shared>>
        tpu.wait_indirect_dma semaphore(%run_scoped3A : memref<!tpu.dma_semaphore, #tpu.memory_space<semaphore_mem>>) src(%arg13 : memref<128x128xf32, #tpu.memory_space<vmem>>) dst(%dma_wait3A_339 : memref<10112x128xf32, #tpu.memory_space<vmem_shared>>)
        tpu.yield
      }) : () -> ()
      %dma_wait3A_289 = tpu.memref_slice %arg3[%mul3A_4] : memref<328704xi32, #tpu.memory_space<hbm>> -> memref<128xi32, #tpu.memory_space<hbm>>
      %dma_wait3A_290 = tpu.memref_slice %arg3[%mul3A_4] : memref<328704xi32, #tpu.memory_space<hbm>> -> memref<128xi32, #tpu.memory_space<hbm>>
      tpu.wait_dma2 semaphore(%arg19 : memref<!tpu.dma_semaphore, #tpu.memory_space<semaphore_mem>>) src(%dma_wait3A_290 : memref<128xi32, #tpu.memory_space<hbm>>) dst(%arg6 : memref<128xi32, #tpu.memory_space<vmem>>)
      %dma_wait3A_291 = tpu.memref_slice %arg4[%mul3A_4] : memref<328704xi32, #tpu.memory_space<hbm>> -> memref<128xi32, #tpu.memory_space<hbm>>
      %dma_wait3A_292 = tpu.memref_slice %arg4[%mul3A_4] : memref<328704xi32, #tpu.memory_space<hbm>> -> memref<128xi32, #tpu.memory_space<hbm>>
      tpu.wait_dma2 semaphore(%arg19 : memref<!tpu.dma_semaphore, #tpu.memory_space<semaphore_mem>>) src(%dma_wait3A_292 : memref<128xi32, #tpu.memory_space<hbm>>) dst(%arg9 : memref<128xi32, #tpu.memory_space<vmem>>)
      %dma_start3A_293 = arith.constant 0 : i32
      %dma_start3A_294 = arith.constant 0 : i32
      %dma_start3A_295 = tpu.memref_slice %arg2[%dma_start3A_293, %dma_start3A_294] : memref<10000x128xf32, #tpu.memory_space<hbm>> -> memref<10000x128xf32, #tpu.memory_space<hbm>>
      tpu.enqueue_indirect_dma source(%dma_start3A_295 : memref<10000x128xf32, #tpu.memory_space<hbm>>) target(%arg12 : memref<128x128xf32, #tpu.memory_space<vmem>>) offsets(%arg6 : memref<128xi32, #tpu.memory_space<vmem>>) semaphore(%arg16 : memref<!tpu.dma_semaphore, #tpu.memory_space<semaphore_mem>>)
      %add3A_296 = arith.constant 3 : i32
      %add3A_297 = arith.addi %add3A_285, %add3A_296 : i32
      %mul3A_298 = arith.constant 128 : i32
      %mul3A_299 = arith.muli %add3A_297, %mul3A_298 : i32
      %add3A_300 = arith.addi %mul3A_4, %mul3A_299 : i32
      %dma_start3A_301 = tpu.memref_slice %arg3[%add3A_300] : memref<328704xi32, #tpu.memory_space<hbm>> -> memref<128xi32, #tpu.memory_space<hbm>>
      %dma_start3A_302 = tpu.memref_slice %arg3[%add3A_300] : memref<328704xi32, #tpu.memory_space<hbm>> -> memref<128xi32, #tpu.memory_space<hbm>>
      tpu.enqueue_dma source(%dma_start3A_302 : memref<128xi32, #tpu.memory_space<hbm>>) target(%arg7 : memref<128xi32, #tpu.memory_space<vmem>>) target_semaphore(%arg20 : memref<!tpu.dma_semaphore, #tpu.memory_space<semaphore_mem>>)
      %mul3A_303 = arith.constant 128 : i32
      %mul3A_304 = arith.muli %add3A_297, %mul3A_303 : i32
      %add3A_305 = arith.addi %mul3A_4, %mul3A_304 : i32
      %dma_start3A_306 = tpu.memref_slice %arg4[%add3A_305] : memref<328704xi32, #tpu.memory_space<hbm>> -> memref<128xi32, #tpu.memory_space<hbm>>
      %dma_start3A_307 = tpu.memref_slice %arg4[%add3A_305] : memref<328704xi32, #tpu.memory_space<hbm>> -> memref<128xi32, #tpu.memory_space<hbm>>
      tpu.enqueue_dma source(%dma_start3A_307 : memref<128xi32, #tpu.memory_space<hbm>>) target(%arg10 : memref<128xi32, #tpu.memory_space<vmem>>) target_semaphore(%arg20 : memref<!tpu.dma_semaphore, #tpu.memory_space<semaphore_mem>>)
      %mul3A_308 = arith.constant 3 : i32
      %mul3A_309 = arith.muli %mul3A_308, %scan3A_255 : i32
      %add3A_310 = arith.constant 2 : i32
      %add3A_311 = arith.addi %mul3A_309, %add3A_310 : i32
      %dma_wait3A_312 = arith.constant 0 : i32
      %dma_wait3A_313 = arith.constant 0 : i32
      %dma_wait3A_314 = tpu.memref_slice %arg2[%dma_wait3A_312, %dma_wait3A_313] : memref<10000x128xf32, #tpu.memory_space<hbm>> -> memref<10000x128xf32, #tpu.memory_space<hbm>>
      tpu.wait_indirect_dma semaphore(%arg18 : memref<!tpu.dma_semaphore, #tpu.memory_space<semaphore_mem>>) src(%dma_wait3A_314 : memref<10000x128xf32, #tpu.memory_space<hbm>>) dst(%arg14 : memref<128x128xf32, #tpu.memory_space<vmem>>)
      "tpu.region"() ({
        %run_scoped3A = tpu.sem_alloc : memref<!tpu.dma_semaphore, #tpu.memory_space<semaphore_mem>>
        %dma_start3A_334 = arith.constant 0 : i32
        %dma_start3A_335 = arith.constant 0 : i32
        %dma_start3A_336 = tpu.memref_slice %arg15[%dma_start3A_334, %dma_start3A_335] : memref<10112x128xf32, #tpu.memory_space<vmem_shared>> -> memref<10112x128xf32, #tpu.memory_space<vmem_shared>>
        tpu.enqueue_indirect_dma source(%arg14 : memref<128x128xf32, #tpu.memory_space<vmem>>) target(%dma_start3A_336 : memref<10112x128xf32, #tpu.memory_space<vmem_shared>>) offsets(%arg11 : memref<128xi32, #tpu.memory_space<vmem>>) semaphore(%run_scoped3A : memref<!tpu.dma_semaphore, #tpu.memory_space<semaphore_mem>>) {add = true}
        %dma_wait3A_337 = arith.constant 0 : i32
        %dma_wait3A_338 = arith.constant 0 : i32
        %dma_wait3A_339 = tpu.memref_slice %arg15[%dma_wait3A_337, %dma_wait3A_338] : memref<10112x128xf32, #tpu.memory_space<vmem_shared>> -> memref<10112x128xf32, #tpu.memory_space<vmem_shared>>
        tpu.wait_indirect_dma semaphore(%run_scoped3A : memref<!tpu.dma_semaphore, #tpu.memory_space<semaphore_mem>>) src(%arg14 : memref<128x128xf32, #tpu.memory_space<vmem>>) dst(%dma_wait3A_339 : memref<10112x128xf32, #tpu.memory_space<vmem_shared>>)
        tpu.yield
      }) : () -> ()
      %dma_wait3A_315 = tpu.memref_slice %arg3[%mul3A_4] : memref<328704xi32, #tpu.memory_space<hbm>> -> memref<128xi32, #tpu.memory_space<hbm>>
      %dma_wait3A_316 = tpu.memref_slice %arg3[%mul3A_4] : memref<328704xi32, #tpu.memory_space<hbm>> -> memref<128xi32, #tpu.memory_space<hbm>>
      tpu.wait_dma2 semaphore(%arg20 : memref<!tpu.dma_semaphore, #tpu.memory_space<semaphore_mem>>) src(%dma_wait3A_316 : memref<128xi32, #tpu.memory_space<hbm>>) dst(%arg7 : memref<128xi32, #tpu.memory_space<vmem>>)
      %dma_wait3A_317 = tpu.memref_slice %arg4[%mul3A_4] : memref<328704xi32, #tpu.memory_space<hbm>> -> memref<128xi32, #tpu.memory_space<hbm>>
      %dma_wait3A_318 = tpu.memref_slice %arg4[%mul3A_4] : memref<328704xi32, #tpu.memory_space<hbm>> -> memref<128xi32, #tpu.memory_space<hbm>>
      tpu.wait_dma2 semaphore(%arg20 : memref<!tpu.dma_semaphore, #tpu.memory_space<semaphore_mem>>) src(%dma_wait3A_318 : memref<128xi32, #tpu.memory_space<hbm>>) dst(%arg10 : memref<128xi32, #tpu.memory_space<vmem>>)
      %dma_start3A_319 = arith.constant 0 : i32
      %dma_start3A_320 = arith.constant 0 : i32
      %dma_start3A_321 = tpu.memref_slice %arg2[%dma_start3A_319, %dma_start3A_320] : memref<10000x128xf32, #tpu.memory_space<hbm>> -> memref<10000x128xf32, #tpu.memory_space<hbm>>
      tpu.enqueue_indirect_dma source(%dma_start3A_321 : memref<10000x128xf32, #tpu.memory_space<hbm>>) target(%arg13 : memref<128x128xf32, #tpu.memory_space<vmem>>) offsets(%arg7 : memref<128xi32, #tpu.memory_space<vmem>>) semaphore(%arg17 : memref<!tpu.dma_semaphore, #tpu.memory_space<semaphore_mem>>)
      %add3A_322 = arith.constant 3 : i32
      %add3A_323 = arith.addi %add3A_311, %add3A_322 : i32
      %mul3A_324 = arith.constant 128 : i32
      %mul3A_325 = arith.muli %add3A_323, %mul3A_324 : i32
      %add3A_326 = arith.addi %mul3A_4, %mul3A_325 : i32
      %dma_start3A_327 = tpu.memref_slice %arg3[%add3A_326] : memref<328704xi32, #tpu.memory_space<hbm>> -> memref<128xi32, #tpu.memory_space<hbm>>
      %dma_start3A_328 = tpu.memref_slice %arg3[%add3A_326] : memref<328704xi32, #tpu.memory_space<hbm>> -> memref<128xi32, #tpu.memory_space<hbm>>
      tpu.enqueue_dma source(%dma_start3A_328 : memref<128xi32, #tpu.memory_space<hbm>>) target(%arg8 : memref<128xi32, #tpu.memory_space<vmem>>) target_semaphore(%arg21 : memref<!tpu.dma_semaphore, #tpu.memory_space<semaphore_mem>>)
      %mul3A_329 = arith.constant 128 : i32
      %mul3A_330 = arith.muli %add3A_323, %mul3A_329 : i32
      %add3A_331 = arith.addi %mul3A_4, %mul3A_330 : i32
      %dma_start3A_332 = tpu.memref_slice %arg4[%add3A_331] : memref<328704xi32, #tpu.memory_space<hbm>> -> memref<128xi32, #tpu.memory_space<hbm>>
      %dma_start3A_333 = tpu.memref_slice %arg4[%add3A_331] : memref<328704xi32, #tpu.memory_space<hbm>> -> memref<128xi32, #tpu.memory_space<hbm>>
      tpu.enqueue_dma source(%dma_start3A_333 : memref<128xi32, #tpu.memory_space<hbm>>) target(%arg11 : memref<128xi32, #tpu.memory_space<vmem>>) target_semaphore(%arg21 : memref<!tpu.dma_semaphore, #tpu.memory_space<semaphore_mem>>)
    }
    %scan3A_63 = arith.constant 26 : i32
    %dma_wait3A_64 = arith.constant 0 : i32
    %dma_wait3A_65 = arith.constant 0 : i32
    %dma_wait3A_66 = tpu.memref_slice %arg2[%dma_wait3A_64, %dma_wait3A_65] : memref<10000x128xf32, #tpu.memory_space<hbm>> -> memref<10000x128xf32, #tpu.memory_space<hbm>>
    tpu.wait_indirect_dma semaphore(%arg16 : memref<!tpu.dma_semaphore, #tpu.memory_space<semaphore_mem>>) src(%dma_wait3A_66 : memref<10000x128xf32, #tpu.memory_space<hbm>>) dst(%arg12 : memref<128x128xf32, #tpu.memory_space<vmem>>)
    "tpu.region"() ({
      %run_scoped3A = tpu.sem_alloc : memref<!tpu.dma_semaphore, #tpu.memory_space<semaphore_mem>>
      %dma_start3A_255 = arith.constant 0 : i32
      %dma_start3A_256 = arith.constant 0 : i32
      %dma_start3A_257 = tpu.memref_slice %arg15[%dma_start3A_255, %dma_start3A_256] : memref<10112x128xf32, #tpu.memory_space<vmem_shared>> -> memref<10112x128xf32, #tpu.memory_space<vmem_shared>>
      tpu.enqueue_indirect_dma source(%arg12 : memref<128x128xf32, #tpu.memory_space<vmem>>) target(%dma_start3A_257 : memref<10112x128xf32, #tpu.memory_space<vmem_shared>>) offsets(%arg9 : memref<128xi32, #tpu.memory_space<vmem>>) semaphore(%run_scoped3A : memref<!tpu.dma_semaphore, #tpu.memory_space<semaphore_mem>>) {add = true}
      %dma_wait3A_258 = arith.constant 0 : i32
      %dma_wait3A_259 = arith.constant 0 : i32
      %dma_wait3A_260 = tpu.memref_slice %arg15[%dma_wait3A_258, %dma_wait3A_259] : memref<10112x128xf32, #tpu.memory_space<vmem_shared>> -> memref<10112x128xf32, #tpu.memory_space<vmem_shared>>
      tpu.wait_indirect_dma semaphore(%run_scoped3A : memref<!tpu.dma_semaphore, #tpu.memory_space<semaphore_mem>>) src(%arg12 : memref<128x128xf32, #tpu.memory_space<vmem>>) dst(%dma_wait3A_260 : memref<10112x128xf32, #tpu.memory_space<vmem_shared>>)
      tpu.yield
    }) : () -> ()
    %dma_wait3A_67 = arith.constant 0 : i32
    %dma_wait3A_68 = arith.constant 0 : i32
    %dma_wait3A_69 = tpu.memref_slice %arg2[%dma_wait3A_67, %dma_wait3A_68] : memref<10000x128xf32, #tpu.memory_space<hbm>> -> memref<10000x128xf32, #tpu.memory_space<hbm>>
    tpu.wait_indirect_dma semaphore(%arg17 : memref<!tpu.dma_semaphore, #tpu.memory_space<semaphore_mem>>) src(%dma_wait3A_69 : memref<10000x128xf32, #tpu.memory_space<hbm>>) dst(%arg13 : memref<128x128xf32, #tpu.memory_space<vmem>>)
    "tpu.region"() ({
      %run_scoped3A = tpu.sem_alloc : memref<!tpu.dma_semaphore, #tpu.memory_space<semaphore_mem>>
      %dma_start3A_255 = arith.constant 0 : i32
      %dma_start3A_256 = arith.constant 0 : i32
      %dma_start3A_257 = tpu.memref_slice %arg15[%dma_start3A_255, %dma_start3A_256] : memref<10112x128xf32, #tpu.memory_space<vmem_shared>> -> memref<10112x128xf32, #tpu.memory_space<vmem_shared>>
      tpu.enqueue_indirect_dma source(%arg13 : memref<128x128xf32, #tpu.memory_space<vmem>>) target(%dma_start3A_257 : memref<10112x128xf32, #tpu.memory_space<vmem_shared>>) offsets(%arg10 : memref<128xi32, #tpu.memory_space<vmem>>) semaphore(%run_scoped3A : memref<!tpu.dma_semaphore, #tpu.memory_space<semaphore_mem>>) {add = true}
      %dma_wait3A_258 = arith.constant 0 : i32
      %dma_wait3A_259 = arith.constant 0 : i32
      %dma_wait3A_260 = tpu.memref_slice %arg15[%dma_wait3A_258, %dma_wait3A_259] : memref<10112x128xf32, #tpu.memory_space<vmem_shared>> -> memref<10112x128xf32, #tpu.memory_space<vmem_shared>>
      tpu.wait_indirect_dma semaphore(%run_scoped3A : memref<!tpu.dma_semaphore, #tpu.memory_space<semaphore_mem>>) src(%arg13 : memref<128x128xf32, #tpu.memory_space<vmem>>) dst(%dma_wait3A_260 : memref<10112x128xf32, #tpu.memory_space<vmem_shared>>)
      tpu.yield
    }) : () -> ()
    %dma_wait3A_70 = tpu.memref_slice %arg3[%mul3A_4] : memref<328704xi32, #tpu.memory_space<hbm>> -> memref<128xi32, #tpu.memory_space<hbm>>
    %dma_wait3A_71 = tpu.memref_slice %arg3[%mul3A_4] : memref<328704xi32, #tpu.memory_space<hbm>> -> memref<128xi32, #tpu.memory_space<hbm>>
    tpu.wait_dma2 semaphore(%arg21 : memref<!tpu.dma_semaphore, #tpu.memory_space<semaphore_mem>>) src(%dma_wait3A_71 : memref<128xi32, #tpu.memory_space<hbm>>) dst(%arg8 : memref<128xi32, #tpu.memory_space<vmem>>)
    %dma_wait3A_72 = tpu.memref_slice %arg4[%mul3A_4] : memref<328704xi32, #tpu.memory_space<hbm>> -> memref<128xi32, #tpu.memory_space<hbm>>
    %dma_wait3A_73 = tpu.memref_slice %arg4[%mul3A_4] : memref<328704xi32, #tpu.memory_space<hbm>> -> memref<128xi32, #tpu.memory_space<hbm>>
    tpu.wait_dma2 semaphore(%arg21 : memref<!tpu.dma_semaphore, #tpu.memory_space<semaphore_mem>>) src(%dma_wait3A_73 : memref<128xi32, #tpu.memory_space<hbm>>) dst(%arg11 : memref<128xi32, #tpu.memory_space<vmem>>)
    %barrier3A_74 = arith.constant 0 : index
    tpu.barrier barrier_id(%barrier3A_74)
    %mul3A_75 = arith.constant 632 : i32
    %mul3A_76 = arith.muli %arg1, %mul3A_75 : i32
    %add3A_77 = arith.constant 0 : i32
    %add3A_78 = arith.addi %mul3A_76, %add3A_77 : i32
    "tpu.region"() ({
      %run_scoped3A = tpu.sem_alloc : memref<!tpu.dma_semaphore, #tpu.memory_space<semaphore_mem>>
      %dma_start3A_255 = arith.constant 0 : i32
      %dma_start3A_256 = arith.constant 0 : i32
      %dma_start3A_257 = tpu.memref_slice %arg12[%dma_start3A_255, %dma_start3A_256] : memref<128x128xf32, #tpu.memory_space<vmem>> -> memref<128x128xf32, #tpu.memory_space<vmem>>
      %dma_start3A_258 = arith.constant 0 : i32
      %dma_start3A_259 = tpu.memref_slice %arg15[%add3A_78, %dma_start3A_258] : memref<10112x128xf32, #tpu.memory_space<vmem_shared>> -> memref<128x128xf32, #tpu.memory_space<vmem_shared>>
      %dma_start3A_260 = arith.constant 0 : i32
      %dma_start3A_261 = arith.constant 0 : i32
      %dma_start3A_262 = tpu.memref_slice %arg12[%dma_start3A_260, %dma_start3A_261] : memref<128x128xf32, #tpu.memory_space<vmem>> -> memref<128x128xf32, #tpu.memory_space<vmem>>
      %dma_start3A_263 = arith.constant 0 : i32
      %dma_start3A_264 = tpu.memref_slice %arg15[%add3A_78, %dma_start3A_263] : memref<10112x128xf32, #tpu.memory_space<vmem_shared>> -> memref<128x128xf32, #tpu.memory_space<vmem_shared>>
      tpu.enqueue_dma source(%dma_start3A_264 : memref<128x128xf32, #tpu.memory_space<vmem_shared>>) target(%dma_start3A_262 : memref<128x128xf32, #tpu.memory_space<vmem>>) target_semaphore(%run_scoped3A : memref<!tpu.dma_semaphore, #tpu.memory_space<semaphore_mem>>)
      %dma_wait3A_265 = arith.constant 0 : i32
      %dma_wait3A_266 = arith.constant 0 : i32
      %dma_wait3A_267 = tpu.memref_slice %arg12[%dma_wait3A_265, %dma_wait3A_266] : memref<128x128xf32, #tpu.memory_space<vmem>> -> memref<128x128xf32, #tpu.memory_space<vmem>>
      %dma_wait3A_268 = arith.constant 0 : i32
      %dma_wait3A_269 = tpu.memref_slice %arg15[%add3A_78, %dma_wait3A_268] : memref<10112x128xf32, #tpu.memory_space<vmem_shared>> -> memref<128x128xf32, #tpu.memory_space<vmem_shared>>
      %dma_wait3A_270 = arith.constant 0 : i32
      %dma_wait3A_271 = arith.constant 0 : i32
      %dma_wait3A_272 = tpu.memref_slice %arg12[%dma_wait3A_270, %dma_wait3A_271] : memref<128x128xf32, #tpu.memory_space<vmem>> -> memref<128x128xf32, #tpu.memory_space<vmem>>
      %dma_wait3A_273 = arith.constant 0 : i32
      %dma_wait3A_274 = tpu.memref_slice %arg15[%add3A_78, %dma_wait3A_273] : memref<10112x128xf32, #tpu.memory_space<vmem_shared>> -> memref<128x128xf32, #tpu.memory_space<vmem_shared>>
      tpu.wait_dma2 semaphore(%run_scoped3A : memref<!tpu.dma_semaphore, #tpu.memory_space<semaphore_mem>>) src(%dma_wait3A_274 : memref<128x128xf32, #tpu.memory_space<vmem_shared>>) dst(%dma_wait3A_272 : memref<128x128xf32, #tpu.memory_space<vmem>>)
      tpu.yield
    }) : () -> ()
    %mul3A_79 = arith.constant 632 : i32
    %mul3A_80 = arith.muli %arg1, %mul3A_79 : i32
    %add3A_81 = arith.constant 0 : i32
    %add3A_82 = arith.addi %mul3A_80, %add3A_81 : i32
    %dma_start3A_83 = arith.constant 0 : i32
    %dma_start3A_84 = arith.constant 0 : i32
    %dma_start3A_85 = tpu.memref_slice %arg12[%dma_start3A_83, %dma_start3A_84] : memref<128x128xf32, #tpu.memory_space<vmem>> -> memref<128x128xf32, #tpu.memory_space<vmem>>
    %dma_start3A_86 = arith.constant 0 : i32
    %dma_start3A_87 = tpu.memref_slice %arg5[%arg0, %add3A_82, %dma_start3A_86] : memref<2x10112x128xf32, #tpu.memory_space<hbm>> -> memref<1x128x128xf32, #tpu.memory_space<hbm>>
    %dma_start3A_88 = tpu.memref_squeeze %dma_start3A_87 : memref<1x128x128xf32, #tpu.memory_space<hbm>> -> memref<128x128xf32, #tpu.memory_space<hbm>>
    %dma_start3A_89 = arith.constant 0 : i32
    %dma_start3A_90 = tpu.memref_slice %arg5[%arg0, %add3A_82, %dma_start3A_89] : memref<2x10112x128xf32, #tpu.memory_space<hbm>> -> memref<1x128x128xf32, #tpu.memory_space<hbm>>
    %dma_start3A_91 = tpu.memref_squeeze %dma_start3A_90 : memref<1x128x128xf32, #tpu.memory_space<hbm>> -> memref<128x128xf32, #tpu.memory_space<hbm>>
    %dma_start3A_92 = arith.constant 0 : i32
    %dma_start3A_93 = arith.constant 0 : i32
    %dma_start3A_94 = tpu.memref_slice %arg12[%dma_start3A_92, %dma_start3A_93] : memref<128x128xf32, #tpu.memory_space<vmem>> -> memref<128x128xf32, #tpu.memory_space<vmem>>
    tpu.enqueue_dma source(%dma_start3A_94 : memref<128x128xf32, #tpu.memory_space<vmem>>) target(%dma_start3A_91 : memref<128x128xf32, #tpu.memory_space<hbm>>) target_semaphore(%arg16 : memref<!tpu.dma_semaphore, #tpu.memory_space<semaphore_mem>>)
    %mul3A_95 = arith.constant 632 : i32
    %mul3A_96 = arith.muli %arg1, %mul3A_95 : i32
    %add3A_97 = arith.constant 128 : i32
    %add3A_98 = arith.addi %mul3A_96, %add3A_97 : i32
    "tpu.region"() ({
      %run_scoped3A = tpu.sem_alloc : memref<!tpu.dma_semaphore, #tpu.memory_space<semaphore_mem>>
      %dma_start3A_255 = arith.constant 0 : i32
      %dma_start3A_256 = arith.constant 0 : i32
      %dma_start3A_257 = tpu.memref_slice %arg13[%dma_start3A_255, %dma_start3A_256] : memref<128x128xf32, #tpu.memory_space<vmem>> -> memref<128x128xf32, #tpu.memory_space<vmem>>
      %dma_start3A_258 = arith.constant 0 : i32
      %dma_start3A_259 = tpu.memref_slice %arg15[%add3A_98, %dma_start3A_258] : memref<10112x128xf32, #tpu.memory_space<vmem_shared>> -> memref<128x128xf32, #tpu.memory_space<vmem_shared>>
      %dma_start3A_260 = arith.constant 0 : i32
      %dma_start3A_261 = arith.constant 0 : i32
      %dma_start3A_262 = tpu.memref_slice %arg13[%dma_start3A_260, %dma_start3A_261] : memref<128x128xf32, #tpu.memory_space<vmem>> -> memref<128x128xf32, #tpu.memory_space<vmem>>
      %dma_start3A_263 = arith.constant 0 : i32
      %dma_start3A_264 = tpu.memref_slice %arg15[%add3A_98, %dma_start3A_263] : memref<10112x128xf32, #tpu.memory_space<vmem_shared>> -> memref<128x128xf32, #tpu.memory_space<vmem_shared>>
      tpu.enqueue_dma source(%dma_start3A_264 : memref<128x128xf32, #tpu.memory_space<vmem_shared>>) target(%dma_start3A_262 : memref<128x128xf32, #tpu.memory_space<vmem>>) target_semaphore(%run_scoped3A : memref<!tpu.dma_semaphore, #tpu.memory_space<semaphore_mem>>)
      %dma_wait3A_265 = arith.constant 0 : i32
      %dma_wait3A_266 = arith.constant 0 : i32
      %dma_wait3A_267 = tpu.memref_slice %arg13[%dma_wait3A_265, %dma_wait3A_266] : memref<128x128xf32, #tpu.memory_space<vmem>> -> memref<128x128xf32, #tpu.memory_space<vmem>>
      %dma_wait3A_268 = arith.constant 0 : i32
      %dma_wait3A_269 = tpu.memref_slice %arg15[%add3A_98, %dma_wait3A_268] : memref<10112x128xf32, #tpu.memory_space<vmem_shared>> -> memref<128x128xf32, #tpu.memory_space<vmem_shared>>
      %dma_wait3A_270 = arith.constant 0 : i32
      %dma_wait3A_271 = arith.constant 0 : i32
      %dma_wait3A_272 = tpu.memref_slice %arg13[%dma_wait3A_270, %dma_wait3A_271] : memref<128x128xf32, #tpu.memory_space<vmem>> -> memref<128x128xf32, #tpu.memory_space<vmem>>
      %dma_wait3A_273 = arith.constant 0 : i32
      %dma_wait3A_274 = tpu.memref_slice %arg15[%add3A_98, %dma_wait3A_273] : memref<10112x128xf32, #tpu.memory_space<vmem_shared>> -> memref<128x128xf32, #tpu.memory_space<vmem_shared>>
      tpu.wait_dma2 semaphore(%run_scoped3A : memref<!tpu.dma_semaphore, #tpu.memory_space<semaphore_mem>>) src(%dma_wait3A_274 : memref<128x128xf32, #tpu.memory_space<vmem_shared>>) dst(%dma_wait3A_272 : memref<128x128xf32, #tpu.memory_space<vmem>>)
      tpu.yield
    }) : () -> ()
    %mul3A_99 = arith.constant 632 : i32
    %mul3A_100 = arith.muli %arg1, %mul3A_99 : i32
    %add3A_101 = arith.constant 0 : i32
    %add3A_102 = arith.addi %mul3A_100, %add3A_101 : i32
    %dma_wait3A_103 = arith.constant 0 : i32
    %dma_wait3A_104 = arith.constant 0 : i32
    %dma_wait3A_105 = tpu.memref_slice %arg12[%dma_wait3A_103, %dma_wait3A_104] : memref<128x128xf32, #tpu.memory_space<vmem>> -> memref<128x128xf32, #tpu.memory_space<vmem>>
    %dma_wait3A_106 = arith.constant 0 : i32
    %dma_wait3A_107 = tpu.memref_slice %arg5[%arg0, %add3A_102, %dma_wait3A_106] : memref<2x10112x128xf32, #tpu.memory_space<hbm>> -> memref<1x128x128xf32, #tpu.memory_space<hbm>>
    %dma_wait3A_108 = tpu.memref_squeeze %dma_wait3A_107 : memref<1x128x128xf32, #tpu.memory_space<hbm>> -> memref<128x128xf32, #tpu.memory_space<hbm>>
    %dma_wait3A_109 = arith.constant 0 : i32
    %dma_wait3A_110 = tpu.memref_slice %arg5[%arg0, %add3A_102, %dma_wait3A_109] : memref<2x10112x128xf32, #tpu.memory_space<hbm>> -> memref<1x128x128xf32, #tpu.memory_space<hbm>>
    %dma_wait3A_111 = tpu.memref_squeeze %dma_wait3A_110 : memref<1x128x128xf32, #tpu.memory_space<hbm>> -> memref<128x128xf32, #tpu.memory_space<hbm>>
    %dma_wait3A_112 = arith.constant 0 : i32
    %dma_wait3A_113 = arith.constant 0 : i32
    %dma_wait3A_114 = tpu.memref_slice %arg12[%dma_wait3A_112, %dma_wait3A_113] : memref<128x128xf32, #tpu.memory_space<vmem>> -> memref<128x128xf32, #tpu.memory_space<vmem>>
    tpu.wait_dma2 semaphore(%arg16 : memref<!tpu.dma_semaphore, #tpu.memory_space<semaphore_mem>>) src(%dma_wait3A_114 : memref<128x128xf32, #tpu.memory_space<vmem>>) dst(%dma_wait3A_111 : memref<128x128xf32, #tpu.memory_space<hbm>>)
    %mul3A_115 = arith.constant 632 : i32
    %mul3A_116 = arith.muli %arg1, %mul3A_115 : i32
    %add3A_117 = arith.constant 128 : i32
    %add3A_118 = arith.addi %mul3A_116, %add3A_117 : i32
    %dma_start3A_119 = arith.constant 0 : i32
    %dma_start3A_120 = arith.constant 0 : i32
    %dma_start3A_121 = tpu.memref_slice %arg13[%dma_start3A_119, %dma_start3A_120] : memref<128x128xf32, #tpu.memory_space<vmem>> -> memref<128x128xf32, #tpu.memory_space<vmem>>
    %dma_start3A_122 = arith.constant 0 : i32
    %dma_start3A_123 = tpu.memref_slice %arg5[%arg0, %add3A_118, %dma_start3A_122] : memref<2x10112x128xf32, #tpu.memory_space<hbm>> -> memref<1x128x128xf32, #tpu.memory_space<hbm>>
    %dma_start3A_124 = tpu.memref_squeeze %dma_start3A_123 : memref<1x128x128xf32, #tpu.memory_space<hbm>> -> memref<128x128xf32, #tpu.memory_space<hbm>>
    %dma_start3A_125 = arith.constant 0 : i32
    %dma_start3A_126 = tpu.memref_slice %arg5[%arg0, %add3A_118, %dma_start3A_125] : memref<2x10112x128xf32, #tpu.memory_space<hbm>> -> memref<1x128x128xf32, #tpu.memory_space<hbm>>
    %dma_start3A_127 = tpu.memref_squeeze %dma_start3A_126 : memref<1x128x128xf32, #tpu.memory_space<hbm>> -> memref<128x128xf32, #tpu.memory_space<hbm>>
    %dma_start3A_128 = arith.constant 0 : i32
    %dma_start3A_129 = arith.constant 0 : i32
    %dma_start3A_130 = tpu.memref_slice %arg13[%dma_start3A_128, %dma_start3A_129] : memref<128x128xf32, #tpu.memory_space<vmem>> -> memref<128x128xf32, #tpu.memory_space<vmem>>
    tpu.enqueue_dma source(%dma_start3A_130 : memref<128x128xf32, #tpu.memory_space<vmem>>) target(%dma_start3A_127 : memref<128x128xf32, #tpu.memory_space<hbm>>) target_semaphore(%arg17 : memref<!tpu.dma_semaphore, #tpu.memory_space<semaphore_mem>>)
    %mul3A_131 = arith.constant 632 : i32
    %mul3A_132 = arith.muli %arg1, %mul3A_131 : i32
    %add3A_133 = arith.constant 256 : i32
    %add3A_134 = arith.addi %mul3A_132, %add3A_133 : i32
    "tpu.region"() ({
      %run_scoped3A = tpu.sem_alloc : memref<!tpu.dma_semaphore, #tpu.memory_space<semaphore_mem>>
      %dma_start3A_255 = arith.constant 0 : i32
      %dma_start3A_256 = arith.constant 0 : i32
      %dma_start3A_257 = tpu.memref_slice %arg12[%dma_start3A_255, %dma_start3A_256] : memref<128x128xf32, #tpu.memory_space<vmem>> -> memref<128x128xf32, #tpu.memory_space<vmem>>
      %dma_start3A_258 = arith.constant 0 : i32
      %dma_start3A_259 = tpu.memref_slice %arg15[%add3A_134, %dma_start3A_258] : memref<10112x128xf32, #tpu.memory_space<vmem_shared>> -> memref<128x128xf32, #tpu.memory_space<vmem_shared>>
      %dma_start3A_260 = arith.constant 0 : i32
      %dma_start3A_261 = arith.constant 0 : i32
      %dma_start3A_262 = tpu.memref_slice %arg12[%dma_start3A_260, %dma_start3A_261] : memref<128x128xf32, #tpu.memory_space<vmem>> -> memref<128x128xf32, #tpu.memory_space<vmem>>
      %dma_start3A_263 = arith.constant 0 : i32
      %dma_start3A_264 = tpu.memref_slice %arg15[%add3A_134, %dma_start3A_263] : memref<10112x128xf32, #tpu.memory_space<vmem_shared>> -> memref<128x128xf32, #tpu.memory_space<vmem_shared>>
      tpu.enqueue_dma source(%dma_start3A_264 : memref<128x128xf32, #tpu.memory_space<vmem_shared>>) target(%dma_start3A_262 : memref<128x128xf32, #tpu.memory_space<vmem>>) target_semaphore(%run_scoped3A : memref<!tpu.dma_semaphore, #tpu.memory_space<semaphore_mem>>)
      %dma_wait3A_265 = arith.constant 0 : i32
      %dma_wait3A_266 = arith.constant 0 : i32
      %dma_wait3A_267 = tpu.memref_slice %arg12[%dma_wait3A_265, %dma_wait3A_266] : memref<128x128xf32, #tpu.memory_space<vmem>> -> memref<128x128xf32, #tpu.memory_space<vmem>>
      %dma_wait3A_268 = arith.constant 0 : i32
      %dma_wait3A_269 = tpu.memref_slice %arg15[%add3A_134, %dma_wait3A_268] : memref<10112x128xf32, #tpu.memory_space<vmem_shared>> -> memref<128x128xf32, #tpu.memory_space<vmem_shared>>
      %dma_wait3A_270 = arith.constant 0 : i32
      %dma_wait3A_271 = arith.constant 0 : i32
      %dma_wait3A_272 = tpu.memref_slice %arg12[%dma_wait3A_270, %dma_wait3A_271] : memref<128x128xf32, #tpu.memory_space<vmem>> -> memref<128x128xf32, #tpu.memory_space<vmem>>
      %dma_wait3A_273 = arith.constant 0 : i32
      %dma_wait3A_274 = tpu.memref_slice %arg15[%add3A_134, %dma_wait3A_273] : memref<10112x128xf32, #tpu.memory_space<vmem_shared>> -> memref<128x128xf32, #tpu.memory_space<vmem_shared>>
      tpu.wait_dma2 semaphore(%run_scoped3A : memref<!tpu.dma_semaphore, #tpu.memory_space<semaphore_mem>>) src(%dma_wait3A_274 : memref<128x128xf32, #tpu.memory_space<vmem_shared>>) dst(%dma_wait3A_272 : memref<128x128xf32, #tpu.memory_space<vmem>>)
      tpu.yield
    }) : () -> ()
    %mul3A_135 = arith.constant 632 : i32
    %mul3A_136 = arith.muli %arg1, %mul3A_135 : i32
    %add3A_137 = arith.constant 128 : i32
    %add3A_138 = arith.addi %mul3A_136, %add3A_137 : i32
    %dma_wait3A_139 = arith.constant 0 : i32
    %dma_wait3A_140 = arith.constant 0 : i32
    %dma_wait3A_141 = tpu.memref_slice %arg13[%dma_wait3A_139, %dma_wait3A_140] : memref<128x128xf32, #tpu.memory_space<vmem>> -> memref<128x128xf32, #tpu.memory_space<vmem>>
    %dma_wait3A_142 = arith.constant 0 : i32
    %dma_wait3A_143 = tpu.memref_slice %arg5[%arg0, %add3A_138, %dma_wait3A_142] : memref<2x10112x128xf32, #tpu.memory_space<hbm>> -> memref<1x128x128xf32, #tpu.memory_space<hbm>>
    %dma_wait3A_144 = tpu.memref_squeeze %dma_wait3A_143 : memref<1x128x128xf32, #tpu.memory_space<hbm>> -> memref<128x128xf32, #tpu.memory_space<hbm>>
    %dma_wait3A_145 = arith.constant 0 : i32
    %dma_wait3A_146 = tpu.memref_slice %arg5[%arg0, %add3A_138, %dma_wait3A_145] : memref<2x10112x128xf32, #tpu.memory_space<hbm>> -> memref<1x128x128xf32, #tpu.memory_space<hbm>>
    %dma_wait3A_147 = tpu.memref_squeeze %dma_wait3A_146 : memref<1x128x128xf32, #tpu.memory_space<hbm>> -> memref<128x128xf32, #tpu.memory_space<hbm>>
    %dma_wait3A_148 = arith.constant 0 : i32
    %dma_wait3A_149 = arith.constant 0 : i32
    %dma_wait3A_150 = tpu.memref_slice %arg13[%dma_wait3A_148, %dma_wait3A_149] : memref<128x128xf32, #tpu.memory_space<vmem>> -> memref<128x128xf32, #tpu.memory_space<vmem>>
    tpu.wait_dma2 semaphore(%arg17 : memref<!tpu.dma_semaphore, #tpu.memory_space<semaphore_mem>>) src(%dma_wait3A_150 : memref<128x128xf32, #tpu.memory_space<vmem>>) dst(%dma_wait3A_147 : memref<128x128xf32, #tpu.memory_space<hbm>>)
    %mul3A_151 = arith.constant 632 : i32
    %mul3A_152 = arith.muli %arg1, %mul3A_151 : i32
    %add3A_153 = arith.constant 256 : i32
    %add3A_154 = arith.addi %mul3A_152, %add3A_153 : i32
    %dma_start3A_155 = arith.constant 0 : i32
    %dma_start3A_156 = arith.constant 0 : i32
    %dma_start3A_157 = tpu.memref_slice %arg12[%dma_start3A_155, %dma_start3A_156] : memref<128x128xf32, #tpu.memory_space<vmem>> -> memref<128x128xf32, #tpu.memory_space<vmem>>
    %dma_start3A_158 = arith.constant 0 : i32
    %dma_start3A_159 = tpu.memref_slice %arg5[%arg0, %add3A_154, %dma_start3A_158] : memref<2x10112x128xf32, #tpu.memory_space<hbm>> -> memref<1x128x128xf32, #tpu.memory_space<hbm>>
    %dma_start3A_160 = tpu.memref_squeeze %dma_start3A_159 : memref<1x128x128xf32, #tpu.memory_space<hbm>> -> memref<128x128xf32, #tpu.memory_space<hbm>>
    %dma_start3A_161 = arith.constant 0 : i32
    %dma_start3A_162 = tpu.memref_slice %arg5[%arg0, %add3A_154, %dma_start3A_161] : memref<2x10112x128xf32, #tpu.memory_space<hbm>> -> memref<1x128x128xf32, #tpu.memory_space<hbm>>
    %dma_start3A_163 = tpu.memref_squeeze %dma_start3A_162 : memref<1x128x128xf32, #tpu.memory_space<hbm>> -> memref<128x128xf32, #tpu.memory_space<hbm>>
    %dma_start3A_164 = arith.constant 0 : i32
    %dma_start3A_165 = arith.constant 0 : i32
    %dma_start3A_166 = tpu.memref_slice %arg12[%dma_start3A_164, %dma_start3A_165] : memref<128x128xf32, #tpu.memory_space<vmem>> -> memref<128x128xf32, #tpu.memory_space<vmem>>
    tpu.enqueue_dma source(%dma_start3A_166 : memref<128x128xf32, #tpu.memory_space<vmem>>) target(%dma_start3A_163 : memref<128x128xf32, #tpu.memory_space<hbm>>) target_semaphore(%arg16 : memref<!tpu.dma_semaphore, #tpu.memory_space<semaphore_mem>>)
    %mul3A_167 = arith.constant 632 : i32
    %mul3A_168 = arith.muli %arg1, %mul3A_167 : i32
    %add3A_169 = arith.constant 384 : i32
    %add3A_170 = arith.addi %mul3A_168, %add3A_169 : i32
    "tpu.region"() ({
      %run_scoped3A = tpu.sem_alloc : memref<!tpu.dma_semaphore, #tpu.memory_space<semaphore_mem>>
      %dma_start3A_255 = arith.constant 0 : i32
      %dma_start3A_256 = arith.constant 0 : i32
      %dma_start3A_257 = tpu.memref_slice %arg13[%dma_start3A_255, %dma_start3A_256] : memref<128x128xf32, #tpu.memory_space<vmem>> -> memref<128x128xf32, #tpu.memory_space<vmem>>
      %dma_start3A_258 = arith.constant 0 : i32
      %dma_start3A_259 = tpu.memref_slice %arg15[%add3A_170, %dma_start3A_258] : memref<10112x128xf32, #tpu.memory_space<vmem_shared>> -> memref<128x128xf32, #tpu.memory_space<vmem_shared>>
      %dma_start3A_260 = arith.constant 0 : i32
      %dma_start3A_261 = arith.constant 0 : i32
      %dma_start3A_262 = tpu.memref_slice %arg13[%dma_start3A_260, %dma_start3A_261] : memref<128x128xf32, #tpu.memory_space<vmem>> -> memref<128x128xf32, #tpu.memory_space<vmem>>
      %dma_start3A_263 = arith.constant 0 : i32
      %dma_start3A_264 = tpu.memref_slice %arg15[%add3A_170, %dma_start3A_263] : memref<10112x128xf32, #tpu.memory_space<vmem_shared>> -> memref<128x128xf32, #tpu.memory_space<vmem_shared>>
      tpu.enqueue_dma source(%dma_start3A_264 : memref<128x128xf32, #tpu.memory_space<vmem_shared>>) target(%dma_start3A_262 : memref<128x128xf32, #tpu.memory_space<vmem>>) target_semaphore(%run_scoped3A : memref<!tpu.dma_semaphore, #tpu.memory_space<semaphore_mem>>)
      %dma_wait3A_265 = arith.constant 0 : i32
      %dma_wait3A_266 = arith.constant 0 : i32
      %dma_wait3A_267 = tpu.memref_slice %arg13[%dma_wait3A_265, %dma_wait3A_266] : memref<128x128xf32, #tpu.memory_space<vmem>> -> memref<128x128xf32, #tpu.memory_space<vmem>>
      %dma_wait3A_268 = arith.constant 0 : i32
      %dma_wait3A_269 = tpu.memref_slice %arg15[%add3A_170, %dma_wait3A_268] : memref<10112x128xf32, #tpu.memory_space<vmem_shared>> -> memref<128x128xf32, #tpu.memory_space<vmem_shared>>
      %dma_wait3A_270 = arith.constant 0 : i32
      %dma_wait3A_271 = arith.constant 0 : i32
      %dma_wait3A_272 = tpu.memref_slice %arg13[%dma_wait3A_270, %dma_wait3A_271] : memref<128x128xf32, #tpu.memory_space<vmem>> -> memref<128x128xf32, #tpu.memory_space<vmem>>
      %dma_wait3A_273 = arith.constant 0 : i32
      %dma_wait3A_274 = tpu.memref_slice %arg15[%add3A_170, %dma_wait3A_273] : memref<10112x128xf32, #tpu.memory_space<vmem_shared>> -> memref<128x128xf32, #tpu.memory_space<vmem_shared>>
      tpu.wait_dma2 semaphore(%run_scoped3A : memref<!tpu.dma_semaphore, #tpu.memory_space<semaphore_mem>>) src(%dma_wait3A_274 : memref<128x128xf32, #tpu.memory_space<vmem_shared>>) dst(%dma_wait3A_272 : memref<128x128xf32, #tpu.memory_space<vmem>>)
      tpu.yield
    }) : () -> ()
    %mul3A_171 = arith.constant 632 : i32
    %mul3A_172 = arith.muli %arg1, %mul3A_171 : i32
    %add3A_173 = arith.constant 256 : i32
    %add3A_174 = arith.addi %mul3A_172, %add3A_173 : i32
    %dma_wait3A_175 = arith.constant 0 : i32
    %dma_wait3A_176 = arith.constant 0 : i32
    %dma_wait3A_177 = tpu.memref_slice %arg12[%dma_wait3A_175, %dma_wait3A_176] : memref<128x128xf32, #tpu.memory_space<vmem>> -> memref<128x128xf32, #tpu.memory_space<vmem>>
    %dma_wait3A_178 = arith.constant 0 : i32
    %dma_wait3A_179 = tpu.memref_slice %arg5[%arg0, %add3A_174, %dma_wait3A_178] : memref<2x10112x128xf32, #tpu.memory_space<hbm>> -> memref<1x128x128xf32, #tpu.memory_space<hbm>>
    %dma_wait3A_180 = tpu.memref_squeeze %dma_wait3A_179 : memref<1x128x128xf32, #tpu.memory_space<hbm>> -> memref<128x128xf32, #tpu.memory_space<hbm>>
    %dma_wait3A_181 = arith.constant 0 : i32
    %dma_wait3A_182 = tpu.memref_slice %arg5[%arg0, %add3A_174, %dma_wait3A_181] : memref<2x10112x128xf32, #tpu.memory_space<hbm>> -> memref<1x128x128xf32, #tpu.memory_space<hbm>>
    %dma_wait3A_183 = tpu.memref_squeeze %dma_wait3A_182 : memref<1x128x128xf32, #tpu.memory_space<hbm>> -> memref<128x128xf32, #tpu.memory_space<hbm>>
    %dma_wait3A_184 = arith.constant 0 : i32
    %dma_wait3A_185 = arith.constant 0 : i32
    %dma_wait3A_186 = tpu.memref_slice %arg12[%dma_wait3A_184, %dma_wait3A_185] : memref<128x128xf32, #tpu.memory_space<vmem>> -> memref<128x128xf32, #tpu.memory_space<vmem>>
    tpu.wait_dma2 semaphore(%arg16 : memref<!tpu.dma_semaphore, #tpu.memory_space<semaphore_mem>>) src(%dma_wait3A_186 : memref<128x128xf32, #tpu.memory_space<vmem>>) dst(%dma_wait3A_183 : memref<128x128xf32, #tpu.memory_space<hbm>>)
    %mul3A_187 = arith.constant 632 : i32
    %mul3A_188 = arith.muli %arg1, %mul3A_187 : i32
    %add3A_189 = arith.constant 384 : i32
    %add3A_190 = arith.addi %mul3A_188, %add3A_189 : i32
    %dma_start3A_191 = arith.constant 0 : i32
    %dma_start3A_192 = arith.constant 0 : i32
    %dma_start3A_193 = tpu.memref_slice %arg13[%dma_start3A_191, %dma_start3A_192] : memref<128x128xf32, #tpu.memory_space<vmem>> -> memref<128x128xf32, #tpu.memory_space<vmem>>
    %dma_start3A_194 = arith.constant 0 : i32
    %dma_start3A_195 = tpu.memref_slice %arg5[%arg0, %add3A_190, %dma_start3A_194] : memref<2x10112x128xf32, #tpu.memory_space<hbm>> -> memref<1x128x128xf32, #tpu.memory_space<hbm>>
    %dma_start3A_196 = tpu.memref_squeeze %dma_start3A_195 : memref<1x128x128xf32, #tpu.memory_space<hbm>> -> memref<128x128xf32, #tpu.memory_space<hbm>>
    %dma_start3A_197 = arith.constant 0 : i32
    %dma_start3A_198 = tpu.memref_slice %arg5[%arg0, %add3A_190, %dma_start3A_197] : memref<2x10112x128xf32, #tpu.memory_space<hbm>> -> memref<1x128x128xf32, #tpu.memory_space<hbm>>
    %dma_start3A_199 = tpu.memref_squeeze %dma_start3A_198 : memref<1x128x128xf32, #tpu.memory_space<hbm>> -> memref<128x128xf32, #tpu.memory_space<hbm>>
    %dma_start3A_200 = arith.constant 0 : i32
    %dma_start3A_201 = arith.constant 0 : i32
    %dma_start3A_202 = tpu.memref_slice %arg13[%dma_start3A_200, %dma_start3A_201] : memref<128x128xf32, #tpu.memory_space<vmem>> -> memref<128x128xf32, #tpu.memory_space<vmem>>
    tpu.enqueue_dma source(%dma_start3A_202 : memref<128x128xf32, #tpu.memory_space<vmem>>) target(%dma_start3A_199 : memref<128x128xf32, #tpu.memory_space<hbm>>) target_semaphore(%arg17 : memref<!tpu.dma_semaphore, #tpu.memory_space<semaphore_mem>>)
    %mul3A_203 = arith.constant 632 : i32
    %mul3A_204 = arith.muli %arg1, %mul3A_203 : i32
    %add3A_205 = arith.constant 512 : i32
    %add3A_206 = arith.addi %mul3A_204, %add3A_205 : i32
    "tpu.region"() ({
      %run_scoped3A = tpu.sem_alloc : memref<!tpu.dma_semaphore, #tpu.memory_space<semaphore_mem>>
      %dma_start3A_255 = arith.constant 0 : i32
      %dma_start3A_256 = arith.constant 0 : i32
      %dma_start3A_257 = tpu.memref_slice %arg12[%dma_start3A_255, %dma_start3A_256] : memref<128x128xf32, #tpu.memory_space<vmem>> -> memref<120x128xf32, #tpu.memory_space<vmem>>
      %dma_start3A_258 = arith.constant 0 : i32
      %dma_start3A_259 = tpu.memref_slice %arg15[%add3A_206, %dma_start3A_258] : memref<10112x128xf32, #tpu.memory_space<vmem_shared>> -> memref<120x128xf32, #tpu.memory_space<vmem_shared>>
      %dma_start3A_260 = arith.constant 0 : i32
      %dma_start3A_261 = arith.constant 0 : i32
      %dma_start3A_262 = tpu.memref_slice %arg12[%dma_start3A_260, %dma_start3A_261] : memref<128x128xf32, #tpu.memory_space<vmem>> -> memref<120x128xf32, #tpu.memory_space<vmem>>
      %dma_start3A_263 = arith.constant 0 : i32
      %dma_start3A_264 = tpu.memref_slice %arg15[%add3A_206, %dma_start3A_263] : memref<10112x128xf32, #tpu.memory_space<vmem_shared>> -> memref<120x128xf32, #tpu.memory_space<vmem_shared>>
      tpu.enqueue_dma source(%dma_start3A_264 : memref<120x128xf32, #tpu.memory_space<vmem_shared>>) target(%dma_start3A_262 : memref<120x128xf32, #tpu.memory_space<vmem>>) target_semaphore(%run_scoped3A : memref<!tpu.dma_semaphore, #tpu.memory_space<semaphore_mem>>)
      %dma_wait3A_265 = arith.constant 0 : i32
      %dma_wait3A_266 = arith.constant 0 : i32
      %dma_wait3A_267 = tpu.memref_slice %arg12[%dma_wait3A_265, %dma_wait3A_266] : memref<128x128xf32, #tpu.memory_space<vmem>> -> memref<120x128xf32, #tpu.memory_space<vmem>>
      %dma_wait3A_268 = arith.constant 0 : i32
      %dma_wait3A_269 = tpu.memref_slice %arg15[%add3A_206, %dma_wait3A_268] : memref<10112x128xf32, #tpu.memory_space<vmem_shared>> -> memref<120x128xf32, #tpu.memory_space<vmem_shared>>
      %dma_wait3A_270 = arith.constant 0 : i32
      %dma_wait3A_271 = arith.constant 0 : i32
      %dma_wait3A_272 = tpu.memref_slice %arg12[%dma_wait3A_270, %dma_wait3A_271] : memref<128x128xf32, #tpu.memory_space<vmem>> -> memref<120x128xf32, #tpu.memory_space<vmem>>
      %dma_wait3A_273 = arith.constant 0 : i32
      %dma_wait3A_274 = tpu.memref_slice %arg15[%add3A_206, %dma_wait3A_273] : memref<10112x128xf32, #tpu.memory_space<vmem_shared>> -> memref<120x128xf32, #tpu.memory_space<vmem_shared>>
      tpu.wait_dma2 semaphore(%run_scoped3A : memref<!tpu.dma_semaphore, #tpu.memory_space<semaphore_mem>>) src(%dma_wait3A_274 : memref<120x128xf32, #tpu.memory_space<vmem_shared>>) dst(%dma_wait3A_272 : memref<120x128xf32, #tpu.memory_space<vmem>>)
      tpu.yield
    }) : () -> ()
    %mul3A_207 = arith.constant 632 : i32
    %mul3A_208 = arith.muli %arg1, %mul3A_207 : i32
    %add3A_209 = arith.constant 384 : i32
    %add3A_210 = arith.addi %mul3A_208, %add3A_209 : i32
    %dma_wait3A_211 = arith.constant 0 : i32
    %dma_wait3A_212 = arith.constant 0 : i32
    %dma_wait3A_213 = tpu.memref_slice %arg13[%dma_wait3A_211, %dma_wait3A_212] : memref<128x128xf32, #tpu.memory_space<vmem>> -> memref<128x128xf32, #tpu.memory_space<vmem>>
    %dma_wait3A_214 = arith.constant 0 : i32
    %dma_wait3A_215 = tpu.memref_slice %arg5[%arg0, %add3A_210, %dma_wait3A_214] : memref<2x10112x128xf32, #tpu.memory_space<hbm>> -> memref<1x128x128xf32, #tpu.memory_space<hbm>>
    %dma_wait3A_216 = tpu.memref_squeeze %dma_wait3A_215 : memref<1x128x128xf32, #tpu.memory_space<hbm>> -> memref<128x128xf32, #tpu.memory_space<hbm>>
    %dma_wait3A_217 = arith.constant 0 : i32
    %dma_wait3A_218 = tpu.memref_slice %arg5[%arg0, %add3A_210, %dma_wait3A_217] : memref<2x10112x128xf32, #tpu.memory_space<hbm>> -> memref<1x128x128xf32, #tpu.memory_space<hbm>>
    %dma_wait3A_219 = tpu.memref_squeeze %dma_wait3A_218 : memref<1x128x128xf32, #tpu.memory_space<hbm>> -> memref<128x128xf32, #tpu.memory_space<hbm>>
    %dma_wait3A_220 = arith.constant 0 : i32
    %dma_wait3A_221 = arith.constant 0 : i32
    %dma_wait3A_222 = tpu.memref_slice %arg13[%dma_wait3A_220, %dma_wait3A_221] : memref<128x128xf32, #tpu.memory_space<vmem>> -> memref<128x128xf32, #tpu.memory_space<vmem>>
    tpu.wait_dma2 semaphore(%arg17 : memref<!tpu.dma_semaphore, #tpu.memory_space<semaphore_mem>>) src(%dma_wait3A_222 : memref<128x128xf32, #tpu.memory_space<vmem>>) dst(%dma_wait3A_219 : memref<128x128xf32, #tpu.memory_space<hbm>>)
    %mul3A_223 = arith.constant 632 : i32
    %mul3A_224 = arith.muli %arg1, %mul3A_223 : i32
    %add3A_225 = arith.constant 512 : i32
    %add3A_226 = arith.addi %mul3A_224, %add3A_225 : i32
    %dma_start3A_227 = arith.constant 0 : i32
    %dma_start3A_228 = arith.constant 0 : i32
    %dma_start3A_229 = tpu.memref_slice %arg12[%dma_start3A_227, %dma_start3A_228] : memref<128x128xf32, #tpu.memory_space<vmem>> -> memref<120x128xf32, #tpu.memory_space<vmem>>
    %dma_start3A_230 = arith.constant 0 : i32
    %dma_start3A_231 = tpu.memref_slice %arg5[%arg0, %add3A_226, %dma_start3A_230] : memref<2x10112x128xf32, #tpu.memory_space<hbm>> -> memref<1x120x128xf32, #tpu.memory_space<hbm>>
    %dma_start3A_232 = tpu.memref_squeeze %dma_start3A_231 : memref<1x120x128xf32, #tpu.memory_space<hbm>> -> memref<120x128xf32, #tpu.memory_space<hbm>>
    %dma_start3A_233 = arith.constant 0 : i32
    %dma_start3A_234 = tpu.memref_slice %arg5[%arg0, %add3A_226, %dma_start3A_233] : memref<2x10112x128xf32, #tpu.memory_space<hbm>> -> memref<1x120x128xf32, #tpu.memory_space<hbm>>
    %dma_start3A_235 = tpu.memref_squeeze %dma_start3A_234 : memref<1x120x128xf32, #tpu.memory_space<hbm>> -> memref<120x128xf32, #tpu.memory_space<hbm>>
    %dma_start3A_236 = arith.constant 0 : i32
    %dma_start3A_237 = arith.constant 0 : i32
    %dma_start3A_238 = tpu.memref_slice %arg12[%dma_start3A_236, %dma_start3A_237] : memref<128x128xf32, #tpu.memory_space<vmem>> -> memref<120x128xf32, #tpu.memory_space<vmem>>
    tpu.enqueue_dma source(%dma_start3A_238 : memref<120x128xf32, #tpu.memory_space<vmem>>) target(%dma_start3A_235 : memref<120x128xf32, #tpu.memory_space<hbm>>) target_semaphore(%arg16 : memref<!tpu.dma_semaphore, #tpu.memory_space<semaphore_mem>>)
    %mul3A_239 = arith.constant 632 : i32
    %mul3A_240 = arith.muli %arg1, %mul3A_239 : i32
    %add3A_241 = arith.constant 512 : i32
    %add3A_242 = arith.addi %mul3A_240, %add3A_241 : i32
    %dma_wait3A_243 = arith.constant 0 : i32
    %dma_wait3A_244 = arith.constant 0 : i32
    %dma_wait3A_245 = tpu.memref_slice %arg12[%dma_wait3A_243, %dma_wait3A_244] : memref<128x128xf32, #tpu.memory_space<vmem>> -> memref<120x128xf32, #tpu.memory_space<vmem>>
    %dma_wait3A_246 = arith.constant 0 : i32
    %dma_wait3A_247 = tpu.memref_slice %arg5[%arg0, %add3A_242, %dma_wait3A_246] : memref<2x10112x128xf32, #tpu.memory_space<hbm>> -> memref<1x120x128xf32, #tpu.memory_space<hbm>>
    %dma_wait3A_248 = tpu.memref_squeeze %dma_wait3A_247 : memref<1x120x128xf32, #tpu.memory_space<hbm>> -> memref<120x128xf32, #tpu.memory_space<hbm>>
    %dma_wait3A_249 = arith.constant 0 : i32
    %dma_wait3A_250 = tpu.memref_slice %arg5[%arg0, %add3A_242, %dma_wait3A_249] : memref<2x10112x128xf32, #tpu.memory_space<hbm>> -> memref<1x120x128xf32, #tpu.memory_space<hbm>>
    %dma_wait3A_251 = tpu.memref_squeeze %dma_wait3A_250 : memref<1x120x128xf32, #tpu.memory_space<hbm>> -> memref<120x128xf32, #tpu.memory_space<hbm>>
    %dma_wait3A_252 = arith.constant 0 : i32
    %dma_wait3A_253 = arith.constant 0 : i32
    %dma_wait3A_254 = tpu.memref_slice %arg12[%dma_wait3A_252, %dma_wait3A_253] : memref<128x128xf32, #tpu.memory_space<vmem>> -> memref<120x128xf32, #tpu.memory_space<vmem>>
    tpu.wait_dma2 semaphore(%arg16 : memref<!tpu.dma_semaphore, #tpu.memory_space<semaphore_mem>>) src(%dma_wait3A_254 : memref<120x128xf32, #tpu.memory_space<vmem>>) dst(%dma_wait3A_251 : memref<120x128xf32, #tpu.memory_space<hbm>>)
    return
  }
}

#map = affine_map<(d0, d1) -> (0, 0)>
#map1 = affine_map<(d0, d1) -> (0)>
#map2 = affine_map<(d0, d1) -> (0, 0, 0)>
module attributes {stable_mosaic.version = 14 : i64} {
  func.func @_sc_spmm(%arg0: i32, %arg1: i32, %arg2: memref<10000x128xf32, #tpu.memory_space<hbm>>, %arg3: memref<328704xi32, #tpu.memory_space<hbm>>, %arg4: memref<328704xi32, #tpu.memory_space<hbm>>, %arg5: memref<2x10112x128xf32, #tpu.memory_space<hbm>>, %arg6: memref<128xi32, #tpu.memory_space<vmem>>, %arg7: memref<128xi32, #tpu.memory_space<vmem>>, %arg8: memref<128xi32, #tpu.memory_space<vmem>>, %arg9: memref<128xi32, #tpu.memory_space<vmem>>, %arg10: memref<128xi32, #tpu.memory_space<vmem>>, %arg11: memref<128xi32, #tpu.memory_space<vmem>>, %arg12: memref<128x128xf32, #tpu.memory_space<vmem>>, %arg13: memref<128x128xf32, #tpu.memory_space<vmem>>, %arg14: memref<128x128xf32, #tpu.memory_space<vmem>>, %arg15: memref<10112x128xf32, #tpu.memory_space<vmem_shared>>, %arg16: memref<!tpu.dma_semaphore, #tpu.memory_space<semaphore_mem>>, %arg17: memref<!tpu.dma_semaphore, #tpu.memory_space<semaphore_mem>>, %arg18: memref<!tpu.dma_semaphore, #tpu.memory_space<semaphore_mem>>, %arg19: memref<!tpu.dma_semaphore, #tpu.memory_space<semaphore_mem>>, %arg20: memref<!tpu.dma_semaphore, #tpu.memory_space<semaphore_mem>>, %arg21: memref<!tpu.dma_semaphore, #tpu.memory_space<semaphore_mem>>) attributes {dimension_semantics = [#tpu.dimension_semantics<core_parallel>, #tpu.dimension_semantics<subcore_parallel>], iteration_bounds = array<i64: 2, 16>, scalar_prefetch = 0 : i64, scratch_operands = 16 : i64, tpu.core_type = #tpu.core_type<sc_vector_subcore>, window_params = [{transform_indices = #map}, {transform_indices = #map1}, {transform_indices = #map1}, {transform_indices = #map2}]} {
    %mul3A = arith.constant 2 : i32
    %mul3A_0 = arith.muli %arg1, %mul3A : i32
    %add3A = arith.addi %mul3A_0, %arg0 : i32
    %mul3A_1 = arith.constant 80 : i32
    %mul3A_2 = arith.muli %add3A, %mul3A_1 : i32
    %mul3A_3 = arith.constant 128 : i32
    %mul3A_4 = arith.muli %mul3A_2, %mul3A_3 : i32
    %add3A_5 = arith.constant 0 : i32
    %add3A_6 = arith.addi %mul3A_4, %add3A_5 : i32
    %dma_start3A = tpu.memref_slice %arg3[%add3A_6] : memref<328704xi32, #tpu.memory_space<hbm>> -> memref<128xi32, #tpu.memory_space<hbm>>
    %dma_start3A_7 = tpu.memref_slice %arg3[%add3A_6] : memref<328704xi32, #tpu.memory_space<hbm>> -> memref<128xi32, #tpu.memory_space<hbm>>
    tpu.enqueue_dma source(%dma_start3A_7 : memref<128xi32, #tpu.memory_space<hbm>>) target(%arg6 : memref<128xi32, #tpu.memory_space<vmem>>) target_semaphore(%arg19 : memref<!tpu.dma_semaphore, #tpu.memory_space<semaphore_mem>>)
    %add3A_8 = arith.constant 0 : i32
    %add3A_9 = arith.addi %mul3A_4, %add3A_8 : i32
    %dma_start3A_10 = tpu.memref_slice %arg4[%add3A_9] : memref<328704xi32, #tpu.memory_space<hbm>> -> memref<128xi32, #tpu.memory_space<hbm>>
    %dma_start3A_11 = tpu.memref_slice %arg4[%add3A_9] : memref<328704xi32, #tpu.memory_space<hbm>> -> memref<128xi32, #tpu.memory_space<hbm>>
    tpu.enqueue_dma source(%dma_start3A_11 : memref<128xi32, #tpu.memory_space<hbm>>) target(%arg9 : memref<128xi32, #tpu.memory_space<vmem>>) target_semaphore(%arg19 : memref<!tpu.dma_semaphore, #tpu.memory_space<semaphore_mem>>)
    %add3A_12 = arith.constant 128 : i32
    %add3A_13 = arith.addi %mul3A_4, %add3A_12 : i32
    %dma_start3A_14 = tpu.memref_slice %arg3[%add3A_13] : memref<328704xi32, #tpu.memory_space<hbm>> -> memref<128xi32, #tpu.memory_space<hbm>>
    %dma_start3A_15 = tpu.memref_slice %arg3[%add3A_13] : memref<328704xi32, #tpu.memory_space<hbm>> -> memref<128xi32, #tpu.memory_space<hbm>>
    tpu.enqueue_dma source(%dma_start3A_15 : memref<128xi32, #tpu.memory_space<hbm>>) target(%arg7 : memref<128xi32, #tpu.memory_space<vmem>>) target_semaphore(%arg20 : memref<!tpu.dma_semaphore, #tpu.memory_space<semaphore_mem>>)
    %add3A_16 = arith.constant 128 : i32
    %add3A_17 = arith.addi %mul3A_4, %add3A_16 : i32
    %dma_start3A_18 = tpu.memref_slice %arg4[%add3A_17] : memref<328704xi32, #tpu.memory_space<hbm>> -> memref<128xi32, #tpu.memory_space<hbm>>
    %dma_start3A_19 = tpu.memref_slice %arg4[%add3A_17] : memref<328704xi32, #tpu.memory_space<hbm>> -> memref<128xi32, #tpu.memory_space<hbm>>
    tpu.enqueue_dma source(%dma_start3A_19 : memref<128xi32, #tpu.memory_space<hbm>>) target(%arg10 : memref<128xi32, #tpu.memory_space<vmem>>) target_semaphore(%arg20 : memref<!tpu.dma_semaphore, #tpu.memory_space<semaphore_mem>>)
    %add3A_20 = arith.constant 256 : i32
    %add3A_21 = arith.addi %mul3A_4, %add3A_20 : i32
    %dma_start3A_22 = tpu.memref_slice %arg3[%add3A_21] : memref<328704xi32, #tpu.memory_space<hbm>> -> memref<128xi32, #tpu.memory_space<hbm>>
    %dma_start3A_23 = tpu.memref_slice %arg3[%add3A_21] : memref<328704xi32, #tpu.memory_space<hbm>> -> memref<128xi32, #tpu.memory_space<hbm>>
    tpu.enqueue_dma source(%dma_start3A_23 : memref<128xi32, #tpu.memory_space<hbm>>) target(%arg8 : memref<128xi32, #tpu.memory_space<vmem>>) target_semaphore(%arg21 : memref<!tpu.dma_semaphore, #tpu.memory_space<semaphore_mem>>)
    %add3A_24 = arith.constant 256 : i32
    %add3A_25 = arith.addi %mul3A_4, %add3A_24 : i32
    %dma_start3A_26 = tpu.memref_slice %arg4[%add3A_25] : memref<328704xi32, #tpu.memory_space<hbm>> -> memref<128xi32, #tpu.memory_space<hbm>>
    %dma_start3A_27 = tpu.memref_slice %arg4[%add3A_25] : memref<328704xi32, #tpu.memory_space<hbm>> -> memref<128xi32, #tpu.memory_space<hbm>>
    tpu.enqueue_dma source(%dma_start3A_27 : memref<128xi32, #tpu.memory_space<hbm>>) target(%arg11 : memref<128xi32, #tpu.memory_space<vmem>>) target_semaphore(%arg21 : memref<!tpu.dma_semaphore, #tpu.memory_space<semaphore_mem>>)
    %scan3A = arith.constant 0 : i32
    %scan3A_28 = arith.constant 0 : i32
    %scan3A_29 = arith.constant 128 : i32
    %scan3A_30 = arith.addi %scan3A_28, %scan3A_29 : i32
    %scan3A_31 = arith.constant 1 : i32
    scf.for %scan3A_255 = %scan3A_28 to %scan3A_30 step %scan3A_31  : i32 {
      %broadcast_in_dim3A = arith.constant 0.000000e+00 : f32
      %broadcast_in_dim3A_256 = vector.broadcast %broadcast_in_dim3A : f32 to vector<16xf32>
      %swap3A = arith.index_cast %scan3A_255 : i32 to index
      %swap3A_257 = arith.constant 0 : index
      %swap3A_258 = tpu.vector_load %arg12[%swap3A, %swap3A_257] {strides = array<i32>} : memref<128x128xf32, #tpu.memory_space<vmem>>, vector<1x16xf32>,
      %swap3A_259 = vector.shape_cast %swap3A_258 : vector<1x16xf32> to vector<16xf32>
      %swap3A_260 = vector.shape_cast %broadcast_in_dim3A_256 : vector<16xf32> to vector<1x16xf32>
      tpu.vector_store %arg12[%swap3A, %swap3A_257], %swap3A_260 {strides = array<i32>} : memref<128x128xf32, #tpu.memory_space<vmem>>, vector<1x16xf32>,
      %broadcast_in_dim3A_261 = arith.constant 0.000000e+00 : f32
      %broadcast_in_dim3A_262 = vector.broadcast %broadcast_in_dim3A_261 : f32 to vector<16xf32>
      %swap3A_263 = arith.index_cast %scan3A_255 : i32 to index
      %swap3A_264 = arith.constant 16 : index
      %swap3A_265 = tpu.vector_load %arg12[%swap3A_263, %swap3A_264] {strides = array<i32>} : memref<128x128xf32, #tpu.memory_space<vmem>>, vector<1x16xf32>,
      %swap3A_266 = vector.shape_cast %swap3A_265 : vector<1x16xf32> to vector<16xf32>
      %swap3A_267 = vector.shape_cast %broadcast_in_dim3A_262 : vector<16xf32> to vector<1x16xf32>
      tpu.vector_store %arg12[%swap3A_263, %swap3A_264], %swap3A_267 {strides = array<i32>} : memref<128x128xf32, #tpu.memory_space<vmem>>, vector<1x16xf32>,
      %broadcast_in_dim3A_268 = arith.constant 0.000000e+00 : f32
      %broadcast_in_dim3A_269 = vector.broadcast %broadcast_in_dim3A_268 : f32 to vector<16xf32>
      %swap3A_270 = arith.index_cast %scan3A_255 : i32 to index
      %swap3A_271 = arith.constant 32 : index
      %swap3A_272 = tpu.vector_load %arg12[%swap3A_270, %swap3A_271] {strides = array<i32>} : memref<128x128xf32, #tpu.memory_space<vmem>>, vector<1x16xf32>,
      %swap3A_273 = vector.shape_cast %swap3A_272 : vector<1x16xf32> to vector<16xf32>
      %swap3A_274 = vector.shape_cast %broadcast_in_dim3A_269 : vector<16xf32> to vector<1x16xf32>
      tpu.vector_store %arg12[%swap3A_270, %swap3A_271], %swap3A_274 {strides = array<i32>} : memref<128x128xf32, #tpu.memory_space<vmem>>, vector<1x16xf32>,
      %broadcast_in_dim3A_275 = arith.constant 0.000000e+00 : f32
      %broadcast_in_dim3A_276 = vector.broadcast %broadcast_in_dim3A_275 : f32 to vector<16xf32>
      %swap3A_277 = arith.index_cast %scan3A_255 : i32 to index
      %swap3A_278 = arith.constant 48 : index
      %swap3A_279 = tpu.vector_load %arg12[%swap3A_277, %swap3A_278] {strides = array<i32>} : memref<128x128xf32, #tpu.memory_space<vmem>>, vector<1x16xf32>,
      %swap3A_280 = vector.shape_cast %swap3A_279 : vector<1x16xf32> to vector<16xf32>
      %swap3A_281 = vector.shape_cast %broadcast_in_dim3A_276 : vector<16xf32> to vector<1x16xf32>
      tpu.vector_store %arg12[%swap3A_277, %swap3A_278], %swap3A_281 {strides = array<i32>} : memref<128x128xf32, #tpu.memory_space<vmem>>, vector<1x16xf32>,
      %broadcast_in_dim3A_282 = arith.constant 0.000000e+00 : f32
      %broadcast_in_dim3A_283 = vector.broadcast %broadcast_in_dim3A_282 : f32 to vector<16xf32>
      %swap3A_284 = arith.index_cast %scan3A_255 : i32 to index
      %swap3A_285 = arith.constant 64 : index
      %swap3A_286 = tpu.vector_load %arg12[%swap3A_284, %swap3A_285] {strides = array<i32>} : memref<128x128xf32, #tpu.memory_space<vmem>>, vector<1x16xf32>,
      %swap3A_287 = vector.shape_cast %swap3A_286 : vector<1x16xf32> to vector<16xf32>
      %swap3A_288 = vector.shape_cast %broadcast_in_dim3A_283 : vector<16xf32> to vector<1x16xf32>
      tpu.vector_store %arg12[%swap3A_284, %swap3A_285], %swap3A_288 {strides = array<i32>} : memref<128x128xf32, #tpu.memory_space<vmem>>, vector<1x16xf32>,
      %broadcast_in_dim3A_289 = arith.constant 0.000000e+00 : f32
      %broadcast_in_dim3A_290 = vector.broadcast %broadcast_in_dim3A_289 : f32 to vector<16xf32>
      %swap3A_291 = arith.index_cast %scan3A_255 : i32 to index
      %swap3A_292 = arith.constant 80 : index
      %swap3A_293 = tpu.vector_load %arg12[%swap3A_291, %swap3A_292] {strides = array<i32>} : memref<128x128xf32, #tpu.memory_space<vmem>>, vector<1x16xf32>,
      %swap3A_294 = vector.shape_cast %swap3A_293 : vector<1x16xf32> to vector<16xf32>
      %swap3A_295 = vector.shape_cast %broadcast_in_dim3A_290 : vector<16xf32> to vector<1x16xf32>
      tpu.vector_store %arg12[%swap3A_291, %swap3A_292], %swap3A_295 {strides = array<i32>} : memref<128x128xf32, #tpu.memory_space<vmem>>, vector<1x16xf32>,
      %broadcast_in_dim3A_296 = arith.constant 0.000000e+00 : f32
      %broadcast_in_dim3A_297 = vector.broadcast %broadcast_in_dim3A_296 : f32 to vector<16xf32>
      %swap3A_298 = arith.index_cast %scan3A_255 : i32 to index
      %swap3A_299 = arith.constant 96 : index
      %swap3A_300 = tpu.vector_load %arg12[%swap3A_298, %swap3A_299] {strides = array<i32>} : memref<128x128xf32, #tpu.memory_space<vmem>>, vector<1x16xf32>,
      %swap3A_301 = vector.shape_cast %swap3A_300 : vector<1x16xf32> to vector<16xf32>
      %swap3A_302 = vector.shape_cast %broadcast_in_dim3A_297 : vector<16xf32> to vector<1x16xf32>
      tpu.vector_store %arg12[%swap3A_298, %swap3A_299], %swap3A_302 {strides = array<i32>} : memref<128x128xf32, #tpu.memory_space<vmem>>, vector<1x16xf32>,
      %broadcast_in_dim3A_303 = arith.constant 0.000000e+00 : f32
      %broadcast_in_dim3A_304 = vector.broadcast %broadcast_in_dim3A_303 : f32 to vector<16xf32>
      %swap3A_305 = arith.index_cast %scan3A_255 : i32 to index
      %swap3A_306 = arith.constant 112 : index
      %swap3A_307 = tpu.vector_load %arg12[%swap3A_305, %swap3A_306] {strides = array<i32>} : memref<128x128xf32, #tpu.memory_space<vmem>>, vector<1x16xf32>,
      %swap3A_308 = vector.shape_cast %swap3A_307 : vector<1x16xf32> to vector<16xf32>
      %swap3A_309 = vector.shape_cast %broadcast_in_dim3A_304 : vector<16xf32> to vector<1x16xf32>
      tpu.vector_store %arg12[%swap3A_305, %swap3A_306], %swap3A_309 {strides = array<i32>} : memref<128x128xf32, #tpu.memory_space<vmem>>, vector<1x16xf32>,
    }
    %scan3A_32 = arith.constant 128 : i32
    %scan3A_33 = arith.constant 0 : i32
    %scan3A_34 = arith.constant 0 : i32
    %scan3A_35 = arith.constant 8 : i32
    %scan3A_36 = arith.addi %scan3A_34, %scan3A_35 : i32
    %scan3A_37 = arith.constant 1 : i32
    scf.for %scan3A_255 = %scan3A_34 to %scan3A_36 step %scan3A_37  : i32 {
      %mul3A_256 = arith.constant 632 : i32
      %mul3A_257 = arith.muli %arg1, %mul3A_256 : i32
      %mul3A_258 = arith.constant 79 : i32
      %mul3A_259 = arith.muli %scan3A_255, %mul3A_258 : i32
      %add3A_260 = arith.addi %mul3A_257, %mul3A_259 : i32
      %dma_start3A_261 = arith.constant 0 : i32
      %dma_start3A_262 = arith.constant 0 : i32
      %dma_start3A_263 = tpu.memref_slice %arg12[%dma_start3A_261, %dma_start3A_262] : memref<128x128xf32, #tpu.memory_space<vmem>> -> memref<79x128xf32, #tpu.memory_space<vmem>>
      %dma_start3A_264 = arith.constant 0 : i32
      %dma_start3A_265 = tpu.memref_slice %arg15[%add3A_260, %dma_start3A_264] : memref<10112x128xf32, #tpu.memory_space<vmem_shared>> -> memref<79x128xf32, #tpu.memory_space<vmem_shared>>
      %dma_start3A_266 = arith.constant 0 : i32
      %dma_start3A_267 = tpu.memref_slice %arg15[%add3A_260, %dma_start3A_266] : memref<10112x128xf32, #tpu.memory_space<vmem_shared>> -> memref<79x128xf32, #tpu.memory_space<vmem_shared>>
      %dma_start3A_268 = arith.constant 0 : i32
      %dma_start3A_269 = arith.constant 0 : i32
      %dma_start3A_270 = tpu.memref_slice %arg12[%dma_start3A_268, %dma_start3A_269] : memref<128x128xf32, #tpu.memory_space<vmem>> -> memref<79x128xf32, #tpu.memory_space<vmem>>
      tpu.enqueue_dma source(%dma_start3A_270 : memref<79x128xf32, #tpu.memory_space<vmem>>) target(%dma_start3A_267 : memref<79x128xf32, #tpu.memory_space<vmem_shared>>) target_semaphore(%arg16 : memref<!tpu.dma_semaphore, #tpu.memory_space<semaphore_mem>>)
    }
    %scan3A_38 = arith.constant 8 : i32
    %scan3A_39 = arith.constant 0 : i32
    %scan3A_40 = arith.constant 0 : i32
    %scan3A_41 = arith.constant 8 : i32
    %scan3A_42 = arith.addi %scan3A_40, %scan3A_41 : i32
    %scan3A_43 = arith.constant 1 : i32
    scf.for %scan3A_255 = %scan3A_40 to %scan3A_42 step %scan3A_43  : i32 {
      %mul3A_256 = arith.constant 632 : i32
      %mul3A_257 = arith.muli %arg1, %mul3A_256 : i32
      %dma_wait3A_258 = arith.constant 0 : i32
      %dma_wait3A_259 = arith.constant 0 : i32
      %dma_wait3A_260 = tpu.memref_slice %arg12[%dma_wait3A_258, %dma_wait3A_259] : memref<128x128xf32, #tpu.memory_space<vmem>> -> memref<79x128xf32, #tpu.memory_space<vmem>>
      %dma_wait3A_261 = arith.constant 0 : i32
      %dma_wait3A_262 = tpu.memref_slice %arg15[%mul3A_257, %dma_wait3A_261] : memref<10112x128xf32, #tpu.memory_space<vmem_shared>> -> memref<79x128xf32, #tpu.memory_space<vmem_shared>>
      %dma_wait3A_263 = arith.constant 0 : i32
      %dma_wait3A_264 = tpu.memref_slice %arg15[%mul3A_257, %dma_wait3A_263] : memref<10112x128xf32, #tpu.memory_space<vmem_shared>> -> memref<79x128xf32, #tpu.memory_space<vmem_shared>>
      %dma_wait3A_265 = arith.constant 0 : i32
      %dma_wait3A_266 = arith.constant 0 : i32
      %dma_wait3A_267 = tpu.memref_slice %arg12[%dma_wait3A_265, %dma_wait3A_266] : memref<128x128xf32, #tpu.memory_space<vmem>> -> memref<79x128xf32, #tpu.memory_space<vmem>>
      tpu.wait_dma2 semaphore(%arg16 : memref<!tpu.dma_semaphore, #tpu.memory_space<semaphore_mem>>) src(%dma_wait3A_267 : memref<79x128xf32, #tpu.memory_space<vmem>>) dst(%dma_wait3A_264 : memref<79x128xf32, #tpu.memory_space<vmem_shared>>)
    }
    %scan3A_44 = arith.constant 8 : i32
    %barrier3A = arith.constant 0 : index
    tpu.barrier barrier_id(%barrier3A)
    %dma_wait3A = tpu.memref_slice %arg3[%mul3A_4] : memref<328704xi32, #tpu.memory_space<hbm>> -> memref<128xi32, #tpu.memory_space<hbm>>
    %dma_wait3A_45 = tpu.memref_slice %arg3[%mul3A_4] : memref<328704xi32, #tpu.memory_space<hbm>> -> memref<128xi32, #tpu.memory_space<hbm>>
    tpu.wait_dma2 semaphore(%arg19 : memref<!tpu.dma_semaphore, #tpu.memory_space<semaphore_mem>>) src(%dma_wait3A_45 : memref<128xi32, #tpu.memory_space<hbm>>) dst(%arg6 : memref<128xi32, #tpu.memory_space<vmem>>)
    %dma_wait3A_46 = tpu.memref_slice %arg4[%mul3A_4] : memref<328704xi32, #tpu.memory_space<hbm>> -> memref<128xi32, #tpu.memory_space<hbm>>
    %dma_wait3A_47 = tpu.memref_slice %arg4[%mul3A_4] : memref<328704xi32, #tpu.memory_space<hbm>> -> memref<128xi32, #tpu.memory_space<hbm>>
    tpu.wait_dma2 semaphore(%arg19 : memref<!tpu.dma_semaphore, #tpu.memory_space<semaphore_mem>>) src(%dma_wait3A_47 : memref<128xi32, #tpu.memory_space<hbm>>) dst(%arg9 : memref<128xi32, #tpu.memory_space<vmem>>)
    %dma_start3A_48 = arith.constant 0 : i32
    %dma_start3A_49 = arith.constant 0 : i32
    %dma_start3A_50 = tpu.memref_slice %arg2[%dma_start3A_48, %dma_start3A_49] : memref<10000x128xf32, #tpu.memory_space<hbm>> -> memref<10000x128xf32, #tpu.memory_space<hbm>>
    tpu.enqueue_indirect_dma source(%dma_start3A_50 : memref<10000x128xf32, #tpu.memory_space<hbm>>) target(%arg12 : memref<128x128xf32, #tpu.memory_space<vmem>>) offsets(%arg6 : memref<128xi32, #tpu.memory_space<vmem>>) semaphore(%arg16 : memref<!tpu.dma_semaphore, #tpu.memory_space<semaphore_mem>>)
    %dma_wait3A_51 = tpu.memref_slice %arg3[%mul3A_4] : memref<328704xi32, #tpu.memory_space<hbm>> -> memref<128xi32, #tpu.memory_space<hbm>>
    %dma_wait3A_52 = tpu.memref_slice %arg3[%mul3A_4] : memref<328704xi32, #tpu.memory_space<hbm>> -> memref<128xi32, #tpu.memory_space<hbm>>
    tpu.wait_dma2 semaphore(%arg20 : memref<!tpu.dma_semaphore, #tpu.memory_space<semaphore_mem>>) src(%dma_wait3A_52 : memref<128xi32, #tpu.memory_space<hbm>>) dst(%arg7 : memref<128xi32, #tpu.memory_space<vmem>>)
    %dma_wait3A_53 = tpu.memref_slice %arg4[%mul3A_4] : memref<328704xi32, #tpu.memory_space<hbm>> -> memref<128xi32, #tpu.memory_space<hbm>>
    %dma_wait3A_54 = tpu.memref_slice %arg4[%mul3A_4] : memref<328704xi32, #tpu.memory_space<hbm>> -> memref<128xi32, #tpu.memory_space<hbm>>
    tpu.wait_dma2 semaphore(%arg20 : memref<!tpu.dma_semaphore, #tpu.memory_space<semaphore_mem>>) src(%dma_wait3A_54 : memref<128xi32, #tpu.memory_space<hbm>>) dst(%arg10 : memref<128xi32, #tpu.memory_space<vmem>>)
    %dma_start3A_55 = arith.constant 0 : i32
    %dma_start3A_56 = arith.constant 0 : i32
    %dma_start3A_57 = tpu.memref_slice %arg2[%dma_start3A_55, %dma_start3A_56] : memref<10000x128xf32, #tpu.memory_space<hbm>> -> memref<10000x128xf32, #tpu.memory_space<hbm>>
    tpu.enqueue_indirect_dma source(%dma_start3A_57 : memref<10000x128xf32, #tpu.memory_space<hbm>>) target(%arg13 : memref<128x128xf32, #tpu.memory_space<vmem>>) offsets(%arg7 : memref<128xi32, #tpu.memory_space<vmem>>) semaphore(%arg17 : memref<!tpu.dma_semaphore, #tpu.memory_space<semaphore_mem>>)
    %scan3A_58 = arith.constant 0 : i32
    %scan3A_59 = arith.constant 0 : i32
    %scan3A_60 = arith.constant 26 : i32
    %scan3A_61 = arith.addi %scan3A_59, %scan3A_60 : i32
    %scan3A_62 = arith.constant 1 : i32
    scf.for %scan3A_255 = %scan3A_59 to %scan3A_61 step %scan3A_62  : i32 {
      %mul3A_256 = arith.constant 3 : i32
      %mul3A_257 = arith.muli %mul3A_256, %scan3A_255 : i32
      %add3A_258 = arith.constant 0 : i32
      %add3A_259 = arith.addi %mul3A_257, %add3A_258 : i32
      %dma_wait3A_260 = arith.constant 0 : i32
      %dma_wait3A_261 = arith.constant 0 : i32
      %dma_wait3A_262 = tpu.memref_slice %arg2[%dma_wait3A_260, %dma_wait3A_261] : memref<10000x128xf32, #tpu.memory_space<hbm>> -> memref<10000x128xf32, #tpu.memory_space<hbm>>
      tpu.wait_indirect_dma semaphore(%arg16 : memref<!tpu.dma_semaphore, #tpu.memory_space<semaphore_mem>>) src(%dma_wait3A_262 : memref<10000x128xf32, #tpu.memory_space<hbm>>) dst(%arg12 : memref<128x128xf32, #tpu.memory_space<vmem>>)
      "tpu.region"() ({
        %run_scoped3A = tpu.sem_alloc : memref<!tpu.dma_semaphore, #tpu.memory_space<semaphore_mem>>
        %dma_start3A_334 = arith.constant 0 : i32
        %dma_start3A_335 = arith.constant 0 : i32
        %dma_start3A_336 = tpu.memref_slice %arg15[%dma_start3A_334, %dma_start3A_335] : memref<10112x128xf32, #tpu.memory_space<vmem_shared>> -> memref<10112x128xf32, #tpu.memory_space<vmem_shared>>
        tpu.enqueue_indirect_dma source(%arg12 : memref<128x128xf32, #tpu.memory_space<vmem>>) target(%dma_start3A_336 : memref<10112x128xf32, #tpu.memory_space<vmem_shared>>) offsets(%arg9 : memref<128xi32, #tpu.memory_space<vmem>>) semaphore(%run_scoped3A : memref<!tpu.dma_semaphore, #tpu.memory_space<semaphore_mem>>) {add = true}
        %dma_wait3A_337 = arith.constant 0 : i32
        %dma_wait3A_338 = arith.constant 0 : i32
        %dma_wait3A_339 = tpu.memref_slice %arg15[%dma_wait3A_337, %dma_wait3A_338] : memref<10112x128xf32, #tpu.memory_space<vmem_shared>> -> memref<10112x128xf32, #tpu.memory_space<vmem_shared>>
        tpu.wait_indirect_dma semaphore(%run_scoped3A : memref<!tpu.dma_semaphore, #tpu.memory_space<semaphore_mem>>) src(%arg12 : memref<128x128xf32, #tpu.memory_space<vmem>>) dst(%dma_wait3A_339 : memref<10112x128xf32, #tpu.memory_space<vmem_shared>>)
        tpu.yield
      }) : () -> ()
      %dma_wait3A_263 = tpu.memref_slice %arg3[%mul3A_4] : memref<328704xi32, #tpu.memory_space<hbm>> -> memref<128xi32, #tpu.memory_space<hbm>>
      %dma_wait3A_264 = tpu.memref_slice %arg3[%mul3A_4] : memref<328704xi32, #tpu.memory_space<hbm>> -> memref<128xi32, #tpu.memory_space<hbm>>
      tpu.wait_dma2 semaphore(%arg21 : memref<!tpu.dma_semaphore, #tpu.memory_space<semaphore_mem>>) src(%dma_wait3A_264 : memref<128xi32, #tpu.memory_space<hbm>>) dst(%arg8 : memref<128xi32, #tpu.memory_space<vmem>>)
      %dma_wait3A_265 = tpu.memref_slice %arg4[%mul3A_4] : memref<328704xi32, #tpu.memory_space<hbm>> -> memref<128xi32, #tpu.memory_space<hbm>>
      %dma_wait3A_266 = tpu.memref_slice %arg4[%mul3A_4] : memref<328704xi32, #tpu.memory_space<hbm>> -> memref<128xi32, #tpu.memory_space<hbm>>
      tpu.wait_dma2 semaphore(%arg21 : memref<!tpu.dma_semaphore, #tpu.memory_space<semaphore_mem>>) src(%dma_wait3A_266 : memref<128xi32, #tpu.memory_space<hbm>>) dst(%arg11 : memref<128xi32, #tpu.memory_space<vmem>>)
      %dma_start3A_267 = arith.constant 0 : i32
      %dma_start3A_268 = arith.constant 0 : i32
      %dma_start3A_269 = tpu.memref_slice %arg2[%dma_start3A_267, %dma_start3A_268] : memref<10000x128xf32, #tpu.memory_space<hbm>> -> memref<10000x128xf32, #tpu.memory_space<hbm>>
      tpu.enqueue_indirect_dma source(%dma_start3A_269 : memref<10000x128xf32, #tpu.memory_space<hbm>>) target(%arg14 : memref<128x128xf32, #tpu.memory_space<vmem>>) offsets(%arg8 : memref<128xi32, #tpu.memory_space<vmem>>) semaphore(%arg18 : memref<!tpu.dma_semaphore, #tpu.memory_space<semaphore_mem>>)
      %add3A_270 = arith.constant 3 : i32
      %add3A_271 = arith.addi %add3A_259, %add3A_270 : i32
      %mul3A_272 = arith.constant 128 : i32
      %mul3A_273 = arith.muli %add3A_271, %mul3A_272 : i32
      %add3A_274 = arith.addi %mul3A_4, %mul3A_273 : i32
      %dma_start3A_275 = tpu.memref_slice %arg3[%add3A_274] : memref<328704xi32, #tpu.memory_space<hbm>> -> memref<128xi32, #tpu.memory_space<hbm>>
      %dma_start3A_276 = tpu.memref_slice %arg3[%add3A_274] : memref<328704xi32, #tpu.memory_space<hbm>> -> memref<128xi32, #tpu.memory_space<hbm>>
      tpu.enqueue_dma source(%dma_start3A_276 : memref<128xi32, #tpu.memory_space<hbm>>) target(%arg6 : memref<128xi32, #tpu.memory_space<vmem>>) target_semaphore(%arg19 : memref<!tpu.dma_semaphore, #tpu.memory_space<semaphore_mem>>)
      %mul3A_277 = arith.constant 128 : i32
      %mul3A_278 = arith.muli %add3A_271, %mul3A_277 : i32
      %add3A_279 = arith.addi %mul3A_4, %mul3A_278 : i32
      %dma_start3A_280 = tpu.memref_slice %arg4[%add3A_279] : memref<328704xi32, #tpu.memory_space<hbm>> -> memref<128xi32, #tpu.memory_space<hbm>>
      %dma_start3A_281 = tpu.memref_slice %arg4[%add3A_279] : memref<328704xi32, #tpu.memory_space<hbm>> -> memref<128xi32, #tpu.memory_space<hbm>>
      tpu.enqueue_dma source(%dma_start3A_281 : memref<128xi32, #tpu.memory_space<hbm>>) target(%arg9 : memref<128xi32, #tpu.memory_space<vmem>>) target_semaphore(%arg19 : memref<!tpu.dma_semaphore, #tpu.memory_space<semaphore_mem>>)
      %mul3A_282 = arith.constant 3 : i32
      %mul3A_283 = arith.muli %mul3A_282, %scan3A_255 : i32
      %add3A_284 = arith.constant 1 : i32
      %add3A_285 = arith.addi %mul3A_283, %add3A_284 : i32
      %dma_wait3A_286 = arith.constant 0 : i32
      %dma_wait3A_287 = arith.constant 0 : i32
      %dma_wait3A_288 = tpu.memref_slice %arg2[%dma_wait3A_286, %dma_wait3A_287] : memref<10000x128xf32, #tpu.memory_space<hbm>> -> memref<10000x128xf32, #tpu.memory_space<hbm>>
      tpu.wait_indirect_dma semaphore(%arg17 : memref<!tpu.dma_semaphore, #tpu.memory_space<semaphore_mem>>) src(%dma_wait3A_288 : memref<10000x128xf32, #tpu.memory_space<hbm>>) dst(%arg13 : memref<128x128xf32, #tpu.memory_space<vmem>>)
      "tpu.region"() ({
        %run_scoped3A = tpu.sem_alloc : memref<!tpu.dma_semaphore, #tpu.memory_space<semaphore_mem>>
        %dma_start3A_334 = arith.constant 0 : i32
        %dma_start3A_335 = arith.constant 0 : i32
        %dma_start3A_336 = tpu.memref_slice %arg15[%dma_start3A_334, %dma_start3A_335] : memref<10112x128xf32, #tpu.memory_space<vmem_shared>> -> memref<10112x128xf32, #tpu.memory_space<vmem_shared>>
        tpu.enqueue_indirect_dma source(%arg13 : memref<128x128xf32, #tpu.memory_space<vmem>>) target(%dma_start3A_336 : memref<10112x128xf32, #tpu.memory_space<vmem_shared>>) offsets(%arg10 : memref<128xi32, #tpu.memory_space<vmem>>) semaphore(%run_scoped3A : memref<!tpu.dma_semaphore, #tpu.memory_space<semaphore_mem>>) {add = true}
        %dma_wait3A_337 = arith.constant 0 : i32
        %dma_wait3A_338 = arith.constant 0 : i32
        %dma_wait3A_339 = tpu.memref_slice %arg15[%dma_wait3A_337, %dma_wait3A_338] : memref<10112x128xf32, #tpu.memory_space<vmem_shared>> -> memref<10112x128xf32, #tpu.memory_space<vmem_shared>>
        tpu.wait_indirect_dma semaphore(%run_scoped3A : memref<!tpu.dma_semaphore, #tpu.memory_space<semaphore_mem>>) src(%arg13 : memref<128x128xf32, #tpu.memory_space<vmem>>) dst(%dma_wait3A_339 : memref<10112x128xf32, #tpu.memory_space<vmem_shared>>)
        tpu.yield
      }) : () -> ()
      %dma_wait3A_289 = tpu.memref_slice %arg3[%mul3A_4] : memref<328704xi32, #tpu.memory_space<hbm>> -> memref<128xi32, #tpu.memory_space<hbm>>
      %dma_wait3A_290 = tpu.memref_slice %arg3[%mul3A_4] : memref<328704xi32, #tpu.memory_space<hbm>> -> memref<128xi32, #tpu.memory_space<hbm>>
      tpu.wait_dma2 semaphore(%arg19 : memref<!tpu.dma_semaphore, #tpu.memory_space<semaphore_mem>>) src(%dma_wait3A_290 : memref<128xi32, #tpu.memory_space<hbm>>) dst(%arg6 : memref<128xi32, #tpu.memory_space<vmem>>)
      %dma_wait3A_291 = tpu.memref_slice %arg4[%mul3A_4] : memref<328704xi32, #tpu.memory_space<hbm>> -> memref<128xi32, #tpu.memory_space<hbm>>
      %dma_wait3A_292 = tpu.memref_slice %arg4[%mul3A_4] : memref<328704xi32, #tpu.memory_space<hbm>> -> memref<128xi32, #tpu.memory_space<hbm>>
      tpu.wait_dma2 semaphore(%arg19 : memref<!tpu.dma_semaphore, #tpu.memory_space<semaphore_mem>>) src(%dma_wait3A_292 : memref<128xi32, #tpu.memory_space<hbm>>) dst(%arg9 : memref<128xi32, #tpu.memory_space<vmem>>)
      %dma_start3A_293 = arith.constant 0 : i32
      %dma_start3A_294 = arith.constant 0 : i32
      %dma_start3A_295 = tpu.memref_slice %arg2[%dma_start3A_293, %dma_start3A_294] : memref<10000x128xf32, #tpu.memory_space<hbm>> -> memref<10000x128xf32, #tpu.memory_space<hbm>>
      tpu.enqueue_indirect_dma source(%dma_start3A_295 : memref<10000x128xf32, #tpu.memory_space<hbm>>) target(%arg12 : memref<128x128xf32, #tpu.memory_space<vmem>>) offsets(%arg6 : memref<128xi32, #tpu.memory_space<vmem>>) semaphore(%arg16 : memref<!tpu.dma_semaphore, #tpu.memory_space<semaphore_mem>>)
      %add3A_296 = arith.constant 3 : i32
      %add3A_297 = arith.addi %add3A_285, %add3A_296 : i32
      %mul3A_298 = arith.constant 128 : i32
      %mul3A_299 = arith.muli %add3A_297, %mul3A_298 : i32
      %add3A_300 = arith.addi %mul3A_4, %mul3A_299 : i32
      %dma_start3A_301 = tpu.memref_slice %arg3[%add3A_300] : memref<328704xi32, #tpu.memory_space<hbm>> -> memref<128xi32, #tpu.memory_space<hbm>>
      %dma_start3A_302 = tpu.memref_slice %arg3[%add3A_300] : memref<328704xi32, #tpu.memory_space<hbm>> -> memref<128xi32, #tpu.memory_space<hbm>>
      tpu.enqueue_dma source(%dma_start3A_302 : memref<128xi32, #tpu.memory_space<hbm>>) target(%arg7 : memref<128xi32, #tpu.memory_space<vmem>>) target_semaphore(%arg20 : memref<!tpu.dma_semaphore, #tpu.memory_space<semaphore_mem>>)
      %mul3A_303 = arith.constant 128 : i32
      %mul3A_304 = arith.muli %add3A_297, %mul3A_303 : i32
      %add3A_305 = arith.addi %mul3A_4, %mul3A_304 : i32
      %dma_start3A_306 = tpu.memref_slice %arg4[%add3A_305] : memref<328704xi32, #tpu.memory_space<hbm>> -> memref<128xi32, #tpu.memory_space<hbm>>
      %dma_start3A_307 = tpu.memref_slice %arg4[%add3A_305] : memref<328704xi32, #tpu.memory_space<hbm>> -> memref<128xi32, #tpu.memory_space<hbm>>
      tpu.enqueue_dma source(%dma_start3A_307 : memref<128xi32, #tpu.memory_space<hbm>>) target(%arg10 : memref<128xi32, #tpu.memory_space<vmem>>) target_semaphore(%arg20 : memref<!tpu.dma_semaphore, #tpu.memory_space<semaphore_mem>>)
      %mul3A_308 = arith.constant 3 : i32
      %mul3A_309 = arith.muli %mul3A_308, %scan3A_255 : i32
      %add3A_310 = arith.constant 2 : i32
      %add3A_311 = arith.addi %mul3A_309, %add3A_310 : i32
      %dma_wait3A_312 = arith.constant 0 : i32
      %dma_wait3A_313 = arith.constant 0 : i32
      %dma_wait3A_314 = tpu.memref_slice %arg2[%dma_wait3A_312, %dma_wait3A_313] : memref<10000x128xf32, #tpu.memory_space<hbm>> -> memref<10000x128xf32, #tpu.memory_space<hbm>>
      tpu.wait_indirect_dma semaphore(%arg18 : memref<!tpu.dma_semaphore, #tpu.memory_space<semaphore_mem>>) src(%dma_wait3A_314 : memref<10000x128xf32, #tpu.memory_space<hbm>>) dst(%arg14 : memref<128x128xf32, #tpu.memory_space<vmem>>)
      "tpu.region"() ({
        %run_scoped3A = tpu.sem_alloc : memref<!tpu.dma_semaphore, #tpu.memory_space<semaphore_mem>>
        %dma_start3A_334 = arith.constant 0 : i32
        %dma_start3A_335 = arith.constant 0 : i32
        %dma_start3A_336 = tpu.memref_slice %arg15[%dma_start3A_334, %dma_start3A_335] : memref<10112x128xf32, #tpu.memory_space<vmem_shared>> -> memref<10112x128xf32, #tpu.memory_space<vmem_shared>>
        tpu.enqueue_indirect_dma source(%arg14 : memref<128x128xf32, #tpu.memory_space<vmem>>) target(%dma_start3A_336 : memref<10112x128xf32, #tpu.memory_space<vmem_shared>>) offsets(%arg11 : memref<128xi32, #tpu.memory_space<vmem>>) semaphore(%run_scoped3A : memref<!tpu.dma_semaphore, #tpu.memory_space<semaphore_mem>>) {add = true}
        %dma_wait3A_337 = arith.constant 0 : i32
        %dma_wait3A_338 = arith.constant 0 : i32
        %dma_wait3A_339 = tpu.memref_slice %arg15[%dma_wait3A_337, %dma_wait3A_338] : memref<10112x128xf32, #tpu.memory_space<vmem_shared>> -> memref<10112x128xf32, #tpu.memory_space<vmem_shared>>
        tpu.wait_indirect_dma semaphore(%run_scoped3A : memref<!tpu.dma_semaphore, #tpu.memory_space<semaphore_mem>>) src(%arg14 : memref<128x128xf32, #tpu.memory_space<vmem>>) dst(%dma_wait3A_339 : memref<10112x128xf32, #tpu.memory_space<vmem_shared>>)
        tpu.yield
      }) : () -> ()
      %dma_wait3A_315 = tpu.memref_slice %arg3[%mul3A_4] : memref<328704xi32, #tpu.memory_space<hbm>> -> memref<128xi32, #tpu.memory_space<hbm>>
      %dma_wait3A_316 = tpu.memref_slice %arg3[%mul3A_4] : memref<328704xi32, #tpu.memory_space<hbm>> -> memref<128xi32, #tpu.memory_space<hbm>>
      tpu.wait_dma2 semaphore(%arg20 : memref<!tpu.dma_semaphore, #tpu.memory_space<semaphore_mem>>) src(%dma_wait3A_316 : memref<128xi32, #tpu.memory_space<hbm>>) dst(%arg7 : memref<128xi32, #tpu.memory_space<vmem>>)
      %dma_wait3A_317 = tpu.memref_slice %arg4[%mul3A_4] : memref<328704xi32, #tpu.memory_space<hbm>> -> memref<128xi32, #tpu.memory_space<hbm>>
      %dma_wait3A_318 = tpu.memref_slice %arg4[%mul3A_4] : memref<328704xi32, #tpu.memory_space<hbm>> -> memref<128xi32, #tpu.memory_space<hbm>>
      tpu.wait_dma2 semaphore(%arg20 : memref<!tpu.dma_semaphore, #tpu.memory_space<semaphore_mem>>) src(%dma_wait3A_318 : memref<128xi32, #tpu.memory_space<hbm>>) dst(%arg10 : memref<128xi32, #tpu.memory_space<vmem>>)
      %dma_start3A_319 = arith.constant 0 : i32
      %dma_start3A_320 = arith.constant 0 : i32
      %dma_start3A_321 = tpu.memref_slice %arg2[%dma_start3A_319, %dma_start3A_320] : memref<10000x128xf32, #tpu.memory_space<hbm>> -> memref<10000x128xf32, #tpu.memory_space<hbm>>
      tpu.enqueue_indirect_dma source(%dma_start3A_321 : memref<10000x128xf32, #tpu.memory_space<hbm>>) target(%arg13 : memref<128x128xf32, #tpu.memory_space<vmem>>) offsets(%arg7 : memref<128xi32, #tpu.memory_space<vmem>>) semaphore(%arg17 : memref<!tpu.dma_semaphore, #tpu.memory_space<semaphore_mem>>)
      %add3A_322 = arith.constant 3 : i32
      %add3A_323 = arith.addi %add3A_311, %add3A_322 : i32
      %mul3A_324 = arith.constant 128 : i32
      %mul3A_325 = arith.muli %add3A_323, %mul3A_324 : i32
      %add3A_326 = arith.addi %mul3A_4, %mul3A_325 : i32
      %dma_start3A_327 = tpu.memref_slice %arg3[%add3A_326] : memref<328704xi32, #tpu.memory_space<hbm>> -> memref<128xi32, #tpu.memory_space<hbm>>
      %dma_start3A_328 = tpu.memref_slice %arg3[%add3A_326] : memref<328704xi32, #tpu.memory_space<hbm>> -> memref<128xi32, #tpu.memory_space<hbm>>
      tpu.enqueue_dma source(%dma_start3A_328 : memref<128xi32, #tpu.memory_space<hbm>>) target(%arg8 : memref<128xi32, #tpu.memory_space<vmem>>) target_semaphore(%arg21 : memref<!tpu.dma_semaphore, #tpu.memory_space<semaphore_mem>>)
      %mul3A_329 = arith.constant 128 : i32
      %mul3A_330 = arith.muli %add3A_323, %mul3A_329 : i32
      %add3A_331 = arith.addi %mul3A_4, %mul3A_330 : i32
      %dma_start3A_332 = tpu.memref_slice %arg4[%add3A_331] : memref<328704xi32, #tpu.memory_space<hbm>> -> memref<128xi32, #tpu.memory_space<hbm>>
      %dma_start3A_333 = tpu.memref_slice %arg4[%add3A_331] : memref<328704xi32, #tpu.memory_space<hbm>> -> memref<128xi32, #tpu.memory_space<hbm>>
      tpu.enqueue_dma source(%dma_start3A_333 : memref<128xi32, #tpu.memory_space<hbm>>) target(%arg11 : memref<128xi32, #tpu.memory_space<vmem>>) target_semaphore(%arg21 : memref<!tpu.dma_semaphore, #tpu.memory_space<semaphore_mem>>)
    }
    %scan3A_63 = arith.constant 26 : i32
    %dma_wait3A_64 = arith.constant 0 : i32
    %dma_wait3A_65 = arith.constant 0 : i32
    %dma_wait3A_66 = tpu.memref_slice %arg2[%dma_wait3A_64, %dma_wait3A_65] : memref<10000x128xf32, #tpu.memory_space<hbm>> -> memref<10000x128xf32, #tpu.memory_space<hbm>>
    tpu.wait_indirect_dma semaphore(%arg16 : memref<!tpu.dma_semaphore, #tpu.memory_space<semaphore_mem>>) src(%dma_wait3A_66 : memref<10000x128xf32, #tpu.memory_space<hbm>>) dst(%arg12 : memref<128x128xf32, #tpu.memory_space<vmem>>)
    "tpu.region"() ({
      %run_scoped3A = tpu.sem_alloc : memref<!tpu.dma_semaphore, #tpu.memory_space<semaphore_mem>>
      %dma_start3A_255 = arith.constant 0 : i32
      %dma_start3A_256 = arith.constant 0 : i32
      %dma_start3A_257 = tpu.memref_slice %arg15[%dma_start3A_255, %dma_start3A_256] : memref<10112x128xf32, #tpu.memory_space<vmem_shared>> -> memref<10112x128xf32, #tpu.memory_space<vmem_shared>>
      tpu.enqueue_indirect_dma source(%arg12 : memref<128x128xf32, #tpu.memory_space<vmem>>) target(%dma_start3A_257 : memref<10112x128xf32, #tpu.memory_space<vmem_shared>>) offsets(%arg9 : memref<128xi32, #tpu.memory_space<vmem>>) semaphore(%run_scoped3A : memref<!tpu.dma_semaphore, #tpu.memory_space<semaphore_mem>>) {add = true}
      %dma_wait3A_258 = arith.constant 0 : i32
      %dma_wait3A_259 = arith.constant 0 : i32
      %dma_wait3A_260 = tpu.memref_slice %arg15[%dma_wait3A_258, %dma_wait3A_259] : memref<10112x128xf32, #tpu.memory_space<vmem_shared>> -> memref<10112x128xf32, #tpu.memory_space<vmem_shared>>
      tpu.wait_indirect_dma semaphore(%run_scoped3A : memref<!tpu.dma_semaphore, #tpu.memory_space<semaphore_mem>>) src(%arg12 : memref<128x128xf32, #tpu.memory_space<vmem>>) dst(%dma_wait3A_260 : memref<10112x128xf32, #tpu.memory_space<vmem_shared>>)
      tpu.yield
    }) : () -> ()
    %dma_wait3A_67 = arith.constant 0 : i32
    %dma_wait3A_68 = arith.constant 0 : i32
    %dma_wait3A_69 = tpu.memref_slice %arg2[%dma_wait3A_67, %dma_wait3A_68] : memref<10000x128xf32, #tpu.memory_space<hbm>> -> memref<10000x128xf32, #tpu.memory_space<hbm>>
    tpu.wait_indirect_dma semaphore(%arg17 : memref<!tpu.dma_semaphore, #tpu.memory_space<semaphore_mem>>) src(%dma_wait3A_69 : memref<10000x128xf32, #tpu.memory_space<hbm>>) dst(%arg13 : memref<128x128xf32, #tpu.memory_space<vmem>>)
    "tpu.region"() ({
      %run_scoped3A = tpu.sem_alloc : memref<!tpu.dma_semaphore, #tpu.memory_space<semaphore_mem>>
      %dma_start3A_255 = arith.constant 0 : i32
      %dma_start3A_256 = arith.constant 0 : i32
      %dma_start3A_257 = tpu.memref_slice %arg15[%dma_start3A_255, %dma_start3A_256] : memref<10112x128xf32, #tpu.memory_space<vmem_shared>> -> memref<10112x128xf32, #tpu.memory_space<vmem_shared>>
      tpu.enqueue_indirect_dma source(%arg13 : memref<128x128xf32, #tpu.memory_space<vmem>>) target(%dma_start3A_257 : memref<10112x128xf32, #tpu.memory_space<vmem_shared>>) offsets(%arg10 : memref<128xi32, #tpu.memory_space<vmem>>) semaphore(%run_scoped3A : memref<!tpu.dma_semaphore, #tpu.memory_space<semaphore_mem>>) {add = true}
      %dma_wait3A_258 = arith.constant 0 : i32
      %dma_wait3A_259 = arith.constant 0 : i32
      %dma_wait3A_260 = tpu.memref_slice %arg15[%dma_wait3A_258, %dma_wait3A_259] : memref<10112x128xf32, #tpu.memory_space<vmem_shared>> -> memref<10112x128xf32, #tpu.memory_space<vmem_shared>>
      tpu.wait_indirect_dma semaphore(%run_scoped3A : memref<!tpu.dma_semaphore, #tpu.memory_space<semaphore_mem>>) src(%arg13 : memref<128x128xf32, #tpu.memory_space<vmem>>) dst(%dma_wait3A_260 : memref<10112x128xf32, #tpu.memory_space<vmem_shared>>)
      tpu.yield
    }) : () -> ()
    %dma_wait3A_70 = tpu.memref_slice %arg3[%mul3A_4] : memref<328704xi32, #tpu.memory_space<hbm>> -> memref<128xi32, #tpu.memory_space<hbm>>
    %dma_wait3A_71 = tpu.memref_slice %arg3[%mul3A_4] : memref<328704xi32, #tpu.memory_space<hbm>> -> memref<128xi32, #tpu.memory_space<hbm>>
    tpu.wait_dma2 semaphore(%arg21 : memref<!tpu.dma_semaphore, #tpu.memory_space<semaphore_mem>>) src(%dma_wait3A_71 : memref<128xi32, #tpu.memory_space<hbm>>) dst(%arg8 : memref<128xi32, #tpu.memory_space<vmem>>)
    %dma_wait3A_72 = tpu.memref_slice %arg4[%mul3A_4] : memref<328704xi32, #tpu.memory_space<hbm>> -> memref<128xi32, #tpu.memory_space<hbm>>
    %dma_wait3A_73 = tpu.memref_slice %arg4[%mul3A_4] : memref<328704xi32, #tpu.memory_space<hbm>> -> memref<128xi32, #tpu.memory_space<hbm>>
    tpu.wait_dma2 semaphore(%arg21 : memref<!tpu.dma_semaphore, #tpu.memory_space<semaphore_mem>>) src(%dma_wait3A_73 : memref<128xi32, #tpu.memory_space<hbm>>) dst(%arg11 : memref<128xi32, #tpu.memory_space<vmem>>)
    %barrier3A_74 = arith.constant 0 : index
    tpu.barrier barrier_id(%barrier3A_74)
    %mul3A_75 = arith.constant 632 : i32
    %mul3A_76 = arith.muli %arg1, %mul3A_75 : i32
    %add3A_77 = arith.constant 0 : i32
    %add3A_78 = arith.addi %mul3A_76, %add3A_77 : i32
    "tpu.region"() ({
      %run_scoped3A = tpu.sem_alloc : memref<!tpu.dma_semaphore, #tpu.memory_space<semaphore_mem>>
      %dma_start3A_255 = arith.constant 0 : i32
      %dma_start3A_256 = arith.constant 0 : i32
      %dma_start3A_257 = tpu.memref_slice %arg12[%dma_start3A_255, %dma_start3A_256] : memref<128x128xf32, #tpu.memory_space<vmem>> -> memref<128x128xf32, #tpu.memory_space<vmem>>
      %dma_start3A_258 = arith.constant 0 : i32
      %dma_start3A_259 = tpu.memref_slice %arg15[%add3A_78, %dma_start3A_258] : memref<10112x128xf32, #tpu.memory_space<vmem_shared>> -> memref<128x128xf32, #tpu.memory_space<vmem_shared>>
      %dma_start3A_260 = arith.constant 0 : i32
      %dma_start3A_261 = arith.constant 0 : i32
      %dma_start3A_262 = tpu.memref_slice %arg12[%dma_start3A_260, %dma_start3A_261] : memref<128x128xf32, #tpu.memory_space<vmem>> -> memref<128x128xf32, #tpu.memory_space<vmem>>
      %dma_start3A_263 = arith.constant 0 : i32
      %dma_start3A_264 = tpu.memref_slice %arg15[%add3A_78, %dma_start3A_263] : memref<10112x128xf32, #tpu.memory_space<vmem_shared>> -> memref<128x128xf32, #tpu.memory_space<vmem_shared>>
      tpu.enqueue_dma source(%dma_start3A_264 : memref<128x128xf32, #tpu.memory_space<vmem_shared>>) target(%dma_start3A_262 : memref<128x128xf32, #tpu.memory_space<vmem>>) target_semaphore(%run_scoped3A : memref<!tpu.dma_semaphore, #tpu.memory_space<semaphore_mem>>)
      %dma_wait3A_265 = arith.constant 0 : i32
      %dma_wait3A_266 = arith.constant 0 : i32
      %dma_wait3A_267 = tpu.memref_slice %arg12[%dma_wait3A_265, %dma_wait3A_266] : memref<128x128xf32, #tpu.memory_space<vmem>> -> memref<128x128xf32, #tpu.memory_space<vmem>>
      %dma_wait3A_268 = arith.constant 0 : i32
      %dma_wait3A_269 = tpu.memref_slice %arg15[%add3A_78, %dma_wait3A_268] : memref<10112x128xf32, #tpu.memory_space<vmem_shared>> -> memref<128x128xf32, #tpu.memory_space<vmem_shared>>
      %dma_wait3A_270 = arith.constant 0 : i32
      %dma_wait3A_271 = arith.constant 0 : i32
      %dma_wait3A_272 = tpu.memref_slice %arg12[%dma_wait3A_270, %dma_wait3A_271] : memref<128x128xf32, #tpu.memory_space<vmem>> -> memref<128x128xf32, #tpu.memory_space<vmem>>
      %dma_wait3A_273 = arith.constant 0 : i32
      %dma_wait3A_274 = tpu.memref_slice %arg15[%add3A_78, %dma_wait3A_273] : memref<10112x128xf32, #tpu.memory_space<vmem_shared>> -> memref<128x128xf32, #tpu.memory_space<vmem_shared>>
      tpu.wait_dma2 semaphore(%run_scoped3A : memref<!tpu.dma_semaphore, #tpu.memory_space<semaphore_mem>>) src(%dma_wait3A_274 : memref<128x128xf32, #tpu.memory_space<vmem_shared>>) dst(%dma_wait3A_272 : memref<128x128xf32, #tpu.memory_space<vmem>>)
      tpu.yield
    }) : () -> ()
    %mul3A_79 = arith.constant 632 : i32
    %mul3A_80 = arith.muli %arg1, %mul3A_79 : i32
    %add3A_81 = arith.constant 0 : i32
    %add3A_82 = arith.addi %mul3A_80, %add3A_81 : i32
    %dma_start3A_83 = arith.constant 0 : i32
    %dma_start3A_84 = arith.constant 0 : i32
    %dma_start3A_85 = tpu.memref_slice %arg12[%dma_start3A_83, %dma_start3A_84] : memref<128x128xf32, #tpu.memory_space<vmem>> -> memref<128x128xf32, #tpu.memory_space<vmem>>
    %dma_start3A_86 = arith.constant 0 : i32
    %dma_start3A_87 = tpu.memref_slice %arg5[%arg0, %add3A_82, %dma_start3A_86] : memref<2x10112x128xf32, #tpu.memory_space<hbm>> -> memref<1x128x128xf32, #tpu.memory_space<hbm>>
    %dma_start3A_88 = tpu.memref_squeeze %dma_start3A_87 : memref<1x128x128xf32, #tpu.memory_space<hbm>> -> memref<128x128xf32, #tpu.memory_space<hbm>>
    %dma_start3A_89 = arith.constant 0 : i32
    %dma_start3A_90 = tpu.memref_slice %arg5[%arg0, %add3A_82, %dma_start3A_89] : memref<2x10112x128xf32, #tpu.memory_space<hbm>> -> memref<1x128x128xf32, #tpu.memory_space<hbm>>
    %dma_start3A_91 = tpu.memref_squeeze %dma_start3A_90 : memref<1x128x128xf32, #tpu.memory_space<hbm>> -> memref<128x128xf32, #tpu.memory_space<hbm>>
    %dma_start3A_92 = arith.constant 0 : i32
    %dma_start3A_93 = arith.constant 0 : i32
    %dma_start3A_94 = tpu.memref_slice %arg12[%dma_start3A_92, %dma_start3A_93] : memref<128x128xf32, #tpu.memory_space<vmem>> -> memref<128x128xf32, #tpu.memory_space<vmem>>
    tpu.enqueue_dma source(%dma_start3A_94 : memref<128x128xf32, #tpu.memory_space<vmem>>) target(%dma_start3A_91 : memref<128x128xf32, #tpu.memory_space<hbm>>) target_semaphore(%arg16 : memref<!tpu.dma_semaphore, #tpu.memory_space<semaphore_mem>>)
    %mul3A_95 = arith.constant 632 : i32
    %mul3A_96 = arith.muli %arg1, %mul3A_95 : i32
    %add3A_97 = arith.constant 128 : i32
    %add3A_98 = arith.addi %mul3A_96, %add3A_97 : i32
    "tpu.region"() ({
      %run_scoped3A = tpu.sem_alloc : memref<!tpu.dma_semaphore, #tpu.memory_space<semaphore_mem>>
      %dma_start3A_255 = arith.constant 0 : i32
      %dma_start3A_256 = arith.constant 0 : i32
      %dma_start3A_257 = tpu.memref_slice %arg13[%dma_start3A_255, %dma_start3A_256] : memref<128x128xf32, #tpu.memory_space<vmem>> -> memref<128x128xf32, #tpu.memory_space<vmem>>
      %dma_start3A_258 = arith.constant 0 : i32
      %dma_start3A_259 = tpu.memref_slice %arg15[%add3A_98, %dma_start3A_258] : memref<10112x128xf32, #tpu.memory_space<vmem_shared>> -> memref<128x128xf32, #tpu.memory_space<vmem_shared>>
      %dma_start3A_260 = arith.constant 0 : i32
      %dma_start3A_261 = arith.constant 0 : i32
      %dma_start3A_262 = tpu.memref_slice %arg13[%dma_start3A_260, %dma_start3A_261] : memref<128x128xf32, #tpu.memory_space<vmem>> -> memref<128x128xf32, #tpu.memory_space<vmem>>
      %dma_start3A_263 = arith.constant 0 : i32
      %dma_start3A_264 = tpu.memref_slice %arg15[%add3A_98, %dma_start3A_263] : memref<10112x128xf32, #tpu.memory_space<vmem_shared>> -> memref<128x128xf32, #tpu.memory_space<vmem_shared>>
      tpu.enqueue_dma source(%dma_start3A_264 : memref<128x128xf32, #tpu.memory_space<vmem_shared>>) target(%dma_start3A_262 : memref<128x128xf32, #tpu.memory_space<vmem>>) target_semaphore(%run_scoped3A : memref<!tpu.dma_semaphore, #tpu.memory_space<semaphore_mem>>)
      %dma_wait3A_265 = arith.constant 0 : i32
      %dma_wait3A_266 = arith.constant 0 : i32
      %dma_wait3A_267 = tpu.memref_slice %arg13[%dma_wait3A_265, %dma_wait3A_266] : memref<128x128xf32, #tpu.memory_space<vmem>> -> memref<128x128xf32, #tpu.memory_space<vmem>>
      %dma_wait3A_268 = arith.constant 0 : i32
      %dma_wait3A_269 = tpu.memref_slice %arg15[%add3A_98, %dma_wait3A_268] : memref<10112x128xf32, #tpu.memory_space<vmem_shared>> -> memref<128x128xf32, #tpu.memory_space<vmem_shared>>
      %dma_wait3A_270 = arith.constant 0 : i32
      %dma_wait3A_271 = arith.constant 0 : i32
      %dma_wait3A_272 = tpu.memref_slice %arg13[%dma_wait3A_270, %dma_wait3A_271] : memref<128x128xf32, #tpu.memory_space<vmem>> -> memref<128x128xf32, #tpu.memory_space<vmem>>
      %dma_wait3A_273 = arith.constant 0 : i32
      %dma_wait3A_274 = tpu.memref_slice %arg15[%add3A_98, %dma_wait3A_273] : memref<10112x128xf32, #tpu.memory_space<vmem_shared>> -> memref<128x128xf32, #tpu.memory_space<vmem_shared>>
      tpu.wait_dma2 semaphore(%run_scoped3A : memref<!tpu.dma_semaphore, #tpu.memory_space<semaphore_mem>>) src(%dma_wait3A_274 : memref<128x128xf32, #tpu.memory_space<vmem_shared>>) dst(%dma_wait3A_272 : memref<128x128xf32, #tpu.memory_space<vmem>>)
      tpu.yield
    }) : () -> ()
    %mul3A_99 = arith.constant 632 : i32
    %mul3A_100 = arith.muli %arg1, %mul3A_99 : i32
    %add3A_101 = arith.constant 0 : i32
    %add3A_102 = arith.addi %mul3A_100, %add3A_101 : i32
    %dma_wait3A_103 = arith.constant 0 : i32
    %dma_wait3A_104 = arith.constant 0 : i32
    %dma_wait3A_105 = tpu.memref_slice %arg12[%dma_wait3A_103, %dma_wait3A_104] : memref<128x128xf32, #tpu.memory_space<vmem>> -> memref<128x128xf32, #tpu.memory_space<vmem>>
    %dma_wait3A_106 = arith.constant 0 : i32
    %dma_wait3A_107 = tpu.memref_slice %arg5[%arg0, %add3A_102, %dma_wait3A_106] : memref<2x10112x128xf32, #tpu.memory_space<hbm>> -> memref<1x128x128xf32, #tpu.memory_space<hbm>>
    %dma_wait3A_108 = tpu.memref_squeeze %dma_wait3A_107 : memref<1x128x128xf32, #tpu.memory_space<hbm>> -> memref<128x128xf32, #tpu.memory_space<hbm>>
    %dma_wait3A_109 = arith.constant 0 : i32
    %dma_wait3A_110 = tpu.memref_slice %arg5[%arg0, %add3A_102, %dma_wait3A_109] : memref<2x10112x128xf32, #tpu.memory_space<hbm>> -> memref<1x128x128xf32, #tpu.memory_space<hbm>>
    %dma_wait3A_111 = tpu.memref_squeeze %dma_wait3A_110 : memref<1x128x128xf32, #tpu.memory_space<hbm>> -> memref<128x128xf32, #tpu.memory_space<hbm>>
    %dma_wait3A_112 = arith.constant 0 : i32
    %dma_wait3A_113 = arith.constant 0 : i32
    %dma_wait3A_114 = tpu.memref_slice %arg12[%dma_wait3A_112, %dma_wait3A_113] : memref<128x128xf32, #tpu.memory_space<vmem>> -> memref<128x128xf32, #tpu.memory_space<vmem>>
    tpu.wait_dma2 semaphore(%arg16 : memref<!tpu.dma_semaphore, #tpu.memory_space<semaphore_mem>>) src(%dma_wait3A_114 : memref<128x128xf32, #tpu.memory_space<vmem>>) dst(%dma_wait3A_111 : memref<128x128xf32, #tpu.memory_space<hbm>>)
    %mul3A_115 = arith.constant 632 : i32
    %mul3A_116 = arith.muli %arg1, %mul3A_115 : i32
    %add3A_117 = arith.constant 128 : i32
    %add3A_118 = arith.addi %mul3A_116, %add3A_117 : i32
    %dma_start3A_119 = arith.constant 0 : i32
    %dma_start3A_120 = arith.constant 0 : i32
    %dma_start3A_121 = tpu.memref_slice %arg13[%dma_start3A_119, %dma_start3A_120] : memref<128x128xf32, #tpu.memory_space<vmem>> -> memref<128x128xf32, #tpu.memory_space<vmem>>
    %dma_start3A_122 = arith.constant 0 : i32
    %dma_start3A_123 = tpu.memref_slice %arg5[%arg0, %add3A_118, %dma_start3A_122] : memref<2x10112x128xf32, #tpu.memory_space<hbm>> -> memref<1x128x128xf32, #tpu.memory_space<hbm>>
    %dma_start3A_124 = tpu.memref_squeeze %dma_start3A_123 : memref<1x128x128xf32, #tpu.memory_space<hbm>> -> memref<128x128xf32, #tpu.memory_space<hbm>>
    %dma_start3A_125 = arith.constant 0 : i32
    %dma_start3A_126 = tpu.memref_slice %arg5[%arg0, %add3A_118, %dma_start3A_125] : memref<2x10112x128xf32, #tpu.memory_space<hbm>> -> memref<1x128x128xf32, #tpu.memory_space<hbm>>
    %dma_start3A_127 = tpu.memref_squeeze %dma_start3A_126 : memref<1x128x128xf32, #tpu.memory_space<hbm>> -> memref<128x128xf32, #tpu.memory_space<hbm>>
    %dma_start3A_128 = arith.constant 0 : i32
    %dma_start3A_129 = arith.constant 0 : i32
    %dma_start3A_130 = tpu.memref_slice %arg13[%dma_start3A_128, %dma_start3A_129] : memref<128x128xf32, #tpu.memory_space<vmem>> -> memref<128x128xf32, #tpu.memory_space<vmem>>
    tpu.enqueue_dma source(%dma_start3A_130 : memref<128x128xf32, #tpu.memory_space<vmem>>) target(%dma_start3A_127 : memref<128x128xf32, #tpu.memory_space<hbm>>) target_semaphore(%arg17 : memref<!tpu.dma_semaphore, #tpu.memory_space<semaphore_mem>>)
    %mul3A_131 = arith.constant 632 : i32
    %mul3A_132 = arith.muli %arg1, %mul3A_131 : i32
    %add3A_133 = arith.constant 256 : i32
    %add3A_134 = arith.addi %mul3A_132, %add3A_133 : i32
    "tpu.region"() ({
      %run_scoped3A = tpu.sem_alloc : memref<!tpu.dma_semaphore, #tpu.memory_space<semaphore_mem>>
      %dma_start3A_255 = arith.constant 0 : i32
      %dma_start3A_256 = arith.constant 0 : i32
      %dma_start3A_257 = tpu.memref_slice %arg12[%dma_start3A_255, %dma_start3A_256] : memref<128x128xf32, #tpu.memory_space<vmem>> -> memref<128x128xf32, #tpu.memory_space<vmem>>
      %dma_start3A_258 = arith.constant 0 : i32
      %dma_start3A_259 = tpu.memref_slice %arg15[%add3A_134, %dma_start3A_258] : memref<10112x128xf32, #tpu.memory_space<vmem_shared>> -> memref<128x128xf32, #tpu.memory_space<vmem_shared>>
      %dma_start3A_260 = arith.constant 0 : i32
      %dma_start3A_261 = arith.constant 0 : i32
      %dma_start3A_262 = tpu.memref_slice %arg12[%dma_start3A_260, %dma_start3A_261] : memref<128x128xf32, #tpu.memory_space<vmem>> -> memref<128x128xf32, #tpu.memory_space<vmem>>
      %dma_start3A_263 = arith.constant 0 : i32
      %dma_start3A_264 = tpu.memref_slice %arg15[%add3A_134, %dma_start3A_263] : memref<10112x128xf32, #tpu.memory_space<vmem_shared>> -> memref<128x128xf32, #tpu.memory_space<vmem_shared>>
      tpu.enqueue_dma source(%dma_start3A_264 : memref<128x128xf32, #tpu.memory_space<vmem_shared>>) target(%dma_start3A_262 : memref<128x128xf32, #tpu.memory_space<vmem>>) target_semaphore(%run_scoped3A : memref<!tpu.dma_semaphore, #tpu.memory_space<semaphore_mem>>)
      %dma_wait3A_265 = arith.constant 0 : i32
      %dma_wait3A_266 = arith.constant 0 : i32
      %dma_wait3A_267 = tpu.memref_slice %arg12[%dma_wait3A_265, %dma_wait3A_266] : memref<128x128xf32, #tpu.memory_space<vmem>> -> memref<128x128xf32, #tpu.memory_space<vmem>>
      %dma_wait3A_268 = arith.constant 0 : i32
      %dma_wait3A_269 = tpu.memref_slice %arg15[%add3A_134, %dma_wait3A_268] : memref<10112x128xf32, #tpu.memory_space<vmem_shared>> -> memref<128x128xf32, #tpu.memory_space<vmem_shared>>
      %dma_wait3A_270 = arith.constant 0 : i32
      %dma_wait3A_271 = arith.constant 0 : i32
      %dma_wait3A_272 = tpu.memref_slice %arg12[%dma_wait3A_270, %dma_wait3A_271] : memref<128x128xf32, #tpu.memory_space<vmem>> -> memref<128x128xf32, #tpu.memory_space<vmem>>
      %dma_wait3A_273 = arith.constant 0 : i32
      %dma_wait3A_274 = tpu.memref_slice %arg15[%add3A_134, %dma_wait3A_273] : memref<10112x128xf32, #tpu.memory_space<vmem_shared>> -> memref<128x128xf32, #tpu.memory_space<vmem_shared>>
      tpu.wait_dma2 semaphore(%run_scoped3A : memref<!tpu.dma_semaphore, #tpu.memory_space<semaphore_mem>>) src(%dma_wait3A_274 : memref<128x128xf32, #tpu.memory_space<vmem_shared>>) dst(%dma_wait3A_272 : memref<128x128xf32, #tpu.memory_space<vmem>>)
      tpu.yield
    }) : () -> ()
    %mul3A_135 = arith.constant 632 : i32
    %mul3A_136 = arith.muli %arg1, %mul3A_135 : i32
    %add3A_137 = arith.constant 128 : i32
    %add3A_138 = arith.addi %mul3A_136, %add3A_137 : i32
    %dma_wait3A_139 = arith.constant 0 : i32
    %dma_wait3A_140 = arith.constant 0 : i32
    %dma_wait3A_141 = tpu.memref_slice %arg13[%dma_wait3A_139, %dma_wait3A_140] : memref<128x128xf32, #tpu.memory_space<vmem>> -> memref<128x128xf32, #tpu.memory_space<vmem>>
    %dma_wait3A_142 = arith.constant 0 : i32
    %dma_wait3A_143 = tpu.memref_slice %arg5[%arg0, %add3A_138, %dma_wait3A_142] : memref<2x10112x128xf32, #tpu.memory_space<hbm>> -> memref<1x128x128xf32, #tpu.memory_space<hbm>>
    %dma_wait3A_144 = tpu.memref_squeeze %dma_wait3A_143 : memref<1x128x128xf32, #tpu.memory_space<hbm>> -> memref<128x128xf32, #tpu.memory_space<hbm>>
    %dma_wait3A_145 = arith.constant 0 : i32
    %dma_wait3A_146 = tpu.memref_slice %arg5[%arg0, %add3A_138, %dma_wait3A_145] : memref<2x10112x128xf32, #tpu.memory_space<hbm>> -> memref<1x128x128xf32, #tpu.memory_space<hbm>>
    %dma_wait3A_147 = tpu.memref_squeeze %dma_wait3A_146 : memref<1x128x128xf32, #tpu.memory_space<hbm>> -> memref<128x128xf32, #tpu.memory_space<hbm>>
    %dma_wait3A_148 = arith.constant 0 : i32
    %dma_wait3A_149 = arith.constant 0 : i32
    %dma_wait3A_150 = tpu.memref_slice %arg13[%dma_wait3A_148, %dma_wait3A_149] : memref<128x128xf32, #tpu.memory_space<vmem>> -> memref<128x128xf32, #tpu.memory_space<vmem>>
    tpu.wait_dma2 semaphore(%arg17 : memref<!tpu.dma_semaphore, #tpu.memory_space<semaphore_mem>>) src(%dma_wait3A_150 : memref<128x128xf32, #tpu.memory_space<vmem>>) dst(%dma_wait3A_147 : memref<128x128xf32, #tpu.memory_space<hbm>>)
    %mul3A_151 = arith.constant 632 : i32
    %mul3A_152 = arith.muli %arg1, %mul3A_151 : i32
    %add3A_153 = arith.constant 256 : i32
    %add3A_154 = arith.addi %mul3A_152, %add3A_153 : i32
    %dma_start3A_155 = arith.constant 0 : i32
    %dma_start3A_156 = arith.constant 0 : i32
    %dma_start3A_157 = tpu.memref_slice %arg12[%dma_start3A_155, %dma_start3A_156] : memref<128x128xf32, #tpu.memory_space<vmem>> -> memref<128x128xf32, #tpu.memory_space<vmem>>
    %dma_start3A_158 = arith.constant 0 : i32
    %dma_start3A_159 = tpu.memref_slice %arg5[%arg0, %add3A_154, %dma_start3A_158] : memref<2x10112x128xf32, #tpu.memory_space<hbm>> -> memref<1x128x128xf32, #tpu.memory_space<hbm>>
    %dma_start3A_160 = tpu.memref_squeeze %dma_start3A_159 : memref<1x128x128xf32, #tpu.memory_space<hbm>> -> memref<128x128xf32, #tpu.memory_space<hbm>>
    %dma_start3A_161 = arith.constant 0 : i32
    %dma_start3A_162 = tpu.memref_slice %arg5[%arg0, %add3A_154, %dma_start3A_161] : memref<2x10112x128xf32, #tpu.memory_space<hbm>> -> memref<1x128x128xf32, #tpu.memory_space<hbm>>
    %dma_start3A_163 = tpu.memref_squeeze %dma_start3A_162 : memref<1x128x128xf32, #tpu.memory_space<hbm>> -> memref<128x128xf32, #tpu.memory_space<hbm>>
    %dma_start3A_164 = arith.constant 0 : i32
    %dma_start3A_165 = arith.constant 0 : i32
    %dma_start3A_166 = tpu.memref_slice %arg12[%dma_start3A_164, %dma_start3A_165] : memref<128x128xf32, #tpu.memory_space<vmem>> -> memref<128x128xf32, #tpu.memory_space<vmem>>
    tpu.enqueue_dma source(%dma_start3A_166 : memref<128x128xf32, #tpu.memory_space<vmem>>) target(%dma_start3A_163 : memref<128x128xf32, #tpu.memory_space<hbm>>) target_semaphore(%arg16 : memref<!tpu.dma_semaphore, #tpu.memory_space<semaphore_mem>>)
    %mul3A_167 = arith.constant 632 : i32
    %mul3A_168 = arith.muli %arg1, %mul3A_167 : i32
    %add3A_169 = arith.constant 384 : i32
    %add3A_170 = arith.addi %mul3A_168, %add3A_169 : i32
    "tpu.region"() ({
      %run_scoped3A = tpu.sem_alloc : memref<!tpu.dma_semaphore, #tpu.memory_space<semaphore_mem>>
      %dma_start3A_255 = arith.constant 0 : i32
      %dma_start3A_256 = arith.constant 0 : i32
      %dma_start3A_257 = tpu.memref_slice %arg13[%dma_start3A_255, %dma_start3A_256] : memref<128x128xf32, #tpu.memory_space<vmem>> -> memref<128x128xf32, #tpu.memory_space<vmem>>
      %dma_start3A_258 = arith.constant 0 : i32
      %dma_start3A_259 = tpu.memref_slice %arg15[%add3A_170, %dma_start3A_258] : memref<10112x128xf32, #tpu.memory_space<vmem_shared>> -> memref<128x128xf32, #tpu.memory_space<vmem_shared>>
      %dma_start3A_260 = arith.constant 0 : i32
      %dma_start3A_261 = arith.constant 0 : i32
      %dma_start3A_262 = tpu.memref_slice %arg13[%dma_start3A_260, %dma_start3A_261] : memref<128x128xf32, #tpu.memory_space<vmem>> -> memref<128x128xf32, #tpu.memory_space<vmem>>
      %dma_start3A_263 = arith.constant 0 : i32
      %dma_start3A_264 = tpu.memref_slice %arg15[%add3A_170, %dma_start3A_263] : memref<10112x128xf32, #tpu.memory_space<vmem_shared>> -> memref<128x128xf32, #tpu.memory_space<vmem_shared>>
      tpu.enqueue_dma source(%dma_start3A_264 : memref<128x128xf32, #tpu.memory_space<vmem_shared>>) target(%dma_start3A_262 : memref<128x128xf32, #tpu.memory_space<vmem>>) target_semaphore(%run_scoped3A : memref<!tpu.dma_semaphore, #tpu.memory_space<semaphore_mem>>)
      %dma_wait3A_265 = arith.constant 0 : i32
      %dma_wait3A_266 = arith.constant 0 : i32
      %dma_wait3A_267 = tpu.memref_slice %arg13[%dma_wait3A_265, %dma_wait3A_266] : memref<128x128xf32, #tpu.memory_space<vmem>> -> memref<128x128xf32, #tpu.memory_space<vmem>>
      %dma_wait3A_268 = arith.constant 0 : i32
      %dma_wait3A_269 = tpu.memref_slice %arg15[%add3A_170, %dma_wait3A_268] : memref<10112x128xf32, #tpu.memory_space<vmem_shared>> -> memref<128x128xf32, #tpu.memory_space<vmem_shared>>
      %dma_wait3A_270 = arith.constant 0 : i32
      %dma_wait3A_271 = arith.constant 0 : i32
      %dma_wait3A_272 = tpu.memref_slice %arg13[%dma_wait3A_270, %dma_wait3A_271] : memref<128x128xf32, #tpu.memory_space<vmem>> -> memref<128x128xf32, #tpu.memory_space<vmem>>
      %dma_wait3A_273 = arith.constant 0 : i32
      %dma_wait3A_274 = tpu.memref_slice %arg15[%add3A_170, %dma_wait3A_273] : memref<10112x128xf32, #tpu.memory_space<vmem_shared>> -> memref<128x128xf32, #tpu.memory_space<vmem_shared>>
      tpu.wait_dma2 semaphore(%run_scoped3A : memref<!tpu.dma_semaphore, #tpu.memory_space<semaphore_mem>>) src(%dma_wait3A_274 : memref<128x128xf32, #tpu.memory_space<vmem_shared>>) dst(%dma_wait3A_272 : memref<128x128xf32, #tpu.memory_space<vmem>>)
      tpu.yield
    }) : () -> ()
    %mul3A_171 = arith.constant 632 : i32
    %mul3A_172 = arith.muli %arg1, %mul3A_171 : i32
    %add3A_173 = arith.constant 256 : i32
    %add3A_174 = arith.addi %mul3A_172, %add3A_173 : i32
    %dma_wait3A_175 = arith.constant 0 : i32
    %dma_wait3A_176 = arith.constant 0 : i32
    %dma_wait3A_177 = tpu.memref_slice %arg12[%dma_wait3A_175, %dma_wait3A_176] : memref<128x128xf32, #tpu.memory_space<vmem>> -> memref<128x128xf32, #tpu.memory_space<vmem>>
    %dma_wait3A_178 = arith.constant 0 : i32
    %dma_wait3A_179 = tpu.memref_slice %arg5[%arg0, %add3A_174, %dma_wait3A_178] : memref<2x10112x128xf32, #tpu.memory_space<hbm>> -> memref<1x128x128xf32, #tpu.memory_space<hbm>>
    %dma_wait3A_180 = tpu.memref_squeeze %dma_wait3A_179 : memref<1x128x128xf32, #tpu.memory_space<hbm>> -> memref<128x128xf32, #tpu.memory_space<hbm>>
    %dma_wait3A_181 = arith.constant 0 : i32
    %dma_wait3A_182 = tpu.memref_slice %arg5[%arg0, %add3A_174, %dma_wait3A_181] : memref<2x10112x128xf32, #tpu.memory_space<hbm>> -> memref<1x128x128xf32, #tpu.memory_space<hbm>>
    %dma_wait3A_183 = tpu.memref_squeeze %dma_wait3A_182 : memref<1x128x128xf32, #tpu.memory_space<hbm>> -> memref<128x128xf32, #tpu.memory_space<hbm>>
    %dma_wait3A_184 = arith.constant 0 : i32
    %dma_wait3A_185 = arith.constant 0 : i32
    %dma_wait3A_186 = tpu.memref_slice %arg12[%dma_wait3A_184, %dma_wait3A_185] : memref<128x128xf32, #tpu.memory_space<vmem>> -> memref<128x128xf32, #tpu.memory_space<vmem>>
    tpu.wait_dma2 semaphore(%arg16 : memref<!tpu.dma_semaphore, #tpu.memory_space<semaphore_mem>>) src(%dma_wait3A_186 : memref<128x128xf32, #tpu.memory_space<vmem>>) dst(%dma_wait3A_183 : memref<128x128xf32, #tpu.memory_space<hbm>>)
    %mul3A_187 = arith.constant 632 : i32
    %mul3A_188 = arith.muli %arg1, %mul3A_187 : i32
    %add3A_189 = arith.constant 384 : i32
    %add3A_190 = arith.addi %mul3A_188, %add3A_189 : i32
    %dma_start3A_191 = arith.constant 0 : i32
    %dma_start3A_192 = arith.constant 0 : i32
    %dma_start3A_193 = tpu.memref_slice %arg13[%dma_start3A_191, %dma_start3A_192] : memref<128x128xf32, #tpu.memory_space<vmem>> -> memref<128x128xf32, #tpu.memory_space<vmem>>
    %dma_start3A_194 = arith.constant 0 : i32
    %dma_start3A_195 = tpu.memref_slice %arg5[%arg0, %add3A_190, %dma_start3A_194] : memref<2x10112x128xf32, #tpu.memory_space<hbm>> -> memref<1x128x128xf32, #tpu.memory_space<hbm>>
    %dma_start3A_196 = tpu.memref_squeeze %dma_start3A_195 : memref<1x128x128xf32, #tpu.memory_space<hbm>> -> memref<128x128xf32, #tpu.memory_space<hbm>>
    %dma_start3A_197 = arith.constant 0 : i32
    %dma_start3A_198 = tpu.memref_slice %arg5[%arg0, %add3A_190, %dma_start3A_197] : memref<2x10112x128xf32, #tpu.memory_space<hbm>> -> memref<1x128x128xf32, #tpu.memory_space<hbm>>
    %dma_start3A_199 = tpu.memref_squeeze %dma_start3A_198 : memref<1x128x128xf32, #tpu.memory_space<hbm>> -> memref<128x128xf32, #tpu.memory_space<hbm>>
    %dma_start3A_200 = arith.constant 0 : i32
    %dma_start3A_201 = arith.constant 0 : i32
    %dma_start3A_202 = tpu.memref_slice %arg13[%dma_start3A_200, %dma_start3A_201] : memref<128x128xf32, #tpu.memory_space<vmem>> -> memref<128x128xf32, #tpu.memory_space<vmem>>
    tpu.enqueue_dma source(%dma_start3A_202 : memref<128x128xf32, #tpu.memory_space<vmem>>) target(%dma_start3A_199 : memref<128x128xf32, #tpu.memory_space<hbm>>) target_semaphore(%arg17 : memref<!tpu.dma_semaphore, #tpu.memory_space<semaphore_mem>>)
    %mul3A_203 = arith.constant 632 : i32
    %mul3A_204 = arith.muli %arg1, %mul3A_203 : i32
    %add3A_205 = arith.constant 512 : i32
    %add3A_206 = arith.addi %mul3A_204, %add3A_205 : i32
    "tpu.region"() ({
      %run_scoped3A = tpu.sem_alloc : memref<!tpu.dma_semaphore, #tpu.memory_space<semaphore_mem>>
      %dma_start3A_255 = arith.constant 0 : i32
      %dma_start3A_256 = arith.constant 0 : i32
      %dma_start3A_257 = tpu.memref_slice %arg12[%dma_start3A_255, %dma_start3A_256] : memref<128x128xf32, #tpu.memory_space<vmem>> -> memref<120x128xf32, #tpu.memory_space<vmem>>
      %dma_start3A_258 = arith.constant 0 : i32
      %dma_start3A_259 = tpu.memref_slice %arg15[%add3A_206, %dma_start3A_258] : memref<10112x128xf32, #tpu.memory_space<vmem_shared>> -> memref<120x128xf32, #tpu.memory_space<vmem_shared>>
      %dma_start3A_260 = arith.constant 0 : i32
      %dma_start3A_261 = arith.constant 0 : i32
      %dma_start3A_262 = tpu.memref_slice %arg12[%dma_start3A_260, %dma_start3A_261] : memref<128x128xf32, #tpu.memory_space<vmem>> -> memref<120x128xf32, #tpu.memory_space<vmem>>
      %dma_start3A_263 = arith.constant 0 : i32
      %dma_start3A_264 = tpu.memref_slice %arg15[%add3A_206, %dma_start3A_263] : memref<10112x128xf32, #tpu.memory_space<vmem_shared>> -> memref<120x128xf32, #tpu.memory_space<vmem_shared>>
      tpu.enqueue_dma source(%dma_start3A_264 : memref<120x128xf32, #tpu.memory_space<vmem_shared>>) target(%dma_start3A_262 : memref<120x128xf32, #tpu.memory_space<vmem>>) target_semaphore(%run_scoped3A : memref<!tpu.dma_semaphore, #tpu.memory_space<semaphore_mem>>)
      %dma_wait3A_265 = arith.constant 0 : i32
      %dma_wait3A_266 = arith.constant 0 : i32
      %dma_wait3A_267 = tpu.memref_slice %arg12[%dma_wait3A_265, %dma_wait3A_266] : memref<128x128xf32, #tpu.memory_space<vmem>> -> memref<120x128xf32, #tpu.memory_space<vmem>>
      %dma_wait3A_268 = arith.constant 0 : i32
      %dma_wait3A_269 = tpu.memref_slice %arg15[%add3A_206, %dma_wait3A_268] : memref<10112x128xf32, #tpu.memory_space<vmem_shared>> -> memref<120x128xf32, #tpu.memory_space<vmem_shared>>
      %dma_wait3A_270 = arith.constant 0 : i32
      %dma_wait3A_271 = arith.constant 0 : i32
      %dma_wait3A_272 = tpu.memref_slice %arg12[%dma_wait3A_270, %dma_wait3A_271] : memref<128x128xf32, #tpu.memory_space<vmem>> -> memref<120x128xf32, #tpu.memory_space<vmem>>
      %dma_wait3A_273 = arith.constant 0 : i32
      %dma_wait3A_274 = tpu.memref_slice %arg15[%add3A_206, %dma_wait3A_273] : memref<10112x128xf32, #tpu.memory_space<vmem_shared>> -> memref<120x128xf32, #tpu.memory_space<vmem_shared>>
      tpu.wait_dma2 semaphore(%run_scoped3A : memref<!tpu.dma_semaphore, #tpu.memory_space<semaphore_mem>>) src(%dma_wait3A_274 : memref<120x128xf32, #tpu.memory_space<vmem_shared>>) dst(%dma_wait3A_272 : memref<120x128xf32, #tpu.memory_space<vmem>>)
      tpu.yield
    }) : () -> ()
    %mul3A_207 = arith.constant 632 : i32
    %mul3A_208 = arith.muli %arg1, %mul3A_207 : i32
    %add3A_209 = arith.constant 384 : i32
    %add3A_210 = arith.addi %mul3A_208, %add3A_209 : i32
    %dma_wait3A_211 = arith.constant 0 : i32
    %dma_wait3A_212 = arith.constant 0 : i32
    %dma_wait3A_213 = tpu.memref_slice %arg13[%dma_wait3A_211, %dma_wait3A_212] : memref<128x128xf32, #tpu.memory_space<vmem>> -> memref<128x128xf32, #tpu.memory_space<vmem>>
    %dma_wait3A_214 = arith.constant 0 : i32
    %dma_wait3A_215 = tpu.memref_slice %arg5[%arg0, %add3A_210, %dma_wait3A_214] : memref<2x10112x128xf32, #tpu.memory_space<hbm>> -> memref<1x128x128xf32, #tpu.memory_space<hbm>>
    %dma_wait3A_216 = tpu.memref_squeeze %dma_wait3A_215 : memref<1x128x128xf32, #tpu.memory_space<hbm>> -> memref<128x128xf32, #tpu.memory_space<hbm>>
    %dma_wait3A_217 = arith.constant 0 : i32
    %dma_wait3A_218 = tpu.memref_slice %arg5[%arg0, %add3A_210, %dma_wait3A_217] : memref<2x10112x128xf32, #tpu.memory_space<hbm>> -> memref<1x128x128xf32, #tpu.memory_space<hbm>>
    %dma_wait3A_219 = tpu.memref_squeeze %dma_wait3A_218 : memref<1x128x128xf32, #tpu.memory_space<hbm>> -> memref<128x128xf32, #tpu.memory_space<hbm>>
    %dma_wait3A_220 = arith.constant 0 : i32
    %dma_wait3A_221 = arith.constant 0 : i32
    %dma_wait3A_222 = tpu.memref_slice %arg13[%dma_wait3A_220, %dma_wait3A_221] : memref<128x128xf32, #tpu.memory_space<vmem>> -> memref<128x128xf32, #tpu.memory_space<vmem>>
    tpu.wait_dma2 semaphore(%arg17 : memref<!tpu.dma_semaphore, #tpu.memory_space<semaphore_mem>>) src(%dma_wait3A_222 : memref<128x128xf32, #tpu.memory_space<vmem>>) dst(%dma_wait3A_219 : memref<128x128xf32, #tpu.memory_space<hbm>>)
    %mul3A_223 = arith.constant 632 : i32
    %mul3A_224 = arith.muli %arg1, %mul3A_223 : i32
    %add3A_225 = arith.constant 512 : i32
    %add3A_226 = arith.addi %mul3A_224, %add3A_225 : i32
    %dma_start3A_227 = arith.constant 0 : i32
    %dma_start3A_228 = arith.constant 0 : i32
    %dma_start3A_229 = tpu.memref_slice %arg12[%dma_start3A_227, %dma_start3A_228] : memref<128x128xf32, #tpu.memory_space<vmem>> -> memref<120x128xf32, #tpu.memory_space<vmem>>
    %dma_start3A_230 = arith.constant 0 : i32
    %dma_start3A_231 = tpu.memref_slice %arg5[%arg0, %add3A_226, %dma_start3A_230] : memref<2x10112x128xf32, #tpu.memory_space<hbm>> -> memref<1x120x128xf32, #tpu.memory_space<hbm>>
    %dma_start3A_232 = tpu.memref_squeeze %dma_start3A_231 : memref<1x120x128xf32, #tpu.memory_space<hbm>> -> memref<120x128xf32, #tpu.memory_space<hbm>>
    %dma_start3A_233 = arith.constant 0 : i32
    %dma_start3A_234 = tpu.memref_slice %arg5[%arg0, %add3A_226, %dma_start3A_233] : memref<2x10112x128xf32, #tpu.memory_space<hbm>> -> memref<1x120x128xf32, #tpu.memory_space<hbm>>
    %dma_start3A_235 = tpu.memref_squeeze %dma_start3A_234 : memref<1x120x128xf32, #tpu.memory_space<hbm>> -> memref<120x128xf32, #tpu.memory_space<hbm>>
    %dma_start3A_236 = arith.constant 0 : i32
    %dma_start3A_237 = arith.constant 0 : i32
    %dma_start3A_238 = tpu.memref_slice %arg12[%dma_start3A_236, %dma_start3A_237] : memref<128x128xf32, #tpu.memory_space<vmem>> -> memref<120x128xf32, #tpu.memory_space<vmem>>
    tpu.enqueue_dma source(%dma_start3A_238 : memref<120x128xf32, #tpu.memory_space<vmem>>) target(%dma_start3A_235 : memref<120x128xf32, #tpu.memory_space<hbm>>) target_semaphore(%arg16 : memref<!tpu.dma_semaphore, #tpu.memory_space<semaphore_mem>>)
    %mul3A_239 = arith.constant 632 : i32
    %mul3A_240 = arith.muli %arg1, %mul3A_239 : i32
    %add3A_241 = arith.constant 512 : i32
    %add3A_242 = arith.addi %mul3A_240, %add3A_241 : i32
    %dma_wait3A_243 = arith.constant 0 : i32
    %dma_wait3A_244 = arith.constant 0 : i32
    %dma_wait3A_245 = tpu.memref_slice %arg12[%dma_wait3A_243, %dma_wait3A_244] : memref<128x128xf32, #tpu.memory_space<vmem>> -> memref<120x128xf32, #tpu.memory_space<vmem>>
    %dma_wait3A_246 = arith.constant 0 : i32
    %dma_wait3A_247 = tpu.memref_slice %arg5[%arg0, %add3A_242, %dma_wait3A_246] : memref<2x10112x128xf32, #tpu.memory_space<hbm>> -> memref<1x120x128xf32, #tpu.memory_space<hbm>>
    %dma_wait3A_248 = tpu.memref_squeeze %dma_wait3A_247 : memref<1x120x128xf32, #tpu.memory_space<hbm>> -> memref<120x128xf32, #tpu.memory_space<hbm>>
    %dma_wait3A_249 = arith.constant 0 : i32
    %dma_wait3A_250 = tpu.memref_slice %arg5[%arg0, %add3A_242, %dma_wait3A_249] : memref<2x10112x128xf32, #tpu.memory_space<hbm>> -> memref<1x120x128xf32, #tpu.memory_space<hbm>>
    %dma_wait3A_251 = tpu.memref_squeeze %dma_wait3A_250 : memref<1x120x128xf32, #tpu.memory_space<hbm>> -> memref<120x128xf32, #tpu.memory_space<hbm>>
    %dma_wait3A_252 = arith.constant 0 : i32
    %dma_wait3A_253 = arith.constant 0 : i32
    %dma_wait3A_254 = tpu.memref_slice %arg12[%dma_wait3A_252, %dma_wait3A_253] : memref<128x128xf32, #tpu.memory_space<vmem>> -> memref<120x128xf32, #tpu.memory_space<vmem>>
    tpu.wait_dma2 semaphore(%arg16 : memref<!tpu.dma_semaphore, #tpu.memory_space<semaphore_mem>>) src(%dma_wait3A_254 : memref<120x128xf32, #tpu.memory_space<vmem>>) dst(%dma_wait3A_251 : memref<120x128xf32, #tpu.memory_space<hbm>>)
    return
  }
}

module attributes {stable_mosaic.version = 14 : i64} {
  func.func @_tc_z0_body(%arg0: memref<10000x64xf32, #tpu.memory_space<vmem>>, %arg1: memref<10000x64xf32, #tpu.memory_space<vmem>>, %arg2: memref<64x128xf32, #tpu.memory_space<vmem>>, %arg3: memref<64x128xf32, #tpu.memory_space<vmem>>, %arg4: memref<10000x128xf32, #tpu.memory_space<vmem>>) attributes {dimension_semantics = [], scalar_prefetch = 0 : i64, scratch_operands = 0 : i64, tpu.core_type = #tpu.core_type<tc>} {
    %get3A = arith.constant 0 : index
    %get3A_0 = arith.constant 0 : index
    %get3A_1 = vector.load %arg0[%get3A, %get3A_0] : memref<10000x64xf32, #tpu.memory_space<vmem>>, vector<10000x64xf32>
    %convert_element_type3A = arith.truncf %get3A_1 : vector<10000x64xf32> to vector<10000x64xbf16>
    %get3A_2 = arith.constant 0 : index
    %get3A_3 = arith.constant 0 : index
    %get3A_4 = vector.load %arg2[%get3A_2, %get3A_3] : memref<64x128xf32, #tpu.memory_space<vmem>>, vector<64x128xf32>
    %convert_element_type3A_5 = arith.truncf %get3A_4 : vector<64x128xf32> to vector<64x128xbf16>
    %dot_general3A = arith.constant dense<0.000000e+00> : vector<10000x128xf32>
    %dot_general3A_6 = tpu.matmul %convert_element_type3A, %convert_element_type3A_5, %dot_general3A {dimension_numbers = #tpu.dot_dimension_numbers<[1], [0], [0], [1], [0, 0, 1, 1], [], []>, transpose_lhs_hint = false} : vector<10000x64xbf16>, vector<64x128xbf16>, vector<10000x128xf32> -> vector<10000x128xf32>
    %get3A_7 = arith.constant 0 : index
    %get3A_8 = arith.constant 0 : index
    %get3A_9 = vector.load %arg1[%get3A_7, %get3A_8] : memref<10000x64xf32, #tpu.memory_space<vmem>>, vector<10000x64xf32>
    %convert_element_type3A_10 = arith.truncf %get3A_9 : vector<10000x64xf32> to vector<10000x64xbf16>
    %get3A_11 = arith.constant 0 : index
    %get3A_12 = arith.constant 0 : index
    %get3A_13 = vector.load %arg3[%get3A_11, %get3A_12] : memref<64x128xf32, #tpu.memory_space<vmem>>, vector<64x128xf32>
    %convert_element_type3A_14 = arith.truncf %get3A_13 : vector<64x128xf32> to vector<64x128xbf16>
    %dot_general3A_15 = arith.constant dense<0.000000e+00> : vector<10000x128xf32>
    %dot_general3A_16 = tpu.matmul %convert_element_type3A_10, %convert_element_type3A_14, %dot_general3A_15 {dimension_numbers = #tpu.dot_dimension_numbers<[1], [0], [0], [1], [0, 0, 1, 1], [], []>, transpose_lhs_hint = false} : vector<10000x64xbf16>, vector<64x128xbf16>, vector<10000x128xf32> -> vector<10000x128xf32>
    %add3A = arith.addf %dot_general3A_6, %dot_general3A_16 : vector<10000x128xf32>
    %swap3A = arith.constant 0 : index
    %swap3A_17 = arith.constant 0 : index
    %swap3A_18 = vector.load %arg4[%swap3A, %swap3A_17] : memref<10000x128xf32, #tpu.memory_space<vmem>>, vector<10000x128xf32>
    tpu.vector_store %arg4[%swap3A, %swap3A_17], %add3A {strides = array<i32>} : memref<10000x128xf32, #tpu.memory_space<vmem>>, vector<10000x128xf32>,
    return
  }
}

module attributes {stable_mosaic.version = 14 : i64} {
  func.func @_tc_scale_body(%arg0: memref<10000x128xf32, #tpu.memory_space<vmem>>, %arg1: memref<2x10112x1xf32, #tpu.memory_space<vmem>>, %arg2: memref<10000x128xf32, #tpu.memory_space<vmem>>, %arg3: memref<10000x1xf32, #tpu.memory_space<vmem>>) attributes {dimension_semantics = [], scalar_prefetch = 0 : i64, scratch_operands = 0 : i64, tpu.core_type = #tpu.core_type<tc>} {
    %get3A = arith.constant 0 : index
    %get3A_0 = arith.constant 0 : index
    %get3A_1 = arith.constant 0 : index
    %get3A_2 = vector.load %arg1[%get3A, %get3A_0, %get3A_1] : memref<2x10112x1xf32, #tpu.memory_space<vmem>>, vector<1x10000x1xf32>
    %get3A_3 = vector.shape_cast %get3A_2 : vector<1x10000x1xf32> to vector<10000x1xf32>
    %add3A = arith.constant 1.000000e+00 : f32
    %add3A_4 = vector.broadcast %add3A : f32 to vector<10000x1xf32>
    %add3A_5 = arith.addf %add3A_4, %get3A_3 : vector<10000x1xf32>
    %get3A_6 = arith.constant 1 : index
    %get3A_7 = arith.constant 0 : index
    %get3A_8 = arith.constant 0 : index
    %get3A_9 = vector.load %arg1[%get3A_6, %get3A_7, %get3A_8] : memref<2x10112x1xf32, #tpu.memory_space<vmem>>, vector<1x10000x1xf32>
    %get3A_10 = vector.shape_cast %get3A_9 : vector<1x10000x1xf32> to vector<10000x1xf32>
    %add3A_11 = arith.addf %add3A_5, %get3A_10 : vector<10000x1xf32>
    %rsqrt3A = math.rsqrt %add3A_11 : vector<10000x1xf32>
    %mul3A = arith.constant 5.000000e-01 : f32
    %mul3A_12 = vector.broadcast %mul3A : f32 to vector<10000x1xf32>
    %mul3A_13 = arith.mulf %mul3A_12, %add3A_11 : vector<10000x1xf32>
    %mul3A_14 = arith.mulf %mul3A_13, %rsqrt3A : vector<10000x1xf32>
    %mul3A_15 = arith.mulf %mul3A_14, %rsqrt3A : vector<10000x1xf32>
    %sub3A = arith.constant 1.500000e+00 : f32
    %sub3A_16 = vector.broadcast %sub3A : f32 to vector<10000x1xf32>
    %sub3A_17 = arith.subf %sub3A_16, %mul3A_15 : vector<10000x1xf32>
    %mul3A_18 = arith.mulf %rsqrt3A, %sub3A_17 : vector<10000x1xf32>
    %swap3A = arith.constant 0 : index
    %swap3A_19 = arith.constant 0 : index
    %swap3A_20 = vector.load %arg3[%swap3A, %swap3A_19] : memref<10000x1xf32, #tpu.memory_space<vmem>>, vector<10000x1xf32>
    tpu.vector_store %arg3[%swap3A, %swap3A_19], %mul3A_18 {strides = array<i32>} : memref<10000x1xf32, #tpu.memory_space<vmem>>, vector<10000x1xf32>,
    %get3A_21 = arith.constant 0 : index
    %get3A_22 = arith.constant 0 : index
    %get3A_23 = vector.load %arg0[%get3A_21, %get3A_22] : memref<10000x128xf32, #tpu.memory_space<vmem>>, vector<10000x128xf32>
    %mul3A_24 = vector.broadcast %mul3A_18 : vector<10000x1xf32> to vector<10000x128xf32>
    %mul3A_25 = arith.mulf %mul3A_24, %get3A_23 : vector<10000x128xf32>
    %swap3A_26 = arith.constant 0 : index
    %swap3A_27 = arith.constant 0 : index
    %swap3A_28 = vector.load %arg2[%swap3A_26, %swap3A_27] : memref<10000x128xf32, #tpu.memory_space<vmem>>, vector<10000x128xf32>
    tpu.vector_store %arg2[%swap3A_26, %swap3A_27], %mul3A_25 {strides = array<i32>} : memref<10000x128xf32, #tpu.memory_space<vmem>>, vector<10000x128xf32>,
    return
  }
}

module attributes {stable_mosaic.version = 14 : i64} {
  func.func @_tc_mid_body(%arg0: memref<2x10112x128xf32, #tpu.memory_space<vmem>>, %arg1: memref<10000x128xf32, #tpu.memory_space<vmem>>, %arg2: memref<10000x1xf32, #tpu.memory_space<vmem>>, %arg3: memref<1x128xf32, #tpu.memory_space<vmem>>, %arg4: memref<128x128xf32, #tpu.memory_space<vmem>>, %arg5: memref<10000x128xf32, #tpu.memory_space<vmem>>) attributes {dimension_semantics = [], scalar_prefetch = 0 : i64, scratch_operands = 0 : i64, tpu.core_type = #tpu.core_type<tc>} {
    %get3A = arith.constant 0 : index
    %get3A_0 = arith.constant 0 : index
    %get3A_1 = vector.load %arg2[%get3A, %get3A_0] : memref<10000x1xf32, #tpu.memory_space<vmem>>, vector<10000x1xf32>
    %get3A_2 = arith.constant 0 : index
    %get3A_3 = arith.constant 0 : index
    %get3A_4 = arith.constant 0 : index
    %get3A_5 = vector.load %arg0[%get3A_2, %get3A_3, %get3A_4] : memref<2x10112x128xf32, #tpu.memory_space<vmem>>, vector<1x10000x128xf32>
    %get3A_6 = vector.shape_cast %get3A_5 : vector<1x10000x128xf32> to vector<10000x128xf32>
    %get3A_7 = arith.constant 1 : index
    %get3A_8 = arith.constant 0 : index
    %get3A_9 = arith.constant 0 : index
    %get3A_10 = vector.load %arg0[%get3A_7, %get3A_8, %get3A_9] : memref<2x10112x128xf32, #tpu.memory_space<vmem>>, vector<1x10000x128xf32>
    %get3A_11 = vector.shape_cast %get3A_10 : vector<1x10000x128xf32> to vector<10000x128xf32>
    %add3A = arith.addf %get3A_6, %get3A_11 : vector<10000x128xf32>
    %get3A_12 = arith.constant 0 : index
    %get3A_13 = arith.constant 0 : index
    %get3A_14 = vector.load %arg1[%get3A_12, %get3A_13] : memref<10000x128xf32, #tpu.memory_space<vmem>>, vector<10000x128xf32>
    %add3A_15 = arith.addf %add3A, %get3A_14 : vector<10000x128xf32>
    %mul3A = vector.broadcast %get3A_1 : vector<10000x1xf32> to vector<10000x128xf32>
    %mul3A_16 = arith.mulf %mul3A, %add3A_15 : vector<10000x128xf32>
    %get3A_17 = arith.constant 0 : index
    %get3A_18 = arith.constant 0 : index
    %get3A_19 = vector.load %arg3[%get3A_17, %get3A_18] : memref<1x128xf32, #tpu.memory_space<vmem>>, vector<1x128xf32>
    %add3A_20 = vector.broadcast %get3A_19 : vector<1x128xf32> to vector<10000x128xf32>
    %add3A_21 = arith.addf %mul3A_16, %add3A_20 : vector<10000x128xf32>
    %max3A = arith.constant 0.000000e+00 : f32
    %max3A_22 = vector.broadcast %max3A : f32 to vector<10000x128xf32>
    %max3A_23 = arith.maximumf %add3A_21, %max3A_22 : vector<10000x128xf32>
    %convert_element_type3A = arith.truncf %max3A_23 : vector<10000x128xf32> to vector<10000x128xbf16>
    %get3A_24 = arith.constant 0 : index
    %get3A_25 = arith.constant 0 : index
    %get3A_26 = vector.load %arg4[%get3A_24, %get3A_25] : memref<128x128xf32, #tpu.memory_space<vmem>>, vector<128x128xf32>
    %convert_element_type3A_27 = arith.truncf %get3A_26 : vector<128x128xf32> to vector<128x128xbf16>
    %dot_general3A = arith.constant dense<0.000000e+00> : vector<10000x128xf32>
    %dot_general3A_28 = tpu.matmul %convert_element_type3A, %convert_element_type3A_27, %dot_general3A {dimension_numbers = #tpu.dot_dimension_numbers<[1], [0], [0], [1], [0, 0, 1, 1], [], []>, transpose_lhs_hint = false} : vector<10000x128xbf16>, vector<128x128xbf16>, vector<10000x128xf32> -> vector<10000x128xf32>
    %mul3A_29 = vector.broadcast %get3A_1 : vector<10000x1xf32> to vector<10000x128xf32>
    %mul3A_30 = arith.mulf %mul3A_29, %dot_general3A_28 : vector<10000x128xf32>
    %swap3A = arith.constant 0 : index
    %swap3A_31 = arith.constant 0 : index
    %swap3A_32 = vector.load %arg5[%swap3A, %swap3A_31] : memref<10000x128xf32, #tpu.memory_space<vmem>>, vector<10000x128xf32>
    tpu.vector_store %arg5[%swap3A, %swap3A_31], %mul3A_30 {strides = array<i32>} : memref<10000x128xf32, #tpu.memory_space<vmem>>, vector<10000x128xf32>,
    return
  }
}

module attributes {stable_mosaic.version = 14 : i64} {
  func.func @_tc_last_body(%arg0: memref<2x10112x128xf32, #tpu.memory_space<vmem>>, %arg1: memref<10000x128xf32, #tpu.memory_space<vmem>>, %arg2: memref<10000x1xf32, #tpu.memory_space<vmem>>, %arg3: memref<1x128xf32, #tpu.memory_space<vmem>>, %arg4: memref<128x128xf32, #tpu.memory_space<vmem>>, %arg5: memref<1x128xf32, #tpu.memory_space<vmem>>, %arg6: memref<1x128xf32, #tpu.memory_space<vmem>>, %arg7: memref<1x1xf32, #tpu.memory_space<vmem>>, %arg8: memref<10000x128xf32, #tpu.memory_space<vmem>>, %arg9: memref<10000x1xf32, #tpu.memory_space<vmem>>) attributes {dimension_semantics = [], scalar_prefetch = 0 : i64, scratch_operands = 0 : i64, tpu.core_type = #tpu.core_type<tc>} {
    %get3A = arith.constant 0 : index
    %get3A_0 = arith.constant 0 : index
    %get3A_1 = vector.load %arg2[%get3A, %get3A_0] : memref<10000x1xf32, #tpu.memory_space<vmem>>, vector<10000x1xf32>
    %get3A_2 = arith.constant 0 : index
    %get3A_3 = arith.constant 0 : index
    %get3A_4 = arith.constant 0 : index
    %get3A_5 = vector.load %arg0[%get3A_2, %get3A_3, %get3A_4] : memref<2x10112x128xf32, #tpu.memory_space<vmem>>, vector<1x10000x128xf32>
    %get3A_6 = vector.shape_cast %get3A_5 : vector<1x10000x128xf32> to vector<10000x128xf32>
    %get3A_7 = arith.constant 1 : index
    %get3A_8 = arith.constant 0 : index
    %get3A_9 = arith.constant 0 : index
    %get3A_10 = vector.load %arg0[%get3A_7, %get3A_8, %get3A_9] : memref<2x10112x128xf32, #tpu.memory_space<vmem>>, vector<1x10000x128xf32>
    %get3A_11 = vector.shape_cast %get3A_10 : vector<1x10000x128xf32> to vector<10000x128xf32>
    %add3A = arith.addf %get3A_6, %get3A_11 : vector<10000x128xf32>
    %get3A_12 = arith.constant 0 : index
    %get3A_13 = arith.constant 0 : index
    %get3A_14 = vector.load %arg1[%get3A_12, %get3A_13] : memref<10000x128xf32, #tpu.memory_space<vmem>>, vector<10000x128xf32>
    %add3A_15 = arith.addf %add3A, %get3A_14 : vector<10000x128xf32>
    %mul3A = vector.broadcast %get3A_1 : vector<10000x1xf32> to vector<10000x128xf32>
    %mul3A_16 = arith.mulf %mul3A, %add3A_15 : vector<10000x128xf32>
    %get3A_17 = arith.constant 0 : index
    %get3A_18 = arith.constant 0 : index
    %get3A_19 = vector.load %arg3[%get3A_17, %get3A_18] : memref<1x128xf32, #tpu.memory_space<vmem>>, vector<1x128xf32>
    %add3A_20 = vector.broadcast %get3A_19 : vector<1x128xf32> to vector<10000x128xf32>
    %add3A_21 = arith.addf %mul3A_16, %add3A_20 : vector<10000x128xf32>
    %swap3A = arith.constant 0 : index
    %swap3A_22 = arith.constant 0 : index
    %swap3A_23 = vector.load %arg8[%swap3A, %swap3A_22] : memref<10000x128xf32, #tpu.memory_space<vmem>>, vector<10000x128xf32>
    tpu.vector_store %arg8[%swap3A, %swap3A_22], %add3A_21 {strides = array<i32>} : memref<10000x128xf32, #tpu.memory_space<vmem>>, vector<10000x128xf32>,
    %max3A = arith.constant 0.000000e+00 : f32
    %max3A_24 = vector.broadcast %max3A : f32 to vector<10000x128xf32>
    %max3A_25 = arith.maximumf %add3A_21, %max3A_24 : vector<10000x128xf32>
    %convert_element_type3A = arith.truncf %max3A_25 : vector<10000x128xf32> to vector<10000x128xbf16>
    %get3A_26 = arith.constant 0 : index
    %get3A_27 = arith.constant 0 : index
    %get3A_28 = vector.load %arg4[%get3A_26, %get3A_27] : memref<128x128xf32, #tpu.memory_space<vmem>>, vector<128x128xf32>
    %convert_element_type3A_29 = arith.truncf %get3A_28 : vector<128x128xf32> to vector<128x128xbf16>
    %dot_general3A = arith.constant dense<0.000000e+00> : vector<10000x128xf32>
    %dot_general3A_30 = tpu.matmul %convert_element_type3A, %convert_element_type3A_29, %dot_general3A {dimension_numbers = #tpu.dot_dimension_numbers<[1], [0], [0], [1], [0, 0, 1, 1], [], []>, transpose_lhs_hint = false} : vector<10000x128xbf16>, vector<128x128xbf16>, vector<10000x128xf32> -> vector<10000x128xf32>
    %get3A_31 = arith.constant 0 : index
    %get3A_32 = arith.constant 0 : index
    %get3A_33 = vector.load %arg5[%get3A_31, %get3A_32] : memref<1x128xf32, #tpu.memory_space<vmem>>, vector<1x128xf32>
    %add3A_34 = vector.broadcast %get3A_33 : vector<1x128xf32> to vector<10000x128xf32>
    %add3A_35 = arith.addf %dot_general3A_30, %add3A_34 : vector<10000x128xf32>
    %max3A_36 = arith.constant 0.000000e+00 : f32
    %max3A_37 = vector.broadcast %max3A_36 : f32 to vector<10000x128xf32>
    %max3A_38 = arith.maximumf %add3A_35, %max3A_37 : vector<10000x128xf32>
    %convert_element_type3A_39 = arith.truncf %max3A_38 : vector<10000x128xf32> to vector<10000x128xbf16>
    %convert_element_type3A_40 = arith.extf %convert_element_type3A_39 : vector<10000x128xbf16> to vector<10000x128xf32>
    %get3A_41 = arith.constant 0 : index
    %get3A_42 = arith.constant 0 : index
    %get3A_43 = vector.load %arg6[%get3A_41, %get3A_42] : memref<1x128xf32, #tpu.memory_space<vmem>>, vector<1x128xf32>
    %convert_element_type3A_44 = arith.truncf %get3A_43 : vector<1x128xf32> to vector<1x128xbf16>
    %convert_element_type3A_45 = arith.extf %convert_element_type3A_44 : vector<1x128xbf16> to vector<1x128xf32>
    %mul3A_46 = vector.broadcast %convert_element_type3A_45 : vector<1x128xf32> to vector<10000x128xf32>
    %mul3A_47 = arith.mulf %convert_element_type3A_40, %mul3A_46 : vector<10000x128xf32>
    %reduce_sum3A = arith.constant dense<0.000000e+00> : vector<10000xf32>
    %reduce_sum3A_48 = vector.multi_reduction <add>, %mul3A_47, %reduce_sum3A [1] : vector<10000x128xf32> to vector<10000xf32>
    %broadcast_in_dim3A = vector.shape_cast %reduce_sum3A_48 : vector<10000xf32> to vector<10000x1xf32>
    %get3A_49 = arith.constant 0 : index
    %get3A_50 = arith.constant 0 : index
    %get3A_51 = vector.load %arg7[%get3A_49, %get3A_50] : memref<1x1xf32, #tpu.memory_space<vmem>>, vector<1x1xf32>
    %add3A_52 = vector.broadcast %get3A_51 : vector<1x1xf32> to vector<10000x1xf32>
    %add3A_53 = arith.addf %broadcast_in_dim3A, %add3A_52 : vector<10000x1xf32>
    %swap3A_54 = arith.constant 0 : index
    %swap3A_55 = arith.constant 0 : index
    %swap3A_56 = vector.load %arg9[%swap3A_54, %swap3A_55] : memref<10000x1xf32, #tpu.memory_space<vmem>>, vector<10000x1xf32>
    tpu.vector_store %arg9[%swap3A_54, %swap3A_55], %add3A_53 {strides = array<i32>} : memref<10000x1xf32, #tpu.memory_space<vmem>>, vector<10000x1xf32>,
    return
  }
}

</mosaic_0001>

<sc_bundles>
// kernel: kernel.13.cloned.1.call-start
scs
__scs_entry_jumppad:
0x0: {  	(pc) =	sbr.rel $0x88, $3  }
0x1: {  	(tag) =	ssettag $0x0;
	lr =	simm.s32 $0x1  }
0x2: {  	[smem:$0x3F92] =	sst lr;
	_ =	strace $0xD0000000  }
0x3: {  	_ = 	snop  }
0x4: {  	_ = 	snop  }
0x5: {  	_ = 	snop  }
0x6: {  	_ = 	snop  }
0x7: {  	_ = 	snop  }
__scs_overlays_trampoline_lowered:
0x8: {  	[smem:$0x3FA1] =	sst s0  }
0x9: {  	[smem:$0x3FA2] =	sst s1  }
0xa: {  	[smem:$0x3FA3] =	sst s2  }
0xb: {  	[smem:$0x3FA4] =	sst s3  }
0xc: {  	[smem:$0x3FA5] =	sst s4  }
0xd: {  	[smem:$0x3FA6] =	sst s5  }
0xe: {  	[smem:$0x3FA7] =	sst s6  }
0xf: {  	[smem:$0x3FA8] =	sst s7  }
0x10: {  	[smem:$0x3FA9] =	sst s8  }
0x11: {  	[smem:$0x3FAA] =	sst s9;
	s0 =	simm.s32 @!p0 $0x0  }
0x12: {  	s1 =	sld [smem:$0x3F90];
	s0 =	simm.s32 @p0 $0x1  }
0x13: {  	[smem:$0x3FAB] =	sst s0;
	s0 =	simm.s32 @!p1 $0x0  }
0x14: {  	s2 =	sld [smem:$0x3F8F];
	s0 =	simm.s32 @p1 $0x1  }
0x15: {  	[smem:$0x3FAC] =	sst s0;
	s0 =	simm.s32 @!p2 $0x0  }
0x16: {  	s3 =	sld [smem:$0x3FDB];
	s0 =	simm.s32 @p2 $0x1  }
0x17: {  	s4 =	simm.s32 $0x1BF5;
	[smem:$0x3FAE] =	sst s0  }
0x18: {  	s0 =	sld [smem:$0x3F91];
	_ =	swait.ge [sflag:s4], $0x0  }
0x19: {  	s7 =	sld [smem:$0x3F92]  }
0x1a: {  	s8 =	sadd.s32 $0xFFFFE003, lr  }
0x1b: {  	s9 =	sadd.s32 $0xFFFFFEF7, lr;
	s5 =	simm.s32 $0xFFFFFFFF;
	p2 =	slt.u32 s8, $0xFFFFF086  }
0x1c: {  	p1 =	slt.u32 s9, $0xF7A;
	s5 =	simm.s32 @!p2 $0x0  }
0x1d: {  	s5 =	simm.s32 @p1 $0x1;
	p0 =	seq.s32 s7, s2  }
0x1e: {  	s7 =	smul.u32 @!p0 $0xF7A, s2;
	p2 =	seq.s32 @!p0 s5, $0x0  }
0x1f: {  	s9 =	smul.u32 $0xF7A, s1;
	s8 =	simm.s32 @!p0 $0x1BF5;
	p2 =	por !p2, p0  }
0x20: {  	[sflag:s8] =	ssyncset.s32 @!p0 $0xFFFFF086;
	s6 =	sadd.s32 @!p0 s3, s7;
	s7 =	simm.s32 @!p0 $0x108  }
0x21: {  	s3 =	sadd.s32 s3, s9;
	s6 =	sadd.s32 @!p0 $0x88, s6;
	s7 =	simm.s32 @p2 $0x1082  }
0x22: {  	[simem:s7], [sflag:s8] =	dma.local @!p0 [hbm:s6], $0xF7A  }
0x23: {  	s9 =	sor.u32 $0xD0000000, s2;
	s6 =	simm.s32 $0x108;
	_ =	swait.ge @!p0 [sflag:s8], $0x0  }
0x24: {  	s3 =	sadd.s32 $0x88, s3;
	s6 =	simm.s32 @!p1 $0x1082;
	[sflag:s4] =	ssyncset.s32 $0xFFFFF086  }
0x25: {  	[simem:s6], [sflag:s4] =	dma.local [hbm:s3], $0xF7A  }
0x26: {  	[smem:$0x3F92] =	sst s1;
	(tag) =	ssettag s2;
	_ =	strace s9  }
0x27: {  	s1 =	sld [smem:$0x3FA2]  }
0x28: {  	s2 =	sld [smem:$0x3FA3]  }
0x29: {  	s4 =	sld [smem:$0x3FA5]  }
0x2a: {  	p0 =	seq.s32 s5, $0x0;
	s5 =	sld [smem:$0x3FA6]  }
0x2b: {  	s6 =	sld [smem:$0x3FA7]  }
0x2c: {  	s7 =	sld [smem:$0x3FA8]  }
0x2d: {  	s3 =	simm.s32 $0x108;
	s8 =	sld [smem:$0x3FA9]  }
0x2e: {  	s3 =	simm.s32 @!p0 $0x1082;
	s9 =	sld [smem:$0x3FAA]  }
0x2f: {  	lr =	sadd.s32 s0, s3;
	s0 =	sld [smem:$0x3FA1]  }
0x30: {  	s3 =	sld [smem:$0x3FA4]  }
0x31: {  	[smem:$0x3FAD] =	sst s10  }
0x32: {  	s10 =	sld [smem:$0x3FAB];
	_ =	sdelay $0x3  }
0x33: {  	p0 =	seq.s32 s10, $0x1;
	s10 =	sld [smem:$0x3FAD];
	_ =	sdelay $0x3  }
0x34: {  	[smem:$0x3FAD] =	sst s10  }
0x35: {  	s10 =	sld [smem:$0x3FAC];
	_ =	sdelay $0x3  }
0x36: {  	p1 =	seq.s32 s10, $0x1;
	s10 =	sld [smem:$0x3FAD];
	_ =	sdelay $0x3  }
0x37: {  	[smem:$0x3FAD] =	sst s10  }
0x38: {  	s10 =	sld [smem:$0x3FAE]  }
0x39: {  	_ = 	snop;
	(pc) =	sbr.ind lr, $3  }
0x3a: {  	_ = 	snop  }
0x3b: {  	_ = 	snop  }
0x3c: {  	p2 =	seq.s32 s10, $0x1;
	s10 =	sld [smem:$0x3FAD]  }
0x3d: {  	_ =	shalt  }
0x3e: {  	_ =	shalt  }
0x3f: {  	_ =	shalt  }
0x40: {  	_ =	shalt  }
0x41: {  	_ =	shalt  }
0x42: {  	_ =	shalt  }
0x43: {  	_ =	shalt  }
0x44: {  	_ =	shalt  }
0x45: {  	_ =	shalt  }
0x46: {  	_ =	shalt  }
0x47: {  	_ =	shalt  }
0x48: {  	_ =	shalt  }
0x49: {  	_ =	shalt  }
0x4a: {  	_ =	shalt  }
0x4b: {  	_ =	shalt  }
0x4c: {  	_ =	shalt  }
0x4d: {  	_ =	shalt  }
0x4e: {  	_ =	shalt  }
0x4f: {  	_ =	shalt  }
0x50: {  	_ =	shalt  }
0x51: {  	_ =	shalt  }
0x52: {  	_ =	shalt  }
0x53: {  	_ =	shalt  }
0x54: {  	_ =	shalt  }
0x55: {  	_ =	shalt  }
0x56: {  	_ =	shalt  }
0x57: {  	_ =	shalt  }
0x58: {  	_ =	shalt  }
0x59: {  	_ =	shalt  }
0x5a: {  	_ =	shalt  }
0x5b: {  	_ =	shalt  }
0x5c: {  	_ =	shalt  }
0x5d: {  	_ =	shalt  }
0x5e: {  	_ =	shalt  }
0x5f: {  	_ =	shalt  }
0x60: {  	_ =	shalt  }
0x61: {  	_ =	shalt  }
0x62: {  	_ =	shalt  }
0x63: {  	_ =	shalt  }
0x64: {  	_ =	shalt  }
0x65: {  	_ =	shalt  }
0x66: {  	_ =	shalt  }
0x67: {  	_ =	shalt  }
0x68: {  	_ =	shalt  }
0x69: {  	_ =	shalt  }
0x6a: {  	_ =	shalt  }
0x6b: {  	_ =	shalt  }
0x6c: {  	_ =	shalt  }
0x6d: {  	_ =	shalt  }
0x6e: {  	_ =	shalt  }
0x6f: {  	_ =	shalt  }
0x70: {  	_ =	shalt  }
0x71: {  	_ =	shalt  }
0x72: {  	_ =	shalt  }
0x73: {  	_ =	shalt  }
0x74: {  	_ =	shalt  }
0x75: {  	_ =	shalt  }
0x76: {  	_ =	shalt  }
0x77: {  	_ =	shalt  }
0x78: {  	_ =	shalt  }
0x79: {  	_ =	shalt  }
0x7a: {  	_ =	shalt  }
0x7b: {  	_ =	shalt  }
0x7c: {  	_ =	shalt  }
0x7d: {  	_ =	shalt  }
0x7e: {  	_ =	shalt  }
0x7f: {  	_ =	shalt  }
0x80: {  	_ =	shalt  }
0x81: {  	_ =	shalt  }
0x82: {  	_ =	shalt  }
0x83: {  	_ =	shalt  }
0x84: {  	_ =	shalt  }
0x85: {  	_ =	shalt  }
0x86: {  	_ =	shalt  }
0x87: {  	_ =	shalt  }
.Lfunc_end0:
.L_simem_size_0:
called_computation_lowered:
.L_overlay_start_0:
0x88: {  	s2 =	sld [smem:$0x3FD9]  }
0x89: {  	s3 =	sld [smem:$0x3FFE];
	_ =	sdelay $0x1  }
0x8a: {  	s1 =	srdreg.scid  }
0x8b: {  	s0 =	sand.u32 $0x1, s1  }
0x8c: {  	s14 =	sshll.u32 s0, $0xA;
	s2 =	sadd.s32 s3, s2  }
0x8d: {  	s2 =	sadd.s32 s2, s14  }
0x8e: {  	[smem:$0x3FB9] =	sst s2  }
0x8f: {  	_ = 	snop  }
0x90: {  	s2 =	sld [smem:$0x3FD0];
	_ =	sdelay $0x2  }
0x91: {  	s15 =	simm.s32 $0xA;
	s4 =	simm.s32 $0x10  }
0x92: {  	[smem:s4], [sflag:s15] =	dma.local [hbm:s2], $0x1  }
0x93: {  	_ =	swait.eq [sflag:s15], $0x1  }
0x94: {  	[sflag:s15] =	ssyncset.done $0x0  }
0x95: {  	[sflag:s15] =	ssyncadd.s32 $0xFFFFFFFF  }
0x96: {  	s16 =	sld [smem:$0x10];
	(tm) =	ssettm $0x1  }
0x97: {  	s17 =	sld [smem:$0x3FFB];
	_ =	sdelay $0x3  }
0x98: {  	_ =	strace s17  }
0x99: {  	s3 =	sld [smem:$0x3FFC];
	_ =	sdelay $0x3  }
0x9a: {  	_ =	strace s3  }
0x9b: {  	s3 =	sld [smem:$0x3FFD];
	_ =	sdelay $0x3  }
0x9c: {  	_ =	strace s3  }
0x9d: {  	_ =	strace $0x8FFFFFFF  }
0x9e: {  	s18 =	sld [smem:$0x3FDB];
	_ =	sdelay $0x1  }
0x9f: {  	s19 =	simm.s32 $_scs_section_size  }
0xa0: {  	s5 =	simm.s32 $_size__tile_overlayer_lowered;
	s6 =	simm.s32 $_tile_overlayer_lowered  }
0xa1: {  	s22 =	simm.s32 $0x1BFF;
	s21 =	sshll.u32 s6, $0x1;
	s3 =	sadd.s32 s19, s18  }
0xa2: {  	s7 =	simm.s32 $0x0;
	s20 =	sshll.u32 s5, $0x1;
	s5 =	sadd.s32 s21, s3  }
0xa3: {  	[timem:s7], [sflag:s22] =	dma.local [hbm:s5], s20  }
0xa4: {  	_ =	swait.ge [sflag:s22], s20  }
0xa5: {  	s4 =	ssub.s32 $0x0, s20;
	[sflag:s22] =	ssyncset.done $0x0  }
0xa6: {  	[sflag:s22] =	ssyncadd.s32 s4;
	_ =	sdelay $0x1  }
0xa7: {  	s23 =	simm.s32 $0x1B8B  }
0xa8: {  	_ =	swait.ge [sflag:s23], $0x1  }
0xa9: {  	[sflag:s23] =	ssyncset.done $0x0  }
0xaa: {  	s25 =	simm.s32 $0x1B8E;
	s24 =	sld [smem:$0x3FFE];
	[sflag:s23] =	ssyncadd.s32 $0xFFFFFFFF  }
0xab: {  	s26 =	simm.s32 $execute0_lowered;
	[smem:$0x3FD2] =	sst s25  }
0xac: {  	s5 =	sshll.u32 s26, $0x1;
	_ =	strace $0x80000046;
	[dreg:$0x1] =	wrdreg $0xFFFFFFFF  }
0xad: {  	s28 =	simm.s32 $_size_execute0_lowered;
	s3 =	sadd.s32 s3, s5;
	[dreg:$0x0] =	wrdreg $0x0  }
0xae: {  	s5 =	sshll.u32 s28, $0x1;
	[dreg:$0x2] =	wrdreg s3  }
0xaf: {  	[dreg:$0x3] =	wrdreg s5  }
0xb0: {  	[dreg:$0x4] =	wrdreg $0xC0  }
0xb1: {  	_ =	task [dreg:s7], $0x5FFFF  }
0xb2: {  	[dreg:$0x1] =	wrdreg $0xFFFFFFFF  }
0xb3: {  	[dreg:$0x0] =	wrdreg $0x60  }
0xb4: {  	[dreg:$0x2] =	wrdreg s24  }
0xb5: {  	[dreg:$0x3] =	wrdreg s16  }
0xb6: {  	[dreg:$0x4] =	wrdreg $0x2B000  }
0xb7: {  	[dreg:$0x5] =	wrdreg $0x9  }
0xb8: {  	_ =	task.clear_ibuf [dreg:s7], $0x6FFFF;
	_ =	strace $0x90000046  }
0xb9: {  	s29 =	simm.s32 $0x9;
	_ =	strace $0x80000048  }
0xba: {  	_ =	swait.ge [sflag:s29], $0x1  }
0xbb: {  	[sflag:s29] =	ssyncadd.s32 $0xFFFFFFFF  }
0xbc: {  	_ =	strace $0x90000048  }
0xbd: {  	_ =	sfence  }
0xbe: {  	s30 =	sld [smem:$0x0];
	_ =	sdelay $0x2  }
0xbf: {  	s31 =	sshll.u32 s1, $0xD;
	s1 =	sshrl.u32 s1, $0x2  }
0xc0: {  	s3 =	sand.u32 $0x4000, s31;
	s1 =	sadd.s32 s1, s30  }
0xc1: {  	s0 =	sor.u32 s3, s0;
	s1 =	sshll.u32 s1, $0x11  }
0xc2: {  	s0 =	sor.u32 s1, s0  }
0xc3: {  	s0 =	sadd.s32 $0x8F2B, s0  }
0xc4: {  	[sflag:s0] =	ssyncadd.remote.s32 $0x1  }
0xc5: {  	_ =	sfence.sel $0xFFFF  }
0xc6: {  	[dreg:$0x0] =	wrdreg $0xFFFFFFFF;
	(pc) =	sbr.abs _section_cstart, $3  }
0xc7: {  	[dreg:$0x1] =	wrdreg $0xFFFFFFFF  }
0xc8: {  	_ =	task.clear_ibuf [dreg:s7], $0x2FFFF;
	_ =	strace $0x9FFFFFFF  }
0xc9: {  	(tm) =	ssettm $0x7FFFFFFF  }
tec
execute0_lowered:
.L_overlay_start_1:
0x0: {  	(tag) =	ssettag $0x1  }
0x1: {  	s4 =	rddreg [dreg:$0x0]  }
0x2: {  	s6 =	rddreg [dreg:$0x1]  }
0x3: {  	s2 =	rddreg [dreg:$0x2]  }
0x4: {  	s0 =	rddreg [dreg:$0x3]  }
0x5: {  	s3 =	srdreg.scid;
	s1 =	stileid.u32  }
0x6: {  	s11 =	simm.s32 $0x2800;
	s12 =	simm.s32 $0x0;
	s5 =	sand.u32 $0x1, s3  }
0x7: {  	s7 =	sshll.u32 s1, $0x1;
	s8 =	smul.u32 $0x278, s1;
	s3 =	simm.s32 $0x0  }
0x8: {  	s7 =	sor.u32 s5, s7;
	s9 =	smul.u32 $0x2780, s5;
	s5 =	ssub.s32 $0x2, s5  }
0x9: {  	[smem:$0x7FF] =	sst s3;
	s7 =	smul.u32 $0x500, s7;
	s10 =	sshrl.u32 s5, $0x1  }
0xa: {  	_ =	strace $0x80000047;
	s9 =	sadd.s32 s8, s9;
	s31 =	ssub.s32 s5, s10  }
0xb: {  	s5 =	sadd.s32 s8, s2;
	s8 =	simm.s32 $0x1;
	s10 =	simm.s32 $0x80  }
0xc: {  	s4 =	sadd.s32 s7, s4;
	s9 =	sshrl.u32 s9, $0x3;
	s7 =	smax.u32 s31, $0x1  }
0xd: {  	v0 =	vimm.f32 $1.000000000e+00;
	v1 =	vimm.f32 $0.0e+00;
	s4 =	sadd.s32 $0x4400, s4;
	s6 =	sadd.s32 s6, s9;
	s9 =	simm.s32 $0x2880  }
.LBB2_1:
0xe: {  	[tilespmem:s3], [sflag:$0x1] =	stream.linear.gather [hbm4b:s4+s3], $0x2800, $0x38;
	[tilespmem:$0x2D78] =	vst v63  }
0xf: {  	_ =	swait.ge [sflag:s8], $0x2800  }
0x10: {  	[sflag:s8] =	ssyncset.done $0x0  }
0x11: {  	[sflag:s8] =	ssyncadd.s32 $0xFFFFD800  }
0x12: {  	[tilespmem:$0x2800] =	vst v0  }
0x13: {  	[tilespmem:$0x2810] =	vst v0  }
0x14: {  	[tilespmem:$0x2820] =	vst v0  }
0x15: {  	[tilespmem:$0x2830] =	vst v0  }
0x16: {  	[tilespmem:$0x2840] =	vst v0  }
0x17: {  	[tilespmem:$0x2850] =	vst v0  }
0x18: {  	[tilespmem:$0x2860] =	vst v0  }
0x19: {  	[tilespmem:$0x2870] =	vst v0  }
0x1a: {  	[tilespmem:$0x2880] =	vst v1  }
0x1b: {  	[tilespmem:$0x2890] =	vst v1  }
0x1c: {  	[tilespmem:$0x28A0] =	vst v1  }
0x1d: {  	[tilespmem:$0x28B0] =	vst v1  }
0x1e: {  	[tilespmem:$0x28C0] =	vst v1  }
0x1f: {  	[tilespmem:$0x28D0] =	vst v1  }
0x20: {  	[tilespmem:$0x28E0] =	vst v1  }
0x21: {  	[tilespmem:$0x28F0] =	vst v1  }
0x22: {  	[tilespmem:$0x2900] =	vst v1  }
0x23: {  	[tilespmem:$0x2910] =	vst v1  }
0x24: {  	[tilespmem:$0x2920] =	vst v1  }
0x25: {  	[tilespmem:$0x2930] =	vst v1  }
0x26: {  	[tilespmem:$0x2940] =	vst v1  }
0x27: {  	[tilespmem:$0x2950] =	vst v1  }
0x28: {  	[tilespmem:$0x2960] =	vst v1  }
0x29: {  	[tilespmem:$0x2970] =	vst v1  }
0x2a: {  	[tilespmem:$0x2980] =	vst v1  }
0x2b: {  	[tilespmem:$0x2990] =	vst v1  }
0x2c: {  	[tilespmem:$0x29A0] =	vst v1  }
0x2d: {  	[tilespmem:$0x29B0] =	vst v1  }
0x2e: {  	[tilespmem:$0x29C0] =	vst v1  }
0x2f: {  	[tilespmem:$0x29D0] =	vst v1  }
0x30: {  	[tilespmem:$0x29E0] =	vst v1  }
0x31: {  	[tilespmem:$0x29F0] =	vst v1  }
0x32: {  	[tilespmem:$0x2A00] =	vst v1  }
0x33: {  	[tilespmem:$0x2A10] =	vst v1  }
0x34: {  	[tilespmem:$0x2A20] =	vst v1  }
0x35: {  	[tilespmem:$0x2A30] =	vst v1  }
0x36: {  	[tilespmem:$0x2A40] =	vst v1  }
0x37: {  	[tilespmem:$0x2A50] =	vst v1  }
0x38: {  	[tilespmem:$0x2A60] =	vst v1  }
0x39: {  	[tilespmem:$0x2A70] =	vst v1  }
0x3a: {  	[tilespmem:$0x2A80] =	vst v1  }
0x3b: {  	[tilespmem:$0x2A90] =	vst v1  }
0x3c: {  	[tilespmem:$0x2AA0] =	vst v1  }
0x3d: {  	[tilespmem:$0x2AB0] =	vst v1  }
0x3e: {  	[tilespmem:$0x2AC0] =	vst v1  }
0x3f: {  	[tilespmem:$0x2AD0] =	vst v1  }
0x40: {  	[tilespmem:$0x2AE0] =	vst v1  }
0x41: {  	[tilespmem:$0x2AF0] =	vst v1  }
0x42: {  	[spmem:s5] =	stream.linear.scatter [tilespmem:s9], [sflag:$0x1], $0x278, $0x38;
	[tilespmem:$0x2D78] =	vst v63  }
0x43: {  	_ =	swait.ge [sflag:s8], $0x278  }
0x44: {  	[sflag:s8] =	ssyncset.done $0x0  }
0x45: {  	[sflag:s8] =	ssyncadd.s32 $0xFFFFFD88  }
0x46: {  	s13 =	simm.s32 $0x0;
	[bflag:$0x0] =	sbarrier.arrive $0xFFFF  }
0x47: {  	[spmem:s2] =	stream.indirect.scatter.add.f32 [tilespmem:s11], [sflag:$0x1], $0x1, s13, s10, $0xb8;
	[tilespmem:$0x2D78] =	vst v63  }
0x48: {  	_ =	swait.ge [sflag:s8], $0x80  }
0x49: {  	s13 =	simm.s32 $0x200;
	[sflag:s8] =	ssyncset.done $0x0  }
.LBB2_2:
0x4a: {  	s14 =	sshra.s32 s13, $0x2;
	[sflag:s8] =	ssyncadd.s32 $0xFFFFFF80;
	p0 =	sne.s32 s13, $0x9E00  }
0x4b: {  	[spmem:s2] =	stream.indirect.scatter.add.f32 [tilespmem:s11], [sflag:$0x1], $0x1, s14, s10, $0xb8;
	[tilespmem:$0x2D78] =	vst v63  }
.Ltmp0:
0x4c: {  	_ = 	snop;
	(pc) =	sbr.rel @p0 .LBB2_2-.Ltmp0, $4  }
0x4d: {  	_ = 	snop  }
0x4e: {  	s13 =	sadd.s32 $0x200, s13  }
0x4f: {  	_ =	swait.ge [sflag:s8], $0x80  }
0x50: {  	[sflag:s8] =	ssyncset.done $0x0  }
0x51: {  	[sflag:s8] =	ssyncadd.s32 $0xFFFFFF80  }
0x52: {  	[bflag:$0x0] =	sbarrier.arrive $0xFFFF  }
0x53: {  	[tilespmem:s9], [sflag:$0x1] =	stream.linear.gather [spmem:s5], $0x278, $0x38;
	[tilespmem:$0x2D78] =	vst v63  }
0x54: {  	s12 =	sadd.s32 $0x1, s12;
	_ =	swait.ge [sflag:s8], $0x278  }
0x55: {  	p0 =	sne.s32 s12, s7;
	[sflag:s8] =	ssyncset.done $0x0  }
.Ltmp1:
0x56: {  	[sflag:s8] =	ssyncadd.s32 $0xFFFFFD88;
	(pc) =	sbr.rel @p0 .LBB2_1-.Ltmp1, $4  }
0x57: {  	[hbm4b:s6+s3] =	stream.linear.scatter [tilespmem:s9], [sflag:$0x1], $0x278, $0x38;
	[tilespmem:$0x2D78] =	vst v63  }
0x58: {  	_ =	swait.ge [sflag:s8], $0x278  }
0x59: {  	[sflag:s8] =	ssyncset.done $0x0  }
0x5a: {  	[sflag:s8] =	ssyncadd.s32 $0xFFFFFD88  }
0x5b: {  	_ =	sfence.sel $0x180000  }
0x5c: {  	[bflag:$0x0] =	sbarrier.arrive $0xFFFF  }
0x5d: {  	p0 =	sne.s32 s1, $0x0;
	_ =	strace $0x90000047  }
0x5e: {  	s0 =	sadd.s32 @!p0 $0x100000, s0;
	[bflag:$0x2] =	sbarrier.arrive $0xFFFF  }
0x5f: {  	[sflag:s0] =	ssyncadd.tile.s32 @!p0 $0x1;
	_ =	shalt  }
.Lfunc_end2:
_tile_overlayer_lowered:
.L_overlay_start_2:
0x60: {  	(tag) =	ssettag $0x2  }
0x61: {  	s0 =	rddreg [dreg:$0x0];
	s2 =	stileid.u32  }
0x62: {  	s1 =	rddreg [dreg:$0x1];
	p0 =	sne.s32 s2, $0x0  }
0x63: {  	s3 =	rddreg [dreg:$0x2];
	[bflag:$0x3] =	sbarrier.arrive $0xFFFF;
	s2 =	simm.s32 @!p0 $0x1C01  }
0x64: {  	[timem:s3], [sflag:s2] =	dma.local @!p0 [hbm:s0], s1  }
0x65: {  	s0 =	simm.s32 @!p0 $0x1  }
0x66: {  	_ =	swait.ge @!p0 [sflag:s0], s1  }
0x67: {  	s1 =	ssub.s32 @!p0 $0x0, s1;
	[sflag:s0] =	ssyncset.done @!p0 $0x0  }
0x68: {  	[sflag:s0] =	ssyncadd.s32 @!p0 s1  }
0x69: {  	[bflag:$0x3] =	sbarrier.arrive $0xFFFF  }
0x6a: {  	_ =	shalt  }

// kernel: kernel.16.cloned.1.call-start
scs
__scs_entry_jumppad:
0x0: {  	(pc) =	sbr.rel $0x88, $3  }
0x1: {  	(tag) =	ssettag $0x0;
	lr =	simm.s32 $0x1  }
0x2: {  	[smem:$0x3F92] =	sst lr;
	_ =	strace $0xD0000000  }
0x3: {  	_ = 	snop  }
0x4: {  	_ = 	snop  }
0x5: {  	_ = 	snop  }
0x6: {  	_ = 	snop  }
0x7: {  	_ = 	snop  }
__scs_overlays_trampoline_lowered:
0x8: {  	[smem:$0x3FA1] =	sst s0  }
0x9: {  	[smem:$0x3FA2] =	sst s1  }
0xa: {  	[smem:$0x3FA3] =	sst s2  }
0xb: {  	[smem:$0x3FA4] =	sst s3  }
0xc: {  	[smem:$0x3FA5] =	sst s4  }
0xd: {  	[smem:$0x3FA6] =	sst s5  }
0xe: {  	[smem:$0x3FA7] =	sst s6  }
0xf: {  	[smem:$0x3FA8] =	sst s7  }
0x10: {  	[smem:$0x3FA9] =	sst s8  }
0x11: {  	[smem:$0x3FAA] =	sst s9;
	s0 =	simm.s32 @!p0 $0x0  }
0x12: {  	s1 =	sld [smem:$0x3F90];
	s0 =	simm.s32 @p0 $0x1  }
0x13: {  	[smem:$0x3FAB] =	sst s0;
	s0 =	simm.s32 @!p1 $0x0  }
0x14: {  	s2 =	sld [smem:$0x3F8F];
	s0 =	simm.s32 @p1 $0x1  }
0x15: {  	[smem:$0x3FAC] =	sst s0;
	s0 =	simm.s32 @!p2 $0x0  }
0x16: {  	s3 =	sld [smem:$0x3FDB];
	s0 =	simm.s32 @p2 $0x1  }
0x17: {  	s4 =	simm.s32 $0x1BF5;
	[smem:$0x3FAE] =	sst s0  }
0x18: {  	s0 =	sld [smem:$0x3F91];
	_ =	swait.ge [sflag:s4], $0x0  }
0x19: {  	s7 =	sld [smem:$0x3F92]  }
0x1a: {  	s8 =	sadd.s32 $0xFFFFE003, lr  }
0x1b: {  	s9 =	sadd.s32 $0xFFFFFEF7, lr;
	s5 =	simm.s32 $0xFFFFFFFF;
	p2 =	slt.u32 s8, $0xFFFFF086  }
0x1c: {  	p1 =	slt.u32 s9, $0xF7A;
	s5 =	simm.s32 @!p2 $0x0  }
0x1d: {  	s5 =	simm.s32 @p1 $0x1;
	p0 =	seq.s32 s7, s2  }
0x1e: {  	s7 =	smul.u32 @!p0 $0xF7A, s2;
	p2 =	seq.s32 @!p0 s5, $0x0  }
0x1f: {  	s9 =	smul.u32 $0xF7A, s1;
	s8 =	simm.s32 @!p0 $0x1BF5;
	p2 =	por !p2, p0  }
0x20: {  	[sflag:s8] =	ssyncset.s32 @!p0 $0xFFFFF086;
	s6 =	sadd.s32 @!p0 s3, s7;
	s7 =	simm.s32 @!p0 $0x108  }
0x21: {  	s3 =	sadd.s32 s3, s9;
	s6 =	sadd.s32 @!p0 $0x88, s6;
	s7 =	simm.s32 @p2 $0x1082  }
0x22: {  	[simem:s7], [sflag:s8] =	dma.local @!p0 [hbm:s6], $0xF7A  }
0x23: {  	s9 =	sor.u32 $0xD0000000, s2;
	s6 =	simm.s32 $0x108;
	_ =	swait.ge @!p0 [sflag:s8], $0x0  }
0x24: {  	s3 =	sadd.s32 $0x88, s3;
	s6 =	simm.s32 @!p1 $0x1082;
	[sflag:s4] =	ssyncset.s32 $0xFFFFF086  }
0x25: {  	[simem:s6], [sflag:s4] =	dma.local [hbm:s3], $0xF7A  }
0x26: {  	[smem:$0x3F92] =	sst s1;
	(tag) =	ssettag s2;
	_ =	strace s9  }
0x27: {  	s1 =	sld [smem:$0x3FA2]  }
0x28: {  	s2 =	sld [smem:$0x3FA3]  }
0x29: {  	s4 =	sld [smem:$0x3FA5]  }
0x2a: {  	p0 =	seq.s32 s5, $0x0;
	s5 =	sld [smem:$0x3FA6]  }
0x2b: {  	s6 =	sld [smem:$0x3FA7]  }
0x2c: {  	s7 =	sld [smem:$0x3FA8]  }
0x2d: {  	s3 =	simm.s32 $0x108;
	s8 =	sld [smem:$0x3FA9]  }
0x2e: {  	s3 =	simm.s32 @!p0 $0x1082;
	s9 =	sld [smem:$0x3FAA]  }
0x2f: {  	lr =	sadd.s32 s0, s3;
	s0 =	sld [smem:$0x3FA1]  }
0x30: {  	s3 =	sld [smem:$0x3FA4]  }
0x31: {  	[smem:$0x3FAD] =	sst s10  }
0x32: {  	s10 =	sld [smem:$0x3FAB];
	_ =	sdelay $0x3  }
0x33: {  	p0 =	seq.s32 s10, $0x1;
	s10 =	sld [smem:$0x3FAD];
	_ =	sdelay $0x3  }
0x34: {  	[smem:$0x3FAD] =	sst s10  }
0x35: {  	s10 =	sld [smem:$0x3FAC];
	_ =	sdelay $0x3  }
0x36: {  	p1 =	seq.s32 s10, $0x1;
	s10 =	sld [smem:$0x3FAD];
	_ =	sdelay $0x3  }
0x37: {  	[smem:$0x3FAD] =	sst s10  }
0x38: {  	s10 =	sld [smem:$0x3FAE]  }
0x39: {  	_ = 	snop;
	(pc) =	sbr.ind lr, $3  }
0x3a: {  	_ = 	snop  }
0x3b: {  	_ = 	snop  }
0x3c: {  	p2 =	seq.s32 s10, $0x1;
	s10 =	sld [smem:$0x3FAD]  }
0x3d: {  	_ =	shalt  }
0x3e: {  	_ =	shalt  }
0x3f: {  	_ =	shalt  }
0x40: {  	_ =	shalt  }
0x41: {  	_ =	shalt  }
0x42: {  	_ =	shalt  }
0x43: {  	_ =	shalt  }
0x44: {  	_ =	shalt  }
0x45: {  	_ =	shalt  }
0x46: {  	_ =	shalt  }
0x47: {  	_ =	shalt  }
0x48: {  	_ =	shalt  }
0x49: {  	_ =	shalt  }
0x4a: {  	_ =	shalt  }
0x4b: {  	_ =	shalt  }
0x4c: {  	_ =	shalt  }
0x4d: {  	_ =	shalt  }
0x4e: {  	_ =	shalt  }
0x4f: {  	_ =	shalt  }
0x50: {  	_ =	shalt  }
0x51: {  	_ =	shalt  }
0x52: {  	_ =	shalt  }
0x53: {  	_ =	shalt  }
0x54: {  	_ =	shalt  }
0x55: {  	_ =	shalt  }
0x56: {  	_ =	shalt  }
0x57: {  	_ =	shalt  }
0x58: {  	_ =	shalt  }
0x59: {  	_ =	shalt  }
0x5a: {  	_ =	shalt  }
0x5b: {  	_ =	shalt  }
0x5c: {  	_ =	shalt  }
0x5d: {  	_ =	shalt  }
0x5e: {  	_ =	shalt  }
0x5f: {  	_ =	shalt  }
0x60: {  	_ =	shalt  }
0x61: {  	_ =	shalt  }
0x62: {  	_ =	shalt  }
0x63: {  	_ =	shalt  }
0x64: {  	_ =	shalt  }
0x65: {  	_ =	shalt  }
0x66: {  	_ =	shalt  }
0x67: {  	_ =	shalt  }
0x68: {  	_ =	shalt  }
0x69: {  	_ =	shalt  }
0x6a: {  	_ =	shalt  }
0x6b: {  	_ =	shalt  }
0x6c: {  	_ =	shalt  }
0x6d: {  	_ =	shalt  }
0x6e: {  	_ =	shalt  }
0x6f: {  	_ =	shalt  }
0x70: {  	_ =	shalt  }
0x71: {  	_ =	shalt  }
0x72: {  	_ =	shalt  }
0x73: {  	_ =	shalt  }
0x74: {  	_ =	shalt  }
0x75: {  	_ =	shalt  }
0x76: {  	_ =	shalt  }
0x77: {  	_ =	shalt  }
0x78: {  	_ =	shalt  }
0x79: {  	_ =	shalt  }
0x7a: {  	_ =	shalt  }
0x7b: {  	_ =	shalt  }
0x7c: {  	_ =	shalt  }
0x7d: {  	_ =	shalt  }
0x7e: {  	_ =	shalt  }
0x7f: {  	_ =	shalt  }
0x80: {  	_ =	shalt  }
0x81: {  	_ =	shalt  }
0x82: {  	_ =	shalt  }
0x83: {  	_ =	shalt  }
0x84: {  	_ =	shalt  }
0x85: {  	_ =	shalt  }
0x86: {  	_ =	shalt  }
0x87: {  	_ =	shalt  }
.Lfunc_end0:
.L_simem_size_0:
called_computation.1_lowered:
.L_overlay_start_0:
0x88: {  	s2 =	sld [smem:$0x3FD9]  }
0x89: {  	s3 =	sld [smem:$0x3FFE];
	_ =	sdelay $0x1  }
0x8a: {  	s1 =	srdreg.scid  }
0x8b: {  	s0 =	sand.u32 $0x1, s1  }
0x8c: {  	s14 =	sshll.u32 s0, $0xA;
	s2 =	sadd.s32 s3, s2  }
0x8d: {  	s2 =	sadd.s32 s2, s14  }
0x8e: {  	[smem:$0x3FB9] =	sst s2  }
0x8f: {  	_ = 	snop  }
0x90: {  	s2 =	sld [smem:$0x3FD0];
	_ =	sdelay $0x2  }
0x91: {  	s15 =	simm.s32 $0xA;
	s4 =	simm.s32 $0x10  }
0x92: {  	[smem:s4], [sflag:s15] =	dma.local [hbm:s2], $0x1  }
0x93: {  	_ =	swait.eq [sflag:s15], $0x1  }
0x94: {  	[sflag:s15] =	ssyncset.done $0x0  }
0x95: {  	[sflag:s15] =	ssyncadd.s32 $0xFFFFFFFF  }
0x96: {  	s16 =	sld [smem:$0x10];
	(tm) =	ssettm $0x1  }
0x97: {  	s17 =	sld [smem:$0x3FFB];
	_ =	sdelay $0x3  }
0x98: {  	_ =	strace s17  }
0x99: {  	s3 =	sld [smem:$0x3FFC];
	_ =	sdelay $0x3  }
0x9a: {  	_ =	strace s3  }
0x9b: {  	s3 =	sld [smem:$0x3FFD];
	_ =	sdelay $0x3  }
0x9c: {  	_ =	strace s3  }
0x9d: {  	_ =	strace $0x8FFFFFFF  }
0x9e: {  	s18 =	sld [smem:$0x3FDB];
	_ =	sdelay $0x1  }
0x9f: {  	s19 =	simm.s32 $_scs_section_size  }
0xa0: {  	s5 =	simm.s32 $_size__tile_overlayer_lowered;
	s6 =	simm.s32 $_tile_overlayer_lowered  }
0xa1: {  	s22 =	simm.s32 $0x1BFF;
	s21 =	sshll.u32 s6, $0x1;
	s3 =	sadd.s32 s19, s18  }
0xa2: {  	s7 =	simm.s32 $0x0;
	s20 =	sshll.u32 s5, $0x1;
	s5 =	sadd.s32 s21, s3  }
0xa3: {  	[timem:s7], [sflag:s22] =	dma.local [hbm:s5], s20  }
0xa4: {  	_ =	swait.ge [sflag:s22], s20  }
0xa5: {  	s4 =	ssub.s32 $0x0, s20;
	[sflag:s22] =	ssyncset.done $0x0  }
0xa6: {  	[sflag:s22] =	ssyncadd.s32 s4;
	_ =	sdelay $0x1  }
0xa7: {  	s23 =	simm.s32 $0x1B8B  }
0xa8: {  	_ =	swait.ge [sflag:s23], $0x1  }
0xa9: {  	[sflag:s23] =	ssyncset.done $0x0  }
0xaa: {  	s25 =	simm.s32 $0x1B8E;
	s24 =	sld [smem:$0x3FFE];
	[sflag:s23] =	ssyncadd.s32 $0xFFFFFFFF  }
0xab: {  	s26 =	simm.s32 $execute0_lowered;
	[smem:$0x3FD2] =	sst s25  }
0xac: {  	s5 =	sshll.u32 s26, $0x1;
	_ =	strace $0x80000049;
	[dreg:$0x1] =	wrdreg $0xFFFFFFFF  }
0xad: {  	s28 =	simm.s32 $_size_execute0_lowered;
	s3 =	sadd.s32 s3, s5;
	[dreg:$0x0] =	wrdreg $0x0  }
0xae: {  	s5 =	sshll.u32 s28, $0x1;
	[dreg:$0x2] =	wrdreg s3  }
0xaf: {  	[dreg:$0x3] =	wrdreg s5  }
0xb0: {  	[dreg:$0x4] =	wrdreg $0xC0  }
0xb1: {  	_ =	task [dreg:s7], $0x5FFFF  }
0xb2: {  	[dreg:$0x1] =	wrdreg $0xFFFFFFFF  }
0xb3: {  	[dreg:$0x0] =	wrdreg $0x60  }
0xb4: {  	[dreg:$0x2] =	wrdreg s16  }
0xb5: {  	[dreg:$0x3] =	wrdreg s24  }
0xb6: {  	[dreg:$0x4] =	wrdreg $0xC3000  }
0xb7: {  	[dreg:$0x5] =	wrdreg $0x9  }
0xb8: {  	_ =	task.clear_ibuf [dreg:s7], $0x6FFFF;
	_ =	strace $0x90000049  }
0xb9: {  	s29 =	simm.s32 $0x9;
	_ =	strace $0x8000004B  }
0xba: {  	_ =	swait.ge [sflag:s29], $0x1  }
0xbb: {  	[sflag:s29] =	ssyncadd.s32 $0xFFFFFFFF  }
0xbc: {  	_ =	strace $0x9000004B  }
0xbd: {  	_ =	sfence  }
0xbe: {  	s30 =	sld [smem:$0x0];
	_ =	sdelay $0x2  }
0xbf: {  	s31 =	sshll.u32 s1, $0xD;
	s1 =	sshrl.u32 s1, $0x2  }
0xc0: {  	s3 =	sand.u32 $0x4000, s31;
	s1 =	sadd.s32 s1, s30  }
0xc1: {  	s0 =	sor.u32 s3, s0;
	s1 =	sshll.u32 s1, $0x11  }
0xc2: {  	s0 =	sor.u32 s1, s0  }
0xc3: {  	s0 =	sadd.s32 $0x8F2B, s0  }
0xc4: {  	[sflag:s0] =	ssyncadd.remote.s32 $0x1  }
0xc5: {  	_ =	sfence.sel $0xFFFF  }
0xc6: {  	[dreg:$0x0] =	wrdreg $0xFFFFFFFF;
	(pc) =	sbr.abs _section_cstart, $3  }
0xc7: {  	[dreg:$0x1] =	wrdreg $0xFFFFFFFF  }
0xc8: {  	_ =	task.clear_ibuf [dreg:s7], $0x2FFFF;
	_ =	strace $0x9FFFFFFF  }
0xc9: {  	(tm) =	ssettm $0x7FFFFFFF  }
tec
execute0_lowered:
.L_overlay_start_1:
0x0: {  	(tag) =	ssettag $0x1  }
0x1: {  	s1 =	rddreg [dreg:$0x0]  }
0x2: {  	s0 =	rddreg [dreg:$0x1]  }
0x3: {  	s3 =	rddreg [dreg:$0x2];
	s17 =	stileid.u32  }
0x4: {  	s2 =	srdreg.scid;
	s4 =	simm.s32 $0x0;
	s10 =	smul.u32 $0x13C00, s17  }
0x5: {  	s28 =	simm.s32 $0x0;
	s2 =	sand.u32 $0x1, s2;
	s14 =	smul.u32 $0x4F000, s17  }
0x6: {  	s5 =	sshll.u32 s17, $0x1;
	[smem:$0x7FF] =	sst s4;
	s31 =	smul.u32 $0x5000, s17  }
0x7: {  	s6 =	sadd.s32 $0x4400, s0;
	s5 =	sor.u32 s2, s5;
	s22 =	smul.u32 $0x13C000, s2  }
0x8: {  	_ =	strace $0x8000004A;
	s7 =	ssub.s32 $0x2, s2;
	s2 =	smul.u32 $0x2800, s2  }
0x9: {  	s8 =	smul.u32 $0x2800, s5;
	s5 =	sadd.s32 $0xE600, s0;
	s9 =	sshrl.u32 s7, $0x1  }
0xa: {  	s0 =	sadd.s32 $0x18800, s0;
	s23 =	sadd.s32 $0x4000, s10;
	s26 =	sadd.s32 $0x8000, s10  }
0xb: {  	s15 =	sadd.s32 $0xC000, s10;
	s7 =	ssub.s32 s7, s9;
	s24 =	sadd.s32 s10, s22  }
0xc: {  	s13 =	sadd.s32 s22, s23;
	s29 =	sadd.s32 s22, s26;
	s16 =	sadd.s32 s22, s15  }
0xd: {  	s10 =	sadd.s32 $0x10000, s10;
	s30 =	sshrl.u32 s16, $0x3;
	s16 =	sadd.s32 s15, s3  }
0xe: {  	s8 =	sshrl.u32 s8, $0x3;
	s17 =	sadd.s32 s10, s3;
	[dreg:$0x11] =	wrdreg s16  }
0xf: {  	s13 =	sshrl.u32 s13, $0x3;
	s19 =	sadd.s32 s5, s8;
	[dreg:$0x12] =	wrdreg s17  }
0x10: {  	s15 =	simm.s32 $0x4;
	s11 =	sadd.s32 s6, s8;
	[dreg:$0x4] =	wrdreg s19  }
0x11: {  	s20 =	sor.u32 $0x10, s8;
	s25 =	sadd.s32 s0, s13;
	[dreg:$0x5] =	wrdreg s11  }
0x12: {  	s8 =	sor.u32 $0x20, s8;
	s21 =	sadd.s32 s5, s20;
	[dreg:$0xa] =	wrdreg s25  }
0x13: {  	s13 =	sshrl.u32 s29, $0x3;
	s9 =	sadd.s32 s6, s20;
	[dreg:$0x6] =	wrdreg s21  }
0x14: {  	s16 =	simm.s32 $0x5;
	s12 =	sadd.s32 s5, s8;
	[dreg:$0x7] =	wrdreg s9  }
0x15: {  	s17 =	simm.s32 $0x4300;
	s13 =	sadd.s32 s0, s13;
	[dreg:$0x8] =	wrdreg s12  }
0x16: {  	s11 =	sadd.s32 s22, s10;
	s8 =	sadd.s32 s6, s8;
	[dreg:$0xb] =	wrdreg s13  }
0x17: {  	s19 =	smax.u32 s7, $0x1;
	s10 =	simm.s32 $0x200;
	[dreg:$0xe] =	wrdreg s8  }
0x18: {  	s12 =	sshrl.u32 s24, $0x3;
	s13 =	sadd.s32 s0, s30;
	[dreg:$0x13] =	wrdreg s19  }
0x19: {  	s11 =	sshrl.u32 s11, $0x3;
	s12 =	sadd.s32 s0, s12;
	[dreg:$0xc] =	wrdreg s13  }
0x1a: {  	s8 =	simm.s32 $0x180;
	s0 =	sadd.s32 s0, s11;
	[dreg:$0x9] =	wrdreg s12  }
0x1b: {  	s9 =	simm.s32 $0x80;
	s13 =	sadd.s32 s23, s3;
	[dreg:$0xd] =	wrdreg s0  }
0x1c: {  	s11 =	sshrl.u32 s14, $0x2;
	s14 =	sadd.s32 s26, s3;
	[dreg:$0xf] =	wrdreg s13  }
0x1d: {  	s19 =	simm.s32 $0x7;
	s18 =	sadd.s32 s11, s3;
	[dreg:$0x10] =	wrdreg s14  }
0x1e: {  	s0 =	sadd.s32 s2, s31;
	s11 =	simm.s32 $0x100;
	s12 =	simm.s32 $0x280  }
0x1f: {  	s13 =	simm.s32 $0x300;
	s14 =	simm.s32 $0x1;
	s20 =	sor.u32 $0x280, s0  }
0x20: {  	s21 =	sor.u32 $0x200, s0;
	s0 =	sor.u32 $0x180, s0;
	s22 =	sadd.s32 $0x2780, s18  }
0x21: {  	s23 =	sadd.s32 $0x4F00, s18;
	s29 =	sadd.s32 $0x7680, s18;
	[dreg:$0x14] =	wrdreg s22  }
0x22: {  	s30 =	sadd.s32 $0x9E00, s18;
	s31 =	sadd.s32 $0xC580, s18;
	[dreg:$0x15] =	wrdreg s23  }
0x23: {  	s2 =	sadd.s32 $0xED00, s18;
	s7 =	sadd.s32 $0x11480, s18;
	[dreg:$0x16] =	wrdreg s29  }
0x24: {  	s24 =	sshrl.u32 s20, $0x3;
	s25 =	sshrl.u32 s21, $0x3;
	[dreg:$0x17] =	wrdreg s30  }
0x25: {  	s26 =	sshrl.u32 s0, $0x3;
	[dreg:$0x18] =	wrdreg s31;
	s20 =	simm.s32 $0x6  }
0x26: {  	v0 =	vimm.f32 $0.0e+00;
	s21 =	simm.s32 $0x8300;
	s22 =	simm.s32 $0x2;
	s23 =	simm.s32 $0x3  }
.LBB2_1:
0x27: {  	s0 =	rddreg [dreg:$0x4]  }
0x28: {  	[tilespmem:s4], [sflag:$0x4] =	stream.linear.gather [hbm4b:s0+s4], $0x80, $0x38;
	[tilespmem:$0x1FF00] =	vst v63  }
0x29: {  	s31 =	rddreg [dreg:$0x5]  }
0x2a: {  	[tilespmem:s8], [sflag:$0x4] =	stream.linear.gather [hbm4b:s31+s4], $0x80, $0x38;
	[tilespmem:$0x1FF00] =	vst v63  }
0x2b: {  	s31 =	rddreg [dreg:$0x6]  }
0x2c: {  	[tilespmem:s9], [sflag:$0x5] =	stream.linear.gather [hbm4b:s31+s4], $0x80, $0x38;
	[tilespmem:$0x1FF00] =	vst v63  }
0x2d: {  	s31 =	rddreg [dreg:$0x7]  }
0x2e: {  	[tilespmem:s10], [sflag:$0x5] =	stream.linear.gather [hbm4b:s31+s4], $0x80, $0x38;
	[tilespmem:$0x1FF00] =	vst v63  }
0x2f: {  	s31 =	rddreg [dreg:$0x8]  }
0x30: {  	[tilespmem:s11], [sflag:$0x6] =	stream.linear.gather [hbm4b:s31+s4], $0x80, $0x38;
	[tilespmem:$0x1FF00] =	vst v63  }
0x31: {  	s29 =	simm.s32 $0x0;
	s30 =	simm.s32 $0x200;
	s31 =	rddreg [dreg:$0xe]  }
0x32: {  	[tilespmem:s12], [sflag:$0x6] =	stream.linear.gather [hbm4b:s31+s4], $0x80, $0x38;
	[tilespmem:$0x1FF00] =	vst v63  }
.LBB2_2:
0x33: {  	p0 =	sne.s32 s30, $0xFE00;
	[tilespmem:s29+$0x370] =	vst v0  }
0x34: {  	[tilespmem:s29+$0x300] =	vst v0  }
0x35: {  	[tilespmem:s29+$0x310] =	vst v0  }
.Ltmp0:
0x36: {  	[tilespmem:s29+$0x320] =	vst v0;
	(pc) =	sbr.rel @p0 .LBB2_2-.Ltmp0, $4  }
0x37: {  	[tilespmem:s29+$0x330] =	vst v0  }
0x38: {  	[tilespmem:s29+$0x340] =	vst v0  }
0x39: {  	[tilespmem:s29+$0x350] =	vst v0  }
0x3a: {  	[tilespmem:s29+$0x360] =	vst v0;
	s29 =	sshra.s32 s30, $0x2;
	s30 =	sadd.s32 $0x200, s30  }
0x3b: {  	[tilespmem:s29+$0x370] =	vst v0  }
0x3c: {  	[tilespmem:s29+$0x300] =	vst v0  }
0x3d: {  	[tilespmem:s29+$0x310] =	vst v0  }
0x3e: {  	[tilespmem:s29+$0x320] =	vst v0  }
0x3f: {  	[tilespmem:s29+$0x330] =	vst v0  }
0x40: {  	[tilespmem:s29+$0x340] =	vst v0  }
0x41: {  	[tilespmem:s29+$0x350] =	vst v0  }
0x42: {  	[tilespmem:s29+$0x360] =	vst v0  }
0x43: {  	[spmem:s18] =	stream.linear.scatter [tilespmem:s13], [sflag:$0x1], $0x2780, $0x38;
	[tilespmem:$0x1FF00] =	vst v63  }
0x44: {  	s0 =	rddreg [dreg:$0x14]  }
0x45: {  	[spmem:s0] =	stream.linear.scatter [tilespmem:s13], [sflag:$0x1], $0x2780, $0x38;
	[tilespmem:$0x1FF00] =	vst v63  }
0x46: {  	s0 =	rddreg [dreg:$0x15]  }
0x47: {  	[spmem:s0] =	stream.linear.scatter [tilespmem:s13], [sflag:$0x1], $0x2780, $0x38;
	[tilespmem:$0x1FF00] =	vst v63  }
0x48: {  	s0 =	rddreg [dreg:$0x16]  }
0x49: {  	[spmem:s0] =	stream.linear.scatter [tilespmem:s13], [sflag:$0x1], $0x2780, $0x38;
	[tilespmem:$0x1FF00] =	vst v63  }
0x4a: {  	s0 =	rddreg [dreg:$0x17]  }
0x4b: {  	[spmem:s0] =	stream.linear.scatter [tilespmem:s13], [sflag:$0x1], $0x2780, $0x38;
	[tilespmem:$0x1FF00] =	vst v63  }
0x4c: {  	s0 =	rddreg [dreg:$0x18]  }
0x4d: {  	[spmem:s0] =	stream.linear.scatter [tilespmem:s13], [sflag:$0x1], $0x2780, $0x38;
	[tilespmem:$0x1FF00] =	vst v63  }
0x4e: {  	_ = 	snop  }
0x4f: {  	[spmem:s2] =	stream.linear.scatter [tilespmem:s13], [sflag:$0x1], $0x2780, $0x38;
	[tilespmem:$0x1FF00] =	vst v63  }
0x50: {  	_ = 	snop  }
0x51: {  	[spmem:s7] =	stream.linear.scatter [tilespmem:s13], [sflag:$0x1], $0x2780, $0x38;
	[tilespmem:$0x1FF00] =	vst v63  }
0x52: {  	_ =	swait.ge [sflag:s14], $0x2780  }
0x53: {  	[sflag:s14] =	ssyncset.done $0x0  }
0x54: {  	[sflag:s14] =	ssyncadd.s32 $0xFFFFD880  }
0x55: {  	_ =	swait.ge [sflag:s14], $0x2780  }
0x56: {  	[sflag:s14] =	ssyncset.done $0x0  }
0x57: {  	[sflag:s14] =	ssyncadd.s32 $0xFFFFD880  }
0x58: {  	_ =	swait.ge [sflag:s14], $0x2780  }
0x59: {  	[sflag:s14] =	ssyncset.done $0x0  }
0x5a: {  	[sflag:s14] =	ssyncadd.s32 $0xFFFFD880  }
0x5b: {  	_ =	swait.ge [sflag:s14], $0x2780  }
0x5c: {  	[sflag:s14] =	ssyncset.done $0x0  }
0x5d: {  	[sflag:s14] =	ssyncadd.s32 $0xFFFFD880  }
0x5e: {  	_ =	swait.ge [sflag:s14], $0x2780  }
0x5f: {  	[sflag:s14] =	ssyncset.done $0x0  }
0x60: {  	[sflag:s14] =	ssyncadd.s32 $0xFFFFD880  }
0x61: {  	_ =	swait.ge [sflag:s14], $0x2780  }
0x62: {  	[sflag:s14] =	ssyncset.done $0x0  }
0x63: {  	[sflag:s14] =	ssyncadd.s32 $0xFFFFD880  }
0x64: {  	_ =	swait.ge [sflag:s14], $0x2780  }
0x65: {  	[sflag:s14] =	ssyncset.done $0x0  }
0x66: {  	[sflag:s14] =	ssyncadd.s32 $0xFFFFD880  }
0x67: {  	_ =	swait.ge [sflag:s14], $0x2780  }
0x68: {  	[sflag:s14] =	ssyncset.done $0x0  }
0x69: {  	[sflag:s14] =	ssyncadd.s32 $0xFFFFD880  }
0x6a: {  	[bflag:$0x0] =	sbarrier.arrive $0xFFFF  }
0x6b: {  	_ =	swait.ge [sflag:s15], $0x80  }
0x6c: {  	[sflag:s15] =	ssyncset.done $0x0  }
0x6d: {  	[sflag:s15] =	ssyncadd.s32 $0xFFFFFF80  }
0x6e: {  	_ =	swait.ge [sflag:s15], $0x80  }
0x6f: {  	[sflag:s15] =	ssyncset.done $0x0  }
0x70: {  	[sflag:s15] =	ssyncadd.s32 $0xFFFFFF80  }
0x71: {  	[tilespmem:s13], [sflag:$0x1] =	stream.indirect.gather [hbm4b:s1+s9], $0x80, s4, s9, $0xb8;
	[tilespmem:$0x1FF00] =	vst v63  }
0x72: {  	_ =	swait.ge [sflag:s16], $0x80  }
0x73: {  	[sflag:s16] =	ssyncset.done $0x0  }
0x74: {  	[sflag:s16] =	ssyncadd.s32 $0xFFFFFF80  }
0x75: {  	_ =	swait.ge [sflag:s16], $0x80  }
0x76: {  	[sflag:s16] =	ssyncset.done $0x0  }
0x77: {  	[sflag:s16] =	ssyncadd.s32 $0xFFFFFF80  }
0x78: {  	[tilespmem:s17], [sflag:$0x2] =	stream.indirect.gather [hbm4b:s1+s9], $0x80, s9, s9, $0xb8;
	[tilespmem:$0x1FF00] =	vst v63  }
0x79: {  	_ =	swait.ge [sflag:s14], $0x4000  }
0x7a: {  	[sflag:s14] =	ssyncset.done $0x0  }
0x7b: {  	[sflag:s14] =	ssyncadd.s32 $0xFFFFC000  }
0x7c: {  	[spmem:s3] =	stream.indirect.scatter.add.f32 [tilespmem:s13], [sflag:$0x7], $0x80, s8, s9, $0xb8;
	[tilespmem:$0x1FF00] =	vst v63  }
0x7d: {  	_ =	swait.ge [sflag:s19], $0x4000  }
0x7e: {  	[sflag:s19] =	ssyncset.done $0x0  }
0x7f: {  	[sflag:s19] =	ssyncadd.s32 $0xFFFFC000  }
0x80: {  	_ =	swait.ge [sflag:s20], $0x80  }
0x81: {  	[sflag:s20] =	ssyncset.done $0x0  }
0x82: {  	[sflag:s20] =	ssyncadd.s32 $0xFFFFFF80  }
0x83: {  	_ =	swait.ge [sflag:s20], $0x80  }
0x84: {  	[sflag:s20] =	ssyncset.done $0x0  }
0x85: {  	[sflag:s20] =	ssyncadd.s32 $0xFFFFFF80  }
0x86: {  	[tilespmem:s21], [sflag:$0x3] =	stream.indirect.gather [hbm4b:s1+s9], $0x80, s11, s9, $0xb8;
	[tilespmem:$0x1FF00] =	vst v63  }
0x87: {  	s0 =	sadd.s32 s5, s26  }
0x88: {  	[tilespmem:s4], [sflag:$0x4] =	stream.linear.gather [hbm4b:s0+s4], $0x80, $0x38;
	[tilespmem:$0x1FF00] =	vst v63  }
0x89: {  	s0 =	sadd.s32 s6, s26  }
0x8a: {  	[tilespmem:s8], [sflag:$0x4] =	stream.linear.gather [hbm4b:s0+s4], $0x80, $0x38;
	[tilespmem:$0x1FF00] =	vst v63  }
0x8b: {  	_ =	swait.ge [sflag:s22], $0x4000  }
0x8c: {  	[sflag:s22] =	ssyncset.done $0x0  }
0x8d: {  	[sflag:s22] =	ssyncadd.s32 $0xFFFFC000  }
0x8e: {  	[spmem:s3] =	stream.indirect.scatter.add.f32 [tilespmem:s17], [sflag:$0x7], $0x80, s10, s9, $0xb8;
	[tilespmem:$0x1FF00] =	vst v63  }
0x8f: {  	_ =	swait.ge [sflag:s19], $0x4000  }
0x90: {  	[sflag:s19] =	ssyncset.done $0x0  }
0x91: {  	[sflag:s19] =	ssyncadd.s32 $0xFFFFC000  }
0x92: {  	_ =	swait.ge [sflag:s15], $0x80  }
0x93: {  	[sflag:s15] =	ssyncset.done $0x0  }
0x94: {  	[sflag:s15] =	ssyncadd.s32 $0xFFFFFF80  }
0x95: {  	_ =	swait.ge [sflag:s15], $0x80  }
0x96: {  	[sflag:s15] =	ssyncset.done $0x0  }
0x97: {  	[sflag:s15] =	ssyncadd.s32 $0xFFFFFF80  }
0x98: {  	[tilespmem:s13], [sflag:$0x1] =	stream.indirect.gather [hbm4b:s1+s9], $0x80, s4, s9, $0xb8;
	[tilespmem:$0x1FF00] =	vst v63  }
0x99: {  	s0 =	sadd.s32 s5, s25  }
0x9a: {  	[tilespmem:s9], [sflag:$0x5] =	stream.linear.gather [hbm4b:s0+s4], $0x80, $0x38;
	[tilespmem:$0x1FF00] =	vst v63  }
0x9b: {  	s0 =	sadd.s32 s6, s25  }
0x9c: {  	[tilespmem:s10], [sflag:$0x5] =	stream.linear.gather [hbm4b:s0+s4], $0x80, $0x38;
	[tilespmem:$0x1FF00] =	vst v63  }
0x9d: {  	_ =	swait.ge [sflag:s23], $0x4000  }
0x9e: {  	[sflag:s23] =	ssyncset.done $0x0  }
0x9f: {  	[sflag:s23] =	ssyncadd.s32 $0xFFFFC000  }
0xa0: {  	[spmem:s3] =	stream.indirect.scatter.add.f32 [tilespmem:s21], [sflag:$0x7], $0x80, s12, s9, $0xb8;
	[tilespmem:$0x1FF00] =	vst v63  }
0xa1: {  	_ =	swait.ge [sflag:s19], $0x4000  }
0xa2: {  	[sflag:s19] =	ssyncset.done $0x0  }
0xa3: {  	[sflag:s19] =	ssyncadd.s32 $0xFFFFC000  }
0xa4: {  	_ =	swait.ge [sflag:s16], $0x80  }
0xa5: {  	[sflag:s16] =	ssyncset.done $0x0  }
0xa6: {  	[sflag:s16] =	ssyncadd.s32 $0xFFFFFF80  }
0xa7: {  	_ =	swait.ge [sflag:s16], $0x80  }
0xa8: {  	[sflag:s16] =	ssyncset.done $0x0  }
0xa9: {  	[sflag:s16] =	ssyncadd.s32 $0xFFFFFF80  }
0xaa: {  	[tilespmem:s17], [sflag:$0x2] =	stream.indirect.gather [hbm4b:s1+s9], $0x80, s9, s9, $0xb8;
	[tilespmem:$0x1FF00] =	vst v63  }
0xab: {  	s29 =	simm.s32 $0x19;
	s0 =	sadd.s32 s5, s24  }
0xac: {  	[tilespmem:s11], [sflag:$0x6] =	stream.linear.gather [hbm4b:s0+s4], $0x80, $0x38;
	[tilespmem:$0x1FF00] =	vst v63  }
0xad: {  	s30 =	sadd.s32 $0x30, s6;
	s31 =	sadd.s32 $0x30, s5;
	s0 =	sadd.s32 s6, s24  }
.LBB2_4:
0xae: {  	[tilespmem:s12], [sflag:$0x6] =	stream.linear.gather [hbm4b:s0+s4], $0x80, $0x38;
	[tilespmem:$0x1FF00] =	vst v63  }
0xaf: {  	p0 =	sne.s32 s29, $0x1;
	s29 =	sadd.s32 $0xFFFFFFFF, s29;
	_ =	swait.ge [sflag:s14], $0x4000  }
0xb0: {  	[sflag:s14] =	ssyncset.done $0x0  }
0xb1: {  	[sflag:s14] =	ssyncadd.s32 $0xFFFFC000  }
0xb2: {  	[spmem:s3] =	stream.indirect.scatter.add.f32 [tilespmem:s13], [sflag:$0x7], $0x80, s8, s9, $0xb8;
	[tilespmem:$0x1FF00] =	vst v63  }
0xb3: {  	_ =	swait.ge [sflag:s19], $0x4000  }
0xb4: {  	[sflag:s19] =	ssyncset.done $0x0  }
0xb5: {  	[sflag:s19] =	ssyncadd.s32 $0xFFFFC000  }
0xb6: {  	_ =	swait.ge [sflag:s20], $0x80  }
0xb7: {  	[sflag:s20] =	ssyncset.done $0x0  }
0xb8: {  	[sflag:s20] =	ssyncadd.s32 $0xFFFFFF80  }
0xb9: {  	_ =	swait.ge [sflag:s20], $0x80  }
0xba: {  	[sflag:s20] =	ssyncset.done $0x0  }
0xbb: {  	[sflag:s20] =	ssyncadd.s32 $0xFFFFFF80  }
0xbc: {  	[tilespmem:s21], [sflag:$0x3] =	stream.indirect.gather [hbm4b:s1+s9], $0x80, s11, s9, $0xb8;
	[tilespmem:$0x1FF00] =	vst v63  }
0xbd: {  	s0 =	sadd.s32 s31, s26  }
0xbe: {  	[tilespmem:s4], [sflag:$0x4] =	stream.linear.gather [hbm4b:s0+s4], $0x80, $0x38;
	[tilespmem:$0x1FF00] =	vst v63  }
0xbf: {  	s0 =	sadd.s32 s30, s26  }
0xc0: {  	[tilespmem:s8], [sflag:$0x4] =	stream.linear.gather [hbm4b:s0+s4], $0x80, $0x38;
	[tilespmem:$0x1FF00] =	vst v63  }
0xc1: {  	_ =	swait.ge [sflag:s22], $0x4000  }
0xc2: {  	[sflag:s22] =	ssyncset.done $0x0  }
0xc3: {  	[sflag:s22] =	ssyncadd.s32 $0xFFFFC000  }
0xc4: {  	[spmem:s3] =	stream.indirect.scatter.add.f32 [tilespmem:s17], [sflag:$0x7], $0x80, s10, s9, $0xb8;
	[tilespmem:$0x1FF00] =	vst v63  }
0xc5: {  	_ =	swait.ge [sflag:s19], $0x4000  }
0xc6: {  	[sflag:s19] =	ssyncset.done $0x0  }
0xc7: {  	[sflag:s19] =	ssyncadd.s32 $0xFFFFC000  }
0xc8: {  	_ =	swait.ge [sflag:s15], $0x80  }
0xc9: {  	[sflag:s15] =	ssyncset.done $0x0  }
0xca: {  	[sflag:s15] =	ssyncadd.s32 $0xFFFFFF80  }
0xcb: {  	_ =	swait.ge [sflag:s15], $0x80  }
0xcc: {  	[sflag:s15] =	ssyncset.done $0x0  }
0xcd: {  	[sflag:s15] =	ssyncadd.s32 $0xFFFFFF80  }
0xce: {  	[tilespmem:s13], [sflag:$0x1] =	stream.indirect.gather [hbm4b:s1+s9], $0x80, s4, s9, $0xb8;
	[tilespmem:$0x1FF00] =	vst v63  }
0xcf: {  	s0 =	sadd.s32 s31, s25  }
0xd0: {  	[tilespmem:s9], [sflag:$0x5] =	stream.linear.gather [hbm4b:s0+s4], $0x80, $0x38;
	[tilespmem:$0x1FF00] =	vst v63  }
0xd1: {  	s0 =	sadd.s32 s30, s25  }
0xd2: {  	[tilespmem:s10], [sflag:$0x5] =	stream.linear.gather [hbm4b:s0+s4], $0x80, $0x38;
	[tilespmem:$0x1FF00] =	vst v63  }
0xd3: {  	_ =	swait.ge [sflag:s23], $0x4000  }
0xd4: {  	[sflag:s23] =	ssyncset.done $0x0  }
0xd5: {  	[sflag:s23] =	ssyncadd.s32 $0xFFFFC000  }
0xd6: {  	[spmem:s3] =	stream.indirect.scatter.add.f32 [tilespmem:s21], [sflag:$0x7], $0x80, s12, s9, $0xb8;
	[tilespmem:$0x1FF00] =	vst v63  }
0xd7: {  	_ =	swait.ge [sflag:s19], $0x4000  }
0xd8: {  	[sflag:s19] =	ssyncset.done $0x0  }
0xd9: {  	[sflag:s19] =	ssyncadd.s32 $0xFFFFC000  }
0xda: {  	_ =	swait.ge [sflag:s16], $0x80  }
0xdb: {  	[sflag:s16] =	ssyncset.done $0x0  }
0xdc: {  	[sflag:s16] =	ssyncadd.s32 $0xFFFFFF80  }
0xdd: {  	_ =	swait.ge [sflag:s16], $0x80  }
0xde: {  	[sflag:s16] =	ssyncset.done $0x0  }
.Ltmp1:
0xdf: {  	[sflag:s16] =	ssyncadd.s32 $0xFFFFFF80;
	(pc) =	sbr.rel @p0 .LBB2_4-.Ltmp1, $4  }
0xe0: {  	[tilespmem:s17], [sflag:$0x2] =	stream.indirect.gather [hbm4b:s1+s9], $0x80, s9, s9, $0xb8;
	[tilespmem:$0x1FF00] =	vst v63  }
0xe1: {  	s0 =	sadd.s32 s31, s24  }
0xe2: {  	[tilespmem:s11], [sflag:$0x6] =	stream.linear.gather [hbm4b:s0+s4], $0x80, $0x38;
	[tilespmem:$0x1FF00] =	vst v63  }
0xe3: {  	s31 =	sadd.s32 $0x30, s31;
	s0 =	sadd.s32 s30, s24;
	s30 =	sadd.s32 $0x30, s30  }
0xe4: {  	[tilespmem:s12], [sflag:$0x6] =	stream.linear.gather [hbm4b:s0+s4], $0x80, $0x38;
	[tilespmem:$0x1FF00] =	vst v63  }
0xe5: {  	_ =	swait.ge [sflag:s14], $0x4000  }
0xe6: {  	[sflag:s14] =	ssyncset.done $0x0  }
0xe7: {  	[sflag:s14] =	ssyncadd.s32 $0xFFFFC000  }
0xe8: {  	[spmem:s3] =	stream.indirect.scatter.add.f32 [tilespmem:s13], [sflag:$0x7], $0x80, s8, s9, $0xb8;
	[tilespmem:$0x1FF00] =	vst v63  }
0xe9: {  	_ =	swait.ge [sflag:s19], $0x4000  }
0xea: {  	[sflag:s19] =	ssyncset.done $0x0  }
0xeb: {  	[sflag:s19] =	ssyncadd.s32 $0xFFFFC000  }
0xec: {  	_ =	swait.ge [sflag:s22], $0x4000  }
0xed: {  	[sflag:s22] =	ssyncset.done $0x0  }
0xee: {  	[sflag:s22] =	ssyncadd.s32 $0xFFFFC000  }
0xef: {  	[spmem:s3] =	stream.indirect.scatter.add.f32 [tilespmem:s17], [sflag:$0x7], $0x80, s10, s9, $0xb8;
	[tilespmem:$0x1FF00] =	vst v63  }
0xf0: {  	_ =	swait.ge [sflag:s19], $0x4000  }
0xf1: {  	[sflag:s19] =	ssyncset.done $0x0  }
0xf2: {  	[sflag:s19] =	ssyncadd.s32 $0xFFFFC000  }
0xf3: {  	_ =	swait.ge [sflag:s20], $0x80  }
0xf4: {  	[sflag:s20] =	ssyncset.done $0x0  }
0xf5: {  	[sflag:s20] =	ssyncadd.s32 $0xFFFFFF80  }
0xf6: {  	_ =	swait.ge [sflag:s20], $0x80  }
0xf7: {  	[sflag:s20] =	ssyncset.done $0x0  }
0xf8: {  	[sflag:s20] =	ssyncadd.s32 $0xFFFFFF80  }
0xf9: {  	[bflag:$0x0] =	sbarrier.arrive $0xFFFF  }
0xfa: {  	[tilespmem:s13], [sflag:$0x7] =	stream.linear.gather [spmem:s18], $0x4000, $0x38;
	[tilespmem:$0x1FF00] =	vst v63  }
0xfb: {  	_ =	swait.ge [sflag:s19], $0x4000  }
0xfc: {  	[sflag:s19] =	ssyncset.done $0x0  }
0xfd: {  	s31 =	rddreg [dreg:$0x9];
	[sflag:s19] =	ssyncadd.s32 $0xFFFFC000  }
0xfe: {  	[hbm4b:s31+s4] =	stream.linear.scatter [tilespmem:s13], [sflag:$0x1], $0x4000, $0x38;
	[tilespmem:$0x1FF00] =	vst v63  }
0xff: {  	s29 =	rddreg [dreg:$0xf]  }
0x100: {  	[tilespmem:s17], [sflag:$0x7] =	stream.linear.gather [spmem:s29], $0x4000, $0x38;
	[tilespmem:$0x1FF00] =	vst v63  }
0x101: {  	_ =	swait.ge [sflag:s19], $0x4000  }
0x102: {  	[sflag:s19] =	ssyncset.done $0x0  }
0x103: {  	[sflag:s19] =	ssyncadd.s32 $0xFFFFC000  }
0x104: {  	_ =	swait.ge [sflag:s14], $0x4000  }
0x105: {  	[sflag:s14] =	ssyncset.done $0x0  }
0x106: {  	s30 =	rddreg [dreg:$0xa];
	[sflag:s14] =	ssyncadd.s32 $0xFFFFC000  }
0x107: {  	[hbm4b:s30+s4] =	stream.linear.scatter [tilespmem:s17], [sflag:$0x2], $0x4000, $0x38;
	[tilespmem:$0x1FF00] =	vst v63  }
0x108: {  	s31 =	rddreg [dreg:$0x10]  }
0x109: {  	[tilespmem:s13], [sflag:$0x7] =	stream.linear.gather [spmem:s31], $0x4000, $0x38;
	[tilespmem:$0x1FF00] =	vst v63  }
0x10a: {  	_ =	swait.ge [sflag:s19], $0x4000  }
0x10b: {  	[sflag:s19] =	ssyncset.done $0x0  }
0x10c: {  	[sflag:s19] =	ssyncadd.s32 $0xFFFFC000  }
0x10d: {  	_ =	swait.ge [sflag:s22], $0x4000  }
0x10e: {  	[sflag:s22] =	ssyncset.done $0x0  }
0x10f: {  	s29 =	rddreg [dreg:$0xb];
	[sflag:s22] =	ssyncadd.s32 $0xFFFFC000  }
0x110: {  	[hbm4b:s29+s4] =	stream.linear.scatter [tilespmem:s13], [sflag:$0x1], $0x4000, $0x38;
	[tilespmem:$0x1FF00] =	vst v63  }
0x111: {  	s30 =	rddreg [dreg:$0x11]  }
0x112: {  	[tilespmem:s17], [sflag:$0x7] =	stream.linear.gather [spmem:s30], $0x4000, $0x38;
	[tilespmem:$0x1FF00] =	vst v63  }
0x113: {  	_ =	swait.ge [sflag:s19], $0x4000  }
0x114: {  	[sflag:s19] =	ssyncset.done $0x0  }
0x115: {  	[sflag:s19] =	ssyncadd.s32 $0xFFFFC000  }
0x116: {  	_ =	swait.ge [sflag:s14], $0x4000  }
0x117: {  	[sflag:s14] =	ssyncset.done $0x0  }
0x118: {  	s31 =	rddreg [dreg:$0xc];
	[sflag:s14] =	ssyncadd.s32 $0xFFFFC000  }
0x119: {  	[hbm4b:s31+s4] =	stream.linear.scatter [tilespmem:s17], [sflag:$0x2], $0x4000, $0x38;
	[tilespmem:$0x1FF00] =	vst v63  }
0x11a: {  	s29 =	rddreg [dreg:$0x12]  }
0x11b: {  	[tilespmem:s13], [sflag:$0x7] =	stream.linear.gather [spmem:s29], $0x3C00, $0x38;
	[tilespmem:$0x1FF00] =	vst v63  }
0x11c: {  	_ =	swait.ge [sflag:s19], $0x3C00  }
0x11d: {  	[sflag:s19] =	ssyncset.done $0x0  }
0x11e: {  	[sflag:s19] =	ssyncadd.s32 $0xFFFFC400  }
0x11f: {  	_ =	swait.ge [sflag:s22], $0x4000  }
0x120: {  	[sflag:s22] =	ssyncset.done $0x0  }
0x121: {  	s30 =	rddreg [dreg:$0xd];
	[sflag:s22] =	ssyncadd.s32 $0xFFFFC000  }
0x122: {  	[hbm4b:s30+s4] =	stream.linear.scatter [tilespmem:s13], [sflag:$0x1], $0x3C00, $0x38;
	[tilespmem:$0x1FF00] =	vst v63  }
0x123: {  	_ =	swait.ge [sflag:s14], $0x3C00  }
0x124: {  	s28 =	sadd.s32 $0x1, s28;
	s31 =	rddreg [dreg:$0x13]  }
0x125: {  	p0 =	sne.s32 s28, s31  }
.Ltmp2:
0x126: {  	_ = 	snop;
	(pc) =	sbr.rel @p0 .LBB2_1-.Ltmp2, $3  }
0x127: {  	_ =	sdelay $0x1  }
0x128: {  	[sflag:s14] =	ssyncset.done $0x0  }
0x129: {  	[sflag:s14] =	ssyncadd.s32 $0xFFFFC400  }
0x12a: {  	_ =	sfence.sel $0x180000  }
0x12b: {  	[bflag:$0x0] =	sbarrier.arrive $0xFFFF  }
0x12c: {  	_ =	strace $0x9000004A  }
0x12d: {  	s0 =	stileid.u32;
	[bflag:$0x2] =	sbarrier.arrive $0xFFFF  }
0x12e: {  	p0 =	sne.s32 s0, $0x0;
	s0 =	rddreg [dreg:$0x3]  }
0x12f: {  	s0 =	sadd.s32 @!p0 $0x100000, s0  }
0x130: {  	[sflag:s0] =	ssyncadd.tile.s32 @!p0 $0x1;
	_ =	shalt  }
.Lfunc_end2:
_tile_overlayer_lowered:
.L_overlay_start_2:
0x131: {  	(tag) =	ssettag $0x2  }
0x132: {  	s0 =	rddreg [dreg:$0x0];
	s2 =	stileid.u32  }
0x133: {  	s1 =	rddreg [dreg:$0x1];
	p0 =	sne.s32 s2, $0x0  }
0x134: {  	s3 =	rddreg [dreg:$0x2];
	[bflag:$0x3] =	sbarrier.arrive $0xFFFF;
	s2 =	simm.s32 @!p0 $0x1C07  }
0x135: {  	[timem:s3], [sflag:s2] =	dma.local @!p0 [hbm:s0], s1  }
0x136: {  	s0 =	simm.s32 @!p0 $0x7  }
0x137: {  	_ =	swait.ge @!p0 [sflag:s0], s1  }
0x138: {  	s1 =	ssub.s32 @!p0 $0x0, s1;
	[sflag:s0] =	ssyncset.done @!p0 $0x0  }
0x139: {  	[sflag:s0] =	ssyncadd.s32 @!p0 s1  }
0x13a: {  	[bflag:$0x3] =	sbarrier.arrive $0xFFFF  }
0x13b: {  	_ =	shalt  }

// kernel: kernel.19.cloned.1.call-start
scs
__scs_entry_jumppad:
0x0: {  	(pc) =	sbr.rel $0x88, $3  }
0x1: {  	(tag) =	ssettag $0x0;
	lr =	simm.s32 $0x1  }
0x2: {  	[smem:$0x3F92] =	sst lr;
	_ =	strace $0xD0000000  }
0x3: {  	_ = 	snop  }
0x4: {  	_ = 	snop  }
0x5: {  	_ = 	snop  }
0x6: {  	_ = 	snop  }
0x7: {  	_ = 	snop  }
__scs_overlays_trampoline_lowered:
0x8: {  	[smem:$0x3FA1] =	sst s0  }
0x9: {  	[smem:$0x3FA2] =	sst s1  }
0xa: {  	[smem:$0x3FA3] =	sst s2  }
0xb: {  	[smem:$0x3FA4] =	sst s3  }
0xc: {  	[smem:$0x3FA5] =	sst s4  }
0xd: {  	[smem:$0x3FA6] =	sst s5  }
0xe: {  	[smem:$0x3FA7] =	sst s6  }
0xf: {  	[smem:$0x3FA8] =	sst s7  }
0x10: {  	[smem:$0x3FA9] =	sst s8  }
0x11: {  	[smem:$0x3FAA] =	sst s9;
	s0 =	simm.s32 @!p0 $0x0  }
0x12: {  	s1 =	sld [smem:$0x3F90];
	s0 =	simm.s32 @p0 $0x1  }
0x13: {  	[smem:$0x3FAB] =	sst s0;
	s0 =	simm.s32 @!p1 $0x0  }
0x14: {  	s2 =	sld [smem:$0x3F8F];
	s0 =	simm.s32 @p1 $0x1  }
0x15: {  	[smem:$0x3FAC] =	sst s0;
	s0 =	simm.s32 @!p2 $0x0  }
0x16: {  	s3 =	sld [smem:$0x3FDB];
	s0 =	simm.s32 @p2 $0x1  }
0x17: {  	s4 =	simm.s32 $0x1BF5;
	[smem:$0x3FAE] =	sst s0  }
0x18: {  	s0 =	sld [smem:$0x3F91];
	_ =	swait.ge [sflag:s4], $0x0  }
0x19: {  	s7 =	sld [smem:$0x3F92]  }
0x1a: {  	s8 =	sadd.s32 $0xFFFFE003, lr  }
0x1b: {  	s9 =	sadd.s32 $0xFFFFFEF7, lr;
	s5 =	simm.s32 $0xFFFFFFFF;
	p2 =	slt.u32 s8, $0xFFFFF086  }
0x1c: {  	p1 =	slt.u32 s9, $0xF7A;
	s5 =	simm.s32 @!p2 $0x0  }
0x1d: {  	s5 =	simm.s32 @p1 $0x1;
	p0 =	seq.s32 s7, s2  }
0x1e: {  	s7 =	smul.u32 @!p0 $0xF7A, s2;
	p2 =	seq.s32 @!p0 s5, $0x0  }
0x1f: {  	s9 =	smul.u32 $0xF7A, s1;
	s8 =	simm.s32 @!p0 $0x1BF5;
	p2 =	por !p2, p0  }
0x20: {  	[sflag:s8] =	ssyncset.s32 @!p0 $0xFFFFF086;
	s6 =	sadd.s32 @!p0 s3, s7;
	s7 =	simm.s32 @!p0 $0x108  }
0x21: {  	s3 =	sadd.s32 s3, s9;
	s6 =	sadd.s32 @!p0 $0x88, s6;
	s7 =	simm.s32 @p2 $0x1082  }
0x22: {  	[simem:s7], [sflag:s8] =	dma.local @!p0 [hbm:s6], $0xF7A  }
0x23: {  	s9 =	sor.u32 $0xD0000000, s2;
	s6 =	simm.s32 $0x108;
	_ =	swait.ge @!p0 [sflag:s8], $0x0  }
0x24: {  	s3 =	sadd.s32 $0x88, s3;
	s6 =	simm.s32 @!p1 $0x1082;
	[sflag:s4] =	ssyncset.s32 $0xFFFFF086  }
0x25: {  	[simem:s6], [sflag:s4] =	dma.local [hbm:s3], $0xF7A  }
0x26: {  	[smem:$0x3F92] =	sst s1;
	(tag) =	ssettag s2;
	_ =	strace s9  }
0x27: {  	s1 =	sld [smem:$0x3FA2]  }
0x28: {  	s2 =	sld [smem:$0x3FA3]  }
0x29: {  	s4 =	sld [smem:$0x3FA5]  }
0x2a: {  	p0 =	seq.s32 s5, $0x0;
	s5 =	sld [smem:$0x3FA6]  }
0x2b: {  	s6 =	sld [smem:$0x3FA7]  }
0x2c: {  	s7 =	sld [smem:$0x3FA8]  }
0x2d: {  	s3 =	simm.s32 $0x108;
	s8 =	sld [smem:$0x3FA9]  }
0x2e: {  	s3 =	simm.s32 @!p0 $0x1082;
	s9 =	sld [smem:$0x3FAA]  }
0x2f: {  	lr =	sadd.s32 s0, s3;
	s0 =	sld [smem:$0x3FA1]  }
0x30: {  	s3 =	sld [smem:$0x3FA4]  }
0x31: {  	[smem:$0x3FAD] =	sst s10  }
0x32: {  	s10 =	sld [smem:$0x3FAB];
	_ =	sdelay $0x3  }
0x33: {  	p0 =	seq.s32 s10, $0x1;
	s10 =	sld [smem:$0x3FAD];
	_ =	sdelay $0x3  }
0x34: {  	[smem:$0x3FAD] =	sst s10  }
0x35: {  	s10 =	sld [smem:$0x3FAC];
	_ =	sdelay $0x3  }
0x36: {  	p1 =	seq.s32 s10, $0x1;
	s10 =	sld [smem:$0x3FAD];
	_ =	sdelay $0x3  }
0x37: {  	[smem:$0x3FAD] =	sst s10  }
0x38: {  	s10 =	sld [smem:$0x3FAE]  }
0x39: {  	_ = 	snop;
	(pc) =	sbr.ind lr, $3  }
0x3a: {  	_ = 	snop  }
0x3b: {  	_ = 	snop  }
0x3c: {  	p2 =	seq.s32 s10, $0x1;
	s10 =	sld [smem:$0x3FAD]  }
0x3d: {  	_ =	shalt  }
0x3e: {  	_ =	shalt  }
0x3f: {  	_ =	shalt  }
0x40: {  	_ =	shalt  }
0x41: {  	_ =	shalt  }
0x42: {  	_ =	shalt  }
0x43: {  	_ =	shalt  }
0x44: {  	_ =	shalt  }
0x45: {  	_ =	shalt  }
0x46: {  	_ =	shalt  }
0x47: {  	_ =	shalt  }
0x48: {  	_ =	shalt  }
0x49: {  	_ =	shalt  }
0x4a: {  	_ =	shalt  }
0x4b: {  	_ =	shalt  }
0x4c: {  	_ =	shalt  }
0x4d: {  	_ =	shalt  }
0x4e: {  	_ =	shalt  }
0x4f: {  	_ =	shalt  }
0x50: {  	_ =	shalt  }
0x51: {  	_ =	shalt  }
0x52: {  	_ =	shalt  }
0x53: {  	_ =	shalt  }
0x54: {  	_ =	shalt  }
0x55: {  	_ =	shalt  }
0x56: {  	_ =	shalt  }
0x57: {  	_ =	shalt  }
0x58: {  	_ =	shalt  }
0x59: {  	_ =	shalt  }
0x5a: {  	_ =	shalt  }
0x5b: {  	_ =	shalt  }
0x5c: {  	_ =	shalt  }
0x5d: {  	_ =	shalt  }
0x5e: {  	_ =	shalt  }
0x5f: {  	_ =	shalt  }
0x60: {  	_ =	shalt  }
0x61: {  	_ =	shalt  }
0x62: {  	_ =	shalt  }
0x63: {  	_ =	shalt  }
0x64: {  	_ =	shalt  }
0x65: {  	_ =	shalt  }
0x66: {  	_ =	shalt  }
0x67: {  	_ =	shalt  }
0x68: {  	_ =	shalt  }
0x69: {  	_ =	shalt  }
0x6a: {  	_ =	shalt  }
0x6b: {  	_ =	shalt  }
0x6c: {  	_ =	shalt  }
0x6d: {  	_ =	shalt  }
0x6e: {  	_ =	shalt  }
0x6f: {  	_ =	shalt  }
0x70: {  	_ =	shalt  }
0x71: {  	_ =	shalt  }
0x72: {  	_ =	shalt  }
0x73: {  	_ =	shalt  }
0x74: {  	_ =	shalt  }
0x75: {  	_ =	shalt  }
0x76: {  	_ =	shalt  }
0x77: {  	_ =	shalt  }
0x78: {  	_ =	shalt  }
0x79: {  	_ =	shalt  }
0x7a: {  	_ =	shalt  }
0x7b: {  	_ =	shalt  }
0x7c: {  	_ =	shalt  }
0x7d: {  	_ =	shalt  }
0x7e: {  	_ =	shalt  }
0x7f: {  	_ =	shalt  }
0x80: {  	_ =	shalt  }
0x81: {  	_ =	shalt  }
0x82: {  	_ =	shalt  }
0x83: {  	_ =	shalt  }
0x84: {  	_ =	shalt  }
0x85: {  	_ =	shalt  }
0x86: {  	_ =	shalt  }
0x87: {  	_ =	shalt  }
.Lfunc_end0:
.L_simem_size_0:
called_computation.2_lowered:
.L_overlay_start_0:
0x88: {  	s2 =	sld [smem:$0x3FD9]  }
0x89: {  	s3 =	sld [smem:$0x3FFE];
	_ =	sdelay $0x1  }
0x8a: {  	s1 =	srdreg.scid  }
0x8b: {  	s0 =	sand.u32 $0x1, s1  }
0x8c: {  	s14 =	sshll.u32 s0, $0xA;
	s2 =	sadd.s32 s3, s2  }
0x8d: {  	s2 =	sadd.s32 s2, s14  }
0x8e: {  	[smem:$0x3FB9] =	sst s2  }
0x8f: {  	_ = 	snop  }
0x90: {  	s2 =	sld [smem:$0x3FD0];
	_ =	sdelay $0x2  }
0x91: {  	s15 =	simm.s32 $0xA;
	s4 =	simm.s32 $0x10  }
0x92: {  	[smem:s4], [sflag:s15] =	dma.local [hbm:s2], $0x1  }
0x93: {  	_ =	swait.eq [sflag:s15], $0x1  }
0x94: {  	[sflag:s15] =	ssyncset.done $0x0  }
0x95: {  	[sflag:s15] =	ssyncadd.s32 $0xFFFFFFFF  }
0x96: {  	s16 =	sld [smem:$0x10];
	(tm) =	ssettm $0x1  }
0x97: {  	s17 =	sld [smem:$0x3FFB];
	_ =	sdelay $0x3  }
0x98: {  	_ =	strace s17  }
0x99: {  	s3 =	sld [smem:$0x3FFC];
	_ =	sdelay $0x3  }
0x9a: {  	_ =	strace s3  }
0x9b: {  	s3 =	sld [smem:$0x3FFD];
	_ =	sdelay $0x3  }
0x9c: {  	_ =	strace s3  }
0x9d: {  	_ =	strace $0x8FFFFFFF  }
0x9e: {  	s18 =	sld [smem:$0x3FDB];
	_ =	sdelay $0x1  }
0x9f: {  	s19 =	simm.s32 $_scs_section_size  }
0xa0: {  	s5 =	simm.s32 $_size__tile_overlayer_lowered;
	s6 =	simm.s32 $_tile_overlayer_lowered  }
0xa1: {  	s22 =	simm.s32 $0x1BFF;
	s21 =	sshll.u32 s6, $0x1;
	s3 =	sadd.s32 s19, s18  }
0xa2: {  	s7 =	simm.s32 $0x0;
	s20 =	sshll.u32 s5, $0x1;
	s5 =	sadd.s32 s21, s3  }
0xa3: {  	[timem:s7], [sflag:s22] =	dma.local [hbm:s5], s20  }
0xa4: {  	_ =	swait.ge [sflag:s22], s20  }
0xa5: {  	s4 =	ssub.s32 $0x0, s20;
	[sflag:s22] =	ssyncset.done $0x0  }
0xa6: {  	[sflag:s22] =	ssyncadd.s32 s4;
	_ =	sdelay $0x1  }
0xa7: {  	s23 =	simm.s32 $0x1B8B  }
0xa8: {  	_ =	swait.ge [sflag:s23], $0x1  }
0xa9: {  	[sflag:s23] =	ssyncset.done $0x0  }
0xaa: {  	s25 =	simm.s32 $0x1B8E;
	s24 =	sld [smem:$0x3FFE];
	[sflag:s23] =	ssyncadd.s32 $0xFFFFFFFF  }
0xab: {  	s26 =	simm.s32 $execute0_lowered;
	[smem:$0x3FD2] =	sst s25  }
0xac: {  	s5 =	sshll.u32 s26, $0x1;
	_ =	strace $0x8000004C;
	[dreg:$0x1] =	wrdreg $0xFFFFFFFF  }
0xad: {  	s28 =	simm.s32 $_size_execute0_lowered;
	s3 =	sadd.s32 s3, s5;
	[dreg:$0x0] =	wrdreg $0x0  }
0xae: {  	s5 =	sshll.u32 s28, $0x1;
	[dreg:$0x2] =	wrdreg s3  }
0xaf: {  	[dreg:$0x3] =	wrdreg s5  }
0xb0: {  	[dreg:$0x4] =	wrdreg $0xC0  }
0xb1: {  	_ =	task [dreg:s7], $0x5FFFF  }
0xb2: {  	[dreg:$0x1] =	wrdreg $0xFFFFFFFF  }
0xb3: {  	[dreg:$0x0] =	wrdreg $0x60  }
0xb4: {  	[dreg:$0x2] =	wrdreg s16  }
0xb5: {  	[dreg:$0x3] =	wrdreg s24  }
0xb6: {  	[dreg:$0x4] =	wrdreg $0xC3000  }
0xb7: {  	[dreg:$0x5] =	wrdreg $0x9  }
0xb8: {  	_ =	task.clear_ibuf [dreg:s7], $0x6FFFF;
	_ =	strace $0x9000004C  }
0xb9: {  	s29 =	simm.s32 $0x9;
	_ =	strace $0x8000004E  }
0xba: {  	_ =	swait.ge [sflag:s29], $0x1  }
0xbb: {  	[sflag:s29] =	ssyncadd.s32 $0xFFFFFFFF  }
0xbc: {  	_ =	strace $0x9000004E  }
0xbd: {  	_ =	sfence  }
0xbe: {  	s30 =	sld [smem:$0x0];
	_ =	sdelay $0x2  }
0xbf: {  	s31 =	sshll.u32 s1, $0xD;
	s1 =	sshrl.u32 s1, $0x2  }
0xc0: {  	s3 =	sand.u32 $0x4000, s31;
	s1 =	sadd.s32 s1, s30  }
0xc1: {  	s0 =	sor.u32 s3, s0;
	s1 =	sshll.u32 s1, $0x11  }
0xc2: {  	s0 =	sor.u32 s1, s0  }
0xc3: {  	s0 =	sadd.s32 $0x8F2B, s0  }
0xc4: {  	[sflag:s0] =	ssyncadd.remote.s32 $0x1  }
0xc5: {  	_ =	sfence.sel $0xFFFF  }
0xc6: {  	[dreg:$0x0] =	wrdreg $0xFFFFFFFF;
	(pc) =	sbr.abs _section_cstart, $3  }
0xc7: {  	[dreg:$0x1] =	wrdreg $0xFFFFFFFF  }
0xc8: {  	_ =	task.clear_ibuf [dreg:s7], $0x2FFFF;
	_ =	strace $0x9FFFFFFF  }
0xc9: {  	(tm) =	ssettm $0x7FFFFFFF  }
tec
execute0_lowered:
.L_overlay_start_1:
0x0: {  	(tag) =	ssettag $0x1  }
0x1: {  	s1 =	rddreg [dreg:$0x0]  }
0x2: {  	s0 =	rddreg [dreg:$0x1]  }
0x3: {  	s3 =	rddreg [dreg:$0x2];
	s17 =	stileid.u32  }
0x4: {  	s2 =	srdreg.scid;
	s4 =	simm.s32 $0x0;
	s10 =	smul.u32 $0x13C00, s17  }
0x5: {  	s28 =	simm.s32 $0x0;
	s2 =	sand.u32 $0x1, s2;
	s14 =	smul.u32 $0x4F000, s17  }
0x6: {  	s5 =	sshll.u32 s17, $0x1;
	[smem:$0x7FF] =	sst s4;
	s31 =	smul.u32 $0x5000, s17  }
0x7: {  	s6 =	sadd.s32 $0x4400, s0;
	s5 =	sor.u32 s2, s5;
	s22 =	smul.u32 $0x13C000, s2  }
0x8: {  	_ =	strace $0x8000004D;
	s7 =	ssub.s32 $0x2, s2;
	s2 =	smul.u32 $0x2800, s2  }
0x9: {  	s8 =	smul.u32 $0x2800, s5;
	s5 =	sadd.s32 $0xE600, s0;
	s9 =	sshrl.u32 s7, $0x1  }
0xa: {  	s0 =	sadd.s32 $0x18800, s0;
	s23 =	sadd.s32 $0x4000, s10;
	s26 =	sadd.s32 $0x8000, s10  }
0xb: {  	s15 =	sadd.s32 $0xC000, s10;
	s7 =	ssub.s32 s7, s9;
	s24 =	sadd.s32 s10, s22  }
0xc: {  	s13 =	sadd.s32 s22, s23;
	s29 =	sadd.s32 s22, s26;
	s16 =	sadd.s32 s22, s15  }
0xd: {  	s10 =	sadd.s32 $0x10000, s10;
	s30 =	sshrl.u32 s16, $0x3;
	s16 =	sadd.s32 s15, s3  }
0xe: {  	s8 =	sshrl.u32 s8, $0x3;
	s17 =	sadd.s32 s10, s3;
	[dreg:$0x11] =	wrdreg s16  }
0xf: {  	s13 =	sshrl.u32 s13, $0x3;
	s19 =	sadd.s32 s5, s8;
	[dreg:$0x12] =	wrdreg s17  }
0x10: {  	s15 =	simm.s32 $0x4;
	s11 =	sadd.s32 s6, s8;
	[dreg:$0x4] =	wrdreg s19  }
0x11: {  	s20 =	sor.u32 $0x10, s8;
	s25 =	sadd.s32 s0, s13;
	[dreg:$0x5] =	wrdreg s11  }
0x12: {  	s8 =	sor.u32 $0x20, s8;
	s21 =	sadd.s32 s5, s20;
	[dreg:$0xa] =	wrdreg s25  }
0x13: {  	s13 =	sshrl.u32 s29, $0x3;
	s9 =	sadd.s32 s6, s20;
	[dreg:$0x6] =	wrdreg s21  }
0x14: {  	s16 =	simm.s32 $0x5;
	s12 =	sadd.s32 s5, s8;
	[dreg:$0x7] =	wrdreg s9  }
0x15: {  	s17 =	simm.s32 $0x4300;
	s13 =	sadd.s32 s0, s13;
	[dreg:$0x8] =	wrdreg s12  }
0x16: {  	s11 =	sadd.s32 s22, s10;
	s8 =	sadd.s32 s6, s8;
	[dreg:$0xb] =	wrdreg s13  }
0x17: {  	s19 =	smax.u32 s7, $0x1;
	s10 =	simm.s32 $0x200;
	[dreg:$0xe] =	wrdreg s8  }
0x18: {  	s12 =	sshrl.u32 s24, $0x3;
	s13 =	sadd.s32 s0, s30;
	[dreg:$0x13] =	wrdreg s19  }
0x19: {  	s11 =	sshrl.u32 s11, $0x3;
	s12 =	sadd.s32 s0, s12;
	[dreg:$0xc] =	wrdreg s13  }
0x1a: {  	s8 =	simm.s32 $0x180;
	s0 =	sadd.s32 s0, s11;
	[dreg:$0x9] =	wrdreg s12  }
0x1b: {  	s9 =	simm.s32 $0x80;
	s13 =	sadd.s32 s23, s3;
	[dreg:$0xd] =	wrdreg s0  }
0x1c: {  	s11 =	sshrl.u32 s14, $0x2;
	s14 =	sadd.s32 s26, s3;
	[dreg:$0xf] =	wrdreg s13  }
0x1d: {  	s19 =	simm.s32 $0x7;
	s18 =	sadd.s32 s11, s3;
	[dreg:$0x10] =	wrdreg s14  }
0x1e: {  	s0 =	sadd.s32 s2, s31;
	s11 =	simm.s32 $0x100;
	s12 =	simm.s32 $0x280  }
0x1f: {  	s13 =	simm.s32 $0x300;
	s14 =	simm.s32 $0x1;
	s20 =	sor.u32 $0x280, s0  }
0x20: {  	s21 =	sor.u32 $0x200, s0;
	s0 =	sor.u32 $0x180, s0;
	s22 =	sadd.s32 $0x2780, s18  }
0x21: {  	s23 =	sadd.s32 $0x4F00, s18;
	s29 =	sadd.s32 $0x7680, s18;
	[dreg:$0x14] =	wrdreg s22  }
0x22: {  	s30 =	sadd.s32 $0x9E00, s18;
	s31 =	sadd.s32 $0xC580, s18;
	[dreg:$0x15] =	wrdreg s23  }
0x23: {  	s2 =	sadd.s32 $0xED00, s18;
	s7 =	sadd.s32 $0x11480, s18;
	[dreg:$0x16] =	wrdreg s29  }
0x24: {  	s24 =	sshrl.u32 s20, $0x3;
	s25 =	sshrl.u32 s21, $0x3;
	[dreg:$0x17] =	wrdreg s30  }
0x25: {  	s26 =	sshrl.u32 s0, $0x3;
	[dreg:$0x18] =	wrdreg s31;
	s20 =	simm.s32 $0x6  }
0x26: {  	v0 =	vimm.f32 $0.0e+00;
	s21 =	simm.s32 $0x8300;
	s22 =	simm.s32 $0x2;
	s23 =	simm.s32 $0x3  }
.LBB2_1:
0x27: {  	s0 =	rddreg [dreg:$0x4]  }
0x28: {  	[tilespmem:s4], [sflag:$0x4] =	stream.linear.gather [hbm4b:s0+s4], $0x80, $0x38;
	[tilespmem:$0x1FF00] =	vst v63  }
0x29: {  	s31 =	rddreg [dreg:$0x5]  }
0x2a: {  	[tilespmem:s8], [sflag:$0x4] =	stream.linear.gather [hbm4b:s31+s4], $0x80, $0x38;
	[tilespmem:$0x1FF00] =	vst v63  }
0x2b: {  	s31 =	rddreg [dreg:$0x6]  }
0x2c: {  	[tilespmem:s9], [sflag:$0x5] =	stream.linear.gather [hbm4b:s31+s4], $0x80, $0x38;
	[tilespmem:$0x1FF00] =	vst v63  }
0x2d: {  	s31 =	rddreg [dreg:$0x7]  }
0x2e: {  	[tilespmem:s10], [sflag:$0x5] =	stream.linear.gather [hbm4b:s31+s4], $0x80, $0x38;
	[tilespmem:$0x1FF00] =	vst v63  }
0x2f: {  	s31 =	rddreg [dreg:$0x8]  }
0x30: {  	[tilespmem:s11], [sflag:$0x6] =	stream.linear.gather [hbm4b:s31+s4], $0x80, $0x38;
	[tilespmem:$0x1FF00] =	vst v63  }
0x31: {  	s29 =	simm.s32 $0x0;
	s30 =	simm.s32 $0x200;
	s31 =	rddreg [dreg:$0xe]  }
0x32: {  	[tilespmem:s12], [sflag:$0x6] =	stream.linear.gather [hbm4b:s31+s4], $0x80, $0x38;
	[tilespmem:$0x1FF00] =	vst v63  }
.LBB2_2:
0x33: {  	p0 =	sne.s32 s30, $0xFE00;
	[tilespmem:s29+$0x370] =	vst v0  }
0x34: {  	[tilespmem:s29+$0x300] =	vst v0  }
0x35: {  	[tilespmem:s29+$0x310] =	vst v0  }
.Ltmp0:
0x36: {  	[tilespmem:s29+$0x320] =	vst v0;
	(pc) =	sbr.rel @p0 .LBB2_2-.Ltmp0, $4  }
0x37: {  	[tilespmem:s29+$0x330] =	vst v0  }
0x38: {  	[tilespmem:s29+$0x340] =	vst v0  }
0x39: {  	[tilespmem:s29+$0x350] =	vst v0  }
0x3a: {  	[tilespmem:s29+$0x360] =	vst v0;
	s29 =	sshra.s32 s30, $0x2;
	s30 =	sadd.s32 $0x200, s30  }
0x3b: {  	[tilespmem:s29+$0x370] =	vst v0  }
0x3c: {  	[tilespmem:s29+$0x300] =	vst v0  }
0x3d: {  	[tilespmem:s29+$0x310] =	vst v0  }
0x3e: {  	[tilespmem:s29+$0x320] =	vst v0  }
0x3f: {  	[tilespmem:s29+$0x330] =	vst v0  }
0x40: {  	[tilespmem:s29+$0x340] =	vst v0  }
0x41: {  	[tilespmem:s29+$0x350] =	vst v0  }
0x42: {  	[tilespmem:s29+$0x360] =	vst v0  }
0x43: {  	[spmem:s18] =	stream.linear.scatter [tilespmem:s13], [sflag:$0x1], $0x2780, $0x38;
	[tilespmem:$0x1FF00] =	vst v63  }
0x44: {  	s0 =	rddreg [dreg:$0x14]  }
0x45: {  	[spmem:s0] =	stream.linear.scatter [tilespmem:s13], [sflag:$0x1], $0x2780, $0x38;
	[tilespmem:$0x1FF00] =	vst v63  }
0x46: {  	s0 =	rddreg [dreg:$0x15]  }
0x47: {  	[spmem:s0] =	stream.linear.scatter [tilespmem:s13], [sflag:$0x1], $0x2780, $0x38;
	[tilespmem:$0x1FF00] =	vst v63  }
0x48: {  	s0 =	rddreg [dreg:$0x16]  }
0x49: {  	[spmem:s0] =	stream.linear.scatter [tilespmem:s13], [sflag:$0x1], $0x2780, $0x38;
	[tilespmem:$0x1FF00] =	vst v63  }
0x4a: {  	s0 =	rddreg [dreg:$0x17]  }
0x4b: {  	[spmem:s0] =	stream.linear.scatter [tilespmem:s13], [sflag:$0x1], $0x2780, $0x38;
	[tilespmem:$0x1FF00] =	vst v63  }
0x4c: {  	s0 =	rddreg [dreg:$0x18]  }
0x4d: {  	[spmem:s0] =	stream.linear.scatter [tilespmem:s13], [sflag:$0x1], $0x2780, $0x38;
	[tilespmem:$0x1FF00] =	vst v63  }
0x4e: {  	_ = 	snop  }
0x4f: {  	[spmem:s2] =	stream.linear.scatter [tilespmem:s13], [sflag:$0x1], $0x2780, $0x38;
	[tilespmem:$0x1FF00] =	vst v63  }
0x50: {  	_ = 	snop  }
0x51: {  	[spmem:s7] =	stream.linear.scatter [tilespmem:s13], [sflag:$0x1], $0x2780, $0x38;
	[tilespmem:$0x1FF00] =	vst v63  }
0x52: {  	_ =	swait.ge [sflag:s14], $0x2780  }
0x53: {  	[sflag:s14] =	ssyncset.done $0x0  }
0x54: {  	[sflag:s14] =	ssyncadd.s32 $0xFFFFD880  }
0x55: {  	_ =	swait.ge [sflag:s14], $0x2780  }
0x56: {  	[sflag:s14] =	ssyncset.done $0x0  }
0x57: {  	[sflag:s14] =	ssyncadd.s32 $0xFFFFD880  }
0x58: {  	_ =	swait.ge [sflag:s14], $0x2780  }
0x59: {  	[sflag:s14] =	ssyncset.done $0x0  }
0x5a: {  	[sflag:s14] =	ssyncadd.s32 $0xFFFFD880  }
0x5b: {  	_ =	swait.ge [sflag:s14], $0x2780  }
0x5c: {  	[sflag:s14] =	ssyncset.done $0x0  }
0x5d: {  	[sflag:s14] =	ssyncadd.s32 $0xFFFFD880  }
0x5e: {  	_ =	swait.ge [sflag:s14], $0x2780  }
0x5f: {  	[sflag:s14] =	ssyncset.done $0x0  }
0x60: {  	[sflag:s14] =	ssyncadd.s32 $0xFFFFD880  }
0x61: {  	_ =	swait.ge [sflag:s14], $0x2780  }
0x62: {  	[sflag:s14] =	ssyncset.done $0x0  }
0x63: {  	[sflag:s14] =	ssyncadd.s32 $0xFFFFD880  }
0x64: {  	_ =	swait.ge [sflag:s14], $0x2780  }
0x65: {  	[sflag:s14] =	ssyncset.done $0x0  }
0x66: {  	[sflag:s14] =	ssyncadd.s32 $0xFFFFD880  }
0x67: {  	_ =	swait.ge [sflag:s14], $0x2780  }
0x68: {  	[sflag:s14] =	ssyncset.done $0x0  }
0x69: {  	[sflag:s14] =	ssyncadd.s32 $0xFFFFD880  }
0x6a: {  	[bflag:$0x0] =	sbarrier.arrive $0xFFFF  }
0x6b: {  	_ =	swait.ge [sflag:s15], $0x80  }
0x6c: {  	[sflag:s15] =	ssyncset.done $0x0  }
0x6d: {  	[sflag:s15] =	ssyncadd.s32 $0xFFFFFF80  }
0x6e: {  	_ =	swait.ge [sflag:s15], $0x80  }
0x6f: {  	[sflag:s15] =	ssyncset.done $0x0  }
0x70: {  	[sflag:s15] =	ssyncadd.s32 $0xFFFFFF80  }
0x71: {  	[tilespmem:s13], [sflag:$0x1] =	stream.indirect.gather [hbm4b:s1+s9], $0x80, s4, s9, $0xb8;
	[tilespmem:$0x1FF00] =	vst v63  }
0x72: {  	_ =	swait.ge [sflag:s16], $0x80  }
0x73: {  	[sflag:s16] =	ssyncset.done $0x0  }
0x74: {  	[sflag:s16] =	ssyncadd.s32 $0xFFFFFF80  }
0x75: {  	_ =	swait.ge [sflag:s16], $0x80  }
0x76: {  	[sflag:s16] =	ssyncset.done $0x0  }
0x77: {  	[sflag:s16] =	ssyncadd.s32 $0xFFFFFF80  }
0x78: {  	[tilespmem:s17], [sflag:$0x2] =	stream.indirect.gather [hbm4b:s1+s9], $0x80, s9, s9, $0xb8;
	[tilespmem:$0x1FF00] =	vst v63  }
0x79: {  	_ =	swait.ge [sflag:s14], $0x4000  }
0x7a: {  	[sflag:s14] =	ssyncset.done $0x0  }
0x7b: {  	[sflag:s14] =	ssyncadd.s32 $0xFFFFC000  }
0x7c: {  	[spmem:s3] =	stream.indirect.scatter.add.f32 [tilespmem:s13], [sflag:$0x7], $0x80, s8, s9, $0xb8;
	[tilespmem:$0x1FF00] =	vst v63  }
0x7d: {  	_ =	swait.ge [sflag:s19], $0x4000  }
0x7e: {  	[sflag:s19] =	ssyncset.done $0x0  }
0x7f: {  	[sflag:s19] =	ssyncadd.s32 $0xFFFFC000  }
0x80: {  	_ =	swait.ge [sflag:s20], $0x80  }
0x81: {  	[sflag:s20] =	ssyncset.done $0x0  }
0x82: {  	[sflag:s20] =	ssyncadd.s32 $0xFFFFFF80  }
0x83: {  	_ =	swait.ge [sflag:s20], $0x80  }
0x84: {  	[sflag:s20] =	ssyncset.done $0x0  }
0x85: {  	[sflag:s20] =	ssyncadd.s32 $0xFFFFFF80  }
0x86: {  	[tilespmem:s21], [sflag:$0x3] =	stream.indirect.gather [hbm4b:s1+s9], $0x80, s11, s9, $0xb8;
	[tilespmem:$0x1FF00] =	vst v63  }
0x87: {  	s0 =	sadd.s32 s5, s26  }
0x88: {  	[tilespmem:s4], [sflag:$0x4] =	stream.linear.gather [hbm4b:s0+s4], $0x80, $0x38;
	[tilespmem:$0x1FF00] =	vst v63  }
0x89: {  	s0 =	sadd.s32 s6, s26  }
0x8a: {  	[tilespmem:s8], [sflag:$0x4] =	stream.linear.gather [hbm4b:s0+s4], $0x80, $0x38;
	[tilespmem:$0x1FF00] =	vst v63  }
0x8b: {  	_ =	swait.ge [sflag:s22], $0x4000  }
0x8c: {  	[sflag:s22] =	ssyncset.done $0x0  }
0x8d: {  	[sflag:s22] =	ssyncadd.s32 $0xFFFFC000  }
0x8e: {  	[spmem:s3] =	stream.indirect.scatter.add.f32 [tilespmem:s17], [sflag:$0x7], $0x80, s10, s9, $0xb8;
	[tilespmem:$0x1FF00] =	vst v63  }
0x8f: {  	_ =	swait.ge [sflag:s19], $0x4000  }
0x90: {  	[sflag:s19] =	ssyncset.done $0x0  }
0x91: {  	[sflag:s19] =	ssyncadd.s32 $0xFFFFC000  }
0x92: {  	_ =	swait.ge [sflag:s15], $0x80  }
0x93: {  	[sflag:s15] =	ssyncset.done $0x0  }
0x94: {  	[sflag:s15] =	ssyncadd.s32 $0xFFFFFF80  }
0x95: {  	_ =	swait.ge [sflag:s15], $0x80  }
0x96: {  	[sflag:s15] =	ssyncset.done $0x0  }
0x97: {  	[sflag:s15] =	ssyncadd.s32 $0xFFFFFF80  }
0x98: {  	[tilespmem:s13], [sflag:$0x1] =	stream.indirect.gather [hbm4b:s1+s9], $0x80, s4, s9, $0xb8;
	[tilespmem:$0x1FF00] =	vst v63  }
0x99: {  	s0 =	sadd.s32 s5, s25  }
0x9a: {  	[tilespmem:s9], [sflag:$0x5] =	stream.linear.gather [hbm4b:s0+s4], $0x80, $0x38;
	[tilespmem:$0x1FF00] =	vst v63  }
0x9b: {  	s0 =	sadd.s32 s6, s25  }
0x9c: {  	[tilespmem:s10], [sflag:$0x5] =	stream.linear.gather [hbm4b:s0+s4], $0x80, $0x38;
	[tilespmem:$0x1FF00] =	vst v63  }
0x9d: {  	_ =	swait.ge [sflag:s23], $0x4000  }
0x9e: {  	[sflag:s23] =	ssyncset.done $0x0  }
0x9f: {  	[sflag:s23] =	ssyncadd.s32 $0xFFFFC000  }
0xa0: {  	[spmem:s3] =	stream.indirect.scatter.add.f32 [tilespmem:s21], [sflag:$0x7], $0x80, s12, s9, $0xb8;
	[tilespmem:$0x1FF00] =	vst v63  }
0xa1: {  	_ =	swait.ge [sflag:s19], $0x4000  }
0xa2: {  	[sflag:s19] =	ssyncset.done $0x0  }
0xa3: {  	[sflag:s19] =	ssyncadd.s32 $0xFFFFC000  }
0xa4: {  	_ =	swait.ge [sflag:s16], $0x80  }
0xa5: {  	[sflag:s16] =	ssyncset.done $0x0  }
0xa6: {  	[sflag:s16] =	ssyncadd.s32 $0xFFFFFF80  }
0xa7: {  	_ =	swait.ge [sflag:s16], $0x80  }
0xa8: {  	[sflag:s16] =	ssyncset.done $0x0  }
0xa9: {  	[sflag:s16] =	ssyncadd.s32 $0xFFFFFF80  }
0xaa: {  	[tilespmem:s17], [sflag:$0x2] =	stream.indirect.gather [hbm4b:s1+s9], $0x80, s9, s9, $0xb8;
	[tilespmem:$0x1FF00] =	vst v63  }
0xab: {  	s29 =	simm.s32 $0x19;
	s0 =	sadd.s32 s5, s24  }
0xac: {  	[tilespmem:s11], [sflag:$0x6] =	stream.linear.gather [hbm4b:s0+s4], $0x80, $0x38;
	[tilespmem:$0x1FF00] =	vst v63  }
0xad: {  	s30 =	sadd.s32 $0x30, s6;
	s31 =	sadd.s32 $0x30, s5;
	s0 =	sadd.s32 s6, s24  }
.LBB2_4:
0xae: {  	[tilespmem:s12], [sflag:$0x6] =	stream.linear.gather [hbm4b:s0+s4], $0x80, $0x38;
	[tilespmem:$0x1FF00] =	vst v63  }
0xaf: {  	p0 =	sne.s32 s29, $0x1;
	s29 =	sadd.s32 $0xFFFFFFFF, s29;
	_ =	swait.ge [sflag:s14], $0x4000  }
0xb0: {  	[sflag:s14] =	ssyncset.done $0x0  }
0xb1: {  	[sflag:s14] =	ssyncadd.s32 $0xFFFFC000  }
0xb2: {  	[spmem:s3] =	stream.indirect.scatter.add.f32 [tilespmem:s13], [sflag:$0x7], $0x80, s8, s9, $0xb8;
	[tilespmem:$0x1FF00] =	vst v63  }
0xb3: {  	_ =	swait.ge [sflag:s19], $0x4000  }
0xb4: {  	[sflag:s19] =	ssyncset.done $0x0  }
0xb5: {  	[sflag:s19] =	ssyncadd.s32 $0xFFFFC000  }
0xb6: {  	_ =	swait.ge [sflag:s20], $0x80  }
0xb7: {  	[sflag:s20] =	ssyncset.done $0x0  }
0xb8: {  	[sflag:s20] =	ssyncadd.s32 $0xFFFFFF80  }
0xb9: {  	_ =	swait.ge [sflag:s20], $0x80  }
0xba: {  	[sflag:s20] =	ssyncset.done $0x0  }
0xbb: {  	[sflag:s20] =	ssyncadd.s32 $0xFFFFFF80  }
0xbc: {  	[tilespmem:s21], [sflag:$0x3] =	stream.indirect.gather [hbm4b:s1+s9], $0x80, s11, s9, $0xb8;
	[tilespmem:$0x1FF00] =	vst v63  }
0xbd: {  	s0 =	sadd.s32 s31, s26  }
0xbe: {  	[tilespmem:s4], [sflag:$0x4] =	stream.linear.gather [hbm4b:s0+s4], $0x80, $0x38;
	[tilespmem:$0x1FF00] =	vst v63  }
0xbf: {  	s0 =	sadd.s32 s30, s26  }
0xc0: {  	[tilespmem:s8], [sflag:$0x4] =	stream.linear.gather [hbm4b:s0+s4], $0x80, $0x38;
	[tilespmem:$0x1FF00] =	vst v63  }
0xc1: {  	_ =	swait.ge [sflag:s22], $0x4000  }
0xc2: {  	[sflag:s22] =	ssyncset.done $0x0  }
0xc3: {  	[sflag:s22] =	ssyncadd.s32 $0xFFFFC000  }
0xc4: {  	[spmem:s3] =	stream.indirect.scatter.add.f32 [tilespmem:s17], [sflag:$0x7], $0x80, s10, s9, $0xb8;
	[tilespmem:$0x1FF00] =	vst v63  }
0xc5: {  	_ =	swait.ge [sflag:s19], $0x4000  }
0xc6: {  	[sflag:s19] =	ssyncset.done $0x0  }
0xc7: {  	[sflag:s19] =	ssyncadd.s32 $0xFFFFC000  }
0xc8: {  	_ =	swait.ge [sflag:s15], $0x80  }
0xc9: {  	[sflag:s15] =	ssyncset.done $0x0  }
0xca: {  	[sflag:s15] =	ssyncadd.s32 $0xFFFFFF80  }
0xcb: {  	_ =	swait.ge [sflag:s15], $0x80  }
0xcc: {  	[sflag:s15] =	ssyncset.done $0x0  }
0xcd: {  	[sflag:s15] =	ssyncadd.s32 $0xFFFFFF80  }
0xce: {  	[tilespmem:s13], [sflag:$0x1] =	stream.indirect.gather [hbm4b:s1+s9], $0x80, s4, s9, $0xb8;
	[tilespmem:$0x1FF00] =	vst v63  }
0xcf: {  	s0 =	sadd.s32 s31, s25  }
0xd0: {  	[tilespmem:s9], [sflag:$0x5] =	stream.linear.gather [hbm4b:s0+s4], $0x80, $0x38;
	[tilespmem:$0x1FF00] =	vst v63  }
0xd1: {  	s0 =	sadd.s32 s30, s25  }
0xd2: {  	[tilespmem:s10], [sflag:$0x5] =	stream.linear.gather [hbm4b:s0+s4], $0x80, $0x38;
	[tilespmem:$0x1FF00] =	vst v63  }
0xd3: {  	_ =	swait.ge [sflag:s23], $0x4000  }
0xd4: {  	[sflag:s23] =	ssyncset.done $0x0  }
0xd5: {  	[sflag:s23] =	ssyncadd.s32 $0xFFFFC000  }
0xd6: {  	[spmem:s3] =	stream.indirect.scatter.add.f32 [tilespmem:s21], [sflag:$0x7], $0x80, s12, s9, $0xb8;
	[tilespmem:$0x1FF00] =	vst v63  }
0xd7: {  	_ =	swait.ge [sflag:s19], $0x4000  }
0xd8: {  	[sflag:s19] =	ssyncset.done $0x0  }
0xd9: {  	[sflag:s19] =	ssyncadd.s32 $0xFFFFC000  }
0xda: {  	_ =	swait.ge [sflag:s16], $0x80  }
0xdb: {  	[sflag:s16] =	ssyncset.done $0x0  }
0xdc: {  	[sflag:s16] =	ssyncadd.s32 $0xFFFFFF80  }
0xdd: {  	_ =	swait.ge [sflag:s16], $0x80  }
0xde: {  	[sflag:s16] =	ssyncset.done $0x0  }
.Ltmp1:
0xdf: {  	[sflag:s16] =	ssyncadd.s32 $0xFFFFFF80;
	(pc) =	sbr.rel @p0 .LBB2_4-.Ltmp1, $4  }
0xe0: {  	[tilespmem:s17], [sflag:$0x2] =	stream.indirect.gather [hbm4b:s1+s9], $0x80, s9, s9, $0xb8;
	[tilespmem:$0x1FF00] =	vst v63  }
0xe1: {  	s0 =	sadd.s32 s31, s24  }
0xe2: {  	[tilespmem:s11], [sflag:$0x6] =	stream.linear.gather [hbm4b:s0+s4], $0x80, $0x38;
	[tilespmem:$0x1FF00] =	vst v63  }
0xe3: {  	s31 =	sadd.s32 $0x30, s31;
	s0 =	sadd.s32 s30, s24;
	s30 =	sadd.s32 $0x30, s30  }
0xe4: {  	[tilespmem:s12], [sflag:$0x6] =	stream.linear.gather [hbm4b:s0+s4], $0x80, $0x38;
	[tilespmem:$0x1FF00] =	vst v63  }
0xe5: {  	_ =	swait.ge [sflag:s14], $0x4000  }
0xe6: {  	[sflag:s14] =	ssyncset.done $0x0  }
0xe7: {  	[sflag:s14] =	ssyncadd.s32 $0xFFFFC000  }
0xe8: {  	[spmem:s3] =	stream.indirect.scatter.add.f32 [tilespmem:s13], [sflag:$0x7], $0x80, s8, s9, $0xb8;
	[tilespmem:$0x1FF00] =	vst v63  }
0xe9: {  	_ =	swait.ge [sflag:s19], $0x4000  }
0xea: {  	[sflag:s19] =	ssyncset.done $0x0  }
0xeb: {  	[sflag:s19] =	ssyncadd.s32 $0xFFFFC000  }
0xec: {  	_ =	swait.ge [sflag:s22], $0x4000  }
0xed: {  	[sflag:s22] =	ssyncset.done $0x0  }
0xee: {  	[sflag:s22] =	ssyncadd.s32 $0xFFFFC000  }
0xef: {  	[spmem:s3] =	stream.indirect.scatter.add.f32 [tilespmem:s17], [sflag:$0x7], $0x80, s10, s9, $0xb8;
	[tilespmem:$0x1FF00] =	vst v63  }
0xf0: {  	_ =	swait.ge [sflag:s19], $0x4000  }
0xf1: {  	[sflag:s19] =	ssyncset.done $0x0  }
0xf2: {  	[sflag:s19] =	ssyncadd.s32 $0xFFFFC000  }
0xf3: {  	_ =	swait.ge [sflag:s20], $0x80  }
0xf4: {  	[sflag:s20] =	ssyncset.done $0x0  }
0xf5: {  	[sflag:s20] =	ssyncadd.s32 $0xFFFFFF80  }
0xf6: {  	_ =	swait.ge [sflag:s20], $0x80  }
0xf7: {  	[sflag:s20] =	ssyncset.done $0x0  }
0xf8: {  	[sflag:s20] =	ssyncadd.s32 $0xFFFFFF80  }
0xf9: {  	[bflag:$0x0] =	sbarrier.arrive $0xFFFF  }
0xfa: {  	[tilespmem:s13], [sflag:$0x7] =	stream.linear.gather [spmem:s18], $0x4000, $0x38;
	[tilespmem:$0x1FF00] =	vst v63  }
0xfb: {  	_ =	swait.ge [sflag:s19], $0x4000  }
0xfc: {  	[sflag:s19] =	ssyncset.done $0x0  }
0xfd: {  	s31 =	rddreg [dreg:$0x9];
	[sflag:s19] =	ssyncadd.s32 $0xFFFFC000  }
0xfe: {  	[hbm4b:s31+s4] =	stream.linear.scatter [tilespmem:s13], [sflag:$0x1], $0x4000, $0x38;
	[tilespmem:$0x1FF00] =	vst v63  }
0xff: {  	s29 =	rddreg [dreg:$0xf]  }
0x100: {  	[tilespmem:s17], [sflag:$0x7] =	stream.linear.gather [spmem:s29], $0x4000, $0x38;
	[tilespmem:$0x1FF00] =	vst v63  }
0x101: {  	_ =	swait.ge [sflag:s19], $0x4000  }
0x102: {  	[sflag:s19] =	ssyncset.done $0x0  }
0x103: {  	[sflag:s19] =	ssyncadd.s32 $0xFFFFC000  }
0x104: {  	_ =	swait.ge [sflag:s14], $0x4000  }
0x105: {  	[sflag:s14] =	ssyncset.done $0x0  }
0x106: {  	s30 =	rddreg [dreg:$0xa];
	[sflag:s14] =	ssyncadd.s32 $0xFFFFC000  }
0x107: {  	[hbm4b:s30+s4] =	stream.linear.scatter [tilespmem:s17], [sflag:$0x2], $0x4000, $0x38;
	[tilespmem:$0x1FF00] =	vst v63  }
0x108: {  	s31 =	rddreg [dreg:$0x10]  }
0x109: {  	[tilespmem:s13], [sflag:$0x7] =	stream.linear.gather [spmem:s31], $0x4000, $0x38;
	[tilespmem:$0x1FF00] =	vst v63  }
0x10a: {  	_ =	swait.ge [sflag:s19], $0x4000  }
0x10b: {  	[sflag:s19] =	ssyncset.done $0x0  }
0x10c: {  	[sflag:s19] =	ssyncadd.s32 $0xFFFFC000  }
0x10d: {  	_ =	swait.ge [sflag:s22], $0x4000  }
0x10e: {  	[sflag:s22] =	ssyncset.done $0x0  }
0x10f: {  	s29 =	rddreg [dreg:$0xb];
	[sflag:s22] =	ssyncadd.s32 $0xFFFFC000  }
0x110: {  	[hbm4b:s29+s4] =	stream.linear.scatter [tilespmem:s13], [sflag:$0x1], $0x4000, $0x38;
	[tilespmem:$0x1FF00] =	vst v63  }
0x111: {  	s30 =	rddreg [dreg:$0x11]  }
0x112: {  	[tilespmem:s17], [sflag:$0x7] =	stream.linear.gather [spmem:s30], $0x4000, $0x38;
	[tilespmem:$0x1FF00] =	vst v63  }
0x113: {  	_ =	swait.ge [sflag:s19], $0x4000  }
0x114: {  	[sflag:s19] =	ssyncset.done $0x0  }
0x115: {  	[sflag:s19] =	ssyncadd.s32 $0xFFFFC000  }
0x116: {  	_ =	swait.ge [sflag:s14], $0x4000  }
0x117: {  	[sflag:s14] =	ssyncset.done $0x0  }
0x118: {  	s31 =	rddreg [dreg:$0xc];
	[sflag:s14] =	ssyncadd.s32 $0xFFFFC000  }
0x119: {  	[hbm4b:s31+s4] =	stream.linear.scatter [tilespmem:s17], [sflag:$0x2], $0x4000, $0x38;
	[tilespmem:$0x1FF00] =	vst v63  }
0x11a: {  	s29 =	rddreg [dreg:$0x12]  }
0x11b: {  	[tilespmem:s13], [sflag:$0x7] =	stream.linear.gather [spmem:s29], $0x3C00, $0x38;
	[tilespmem:$0x1FF00] =	vst v63  }
0x11c: {  	_ =	swait.ge [sflag:s19], $0x3C00  }
0x11d: {  	[sflag:s19] =	ssyncset.done $0x0  }
0x11e: {  	[sflag:s19] =	ssyncadd.s32 $0xFFFFC400  }
0x11f: {  	_ =	swait.ge [sflag:s22], $0x4000  }
0x120: {  	[sflag:s22] =	ssyncset.done $0x0  }
0x121: {  	s30 =	rddreg [dreg:$0xd];
	[sflag:s22] =	ssyncadd.s32 $0xFFFFC000  }
0x122: {  	[hbm4b:s30+s4] =	stream.linear.scatter [tilespmem:s13], [sflag:$0x1], $0x3C00, $0x38;
	[tilespmem:$0x1FF00] =	vst v63  }
0x123: {  	_ =	swait.ge [sflag:s14], $0x3C00  }
0x124: {  	s28 =	sadd.s32 $0x1, s28;
	s31 =	rddreg [dreg:$0x13]  }
0x125: {  	p0 =	sne.s32 s28, s31  }
.Ltmp2:
0x126: {  	_ = 	snop;
	(pc) =	sbr.rel @p0 .LBB2_1-.Ltmp2, $3  }
0x127: {  	_ =	sdelay $0x1  }
0x128: {  	[sflag:s14] =	ssyncset.done $0x0  }
0x129: {  	[sflag:s14] =	ssyncadd.s32 $0xFFFFC400  }
0x12a: {  	_ =	sfence.sel $0x180000  }
0x12b: {  	[bflag:$0x0] =	sbarrier.arrive $0xFFFF  }
0x12c: {  	_ =	strace $0x9000004D  }
0x12d: {  	s0 =	stileid.u32;
	[bflag:$0x2] =	sbarrier.arrive $0xFFFF  }
0x12e: {  	p0 =	sne.s32 s0, $0x0;
	s0 =	rddreg [dreg:$0x3]  }
0x12f: {  	s0 =	sadd.s32 @!p0 $0x100000, s0  }
0x130: {  	[sflag:s0] =	ssyncadd.tile.s32 @!p0 $0x1;
	_ =	shalt  }
.Lfunc_end2:
_tile_overlayer_lowered:
.L_overlay_start_2:
0x131: {  	(tag) =	ssettag $0x2  }
0x132: {  	s0 =	rddreg [dreg:$0x0];
	s2 =	stileid.u32  }
0x133: {  	s1 =	rddreg [dreg:$0x1];
	p0 =	sne.s32 s2, $0x0  }
0x134: {  	s3 =	rddreg [dreg:$0x2];
	[bflag:$0x3] =	sbarrier.arrive $0xFFFF;
	s2 =	simm.s32 @!p0 $0x1C07  }
0x135: {  	[timem:s3], [sflag:s2] =	dma.local @!p0 [hbm:s0], s1  }
0x136: {  	s0 =	simm.s32 @!p0 $0x7  }
0x137: {  	_ =	swait.ge @!p0 [sflag:s0], s1  }
0x138: {  	s1 =	ssub.s32 @!p0 $0x0, s1;
	[sflag:s0] =	ssyncset.done @!p0 $0x0  }
0x139: {  	[sflag:s0] =	ssyncadd.s32 @!p0 s1  }
0x13a: {  	[bflag:$0x3] =	sbarrier.arrive $0xFFFF  }
0x13b: {  	_ =	shalt  }

// kernel: kernel.22.cloned.1.call-start
scs
__scs_entry_jumppad:
0x0: {  	(pc) =	sbr.rel $0x88, $3  }
0x1: {  	(tag) =	ssettag $0x0;
	lr =	simm.s32 $0x1  }
0x2: {  	[smem:$0x3F92] =	sst lr;
	_ =	strace $0xD0000000  }
0x3: {  	_ = 	snop  }
0x4: {  	_ = 	snop  }
0x5: {  	_ = 	snop  }
0x6: {  	_ = 	snop  }
0x7: {  	_ = 	snop  }
__scs_overlays_trampoline_lowered:
0x8: {  	[smem:$0x3FA1] =	sst s0  }
0x9: {  	[smem:$0x3FA2] =	sst s1  }
0xa: {  	[smem:$0x3FA3] =	sst s2  }
0xb: {  	[smem:$0x3FA4] =	sst s3  }
0xc: {  	[smem:$0x3FA5] =	sst s4  }
0xd: {  	[smem:$0x3FA6] =	sst s5  }
0xe: {  	[smem:$0x3FA7] =	sst s6  }
0xf: {  	[smem:$0x3FA8] =	sst s7  }
0x10: {  	[smem:$0x3FA9] =	sst s8  }
0x11: {  	[smem:$0x3FAA] =	sst s9;
	s0 =	simm.s32 @!p0 $0x0  }
0x12: {  	s1 =	sld [smem:$0x3F90];
	s0 =	simm.s32 @p0 $0x1  }
0x13: {  	[smem:$0x3FAB] =	sst s0;
	s0 =	simm.s32 @!p1 $0x0  }
0x14: {  	s2 =	sld [smem:$0x3F8F];
	s0 =	simm.s32 @p1 $0x1  }
0x15: {  	[smem:$0x3FAC] =	sst s0;
	s0 =	simm.s32 @!p2 $0x0  }
0x16: {  	s3 =	sld [smem:$0x3FDB];
	s0 =	simm.s32 @p2 $0x1  }
0x17: {  	s4 =	simm.s32 $0x1BF5;
	[smem:$0x3FAE] =	sst s0  }
0x18: {  	s0 =	sld [smem:$0x3F91];
	_ =	swait.ge [sflag:s4], $0x0  }
0x19: {  	s7 =	sld [smem:$0x3F92]  }
0x1a: {  	s8 =	sadd.s32 $0xFFFFE003, lr  }
0x1b: {  	s9 =	sadd.s32 $0xFFFFFEF7, lr;
	s5 =	simm.s32 $0xFFFFFFFF;
	p2 =	slt.u32 s8, $0xFFFFF086  }
0x1c: {  	p1 =	slt.u32 s9, $0xF7A;
	s5 =	simm.s32 @!p2 $0x0  }
0x1d: {  	s5 =	simm.s32 @p1 $0x1;
	p0 =	seq.s32 s7, s2  }
0x1e: {  	s7 =	smul.u32 @!p0 $0xF7A, s2;
	p2 =	seq.s32 @!p0 s5, $0x0  }
0x1f: {  	s9 =	smul.u32 $0xF7A, s1;
	s8 =	simm.s32 @!p0 $0x1BF5;
	p2 =	por !p2, p0  }
0x20: {  	[sflag:s8] =	ssyncset.s32 @!p0 $0xFFFFF086;
	s6 =	sadd.s32 @!p0 s3, s7;
	s7 =	simm.s32 @!p0 $0x108  }
0x21: {  	s3 =	sadd.s32 s3, s9;
	s6 =	sadd.s32 @!p0 $0x88, s6;
	s7 =	simm.s32 @p2 $0x1082  }
0x22: {  	[simem:s7], [sflag:s8] =	dma.local @!p0 [hbm:s6], $0xF7A  }
0x23: {  	s9 =	sor.u32 $0xD0000000, s2;
	s6 =	simm.s32 $0x108;
	_ =	swait.ge @!p0 [sflag:s8], $0x0  }
0x24: {  	s3 =	sadd.s32 $0x88, s3;
	s6 =	simm.s32 @!p1 $0x1082;
	[sflag:s4] =	ssyncset.s32 $0xFFFFF086  }
0x25: {  	[simem:s6], [sflag:s4] =	dma.local [hbm:s3], $0xF7A  }
0x26: {  	[smem:$0x3F92] =	sst s1;
	(tag) =	ssettag s2;
	_ =	strace s9  }
0x27: {  	s1 =	sld [smem:$0x3FA2]  }
0x28: {  	s2 =	sld [smem:$0x3FA3]  }
0x29: {  	s4 =	sld [smem:$0x3FA5]  }
0x2a: {  	p0 =	seq.s32 s5, $0x0;
	s5 =	sld [smem:$0x3FA6]  }
0x2b: {  	s6 =	sld [smem:$0x3FA7]  }
0x2c: {  	s7 =	sld [smem:$0x3FA8]  }
0x2d: {  	s3 =	simm.s32 $0x108;
	s8 =	sld [smem:$0x3FA9]  }
0x2e: {  	s3 =	simm.s32 @!p0 $0x1082;
	s9 =	sld [smem:$0x3FAA]  }
0x2f: {  	lr =	sadd.s32 s0, s3;
	s0 =	sld [smem:$0x3FA1]  }
0x30: {  	s3 =	sld [smem:$0x3FA4]  }
0x31: {  	[smem:$0x3FAD] =	sst s10  }
0x32: {  	s10 =	sld [smem:$0x3FAB];
	_ =	sdelay $0x3  }
0x33: {  	p0 =	seq.s32 s10, $0x1;
	s10 =	sld [smem:$0x3FAD];
	_ =	sdelay $0x3  }
0x34: {  	[smem:$0x3FAD] =	sst s10  }
0x35: {  	s10 =	sld [smem:$0x3FAC];
	_ =	sdelay $0x3  }
0x36: {  	p1 =	seq.s32 s10, $0x1;
	s10 =	sld [smem:$0x3FAD];
	_ =	sdelay $0x3  }
0x37: {  	[smem:$0x3FAD] =	sst s10  }
0x38: {  	s10 =	sld [smem:$0x3FAE]  }
0x39: {  	_ = 	snop;
	(pc) =	sbr.ind lr, $3  }
0x3a: {  	_ = 	snop  }
0x3b: {  	_ = 	snop  }
0x3c: {  	p2 =	seq.s32 s10, $0x1;
	s10 =	sld [smem:$0x3FAD]  }
0x3d: {  	_ =	shalt  }
0x3e: {  	_ =	shalt  }
0x3f: {  	_ =	shalt  }
0x40: {  	_ =	shalt  }
0x41: {  	_ =	shalt  }
0x42: {  	_ =	shalt  }
0x43: {  	_ =	shalt  }
0x44: {  	_ =	shalt  }
0x45: {  	_ =	shalt  }
0x46: {  	_ =	shalt  }
0x47: {  	_ =	shalt  }
0x48: {  	_ =	shalt  }
0x49: {  	_ =	shalt  }
0x4a: {  	_ =	shalt  }
0x4b: {  	_ =	shalt  }
0x4c: {  	_ =	shalt  }
0x4d: {  	_ =	shalt  }
0x4e: {  	_ =	shalt  }
0x4f: {  	_ =	shalt  }
0x50: {  	_ =	shalt  }
0x51: {  	_ =	shalt  }
0x52: {  	_ =	shalt  }
0x53: {  	_ =	shalt  }
0x54: {  	_ =	shalt  }
0x55: {  	_ =	shalt  }
0x56: {  	_ =	shalt  }
0x57: {  	_ =	shalt  }
0x58: {  	_ =	shalt  }
0x59: {  	_ =	shalt  }
0x5a: {  	_ =	shalt  }
0x5b: {  	_ =	shalt  }
0x5c: {  	_ =	shalt  }
0x5d: {  	_ =	shalt  }
0x5e: {  	_ =	shalt  }
0x5f: {  	_ =	shalt  }
0x60: {  	_ =	shalt  }
0x61: {  	_ =	shalt  }
0x62: {  	_ =	shalt  }
0x63: {  	_ =	shalt  }
0x64: {  	_ =	shalt  }
0x65: {  	_ =	shalt  }
0x66: {  	_ =	shalt  }
0x67: {  	_ =	shalt  }
0x68: {  	_ =	shalt  }
0x69: {  	_ =	shalt  }
0x6a: {  	_ =	shalt  }
0x6b: {  	_ =	shalt  }
0x6c: {  	_ =	shalt  }
0x6d: {  	_ =	shalt  }
0x6e: {  	_ =	shalt  }
0x6f: {  	_ =	shalt  }
0x70: {  	_ =	shalt  }
0x71: {  	_ =	shalt  }
0x72: {  	_ =	shalt  }
0x73: {  	_ =	shalt  }
0x74: {  	_ =	shalt  }
0x75: {  	_ =	shalt  }
0x76: {  	_ =	shalt  }
0x77: {  	_ =	shalt  }
0x78: {  	_ =	shalt  }
0x79: {  	_ =	shalt  }
0x7a: {  	_ =	shalt  }
0x7b: {  	_ =	shalt  }
0x7c: {  	_ =	shalt  }
0x7d: {  	_ =	shalt  }
0x7e: {  	_ =	shalt  }
0x7f: {  	_ =	shalt  }
0x80: {  	_ =	shalt  }
0x81: {  	_ =	shalt  }
0x82: {  	_ =	shalt  }
0x83: {  	_ =	shalt  }
0x84: {  	_ =	shalt  }
0x85: {  	_ =	shalt  }
0x86: {  	_ =	shalt  }
0x87: {  	_ =	shalt  }
.Lfunc_end0:
.L_simem_size_0:
called_computation.3_lowered:
.L_overlay_start_0:
0x88: {  	s2 =	sld [smem:$0x3FD9]  }
0x89: {  	s3 =	sld [smem:$0x3FFE];
	_ =	sdelay $0x1  }
0x8a: {  	s1 =	srdreg.scid  }
0x8b: {  	s0 =	sand.u32 $0x1, s1  }
0x8c: {  	s14 =	sshll.u32 s0, $0xA;
	s2 =	sadd.s32 s3, s2  }
0x8d: {  	s2 =	sadd.s32 s2, s14  }
0x8e: {  	[smem:$0x3FB9] =	sst s2  }
0x8f: {  	_ = 	snop  }
0x90: {  	s2 =	sld [smem:$0x3FD0];
	_ =	sdelay $0x2  }
0x91: {  	s15 =	simm.s32 $0xA;
	s4 =	simm.s32 $0x10  }
0x92: {  	[smem:s4], [sflag:s15] =	dma.local [hbm:s2], $0x1  }
0x93: {  	_ =	swait.eq [sflag:s15], $0x1  }
0x94: {  	[sflag:s15] =	ssyncset.done $0x0  }
0x95: {  	[sflag:s15] =	ssyncadd.s32 $0xFFFFFFFF  }
0x96: {  	s16 =	sld [smem:$0x10];
	(tm) =	ssettm $0x1  }
0x97: {  	s17 =	sld [smem:$0x3FFB];
	_ =	sdelay $0x3  }
0x98: {  	_ =	strace s17  }
0x99: {  	s3 =	sld [smem:$0x3FFC];
	_ =	sdelay $0x3  }
0x9a: {  	_ =	strace s3  }
0x9b: {  	s3 =	sld [smem:$0x3FFD];
	_ =	sdelay $0x3  }
0x9c: {  	_ =	strace s3  }
0x9d: {  	_ =	strace $0x8FFFFFFF  }
0x9e: {  	s18 =	sld [smem:$0x3FDB];
	_ =	sdelay $0x1  }
0x9f: {  	s19 =	simm.s32 $_scs_section_size  }
0xa0: {  	s5 =	simm.s32 $_size__tile_overlayer_lowered;
	s6 =	simm.s32 $_tile_overlayer_lowered  }
0xa1: {  	s22 =	simm.s32 $0x1BFF;
	s21 =	sshll.u32 s6, $0x1;
	s3 =	sadd.s32 s19, s18  }
0xa2: {  	s7 =	simm.s32 $0x0;
	s20 =	sshll.u32 s5, $0x1;
	s5 =	sadd.s32 s21, s3  }
0xa3: {  	[timem:s7], [sflag:s22] =	dma.local [hbm:s5], s20  }
0xa4: {  	_ =	swait.ge [sflag:s22], s20  }
0xa5: {  	s4 =	ssub.s32 $0x0, s20;
	[sflag:s22] =	ssyncset.done $0x0  }
0xa6: {  	[sflag:s22] =	ssyncadd.s32 s4;
	_ =	sdelay $0x1  }
0xa7: {  	s23 =	simm.s32 $0x1B8B  }
0xa8: {  	_ =	swait.ge [sflag:s23], $0x1  }
0xa9: {  	[sflag:s23] =	ssyncset.done $0x0  }
0xaa: {  	s25 =	simm.s32 $0x1B8E;
	s24 =	sld [smem:$0x3FFE];
	[sflag:s23] =	ssyncadd.s32 $0xFFFFFFFF  }
0xab: {  	s26 =	simm.s32 $execute0_lowered;
	[smem:$0x3FD2] =	sst s25  }
0xac: {  	s5 =	sshll.u32 s26, $0x1;
	_ =	strace $0x8000004F;
	[dreg:$0x1] =	wrdreg $0xFFFFFFFF  }
0xad: {  	s28 =	simm.s32 $_size_execute0_lowered;
	s3 =	sadd.s32 s3, s5;
	[dreg:$0x0] =	wrdreg $0x0  }
0xae: {  	s5 =	sshll.u32 s28, $0x1;
	[dreg:$0x2] =	wrdreg s3  }
0xaf: {  	[dreg:$0x3] =	wrdreg s5  }
0xb0: {  	[dreg:$0x4] =	wrdreg $0xC0  }
0xb1: {  	_ =	task [dreg:s7], $0x5FFFF  }
0xb2: {  	[dreg:$0x1] =	wrdreg $0xFFFFFFFF  }
0xb3: {  	[dreg:$0x0] =	wrdreg $0x60  }
0xb4: {  	[dreg:$0x2] =	wrdreg s16  }
0xb5: {  	[dreg:$0x3] =	wrdreg s24  }
0xb6: {  	[dreg:$0x4] =	wrdreg $0xC3000  }
0xb7: {  	[dreg:$0x5] =	wrdreg $0x9  }
0xb8: {  	_ =	task.clear_ibuf [dreg:s7], $0x6FFFF;
	_ =	strace $0x9000004F  }
0xb9: {  	s29 =	simm.s32 $0x9;
	_ =	strace $0x80000051  }
0xba: {  	_ =	swait.ge [sflag:s29], $0x1  }
0xbb: {  	[sflag:s29] =	ssyncadd.s32 $0xFFFFFFFF  }
0xbc: {  	_ =	strace $0x90000051  }
0xbd: {  	_ =	sfence  }
0xbe: {  	s30 =	sld [smem:$0x0];
	_ =	sdelay $0x2  }
0xbf: {  	s31 =	sshll.u32 s1, $0xD;
	s1 =	sshrl.u32 s1, $0x2  }
0xc0: {  	s3 =	sand.u32 $0x4000, s31;
	s1 =	sadd.s32 s1, s30  }
0xc1: {  	s0 =	sor.u32 s3, s0;
	s1 =	sshll.u32 s1, $0x11  }
0xc2: {  	s0 =	sor.u32 s1, s0  }
0xc3: {  	s0 =	sadd.s32 $0x8F2B, s0  }
0xc4: {  	[sflag:s0] =	ssyncadd.remote.s32 $0x1  }
0xc5: {  	_ =	sfence.sel $0xFFFF  }
0xc6: {  	[dreg:$0x0] =	wrdreg $0xFFFFFFFF;
	(pc) =	sbr.abs _section_cstart, $3  }
0xc7: {  	[dreg:$0x1] =	wrdreg $0xFFFFFFFF  }
0xc8: {  	_ =	task.clear_ibuf [dreg:s7], $0x2FFFF;
	_ =	strace $0x9FFFFFFF  }
0xc9: {  	(tm) =	ssettm $0x7FFFFFFF  }
tec
execute0_lowered:
.L_overlay_start_1:
0x0: {  	(tag) =	ssettag $0x1  }
0x1: {  	s1 =	rddreg [dreg:$0x0]  }
0x2: {  	s0 =	rddreg [dreg:$0x1]  }
0x3: {  	s3 =	rddreg [dreg:$0x2];
	s17 =	stileid.u32  }
0x4: {  	s2 =	srdreg.scid;
	s4 =	simm.s32 $0x0;
	s10 =	smul.u32 $0x13C00, s17  }
0x5: {  	s28 =	simm.s32 $0x0;
	s2 =	sand.u32 $0x1, s2;
	s14 =	smul.u32 $0x4F000, s17  }
0x6: {  	s5 =	sshll.u32 s17, $0x1;
	[smem:$0x7FF] =	sst s4;
	s31 =	smul.u32 $0x5000, s17  }
0x7: {  	s6 =	sadd.s32 $0x4400, s0;
	s5 =	sor.u32 s2, s5;
	s22 =	smul.u32 $0x13C000, s2  }
0x8: {  	_ =	strace $0x80000050;
	s7 =	ssub.s32 $0x2, s2;
	s2 =	smul.u32 $0x2800, s2  }
0x9: {  	s8 =	smul.u32 $0x2800, s5;
	s5 =	sadd.s32 $0xE600, s0;
	s9 =	sshrl.u32 s7, $0x1  }
0xa: {  	s0 =	sadd.s32 $0x18800, s0;
	s23 =	sadd.s32 $0x4000, s10;
	s26 =	sadd.s32 $0x8000, s10  }
0xb: {  	s15 =	sadd.s32 $0xC000, s10;
	s7 =	ssub.s32 s7, s9;
	s24 =	sadd.s32 s10, s22  }
0xc: {  	s13 =	sadd.s32 s22, s23;
	s29 =	sadd.s32 s22, s26;
	s16 =	sadd.s32 s22, s15  }
0xd: {  	s10 =	sadd.s32 $0x10000, s10;
	s30 =	sshrl.u32 s16, $0x3;
	s16 =	sadd.s32 s15, s3  }
0xe: {  	s8 =	sshrl.u32 s8, $0x3;
	s17 =	sadd.s32 s10, s3;
	[dreg:$0x11] =	wrdreg s16  }
0xf: {  	s13 =	sshrl.u32 s13, $0x3;
	s19 =	sadd.s32 s5, s8;
	[dreg:$0x12] =	wrdreg s17  }
0x10: {  	s15 =	simm.s32 $0x4;
	s11 =	sadd.s32 s6, s8;
	[dreg:$0x4] =	wrdreg s19  }
0x11: {  	s20 =	sor.u32 $0x10, s8;
	s25 =	sadd.s32 s0, s13;
	[dreg:$0x5] =	wrdreg s11  }
0x12: {  	s8 =	sor.u32 $0x20, s8;
	s21 =	sadd.s32 s5, s20;
	[dreg:$0xa] =	wrdreg s25  }
0x13: {  	s13 =	sshrl.u32 s29, $0x3;
	s9 =	sadd.s32 s6, s20;
	[dreg:$0x6] =	wrdreg s21  }
0x14: {  	s16 =	simm.s32 $0x5;
	s12 =	sadd.s32 s5, s8;
	[dreg:$0x7] =	wrdreg s9  }
0x15: {  	s17 =	simm.s32 $0x4300;
	s13 =	sadd.s32 s0, s13;
	[dreg:$0x8] =	wrdreg s12  }
0x16: {  	s11 =	sadd.s32 s22, s10;
	s8 =	sadd.s32 s6, s8;
	[dreg:$0xb] =	wrdreg s13  }
0x17: {  	s19 =	smax.u32 s7, $0x1;
	s10 =	simm.s32 $0x200;
	[dreg:$0xe] =	wrdreg s8  }
0x18: {  	s12 =	sshrl.u32 s24, $0x3;
	s13 =	sadd.s32 s0, s30;
	[dreg:$0x13] =	wrdreg s19  }
0x19: {  	s11 =	sshrl.u32 s11, $0x3;
	s12 =	sadd.s32 s0, s12;
	[dreg:$0xc] =	wrdreg s13  }
0x1a: {  	s8 =	simm.s32 $0x180;
	s0 =	sadd.s32 s0, s11;
	[dreg:$0x9] =	wrdreg s12  }
0x1b: {  	s9 =	simm.s32 $0x80;
	s13 =	sadd.s32 s23, s3;
	[dreg:$0xd] =	wrdreg s0  }
0x1c: {  	s11 =	sshrl.u32 s14, $0x2;
	s14 =	sadd.s32 s26, s3;
	[dreg:$0xf] =	wrdreg s13  }
0x1d: {  	s19 =	simm.s32 $0x7;
	s18 =	sadd.s32 s11, s3;
	[dreg:$0x10] =	wrdreg s14  }
0x1e: {  	s0 =	sadd.s32 s2, s31;
	s11 =	simm.s32 $0x100;
	s12 =	simm.s32 $0x280  }
0x1f: {  	s13 =	simm.s32 $0x300;
	s14 =	simm.s32 $0x1;
	s20 =	sor.u32 $0x280, s0  }
0x20: {  	s21 =	sor.u32 $0x200, s0;
	s0 =	sor.u32 $0x180, s0;
	s22 =	sadd.s32 $0x2780, s18  }
0x21: {  	s23 =	sadd.s32 $0x4F00, s18;
	s29 =	sadd.s32 $0x7680, s18;
	[dreg:$0x14] =	wrdreg s22  }
0x22: {  	s30 =	sadd.s32 $0x9E00, s18;
	s31 =	sadd.s32 $0xC580, s18;
	[dreg:$0x15] =	wrdreg s23  }
0x23: {  	s2 =	sadd.s32 $0xED00, s18;
	s7 =	sadd.s32 $0x11480, s18;
	[dreg:$0x16] =	wrdreg s29  }
0x24: {  	s24 =	sshrl.u32 s20, $0x3;
	s25 =	sshrl.u32 s21, $0x3;
	[dreg:$0x17] =	wrdreg s30  }
0x25: {  	s26 =	sshrl.u32 s0, $0x3;
	[dreg:$0x18] =	wrdreg s31;
	s20 =	simm.s32 $0x6  }
0x26: {  	v0 =	vimm.f32 $0.0e+00;
	s21 =	simm.s32 $0x8300;
	s22 =	simm.s32 $0x2;
	s23 =	simm.s32 $0x3  }
.LBB2_1:
0x27: {  	s0 =	rddreg [dreg:$0x4]  }
0x28: {  	[tilespmem:s4], [sflag:$0x4] =	stream.linear.gather [hbm4b:s0+s4], $0x80, $0x38;
	[tilespmem:$0x1FF00] =	vst v63  }
0x29: {  	s31 =	rddreg [dreg:$0x5]  }
0x2a: {  	[tilespmem:s8], [sflag:$0x4] =	stream.linear.gather [hbm4b:s31+s4], $0x80, $0x38;
	[tilespmem:$0x1FF00] =	vst v63  }
0x2b: {  	s31 =	rddreg [dreg:$0x6]  }
0x2c: {  	[tilespmem:s9], [sflag:$0x5] =	stream.linear.gather [hbm4b:s31+s4], $0x80, $0x38;
	[tilespmem:$0x1FF00] =	vst v63  }
0x2d: {  	s31 =	rddreg [dreg:$0x7]  }
0x2e: {  	[tilespmem:s10], [sflag:$0x5] =	stream.linear.gather [hbm4b:s31+s4], $0x80, $0x38;
	[tilespmem:$0x1FF00] =	vst v63  }
0x2f: {  	s31 =	rddreg [dreg:$0x8]  }
0x30: {  	[tilespmem:s11], [sflag:$0x6] =	stream.linear.gather [hbm4b:s31+s4], $0x80, $0x38;
	[tilespmem:$0x1FF00] =	vst v63  }
0x31: {  	s29 =	simm.s32 $0x0;
	s30 =	simm.s32 $0x200;
	s31 =	rddreg [dreg:$0xe]  }
0x32: {  	[tilespmem:s12], [sflag:$0x6] =	stream.linear.gather [hbm4b:s31+s4], $0x80, $0x38;
	[tilespmem:$0x1FF00] =	vst v63  }
.LBB2_2:
0x33: {  	p0 =	sne.s32 s30, $0xFE00;
	[tilespmem:s29+$0x370] =	vst v0  }
0x34: {  	[tilespmem:s29+$0x300] =	vst v0  }
0x35: {  	[tilespmem:s29+$0x310] =	vst v0  }
.Ltmp0:
0x36: {  	[tilespmem:s29+$0x320] =	vst v0;
	(pc) =	sbr.rel @p0 .LBB2_2-.Ltmp0, $4  }
0x37: {  	[tilespmem:s29+$0x330] =	vst v0  }
0x38: {  	[tilespmem:s29+$0x340] =	vst v0  }
0x39: {  	[tilespmem:s29+$0x350] =	vst v0  }
0x3a: {  	[tilespmem:s29+$0x360] =	vst v0;
	s29 =	sshra.s32 s30, $0x2;
	s30 =	sadd.s32 $0x200, s30  }
0x3b: {  	[tilespmem:s29+$0x370] =	vst v0  }
0x3c: {  	[tilespmem:s29+$0x300] =	vst v0  }
0x3d: {  	[tilespmem:s29+$0x310] =	vst v0  }
0x3e: {  	[tilespmem:s29+$0x320] =	vst v0  }
0x3f: {  	[tilespmem:s29+$0x330] =	vst v0  }
0x40: {  	[tilespmem:s29+$0x340] =	vst v0  }
0x41: {  	[tilespmem:s29+$0x350] =	vst v0  }
0x42: {  	[tilespmem:s29+$0x360] =	vst v0  }
0x43: {  	[spmem:s18] =	stream.linear.scatter [tilespmem:s13], [sflag:$0x1], $0x2780, $0x38;
	[tilespmem:$0x1FF00] =	vst v63  }
0x44: {  	s0 =	rddreg [dreg:$0x14]  }
0x45: {  	[spmem:s0] =	stream.linear.scatter [tilespmem:s13], [sflag:$0x1], $0x2780, $0x38;
	[tilespmem:$0x1FF00] =	vst v63  }
0x46: {  	s0 =	rddreg [dreg:$0x15]  }
0x47: {  	[spmem:s0] =	stream.linear.scatter [tilespmem:s13], [sflag:$0x1], $0x2780, $0x38;
	[tilespmem:$0x1FF00] =	vst v63  }
0x48: {  	s0 =	rddreg [dreg:$0x16]  }
0x49: {  	[spmem:s0] =	stream.linear.scatter [tilespmem:s13], [sflag:$0x1], $0x2780, $0x38;
	[tilespmem:$0x1FF00] =	vst v63  }
0x4a: {  	s0 =	rddreg [dreg:$0x17]  }
0x4b: {  	[spmem:s0] =	stream.linear.scatter [tilespmem:s13], [sflag:$0x1], $0x2780, $0x38;
	[tilespmem:$0x1FF00] =	vst v63  }
0x4c: {  	s0 =	rddreg [dreg:$0x18]  }
0x4d: {  	[spmem:s0] =	stream.linear.scatter [tilespmem:s13], [sflag:$0x1], $0x2780, $0x38;
	[tilespmem:$0x1FF00] =	vst v63  }
0x4e: {  	_ = 	snop  }
0x4f: {  	[spmem:s2] =	stream.linear.scatter [tilespmem:s13], [sflag:$0x1], $0x2780, $0x38;
	[tilespmem:$0x1FF00] =	vst v63  }
0x50: {  	_ = 	snop  }
0x51: {  	[spmem:s7] =	stream.linear.scatter [tilespmem:s13], [sflag:$0x1], $0x2780, $0x38;
	[tilespmem:$0x1FF00] =	vst v63  }
0x52: {  	_ =	swait.ge [sflag:s14], $0x2780  }
0x53: {  	[sflag:s14] =	ssyncset.done $0x0  }
0x54: {  	[sflag:s14] =	ssyncadd.s32 $0xFFFFD880  }
0x55: {  	_ =	swait.ge [sflag:s14], $0x2780  }
0x56: {  	[sflag:s14] =	ssyncset.done $0x0  }
0x57: {  	[sflag:s14] =	ssyncadd.s32 $0xFFFFD880  }
0x58: {  	_ =	swait.ge [sflag:s14], $0x2780  }
0x59: {  	[sflag:s14] =	ssyncset.done $0x0  }
0x5a: {  	[sflag:s14] =	ssyncadd.s32 $0xFFFFD880  }
0x5b: {  	_ =	swait.ge [sflag:s14], $0x2780  }
0x5c: {  	[sflag:s14] =	ssyncset.done $0x0  }
0x5d: {  	[sflag:s14] =	ssyncadd.s32 $0xFFFFD880  }
0x5e: {  	_ =	swait.ge [sflag:s14], $0x2780  }
0x5f: {  	[sflag:s14] =	ssyncset.done $0x0  }
0x60: {  	[sflag:s14] =	ssyncadd.s32 $0xFFFFD880  }
0x61: {  	_ =	swait.ge [sflag:s14], $0x2780  }
0x62: {  	[sflag:s14] =	ssyncset.done $0x0  }
0x63: {  	[sflag:s14] =	ssyncadd.s32 $0xFFFFD880  }
0x64: {  	_ =	swait.ge [sflag:s14], $0x2780  }
0x65: {  	[sflag:s14] =	ssyncset.done $0x0  }
0x66: {  	[sflag:s14] =	ssyncadd.s32 $0xFFFFD880  }
0x67: {  	_ =	swait.ge [sflag:s14], $0x2780  }
0x68: {  	[sflag:s14] =	ssyncset.done $0x0  }
0x69: {  	[sflag:s14] =	ssyncadd.s32 $0xFFFFD880  }
0x6a: {  	[bflag:$0x0] =	sbarrier.arrive $0xFFFF  }
0x6b: {  	_ =	swait.ge [sflag:s15], $0x80  }
0x6c: {  	[sflag:s15] =	ssyncset.done $0x0  }
0x6d: {  	[sflag:s15] =	ssyncadd.s32 $0xFFFFFF80  }
0x6e: {  	_ =	swait.ge [sflag:s15], $0x80  }
0x6f: {  	[sflag:s15] =	ssyncset.done $0x0  }
0x70: {  	[sflag:s15] =	ssyncadd.s32 $0xFFFFFF80  }
0x71: {  	[tilespmem:s13], [sflag:$0x1] =	stream.indirect.gather [hbm4b:s1+s9], $0x80, s4, s9, $0xb8;
	[tilespmem:$0x1FF00] =	vst v63  }
0x72: {  	_ =	swait.ge [sflag:s16], $0x80  }
0x73: {  	[sflag:s16] =	ssyncset.done $0x0  }
0x74: {  	[sflag:s16] =	ssyncadd.s32 $0xFFFFFF80  }
0x75: {  	_ =	swait.ge [sflag:s16], $0x80  }
0x76: {  	[sflag:s16] =	ssyncset.done $0x0  }
0x77: {  	[sflag:s16] =	ssyncadd.s32 $0xFFFFFF80  }
0x78: {  	[tilespmem:s17], [sflag:$0x2] =	stream.indirect.gather [hbm4b:s1+s9], $0x80, s9, s9, $0xb8;
	[tilespmem:$0x1FF00] =	vst v63  }
0x79: {  	_ =	swait.ge [sflag:s14], $0x4000  }
0x7a: {  	[sflag:s14] =	ssyncset.done $0x0  }
0x7b: {  	[sflag:s14] =	ssyncadd.s32 $0xFFFFC000  }
0x7c: {  	[spmem:s3] =	stream.indirect.scatter.add.f32 [tilespmem:s13], [sflag:$0x7], $0x80, s8, s9, $0xb8;
	[tilespmem:$0x1FF00] =	vst v63  }
0x7d: {  	_ =	swait.ge [sflag:s19], $0x4000  }
0x7e: {  	[sflag:s19] =	ssyncset.done $0x0  }
0x7f: {  	[sflag:s19] =	ssyncadd.s32 $0xFFFFC000  }
0x80: {  	_ =	swait.ge [sflag:s20], $0x80  }
0x81: {  	[sflag:s20] =	ssyncset.done $0x0  }
0x82: {  	[sflag:s20] =	ssyncadd.s32 $0xFFFFFF80  }
0x83: {  	_ =	swait.ge [sflag:s20], $0x80  }
0x84: {  	[sflag:s20] =	ssyncset.done $0x0  }
0x85: {  	[sflag:s20] =	ssyncadd.s32 $0xFFFFFF80  }
0x86: {  	[tilespmem:s21], [sflag:$0x3] =	stream.indirect.gather [hbm4b:s1+s9], $0x80, s11, s9, $0xb8;
	[tilespmem:$0x1FF00] =	vst v63  }
0x87: {  	s0 =	sadd.s32 s5, s26  }
0x88: {  	[tilespmem:s4], [sflag:$0x4] =	stream.linear.gather [hbm4b:s0+s4], $0x80, $0x38;
	[tilespmem:$0x1FF00] =	vst v63  }
0x89: {  	s0 =	sadd.s32 s6, s26  }
0x8a: {  	[tilespmem:s8], [sflag:$0x4] =	stream.linear.gather [hbm4b:s0+s4], $0x80, $0x38;
	[tilespmem:$0x1FF00] =	vst v63  }
0x8b: {  	_ =	swait.ge [sflag:s22], $0x4000  }
0x8c: {  	[sflag:s22] =	ssyncset.done $0x0  }
0x8d: {  	[sflag:s22] =	ssyncadd.s32 $0xFFFFC000  }
0x8e: {  	[spmem:s3] =	stream.indirect.scatter.add.f32 [tilespmem:s17], [sflag:$0x7], $0x80, s10, s9, $0xb8;
	[tilespmem:$0x1FF00] =	vst v63  }
0x8f: {  	_ =	swait.ge [sflag:s19], $0x4000  }
0x90: {  	[sflag:s19] =	ssyncset.done $0x0  }
0x91: {  	[sflag:s19] =	ssyncadd.s32 $0xFFFFC000  }
0x92: {  	_ =	swait.ge [sflag:s15], $0x80  }
0x93: {  	[sflag:s15] =	ssyncset.done $0x0  }
0x94: {  	[sflag:s15] =	ssyncadd.s32 $0xFFFFFF80  }
0x95: {  	_ =	swait.ge [sflag:s15], $0x80  }
0x96: {  	[sflag:s15] =	ssyncset.done $0x0  }
0x97: {  	[sflag:s15] =	ssyncadd.s32 $0xFFFFFF80  }
0x98: {  	[tilespmem:s13], [sflag:$0x1] =	stream.indirect.gather [hbm4b:s1+s9], $0x80, s4, s9, $0xb8;
	[tilespmem:$0x1FF00] =	vst v63  }
0x99: {  	s0 =	sadd.s32 s5, s25  }
0x9a: {  	[tilespmem:s9], [sflag:$0x5] =	stream.linear.gather [hbm4b:s0+s4], $0x80, $0x38;
	[tilespmem:$0x1FF00] =	vst v63  }
0x9b: {  	s0 =	sadd.s32 s6, s25  }
0x9c: {  	[tilespmem:s10], [sflag:$0x5] =	stream.linear.gather [hbm4b:s0+s4], $0x80, $0x38;
	[tilespmem:$0x1FF00] =	vst v63  }
0x9d: {  	_ =	swait.ge [sflag:s23], $0x4000  }
0x9e: {  	[sflag:s23] =	ssyncset.done $0x0  }
0x9f: {  	[sflag:s23] =	ssyncadd.s32 $0xFFFFC000  }
0xa0: {  	[spmem:s3] =	stream.indirect.scatter.add.f32 [tilespmem:s21], [sflag:$0x7], $0x80, s12, s9, $0xb8;
	[tilespmem:$0x1FF00] =	vst v63  }
0xa1: {  	_ =	swait.ge [sflag:s19], $0x4000  }
0xa2: {  	[sflag:s19] =	ssyncset.done $0x0  }
0xa3: {  	[sflag:s19] =	ssyncadd.s32 $0xFFFFC000  }
0xa4: {  	_ =	swait.ge [sflag:s16], $0x80  }
0xa5: {  	[sflag:s16] =	ssyncset.done $0x0  }
0xa6: {  	[sflag:s16] =	ssyncadd.s32 $0xFFFFFF80  }
0xa7: {  	_ =	swait.ge [sflag:s16], $0x80  }
0xa8: {  	[sflag:s16] =	ssyncset.done $0x0  }
0xa9: {  	[sflag:s16] =	ssyncadd.s32 $0xFFFFFF80  }
0xaa: {  	[tilespmem:s17], [sflag:$0x2] =	stream.indirect.gather [hbm4b:s1+s9], $0x80, s9, s9, $0xb8;
	[tilespmem:$0x1FF00] =	vst v63  }
0xab: {  	s29 =	simm.s32 $0x19;
	s0 =	sadd.s32 s5, s24  }
0xac: {  	[tilespmem:s11], [sflag:$0x6] =	stream.linear.gather [hbm4b:s0+s4], $0x80, $0x38;
	[tilespmem:$0x1FF00] =	vst v63  }
0xad: {  	s30 =	sadd.s32 $0x30, s6;
	s31 =	sadd.s32 $0x30, s5;
	s0 =	sadd.s32 s6, s24  }
.LBB2_4:
0xae: {  	[tilespmem:s12], [sflag:$0x6] =	stream.linear.gather [hbm4b:s0+s4], $0x80, $0x38;
	[tilespmem:$0x1FF00] =	vst v63  }
0xaf: {  	p0 =	sne.s32 s29, $0x1;
	s29 =	sadd.s32 $0xFFFFFFFF, s29;
	_ =	swait.ge [sflag:s14], $0x4000  }
0xb0: {  	[sflag:s14] =	ssyncset.done $0x0  }
0xb1: {  	[sflag:s14] =	ssyncadd.s32 $0xFFFFC000  }
0xb2: {  	[spmem:s3] =	stream.indirect.scatter.add.f32 [tilespmem:s13], [sflag:$0x7], $0x80, s8, s9, $0xb8;
	[tilespmem:$0x1FF00] =	vst v63  }
0xb3: {  	_ =	swait.ge [sflag:s19], $0x4000  }
0xb4: {  	[sflag:s19] =	ssyncset.done $0x0  }
0xb5: {  	[sflag:s19] =	ssyncadd.s32 $0xFFFFC000  }
0xb6: {  	_ =	swait.ge [sflag:s20], $0x80  }
0xb7: {  	[sflag:s20] =	ssyncset.done $0x0  }
0xb8: {  	[sflag:s20] =	ssyncadd.s32 $0xFFFFFF80  }
0xb9: {  	_ =	swait.ge [sflag:s20], $0x80  }
0xba: {  	[sflag:s20] =	ssyncset.done $0x0  }
0xbb: {  	[sflag:s20] =	ssyncadd.s32 $0xFFFFFF80  }
0xbc: {  	[tilespmem:s21], [sflag:$0x3] =	stream.indirect.gather [hbm4b:s1+s9], $0x80, s11, s9, $0xb8;
	[tilespmem:$0x1FF00] =	vst v63  }
0xbd: {  	s0 =	sadd.s32 s31, s26  }
0xbe: {  	[tilespmem:s4], [sflag:$0x4] =	stream.linear.gather [hbm4b:s0+s4], $0x80, $0x38;
	[tilespmem:$0x1FF00] =	vst v63  }
0xbf: {  	s0 =	sadd.s32 s30, s26  }
0xc0: {  	[tilespmem:s8], [sflag:$0x4] =	stream.linear.gather [hbm4b:s0+s4], $0x80, $0x38;
	[tilespmem:$0x1FF00] =	vst v63  }
0xc1: {  	_ =	swait.ge [sflag:s22], $0x4000  }
0xc2: {  	[sflag:s22] =	ssyncset.done $0x0  }
0xc3: {  	[sflag:s22] =	ssyncadd.s32 $0xFFFFC000  }
0xc4: {  	[spmem:s3] =	stream.indirect.scatter.add.f32 [tilespmem:s17], [sflag:$0x7], $0x80, s10, s9, $0xb8;
	[tilespmem:$0x1FF00] =	vst v63  }
0xc5: {  	_ =	swait.ge [sflag:s19], $0x4000  }
0xc6: {  	[sflag:s19] =	ssyncset.done $0x0  }
0xc7: {  	[sflag:s19] =	ssyncadd.s32 $0xFFFFC000  }
0xc8: {  	_ =	swait.ge [sflag:s15], $0x80  }
0xc9: {  	[sflag:s15] =	ssyncset.done $0x0  }
0xca: {  	[sflag:s15] =	ssyncadd.s32 $0xFFFFFF80  }
0xcb: {  	_ =	swait.ge [sflag:s15], $0x80  }
0xcc: {  	[sflag:s15] =	ssyncset.done $0x0  }
0xcd: {  	[sflag:s15] =	ssyncadd.s32 $0xFFFFFF80  }
0xce: {  	[tilespmem:s13], [sflag:$0x1] =	stream.indirect.gather [hbm4b:s1+s9], $0x80, s4, s9, $0xb8;
	[tilespmem:$0x1FF00] =	vst v63  }
0xcf: {  	s0 =	sadd.s32 s31, s25  }
0xd0: {  	[tilespmem:s9], [sflag:$0x5] =	stream.linear.gather [hbm4b:s0+s4], $0x80, $0x38;
	[tilespmem:$0x1FF00] =	vst v63  }
0xd1: {  	s0 =	sadd.s32 s30, s25  }
0xd2: {  	[tilespmem:s10], [sflag:$0x5] =	stream.linear.gather [hbm4b:s0+s4], $0x80, $0x38;
	[tilespmem:$0x1FF00] =	vst v63  }
0xd3: {  	_ =	swait.ge [sflag:s23], $0x4000  }
0xd4: {  	[sflag:s23] =	ssyncset.done $0x0  }
0xd5: {  	[sflag:s23] =	ssyncadd.s32 $0xFFFFC000  }
0xd6: {  	[spmem:s3] =	stream.indirect.scatter.add.f32 [tilespmem:s21], [sflag:$0x7], $0x80, s12, s9, $0xb8;
	[tilespmem:$0x1FF00] =	vst v63  }
0xd7: {  	_ =	swait.ge [sflag:s19], $0x4000  }
0xd8: {  	[sflag:s19] =	ssyncset.done $0x0  }
0xd9: {  	[sflag:s19] =	ssyncadd.s32 $0xFFFFC000  }
0xda: {  	_ =	swait.ge [sflag:s16], $0x80  }
0xdb: {  	[sflag:s16] =	ssyncset.done $0x0  }
0xdc: {  	[sflag:s16] =	ssyncadd.s32 $0xFFFFFF80  }
0xdd: {  	_ =	swait.ge [sflag:s16], $0x80  }
0xde: {  	[sflag:s16] =	ssyncset.done $0x0  }
.Ltmp1:
0xdf: {  	[sflag:s16] =	ssyncadd.s32 $0xFFFFFF80;
	(pc) =	sbr.rel @p0 .LBB2_4-.Ltmp1, $4  }
0xe0: {  	[tilespmem:s17], [sflag:$0x2] =	stream.indirect.gather [hbm4b:s1+s9], $0x80, s9, s9, $0xb8;
	[tilespmem:$0x1FF00] =	vst v63  }
0xe1: {  	s0 =	sadd.s32 s31, s24  }
0xe2: {  	[tilespmem:s11], [sflag:$0x6] =	stream.linear.gather [hbm4b:s0+s4], $0x80, $0x38;
	[tilespmem:$0x1FF00] =	vst v63  }
0xe3: {  	s31 =	sadd.s32 $0x30, s31;
	s0 =	sadd.s32 s30, s24;
	s30 =	sadd.s32 $0x30, s30  }
0xe4: {  	[tilespmem:s12], [sflag:$0x6] =	stream.linear.gather [hbm4b:s0+s4], $0x80, $0x38;
	[tilespmem:$0x1FF00] =	vst v63  }
0xe5: {  	_ =	swait.ge [sflag:s14], $0x4000  }
0xe6: {  	[sflag:s14] =	ssyncset.done $0x0  }
0xe7: {  	[sflag:s14] =	ssyncadd.s32 $0xFFFFC000  }
0xe8: {  	[spmem:s3] =	stream.indirect.scatter.add.f32 [tilespmem:s13], [sflag:$0x7], $0x80, s8, s9, $0xb8;
	[tilespmem:$0x1FF00] =	vst v63  }
0xe9: {  	_ =	swait.ge [sflag:s19], $0x4000  }
0xea: {  	[sflag:s19] =	ssyncset.done $0x0  }
0xeb: {  	[sflag:s19] =	ssyncadd.s32 $0xFFFFC000  }
0xec: {  	_ =	swait.ge [sflag:s22], $0x4000  }
0xed: {  	[sflag:s22] =	ssyncset.done $0x0  }
0xee: {  	[sflag:s22] =	ssyncadd.s32 $0xFFFFC000  }
0xef: {  	[spmem:s3] =	stream.indirect.scatter.add.f32 [tilespmem:s17], [sflag:$0x7], $0x80, s10, s9, $0xb8;
	[tilespmem:$0x1FF00] =	vst v63  }
0xf0: {  	_ =	swait.ge [sflag:s19], $0x4000  }
0xf1: {  	[sflag:s19] =	ssyncset.done $0x0  }
0xf2: {  	[sflag:s19] =	ssyncadd.s32 $0xFFFFC000  }
0xf3: {  	_ =	swait.ge [sflag:s20], $0x80  }
0xf4: {  	[sflag:s20] =	ssyncset.done $0x0  }
0xf5: {  	[sflag:s20] =	ssyncadd.s32 $0xFFFFFF80  }
0xf6: {  	_ =	swait.ge [sflag:s20], $0x80  }
0xf7: {  	[sflag:s20] =	ssyncset.done $0x0  }
0xf8: {  	[sflag:s20] =	ssyncadd.s32 $0xFFFFFF80  }
0xf9: {  	[bflag:$0x0] =	sbarrier.arrive $0xFFFF  }
0xfa: {  	[tilespmem:s13], [sflag:$0x7] =	stream.linear.gather [spmem:s18], $0x4000, $0x38;
	[tilespmem:$0x1FF00] =	vst v63  }
0xfb: {  	_ =	swait.ge [sflag:s19], $0x4000  }
0xfc: {  	[sflag:s19] =	ssyncset.done $0x0  }
0xfd: {  	s31 =	rddreg [dreg:$0x9];
	[sflag:s19] =	ssyncadd.s32 $0xFFFFC000  }
0xfe: {  	[hbm4b:s31+s4] =	stream.linear.scatter [tilespmem:s13], [sflag:$0x1], $0x4000, $0x38;
	[tilespmem:$0x1FF00] =	vst v63  }
0xff: {  	s29 =	rddreg [dreg:$0xf]  }
0x100: {  	[tilespmem:s17], [sflag:$0x7] =	stream.linear.gather [spmem:s29], $0x4000, $0x38;
	[tilespmem:$0x1FF00] =	vst v63  }
0x101: {  	_ =	swait.ge [sflag:s19], $0x4000  }
0x102: {  	[sflag:s19] =	ssyncset.done $0x0  }
0x103: {  	[sflag:s19] =	ssyncadd.s32 $0xFFFFC000  }
0x104: {  	_ =	swait.ge [sflag:s14], $0x4000  }
0x105: {  	[sflag:s14] =	ssyncset.done $0x0  }
0x106: {  	s30 =	rddreg [dreg:$0xa];
	[sflag:s14] =	ssyncadd.s32 $0xFFFFC000  }
0x107: {  	[hbm4b:s30+s4] =	stream.linear.scatter [tilespmem:s17], [sflag:$0x2], $0x4000, $0x38;
	[tilespmem:$0x1FF00] =	vst v63  }
0x108: {  	s31 =	rddreg [dreg:$0x10]  }
0x109: {  	[tilespmem:s13], [sflag:$0x7] =	stream.linear.gather [spmem:s31], $0x4000, $0x38;
	[tilespmem:$0x1FF00] =	vst v63  }
0x10a: {  	_ =	swait.ge [sflag:s19], $0x4000  }
0x10b: {  	[sflag:s19] =	ssyncset.done $0x0  }
0x10c: {  	[sflag:s19] =	ssyncadd.s32 $0xFFFFC000  }
0x10d: {  	_ =	swait.ge [sflag:s22], $0x4000  }
0x10e: {  	[sflag:s22] =	ssyncset.done $0x0  }
0x10f: {  	s29 =	rddreg [dreg:$0xb];
	[sflag:s22] =	ssyncadd.s32 $0xFFFFC000  }
0x110: {  	[hbm4b:s29+s4] =	stream.linear.scatter [tilespmem:s13], [sflag:$0x1], $0x4000, $0x38;
	[tilespmem:$0x1FF00] =	vst v63  }
0x111: {  	s30 =	rddreg [dreg:$0x11]  }
0x112: {  	[tilespmem:s17], [sflag:$0x7] =	stream.linear.gather [spmem:s30], $0x4000, $0x38;
	[tilespmem:$0x1FF00] =	vst v63  }
0x113: {  	_ =	swait.ge [sflag:s19], $0x4000  }
0x114: {  	[sflag:s19] =	ssyncset.done $0x0  }
0x115: {  	[sflag:s19] =	ssyncadd.s32 $0xFFFFC000  }
0x116: {  	_ =	swait.ge [sflag:s14], $0x4000  }
0x117: {  	[sflag:s14] =	ssyncset.done $0x0  }
0x118: {  	s31 =	rddreg [dreg:$0xc];
	[sflag:s14] =	ssyncadd.s32 $0xFFFFC000  }
0x119: {  	[hbm4b:s31+s4] =	stream.linear.scatter [tilespmem:s17], [sflag:$0x2], $0x4000, $0x38;
	[tilespmem:$0x1FF00] =	vst v63  }
0x11a: {  	s29 =	rddreg [dreg:$0x12]  }
0x11b: {  	[tilespmem:s13], [sflag:$0x7] =	stream.linear.gather [spmem:s29], $0x3C00, $0x38;
	[tilespmem:$0x1FF00] =	vst v63  }
0x11c: {  	_ =	swait.ge [sflag:s19], $0x3C00  }
0x11d: {  	[sflag:s19] =	ssyncset.done $0x0  }
0x11e: {  	[sflag:s19] =	ssyncadd.s32 $0xFFFFC400  }
0x11f: {  	_ =	swait.ge [sflag:s22], $0x4000  }
0x120: {  	[sflag:s22] =	ssyncset.done $0x0  }
0x121: {  	s30 =	rddreg [dreg:$0xd];
	[sflag:s22] =	ssyncadd.s32 $0xFFFFC000  }
0x122: {  	[hbm4b:s30+s4] =	stream.linear.scatter [tilespmem:s13], [sflag:$0x1], $0x3C00, $0x38;
	[tilespmem:$0x1FF00] =	vst v63  }
0x123: {  	_ =	swait.ge [sflag:s14], $0x3C00  }
0x124: {  	s28 =	sadd.s32 $0x1, s28;
	s31 =	rddreg [dreg:$0x13]  }
0x125: {  	p0 =	sne.s32 s28, s31  }
.Ltmp2:
0x126: {  	_ = 	snop;
	(pc) =	sbr.rel @p0 .LBB2_1-.Ltmp2, $3  }
0x127: {  	_ =	sdelay $0x1  }
0x128: {  	[sflag:s14] =	ssyncset.done $0x0  }
0x129: {  	[sflag:s14] =	ssyncadd.s32 $0xFFFFC400  }
0x12a: {  	_ =	sfence.sel $0x180000  }
0x12b: {  	[bflag:$0x0] =	sbarrier.arrive $0xFFFF  }
0x12c: {  	_ =	strace $0x90000050  }
0x12d: {  	s0 =	stileid.u32;
	[bflag:$0x2] =	sbarrier.arrive $0xFFFF  }
0x12e: {  	p0 =	sne.s32 s0, $0x0;
	s0 =	rddreg [dreg:$0x3]  }
0x12f: {  	s0 =	sadd.s32 @!p0 $0x100000, s0  }
0x130: {  	[sflag:s0] =	ssyncadd.tile.s32 @!p0 $0x1;
	_ =	shalt  }
.Lfunc_end2:
_tile_overlayer_lowered:
.L_overlay_start_2:
0x131: {  	(tag) =	ssettag $0x2  }
0x132: {  	s0 =	rddreg [dreg:$0x0];
	s2 =	stileid.u32  }
0x133: {  	s1 =	rddreg [dreg:$0x1];
	p0 =	sne.s32 s2, $0x0  }
0x134: {  	s3 =	rddreg [dreg:$0x2];
	[bflag:$0x3] =	sbarrier.arrive $0xFFFF;
	s2 =	simm.s32 @!p0 $0x1C07  }
0x135: {  	[timem:s3], [sflag:s2] =	dma.local @!p0 [hbm:s0], s1  }
0x136: {  	s0 =	simm.s32 @!p0 $0x7  }
0x137: {  	_ =	swait.ge @!p0 [sflag:s0], s1  }
0x138: {  	s1 =	ssub.s32 @!p0 $0x0, s1;
	[sflag:s0] =	ssyncset.done @!p0 $0x0  }
0x139: {  	[sflag:s0] =	ssyncadd.s32 @!p0 s1  }
0x13a: {  	[bflag:$0x3] =	sbarrier.arrive $0xFFFF  }
0x13b: {  	_ =	shalt  }

// kernel: kernel.25.cloned.1.call-start
scs
__scs_entry_jumppad:
0x0: {  	(pc) =	sbr.rel $0x88, $3  }
0x1: {  	(tag) =	ssettag $0x0;
	lr =	simm.s32 $0x1  }
0x2: {  	[smem:$0x3F92] =	sst lr;
	_ =	strace $0xD0000000  }
0x3: {  	_ = 	snop  }
0x4: {  	_ = 	snop  }
0x5: {  	_ = 	snop  }
0x6: {  	_ = 	snop  }
0x7: {  	_ = 	snop  }
__scs_overlays_trampoline_lowered:
0x8: {  	[smem:$0x3FA1] =	sst s0  }
0x9: {  	[smem:$0x3FA2] =	sst s1  }
0xa: {  	[smem:$0x3FA3] =	sst s2  }
0xb: {  	[smem:$0x3FA4] =	sst s3  }
0xc: {  	[smem:$0x3FA5] =	sst s4  }
0xd: {  	[smem:$0x3FA6] =	sst s5  }
0xe: {  	[smem:$0x3FA7] =	sst s6  }
0xf: {  	[smem:$0x3FA8] =	sst s7  }
0x10: {  	[smem:$0x3FA9] =	sst s8  }
0x11: {  	[smem:$0x3FAA] =	sst s9;
	s0 =	simm.s32 @!p0 $0x0  }
0x12: {  	s1 =	sld [smem:$0x3F90];
	s0 =	simm.s32 @p0 $0x1  }
0x13: {  	[smem:$0x3FAB] =	sst s0;
	s0 =	simm.s32 @!p1 $0x0  }
0x14: {  	s2 =	sld [smem:$0x3F8F];
	s0 =	simm.s32 @p1 $0x1  }
0x15: {  	[smem:$0x3FAC] =	sst s0;
	s0 =	simm.s32 @!p2 $0x0  }
0x16: {  	s3 =	sld [smem:$0x3FDB];
	s0 =	simm.s32 @p2 $0x1  }
0x17: {  	s4 =	simm.s32 $0x1BF5;
	[smem:$0x3FAE] =	sst s0  }
0x18: {  	s0 =	sld [smem:$0x3F91];
	_ =	swait.ge [sflag:s4], $0x0  }
0x19: {  	s7 =	sld [smem:$0x3F92]  }
0x1a: {  	s8 =	sadd.s32 $0xFFFFE003, lr  }
0x1b: {  	s9 =	sadd.s32 $0xFFFFFEF7, lr;
	s5 =	simm.s32 $0xFFFFFFFF;
	p2 =	slt.u32 s8, $0xFFFFF086  }
0x1c: {  	p1 =	slt.u32 s9, $0xF7A;
	s5 =	simm.s32 @!p2 $0x0  }
0x1d: {  	s5 =	simm.s32 @p1 $0x1;
	p0 =	seq.s32 s7, s2  }
0x1e: {  	s7 =	smul.u32 @!p0 $0xF7A, s2;
	p2 =	seq.s32 @!p0 s5, $0x0  }
0x1f: {  	s9 =	smul.u32 $0xF7A, s1;
	s8 =	simm.s32 @!p0 $0x1BF5;
	p2 =	por !p2, p0  }
0x20: {  	[sflag:s8] =	ssyncset.s32 @!p0 $0xFFFFF086;
	s6 =	sadd.s32 @!p0 s3, s7;
	s7 =	simm.s32 @!p0 $0x108  }
0x21: {  	s3 =	sadd.s32 s3, s9;
	s6 =	sadd.s32 @!p0 $0x88, s6;
	s7 =	simm.s32 @p2 $0x1082  }
0x22: {  	[simem:s7], [sflag:s8] =	dma.local @!p0 [hbm:s6], $0xF7A  }
0x23: {  	s9 =	sor.u32 $0xD0000000, s2;
	s6 =	simm.s32 $0x108;
	_ =	swait.ge @!p0 [sflag:s8], $0x0  }
0x24: {  	s3 =	sadd.s32 $0x88, s3;
	s6 =	simm.s32 @!p1 $0x1082;
	[sflag:s4] =	ssyncset.s32 $0xFFFFF086  }
0x25: {  	[simem:s6], [sflag:s4] =	dma.local [hbm:s3], $0xF7A  }
0x26: {  	[smem:$0x3F92] =	sst s1;
	(tag) =	ssettag s2;
	_ =	strace s9  }
0x27: {  	s1 =	sld [smem:$0x3FA2]  }
0x28: {  	s2 =	sld [smem:$0x3FA3]  }
0x29: {  	s4 =	sld [smem:$0x3FA5]  }
0x2a: {  	p0 =	seq.s32 s5, $0x0;
	s5 =	sld [smem:$0x3FA6]  }
0x2b: {  	s6 =	sld [smem:$0x3FA7]  }
0x2c: {  	s7 =	sld [smem:$0x3FA8]  }
0x2d: {  	s3 =	simm.s32 $0x108;
	s8 =	sld [smem:$0x3FA9]  }
0x2e: {  	s3 =	simm.s32 @!p0 $0x1082;
	s9 =	sld [smem:$0x3FAA]  }
0x2f: {  	lr =	sadd.s32 s0, s3;
	s0 =	sld [smem:$0x3FA1]  }
0x30: {  	s3 =	sld [smem:$0x3FA4]  }
0x31: {  	[smem:$0x3FAD] =	sst s10  }
0x32: {  	s10 =	sld [smem:$0x3FAB];
	_ =	sdelay $0x3  }
0x33: {  	p0 =	seq.s32 s10, $0x1;
	s10 =	sld [smem:$0x3FAD];
	_ =	sdelay $0x3  }
0x34: {  	[smem:$0x3FAD] =	sst s10  }
0x35: {  	s10 =	sld [smem:$0x3FAC];
	_ =	sdelay $0x3  }
0x36: {  	p1 =	seq.s32 s10, $0x1;
	s10 =	sld [smem:$0x3FAD];
	_ =	sdelay $0x3  }
0x37: {  	[smem:$0x3FAD] =	sst s10  }
0x38: {  	s10 =	sld [smem:$0x3FAE]  }
0x39: {  	_ = 	snop;
	(pc) =	sbr.ind lr, $3  }
0x3a: {  	_ = 	snop  }
0x3b: {  	_ = 	snop  }
0x3c: {  	p2 =	seq.s32 s10, $0x1;
	s10 =	sld [smem:$0x3FAD]  }
0x3d: {  	_ =	shalt  }
0x3e: {  	_ =	shalt  }
0x3f: {  	_ =	shalt  }
0x40: {  	_ =	shalt  }
0x41: {  	_ =	shalt  }
0x42: {  	_ =	shalt  }
0x43: {  	_ =	shalt  }
0x44: {  	_ =	shalt  }
0x45: {  	_ =	shalt  }
0x46: {  	_ =	shalt  }
0x47: {  	_ =	shalt  }
0x48: {  	_ =	shalt  }
0x49: {  	_ =	shalt  }
0x4a: {  	_ =	shalt  }
0x4b: {  	_ =	shalt  }
0x4c: {  	_ =	shalt  }
0x4d: {  	_ =	shalt  }
0x4e: {  	_ =	shalt  }
0x4f: {  	_ =	shalt  }
0x50: {  	_ =	shalt  }
0x51: {  	_ =	shalt  }
0x52: {  	_ =	shalt  }
0x53: {  	_ =	shalt  }
0x54: {  	_ =	shalt  }
0x55: {  	_ =	shalt  }
0x56: {  	_ =	shalt  }
0x57: {  	_ =	shalt  }
0x58: {  	_ =	shalt  }
0x59: {  	_ =	shalt  }
0x5a: {  	_ =	shalt  }
0x5b: {  	_ =	shalt  }
0x5c: {  	_ =	shalt  }
0x5d: {  	_ =	shalt  }
0x5e: {  	_ =	shalt  }
0x5f: {  	_ =	shalt  }
0x60: {  	_ =	shalt  }
0x61: {  	_ =	shalt  }
0x62: {  	_ =	shalt  }
0x63: {  	_ =	shalt  }
0x64: {  	_ =	shalt  }
0x65: {  	_ =	shalt  }
0x66: {  	_ =	shalt  }
0x67: {  	_ =	shalt  }
0x68: {  	_ =	shalt  }
0x69: {  	_ =	shalt  }
0x6a: {  	_ =	shalt  }
0x6b: {  	_ =	shalt  }
0x6c: {  	_ =	shalt  }
0x6d: {  	_ =	shalt  }
0x6e: {  	_ =	shalt  }
0x6f: {  	_ =	shalt  }
0x70: {  	_ =	shalt  }
0x71: {  	_ =	shalt  }
0x72: {  	_ =	shalt  }
0x73: {  	_ =	shalt  }
0x74: {  	_ =	shalt  }
0x75: {  	_ =	shalt  }
0x76: {  	_ =	shalt  }
0x77: {  	_ =	shalt  }
0x78: {  	_ =	shalt  }
0x79: {  	_ =	shalt  }
0x7a: {  	_ =	shalt  }
0x7b: {  	_ =	shalt  }
0x7c: {  	_ =	shalt  }
0x7d: {  	_ =	shalt  }
0x7e: {  	_ =	shalt  }
0x7f: {  	_ =	shalt  }
0x80: {  	_ =	shalt  }
0x81: {  	_ =	shalt  }
0x82: {  	_ =	shalt  }
0x83: {  	_ =	shalt  }
0x84: {  	_ =	shalt  }
0x85: {  	_ =	shalt  }
0x86: {  	_ =	shalt  }
0x87: {  	_ =	shalt  }
.Lfunc_end0:
.L_simem_size_0:
called_computation.4_lowered:
.L_overlay_start_0:
0x88: {  	s2 =	sld [smem:$0x3FD9]  }
0x89: {  	s3 =	sld [smem:$0x3FFE];
	_ =	sdelay $0x1  }
0x8a: {  	s1 =	srdreg.scid  }
0x8b: {  	s0 =	sand.u32 $0x1, s1  }
0x8c: {  	s14 =	sshll.u32 s0, $0xA;
	s2 =	sadd.s32 s3, s2  }
0x8d: {  	s2 =	sadd.s32 s2, s14  }
0x8e: {  	[smem:$0x3FB9] =	sst s2  }
0x8f: {  	_ = 	snop  }
0x90: {  	s2 =	sld [smem:$0x3FD0];
	_ =	sdelay $0x2  }
0x91: {  	s15 =	simm.s32 $0xA;
	s4 =	simm.s32 $0x10  }
0x92: {  	[smem:s4], [sflag:s15] =	dma.local [hbm:s2], $0x1  }
0x93: {  	_ =	swait.eq [sflag:s15], $0x1  }
0x94: {  	[sflag:s15] =	ssyncset.done $0x0  }
0x95: {  	[sflag:s15] =	ssyncadd.s32 $0xFFFFFFFF  }
0x96: {  	s16 =	sld [smem:$0x10];
	(tm) =	ssettm $0x1  }
0x97: {  	s17 =	sld [smem:$0x3FFB];
	_ =	sdelay $0x3  }
0x98: {  	_ =	strace s17  }
0x99: {  	s3 =	sld [smem:$0x3FFC];
	_ =	sdelay $0x3  }
0x9a: {  	_ =	strace s3  }
0x9b: {  	s3 =	sld [smem:$0x3FFD];
	_ =	sdelay $0x3  }
0x9c: {  	_ =	strace s3  }
0x9d: {  	_ =	strace $0x8FFFFFFF  }
0x9e: {  	s18 =	sld [smem:$0x3FDB];
	_ =	sdelay $0x1  }
0x9f: {  	s19 =	simm.s32 $_scs_section_size  }
0xa0: {  	s5 =	simm.s32 $_size__tile_overlayer_lowered;
	s6 =	simm.s32 $_tile_overlayer_lowered  }
0xa1: {  	s22 =	simm.s32 $0x1BFF;
	s21 =	sshll.u32 s6, $0x1;
	s3 =	sadd.s32 s19, s18  }
0xa2: {  	s7 =	simm.s32 $0x0;
	s20 =	sshll.u32 s5, $0x1;
	s5 =	sadd.s32 s21, s3  }
0xa3: {  	[timem:s7], [sflag:s22] =	dma.local [hbm:s5], s20  }
0xa4: {  	_ =	swait.ge [sflag:s22], s20  }
0xa5: {  	s4 =	ssub.s32 $0x0, s20;
	[sflag:s22] =	ssyncset.done $0x0  }
0xa6: {  	[sflag:s22] =	ssyncadd.s32 s4;
	_ =	sdelay $0x1  }
0xa7: {  	s23 =	simm.s32 $0x1B8B  }
0xa8: {  	_ =	swait.ge [sflag:s23], $0x1  }
0xa9: {  	[sflag:s23] =	ssyncset.done $0x0  }
0xaa: {  	s25 =	simm.s32 $0x1B8E;
	s24 =	sld [smem:$0x3FFE];
	[sflag:s23] =	ssyncadd.s32 $0xFFFFFFFF  }
0xab: {  	s26 =	simm.s32 $execute0_lowered;
	[smem:$0x3FD2] =	sst s25  }
0xac: {  	s5 =	sshll.u32 s26, $0x1;
	_ =	strace $0x80000052;
	[dreg:$0x1] =	wrdreg $0xFFFFFFFF  }
0xad: {  	s28 =	simm.s32 $_size_execute0_lowered;
	s3 =	sadd.s32 s3, s5;
	[dreg:$0x0] =	wrdreg $0x0  }
0xae: {  	s5 =	sshll.u32 s28, $0x1;
	[dreg:$0x2] =	wrdreg s3  }
0xaf: {  	[dreg:$0x3] =	wrdreg s5  }
0xb0: {  	[dreg:$0x4] =	wrdreg $0xC0  }
0xb1: {  	_ =	task [dreg:s7], $0x5FFFF  }
0xb2: {  	[dreg:$0x1] =	wrdreg $0xFFFFFFFF  }
0xb3: {  	[dreg:$0x0] =	wrdreg $0x60  }
0xb4: {  	[dreg:$0x2] =	wrdreg s16  }
0xb5: {  	[dreg:$0x3] =	wrdreg s24  }
0xb6: {  	[dreg:$0x4] =	wrdreg $0xC3000  }
0xb7: {  	[dreg:$0x5] =	wrdreg $0x9  }
0xb8: {  	_ =	task.clear_ibuf [dreg:s7], $0x6FFFF;
	_ =	strace $0x90000052  }
0xb9: {  	s29 =	simm.s32 $0x9;
	_ =	strace $0x80000054  }
0xba: {  	_ =	swait.ge [sflag:s29], $0x1  }
0xbb: {  	[sflag:s29] =	ssyncadd.s32 $0xFFFFFFFF  }
0xbc: {  	_ =	strace $0x90000054  }
0xbd: {  	_ =	sfence  }
0xbe: {  	s30 =	sld [smem:$0x0];
	_ =	sdelay $0x2  }
0xbf: {  	s31 =	sshll.u32 s1, $0xD;
	s1 =	sshrl.u32 s1, $0x2  }
0xc0: {  	s3 =	sand.u32 $0x4000, s31;
	s1 =	sadd.s32 s1, s30  }
0xc1: {  	s0 =	sor.u32 s3, s0;
	s1 =	sshll.u32 s1, $0x11  }
0xc2: {  	s0 =	sor.u32 s1, s0  }
0xc3: {  	s0 =	sadd.s32 $0x8F2B, s0  }
0xc4: {  	[sflag:s0] =	ssyncadd.remote.s32 $0x1  }
0xc5: {  	_ =	sfence.sel $0xFFFF  }
0xc6: {  	[dreg:$0x0] =	wrdreg $0xFFFFFFFF;
	(pc) =	sbr.abs _section_cstart, $3  }
0xc7: {  	[dreg:$0x1] =	wrdreg $0xFFFFFFFF  }
0xc8: {  	_ =	task.clear_ibuf [dreg:s7], $0x2FFFF;
	_ =	strace $0x9FFFFFFF  }
0xc9: {  	(tm) =	ssettm $0x7FFFFFFF  }
tec
execute0_lowered:
.L_overlay_start_1:
0x0: {  	(tag) =	ssettag $0x1  }
0x1: {  	s1 =	rddreg [dreg:$0x0]  }
0x2: {  	s0 =	rddreg [dreg:$0x1]  }
0x3: {  	s3 =	rddreg [dreg:$0x2];
	s17 =	stileid.u32  }
0x4: {  	s2 =	srdreg.scid;
	s4 =	simm.s32 $0x0;
	s10 =	smul.u32 $0x13C00, s17  }
0x5: {  	s28 =	simm.s32 $0x0;
	s2 =	sand.u32 $0x1, s2;
	s14 =	smul.u32 $0x4F000, s17  }
0x6: {  	s5 =	sshll.u32 s17, $0x1;
	[smem:$0x7FF] =	sst s4;
	s31 =	smul.u32 $0x5000, s17  }
0x7: {  	s6 =	sadd.s32 $0x4400, s0;
	s5 =	sor.u32 s2, s5;
	s22 =	smul.u32 $0x13C000, s2  }
0x8: {  	_ =	strace $0x80000053;
	s7 =	ssub.s32 $0x2, s2;
	s2 =	smul.u32 $0x2800, s2  }
0x9: {  	s8 =	smul.u32 $0x2800, s5;
	s5 =	sadd.s32 $0xE600, s0;
	s9 =	sshrl.u32 s7, $0x1  }
0xa: {  	s0 =	sadd.s32 $0x18800, s0;
	s23 =	sadd.s32 $0x4000, s10;
	s26 =	sadd.s32 $0x8000, s10  }
0xb: {  	s15 =	sadd.s32 $0xC000, s10;
	s7 =	ssub.s32 s7, s9;
	s24 =	sadd.s32 s10, s22  }
0xc: {  	s13 =	sadd.s32 s22, s23;
	s29 =	sadd.s32 s22, s26;
	s16 =	sadd.s32 s22, s15  }
0xd: {  	s10 =	sadd.s32 $0x10000, s10;
	s30 =	sshrl.u32 s16, $0x3;
	s16 =	sadd.s32 s15, s3  }
0xe: {  	s8 =	sshrl.u32 s8, $0x3;
	s17 =	sadd.s32 s10, s3;
	[dreg:$0x11] =	wrdreg s16  }
0xf: {  	s13 =	sshrl.u32 s13, $0x3;
	s19 =	sadd.s32 s5, s8;
	[dreg:$0x12] =	wrdreg s17  }
0x10: {  	s15 =	simm.s32 $0x4;
	s11 =	sadd.s32 s6, s8;
	[dreg:$0x4] =	wrdreg s19  }
0x11: {  	s20 =	sor.u32 $0x10, s8;
	s25 =	sadd.s32 s0, s13;
	[dreg:$0x5] =	wrdreg s11  }
0x12: {  	s8 =	sor.u32 $0x20, s8;
	s21 =	sadd.s32 s5, s20;
	[dreg:$0xa] =	wrdreg s25  }
0x13: {  	s13 =	sshrl.u32 s29, $0x3;
	s9 =	sadd.s32 s6, s20;
	[dreg:$0x6] =	wrdreg s21  }
0x14: {  	s16 =	simm.s32 $0x5;
	s12 =	sadd.s32 s5, s8;
	[dreg:$0x7] =	wrdreg s9  }
0x15: {  	s17 =	simm.s32 $0x4300;
	s13 =	sadd.s32 s0, s13;
	[dreg:$0x8] =	wrdreg s12  }
0x16: {  	s11 =	sadd.s32 s22, s10;
	s8 =	sadd.s32 s6, s8;
	[dreg:$0xb] =	wrdreg s13  }
0x17: {  	s19 =	smax.u32 s7, $0x1;
	s10 =	simm.s32 $0x200;
	[dreg:$0xe] =	wrdreg s8  }
0x18: {  	s12 =	sshrl.u32 s24, $0x3;
	s13 =	sadd.s32 s0, s30;
	[dreg:$0x13] =	wrdreg s19  }
0x19: {  	s11 =	sshrl.u32 s11, $0x3;
	s12 =	sadd.s32 s0, s12;
	[dreg:$0xc] =	wrdreg s13  }
0x1a: {  	s8 =	simm.s32 $0x180;
	s0 =	sadd.s32 s0, s11;
	[dreg:$0x9] =	wrdreg s12  }
0x1b: {  	s9 =	simm.s32 $0x80;
	s13 =	sadd.s32 s23, s3;
	[dreg:$0xd] =	wrdreg s0  }
0x1c: {  	s11 =	sshrl.u32 s14, $0x2;
	s14 =	sadd.s32 s26, s3;
	[dreg:$0xf] =	wrdreg s13  }
0x1d: {  	s19 =	simm.s32 $0x7;
	s18 =	sadd.s32 s11, s3;
	[dreg:$0x10] =	wrdreg s14  }
0x1e: {  	s0 =	sadd.s32 s2, s31;
	s11 =	simm.s32 $0x100;
	s12 =	simm.s32 $0x280  }
0x1f: {  	s13 =	simm.s32 $0x300;
	s14 =	simm.s32 $0x1;
	s20 =	sor.u32 $0x280, s0  }
0x20: {  	s21 =	sor.u32 $0x200, s0;
	s0 =	sor.u32 $0x180, s0;
	s22 =	sadd.s32 $0x2780, s18  }
0x21: {  	s23 =	sadd.s32 $0x4F00, s18;
	s29 =	sadd.s32 $0x7680, s18;
	[dreg:$0x14] =	wrdreg s22  }
0x22: {  	s30 =	sadd.s32 $0x9E00, s18;
	s31 =	sadd.s32 $0xC580, s18;
	[dreg:$0x15] =	wrdreg s23  }
0x23: {  	s2 =	sadd.s32 $0xED00, s18;
	s7 =	sadd.s32 $0x11480, s18;
	[dreg:$0x16] =	wrdreg s29  }
0x24: {  	s24 =	sshrl.u32 s20, $0x3;
	s25 =	sshrl.u32 s21, $0x3;
	[dreg:$0x17] =	wrdreg s30  }
0x25: {  	s26 =	sshrl.u32 s0, $0x3;
	[dreg:$0x18] =	wrdreg s31;
	s20 =	simm.s32 $0x6  }
0x26: {  	v0 =	vimm.f32 $0.0e+00;
	s21 =	simm.s32 $0x8300;
	s22 =	simm.s32 $0x2;
	s23 =	simm.s32 $0x3  }
.LBB2_1:
0x27: {  	s0 =	rddreg [dreg:$0x4]  }
0x28: {  	[tilespmem:s4], [sflag:$0x4] =	stream.linear.gather [hbm4b:s0+s4], $0x80, $0x38;
	[tilespmem:$0x1FF00] =	vst v63  }
0x29: {  	s31 =	rddreg [dreg:$0x5]  }
0x2a: {  	[tilespmem:s8], [sflag:$0x4] =	stream.linear.gather [hbm4b:s31+s4], $0x80, $0x38;
	[tilespmem:$0x1FF00] =	vst v63  }
0x2b: {  	s31 =	rddreg [dreg:$0x6]  }
0x2c: {  	[tilespmem:s9], [sflag:$0x5] =	stream.linear.gather [hbm4b:s31+s4], $0x80, $0x38;
	[tilespmem:$0x1FF00] =	vst v63  }
0x2d: {  	s31 =	rddreg [dreg:$0x7]  }
0x2e: {  	[tilespmem:s10], [sflag:$0x5] =	stream.linear.gather [hbm4b:s31+s4], $0x80, $0x38;
	[tilespmem:$0x1FF00] =	vst v63  }
0x2f: {  	s31 =	rddreg [dreg:$0x8]  }
0x30: {  	[tilespmem:s11], [sflag:$0x6] =	stream.linear.gather [hbm4b:s31+s4], $0x80, $0x38;
	[tilespmem:$0x1FF00] =	vst v63  }
0x31: {  	s29 =	simm.s32 $0x0;
	s30 =	simm.s32 $0x200;
	s31 =	rddreg [dreg:$0xe]  }
0x32: {  	[tilespmem:s12], [sflag:$0x6] =	stream.linear.gather [hbm4b:s31+s4], $0x80, $0x38;
	[tilespmem:$0x1FF00] =	vst v63  }
.LBB2_2:
0x33: {  	p0 =	sne.s32 s30, $0xFE00;
	[tilespmem:s29+$0x370] =	vst v0  }
0x34: {  	[tilespmem:s29+$0x300] =	vst v0  }
0x35: {  	[tilespmem:s29+$0x310] =	vst v0  }
.Ltmp0:
0x36: {  	[tilespmem:s29+$0x320] =	vst v0;
	(pc) =	sbr.rel @p0 .LBB2_2-.Ltmp0, $4  }
0x37: {  	[tilespmem:s29+$0x330] =	vst v0  }
0x38: {  	[tilespmem:s29+$0x340] =	vst v0  }
0x39: {  	[tilespmem:s29+$0x350] =	vst v0  }
0x3a: {  	[tilespmem:s29+$0x360] =	vst v0;
	s29 =	sshra.s32 s30, $0x2;
	s30 =	sadd.s32 $0x200, s30  }
0x3b: {  	[tilespmem:s29+$0x370] =	vst v0  }
0x3c: {  	[tilespmem:s29+$0x300] =	vst v0  }
0x3d: {  	[tilespmem:s29+$0x310] =	vst v0  }
0x3e: {  	[tilespmem:s29+$0x320] =	vst v0  }
0x3f: {  	[tilespmem:s29+$0x330] =	vst v0  }
0x40: {  	[tilespmem:s29+$0x340] =	vst v0  }
0x41: {  	[tilespmem:s29+$0x350] =	vst v0  }
0x42: {  	[tilespmem:s29+$0x360] =	vst v0  }
0x43: {  	[spmem:s18] =	stream.linear.scatter [tilespmem:s13], [sflag:$0x1], $0x2780, $0x38;
	[tilespmem:$0x1FF00] =	vst v63  }
0x44: {  	s0 =	rddreg [dreg:$0x14]  }
0x45: {  	[spmem:s0] =	stream.linear.scatter [tilespmem:s13], [sflag:$0x1], $0x2780, $0x38;
	[tilespmem:$0x1FF00] =	vst v63  }
0x46: {  	s0 =	rddreg [dreg:$0x15]  }
0x47: {  	[spmem:s0] =	stream.linear.scatter [tilespmem:s13], [sflag:$0x1], $0x2780, $0x38;
	[tilespmem:$0x1FF00] =	vst v63  }
0x48: {  	s0 =	rddreg [dreg:$0x16]  }
0x49: {  	[spmem:s0] =	stream.linear.scatter [tilespmem:s13], [sflag:$0x1], $0x2780, $0x38;
	[tilespmem:$0x1FF00] =	vst v63  }
0x4a: {  	s0 =	rddreg [dreg:$0x17]  }
0x4b: {  	[spmem:s0] =	stream.linear.scatter [tilespmem:s13], [sflag:$0x1], $0x2780, $0x38;
	[tilespmem:$0x1FF00] =	vst v63  }
0x4c: {  	s0 =	rddreg [dreg:$0x18]  }
0x4d: {  	[spmem:s0] =	stream.linear.scatter [tilespmem:s13], [sflag:$0x1], $0x2780, $0x38;
	[tilespmem:$0x1FF00] =	vst v63  }
0x4e: {  	_ = 	snop  }
0x4f: {  	[spmem:s2] =	stream.linear.scatter [tilespmem:s13], [sflag:$0x1], $0x2780, $0x38;
	[tilespmem:$0x1FF00] =	vst v63  }
0x50: {  	_ = 	snop  }
0x51: {  	[spmem:s7] =	stream.linear.scatter [tilespmem:s13], [sflag:$0x1], $0x2780, $0x38;
	[tilespmem:$0x1FF00] =	vst v63  }
0x52: {  	_ =	swait.ge [sflag:s14], $0x2780  }
0x53: {  	[sflag:s14] =	ssyncset.done $0x0  }
0x54: {  	[sflag:s14] =	ssyncadd.s32 $0xFFFFD880  }
0x55: {  	_ =	swait.ge [sflag:s14], $0x2780  }
0x56: {  	[sflag:s14] =	ssyncset.done $0x0  }
0x57: {  	[sflag:s14] =	ssyncadd.s32 $0xFFFFD880  }
0x58: {  	_ =	swait.ge [sflag:s14], $0x2780  }
0x59: {  	[sflag:s14] =	ssyncset.done $0x0  }
0x5a: {  	[sflag:s14] =	ssyncadd.s32 $0xFFFFD880  }
0x5b: {  	_ =	swait.ge [sflag:s14], $0x2780  }
0x5c: {  	[sflag:s14] =	ssyncset.done $0x0  }
0x5d: {  	[sflag:s14] =	ssyncadd.s32 $0xFFFFD880  }
0x5e: {  	_ =	swait.ge [sflag:s14], $0x2780  }
0x5f: {  	[sflag:s14] =	ssyncset.done $0x0  }
0x60: {  	[sflag:s14] =	ssyncadd.s32 $0xFFFFD880  }
0x61: {  	_ =	swait.ge [sflag:s14], $0x2780  }
0x62: {  	[sflag:s14] =	ssyncset.done $0x0  }
0x63: {  	[sflag:s14] =	ssyncadd.s32 $0xFFFFD880  }
0x64: {  	_ =	swait.ge [sflag:s14], $0x2780  }
0x65: {  	[sflag:s14] =	ssyncset.done $0x0  }
0x66: {  	[sflag:s14] =	ssyncadd.s32 $0xFFFFD880  }
0x67: {  	_ =	swait.ge [sflag:s14], $0x2780  }
0x68: {  	[sflag:s14] =	ssyncset.done $0x0  }
0x69: {  	[sflag:s14] =	ssyncadd.s32 $0xFFFFD880  }
0x6a: {  	[bflag:$0x0] =	sbarrier.arrive $0xFFFF  }
0x6b: {  	_ =	swait.ge [sflag:s15], $0x80  }
0x6c: {  	[sflag:s15] =	ssyncset.done $0x0  }
0x6d: {  	[sflag:s15] =	ssyncadd.s32 $0xFFFFFF80  }
0x6e: {  	_ =	swait.ge [sflag:s15], $0x80  }
0x6f: {  	[sflag:s15] =	ssyncset.done $0x0  }
0x70: {  	[sflag:s15] =	ssyncadd.s32 $0xFFFFFF80  }
0x71: {  	[tilespmem:s13], [sflag:$0x1] =	stream.indirect.gather [hbm4b:s1+s9], $0x80, s4, s9, $0xb8;
	[tilespmem:$0x1FF00] =	vst v63  }
0x72: {  	_ =	swait.ge [sflag:s16], $0x80  }
0x73: {  	[sflag:s16] =	ssyncset.done $0x0  }
0x74: {  	[sflag:s16] =	ssyncadd.s32 $0xFFFFFF80  }
0x75: {  	_ =	swait.ge [sflag:s16], $0x80  }
0x76: {  	[sflag:s16] =	ssyncset.done $0x0  }
0x77: {  	[sflag:s16] =	ssyncadd.s32 $0xFFFFFF80  }
0x78: {  	[tilespmem:s17], [sflag:$0x2] =	stream.indirect.gather [hbm4b:s1+s9], $0x80, s9, s9, $0xb8;
	[tilespmem:$0x1FF00] =	vst v63  }
0x79: {  	_ =	swait.ge [sflag:s14], $0x4000  }
0x7a: {  	[sflag:s14] =	ssyncset.done $0x0  }
0x7b: {  	[sflag:s14] =	ssyncadd.s32 $0xFFFFC000  }
0x7c: {  	[spmem:s3] =	stream.indirect.scatter.add.f32 [tilespmem:s13], [sflag:$0x7], $0x80, s8, s9, $0xb8;
	[tilespmem:$0x1FF00] =	vst v63  }
0x7d: {  	_ =	swait.ge [sflag:s19], $0x4000  }
0x7e: {  	[sflag:s19] =	ssyncset.done $0x0  }
0x7f: {  	[sflag:s19] =	ssyncadd.s32 $0xFFFFC000  }
0x80: {  	_ =	swait.ge [sflag:s20], $0x80  }
0x81: {  	[sflag:s20] =	ssyncset.done $0x0  }
0x82: {  	[sflag:s20] =	ssyncadd.s32 $0xFFFFFF80  }
0x83: {  	_ =	swait.ge [sflag:s20], $0x80  }
0x84: {  	[sflag:s20] =	ssyncset.done $0x0  }
0x85: {  	[sflag:s20] =	ssyncadd.s32 $0xFFFFFF80  }
0x86: {  	[tilespmem:s21], [sflag:$0x3] =	stream.indirect.gather [hbm4b:s1+s9], $0x80, s11, s9, $0xb8;
	[tilespmem:$0x1FF00] =	vst v63  }
0x87: {  	s0 =	sadd.s32 s5, s26  }
0x88: {  	[tilespmem:s4], [sflag:$0x4] =	stream.linear.gather [hbm4b:s0+s4], $0x80, $0x38;
	[tilespmem:$0x1FF00] =	vst v63  }
0x89: {  	s0 =	sadd.s32 s6, s26  }
0x8a: {  	[tilespmem:s8], [sflag:$0x4] =	stream.linear.gather [hbm4b:s0+s4], $0x80, $0x38;
	[tilespmem:$0x1FF00] =	vst v63  }
0x8b: {  	_ =	swait.ge [sflag:s22], $0x4000  }
0x8c: {  	[sflag:s22] =	ssyncset.done $0x0  }
0x8d: {  	[sflag:s22] =	ssyncadd.s32 $0xFFFFC000  }
0x8e: {  	[spmem:s3] =	stream.indirect.scatter.add.f32 [tilespmem:s17], [sflag:$0x7], $0x80, s10, s9, $0xb8;
	[tilespmem:$0x1FF00] =	vst v63  }
0x8f: {  	_ =	swait.ge [sflag:s19], $0x4000  }
0x90: {  	[sflag:s19] =	ssyncset.done $0x0  }
0x91: {  	[sflag:s19] =	ssyncadd.s32 $0xFFFFC000  }
0x92: {  	_ =	swait.ge [sflag:s15], $0x80  }
0x93: {  	[sflag:s15] =	ssyncset.done $0x0  }
0x94: {  	[sflag:s15] =	ssyncadd.s32 $0xFFFFFF80  }
0x95: {  	_ =	swait.ge [sflag:s15], $0x80  }
0x96: {  	[sflag:s15] =	ssyncset.done $0x0  }
0x97: {  	[sflag:s15] =	ssyncadd.s32 $0xFFFFFF80  }
0x98: {  	[tilespmem:s13], [sflag:$0x1] =	stream.indirect.gather [hbm4b:s1+s9], $0x80, s4, s9, $0xb8;
	[tilespmem:$0x1FF00] =	vst v63  }
0x99: {  	s0 =	sadd.s32 s5, s25  }
0x9a: {  	[tilespmem:s9], [sflag:$0x5] =	stream.linear.gather [hbm4b:s0+s4], $0x80, $0x38;
	[tilespmem:$0x1FF00] =	vst v63  }
0x9b: {  	s0 =	sadd.s32 s6, s25  }
0x9c: {  	[tilespmem:s10], [sflag:$0x5] =	stream.linear.gather [hbm4b:s0+s4], $0x80, $0x38;
	[tilespmem:$0x1FF00] =	vst v63  }
0x9d: {  	_ =	swait.ge [sflag:s23], $0x4000  }
0x9e: {  	[sflag:s23] =	ssyncset.done $0x0  }
0x9f: {  	[sflag:s23] =	ssyncadd.s32 $0xFFFFC000  }
0xa0: {  	[spmem:s3] =	stream.indirect.scatter.add.f32 [tilespmem:s21], [sflag:$0x7], $0x80, s12, s9, $0xb8;
	[tilespmem:$0x1FF00] =	vst v63  }
0xa1: {  	_ =	swait.ge [sflag:s19], $0x4000  }
0xa2: {  	[sflag:s19] =	ssyncset.done $0x0  }
0xa3: {  	[sflag:s19] =	ssyncadd.s32 $0xFFFFC000  }
0xa4: {  	_ =	swait.ge [sflag:s16], $0x80  }
0xa5: {  	[sflag:s16] =	ssyncset.done $0x0  }
0xa6: {  	[sflag:s16] =	ssyncadd.s32 $0xFFFFFF80  }
0xa7: {  	_ =	swait.ge [sflag:s16], $0x80  }
0xa8: {  	[sflag:s16] =	ssyncset.done $0x0  }
0xa9: {  	[sflag:s16] =	ssyncadd.s32 $0xFFFFFF80  }
0xaa: {  	[tilespmem:s17], [sflag:$0x2] =	stream.indirect.gather [hbm4b:s1+s9], $0x80, s9, s9, $0xb8;
	[tilespmem:$0x1FF00] =	vst v63  }
0xab: {  	s29 =	simm.s32 $0x19;
	s0 =	sadd.s32 s5, s24  }
0xac: {  	[tilespmem:s11], [sflag:$0x6] =	stream.linear.gather [hbm4b:s0+s4], $0x80, $0x38;
	[tilespmem:$0x1FF00] =	vst v63  }
0xad: {  	s30 =	sadd.s32 $0x30, s6;
	s31 =	sadd.s32 $0x30, s5;
	s0 =	sadd.s32 s6, s24  }
.LBB2_4:
0xae: {  	[tilespmem:s12], [sflag:$0x6] =	stream.linear.gather [hbm4b:s0+s4], $0x80, $0x38;
	[tilespmem:$0x1FF00] =	vst v63  }
0xaf: {  	p0 =	sne.s32 s29, $0x1;
	s29 =	sadd.s32 $0xFFFFFFFF, s29;
	_ =	swait.ge [sflag:s14], $0x4000  }
0xb0: {  	[sflag:s14] =	ssyncset.done $0x0  }
0xb1: {  	[sflag:s14] =	ssyncadd.s32 $0xFFFFC000  }
0xb2: {  	[spmem:s3] =	stream.indirect.scatter.add.f32 [tilespmem:s13], [sflag:$0x7], $0x80, s8, s9, $0xb8;
	[tilespmem:$0x1FF00] =	vst v63  }
0xb3: {  	_ =	swait.ge [sflag:s19], $0x4000  }
0xb4: {  	[sflag:s19] =	ssyncset.done $0x0  }
0xb5: {  	[sflag:s19] =	ssyncadd.s32 $0xFFFFC000  }
0xb6: {  	_ =	swait.ge [sflag:s20], $0x80  }
0xb7: {  	[sflag:s20] =	ssyncset.done $0x0  }
0xb8: {  	[sflag:s20] =	ssyncadd.s32 $0xFFFFFF80  }
0xb9: {  	_ =	swait.ge [sflag:s20], $0x80  }
0xba: {  	[sflag:s20] =	ssyncset.done $0x0  }
0xbb: {  	[sflag:s20] =	ssyncadd.s32 $0xFFFFFF80  }
0xbc: {  	[tilespmem:s21], [sflag:$0x3] =	stream.indirect.gather [hbm4b:s1+s9], $0x80, s11, s9, $0xb8;
	[tilespmem:$0x1FF00] =	vst v63  }
0xbd: {  	s0 =	sadd.s32 s31, s26  }
0xbe: {  	[tilespmem:s4], [sflag:$0x4] =	stream.linear.gather [hbm4b:s0+s4], $0x80, $0x38;
	[tilespmem:$0x1FF00] =	vst v63  }
0xbf: {  	s0 =	sadd.s32 s30, s26  }
0xc0: {  	[tilespmem:s8], [sflag:$0x4] =	stream.linear.gather [hbm4b:s0+s4], $0x80, $0x38;
	[tilespmem:$0x1FF00] =	vst v63  }
0xc1: {  	_ =	swait.ge [sflag:s22], $0x4000  }
0xc2: {  	[sflag:s22] =	ssyncset.done $0x0  }
0xc3: {  	[sflag:s22] =	ssyncadd.s32 $0xFFFFC000  }
0xc4: {  	[spmem:s3] =	stream.indirect.scatter.add.f32 [tilespmem:s17], [sflag:$0x7], $0x80, s10, s9, $0xb8;
	[tilespmem:$0x1FF00] =	vst v63  }
0xc5: {  	_ =	swait.ge [sflag:s19], $0x4000  }
0xc6: {  	[sflag:s19] =	ssyncset.done $0x0  }
0xc7: {  	[sflag:s19] =	ssyncadd.s32 $0xFFFFC000  }
0xc8: {  	_ =	swait.ge [sflag:s15], $0x80  }
0xc9: {  	[sflag:s15] =	ssyncset.done $0x0  }
0xca: {  	[sflag:s15] =	ssyncadd.s32 $0xFFFFFF80  }
0xcb: {  	_ =	swait.ge [sflag:s15], $0x80  }
0xcc: {  	[sflag:s15] =	ssyncset.done $0x0  }
0xcd: {  	[sflag:s15] =	ssyncadd.s32 $0xFFFFFF80  }
0xce: {  	[tilespmem:s13], [sflag:$0x1] =	stream.indirect.gather [hbm4b:s1+s9], $0x80, s4, s9, $0xb8;
	[tilespmem:$0x1FF00] =	vst v63  }
0xcf: {  	s0 =	sadd.s32 s31, s25  }
0xd0: {  	[tilespmem:s9], [sflag:$0x5] =	stream.linear.gather [hbm4b:s0+s4], $0x80, $0x38;
	[tilespmem:$0x1FF00] =	vst v63  }
0xd1: {  	s0 =	sadd.s32 s30, s25  }
0xd2: {  	[tilespmem:s10], [sflag:$0x5] =	stream.linear.gather [hbm4b:s0+s4], $0x80, $0x38;
	[tilespmem:$0x1FF00] =	vst v63  }
0xd3: {  	_ =	swait.ge [sflag:s23], $0x4000  }
0xd4: {  	[sflag:s23] =	ssyncset.done $0x0  }
0xd5: {  	[sflag:s23] =	ssyncadd.s32 $0xFFFFC000  }
0xd6: {  	[spmem:s3] =	stream.indirect.scatter.add.f32 [tilespmem:s21], [sflag:$0x7], $0x80, s12, s9, $0xb8;
	[tilespmem:$0x1FF00] =	vst v63  }
0xd7: {  	_ =	swait.ge [sflag:s19], $0x4000  }
0xd8: {  	[sflag:s19] =	ssyncset.done $0x0  }
0xd9: {  	[sflag:s19] =	ssyncadd.s32 $0xFFFFC000  }
0xda: {  	_ =	swait.ge [sflag:s16], $0x80  }
0xdb: {  	[sflag:s16] =	ssyncset.done $0x0  }
0xdc: {  	[sflag:s16] =	ssyncadd.s32 $0xFFFFFF80  }
0xdd: {  	_ =	swait.ge [sflag:s16], $0x80  }
0xde: {  	[sflag:s16] =	ssyncset.done $0x0  }
.Ltmp1:
0xdf: {  	[sflag:s16] =	ssyncadd.s32 $0xFFFFFF80;
	(pc) =	sbr.rel @p0 .LBB2_4-.Ltmp1, $4  }
0xe0: {  	[tilespmem:s17], [sflag:$0x2] =	stream.indirect.gather [hbm4b:s1+s9], $0x80, s9, s9, $0xb8;
	[tilespmem:$0x1FF00] =	vst v63  }
0xe1: {  	s0 =	sadd.s32 s31, s24  }
0xe2: {  	[tilespmem:s11], [sflag:$0x6] =	stream.linear.gather [hbm4b:s0+s4], $0x80, $0x38;
	[tilespmem:$0x1FF00] =	vst v63  }
0xe3: {  	s31 =	sadd.s32 $0x30, s31;
	s0 =	sadd.s32 s30, s24;
	s30 =	sadd.s32 $0x30, s30  }
0xe4: {  	[tilespmem:s12], [sflag:$0x6] =	stream.linear.gather [hbm4b:s0+s4], $0x80, $0x38;
	[tilespmem:$0x1FF00] =	vst v63  }
0xe5: {  	_ =	swait.ge [sflag:s14], $0x4000  }
0xe6: {  	[sflag:s14] =	ssyncset.done $0x0  }
0xe7: {  	[sflag:s14] =	ssyncadd.s32 $0xFFFFC000  }
0xe8: {  	[spmem:s3] =	stream.indirect.scatter.add.f32 [tilespmem:s13], [sflag:$0x7], $0x80, s8, s9, $0xb8;
	[tilespmem:$0x1FF00] =	vst v63  }
0xe9: {  	_ =	swait.ge [sflag:s19], $0x4000  }
0xea: {  	[sflag:s19] =	ssyncset.done $0x0  }
0xeb: {  	[sflag:s19] =	ssyncadd.s32 $0xFFFFC000  }
0xec: {  	_ =	swait.ge [sflag:s22], $0x4000  }
0xed: {  	[sflag:s22] =	ssyncset.done $0x0  }
0xee: {  	[sflag:s22] =	ssyncadd.s32 $0xFFFFC000  }
0xef: {  	[spmem:s3] =	stream.indirect.scatter.add.f32 [tilespmem:s17], [sflag:$0x7], $0x80, s10, s9, $0xb8;
	[tilespmem:$0x1FF00] =	vst v63  }
0xf0: {  	_ =	swait.ge [sflag:s19], $0x4000  }
0xf1: {  	[sflag:s19] =	ssyncset.done $0x0  }
0xf2: {  	[sflag:s19] =	ssyncadd.s32 $0xFFFFC000  }
0xf3: {  	_ =	swait.ge [sflag:s20], $0x80  }
0xf4: {  	[sflag:s20] =	ssyncset.done $0x0  }
0xf5: {  	[sflag:s20] =	ssyncadd.s32 $0xFFFFFF80  }
0xf6: {  	_ =	swait.ge [sflag:s20], $0x80  }
0xf7: {  	[sflag:s20] =	ssyncset.done $0x0  }
0xf8: {  	[sflag:s20] =	ssyncadd.s32 $0xFFFFFF80  }
0xf9: {  	[bflag:$0x0] =	sbarrier.arrive $0xFFFF  }
0xfa: {  	[tilespmem:s13], [sflag:$0x7] =	stream.linear.gather [spmem:s18], $0x4000, $0x38;
	[tilespmem:$0x1FF00] =	vst v63  }
0xfb: {  	_ =	swait.ge [sflag:s19], $0x4000  }
0xfc: {  	[sflag:s19] =	ssyncset.done $0x0  }
0xfd: {  	s31 =	rddreg [dreg:$0x9];
	[sflag:s19] =	ssyncadd.s32 $0xFFFFC000  }
0xfe: {  	[hbm4b:s31+s4] =	stream.linear.scatter [tilespmem:s13], [sflag:$0x1], $0x4000, $0x38;
	[tilespmem:$0x1FF00] =	vst v63  }
0xff: {  	s29 =	rddreg [dreg:$0xf]  }
0x100: {  	[tilespmem:s17], [sflag:$0x7] =	stream.linear.gather [spmem:s29], $0x4000, $0x38;
	[tilespmem:$0x1FF00] =	vst v63  }
0x101: {  	_ =	swait.ge [sflag:s19], $0x4000  }
0x102: {  	[sflag:s19] =	ssyncset.done $0x0  }
0x103: {  	[sflag:s19] =	ssyncadd.s32 $0xFFFFC000  }
0x104: {  	_ =	swait.ge [sflag:s14], $0x4000  }
0x105: {  	[sflag:s14] =	ssyncset.done $0x0  }
0x106: {  	s30 =	rddreg [dreg:$0xa];
	[sflag:s14] =	ssyncadd.s32 $0xFFFFC000  }
0x107: {  	[hbm4b:s30+s4] =	stream.linear.scatter [tilespmem:s17], [sflag:$0x2], $0x4000, $0x38;
	[tilespmem:$0x1FF00] =	vst v63  }
0x108: {  	s31 =	rddreg [dreg:$0x10]  }
0x109: {  	[tilespmem:s13], [sflag:$0x7] =	stream.linear.gather [spmem:s31], $0x4000, $0x38;
	[tilespmem:$0x1FF00] =	vst v63  }
0x10a: {  	_ =	swait.ge [sflag:s19], $0x4000  }
0x10b: {  	[sflag:s19] =	ssyncset.done $0x0  }
0x10c: {  	[sflag:s19] =	ssyncadd.s32 $0xFFFFC000  }
0x10d: {  	_ =	swait.ge [sflag:s22], $0x4000  }
0x10e: {  	[sflag:s22] =	ssyncset.done $0x0  }
0x10f: {  	s29 =	rddreg [dreg:$0xb];
	[sflag:s22] =	ssyncadd.s32 $0xFFFFC000  }
0x110: {  	[hbm4b:s29+s4] =	stream.linear.scatter [tilespmem:s13], [sflag:$0x1], $0x4000, $0x38;
	[tilespmem:$0x1FF00] =	vst v63  }
0x111: {  	s30 =	rddreg [dreg:$0x11]  }
0x112: {  	[tilespmem:s17], [sflag:$0x7] =	stream.linear.gather [spmem:s30], $0x4000, $0x38;
	[tilespmem:$0x1FF00] =	vst v63  }
0x113: {  	_ =	swait.ge [sflag:s19], $0x4000  }
0x114: {  	[sflag:s19] =	ssyncset.done $0x0  }
0x115: {  	[sflag:s19] =	ssyncadd.s32 $0xFFFFC000  }
0x116: {  	_ =	swait.ge [sflag:s14], $0x4000  }
0x117: {  	[sflag:s14] =	ssyncset.done $0x0  }
0x118: {  	s31 =	rddreg [dreg:$0xc];
	[sflag:s14] =	ssyncadd.s32 $0xFFFFC000  }
0x119: {  	[hbm4b:s31+s4] =	stream.linear.scatter [tilespmem:s17], [sflag:$0x2], $0x4000, $0x38;
	[tilespmem:$0x1FF00] =	vst v63  }
0x11a: {  	s29 =	rddreg [dreg:$0x12]  }
0x11b: {  	[tilespmem:s13], [sflag:$0x7] =	stream.linear.gather [spmem:s29], $0x3C00, $0x38;
	[tilespmem:$0x1FF00] =	vst v63  }
0x11c: {  	_ =	swait.ge [sflag:s19], $0x3C00  }
0x11d: {  	[sflag:s19] =	ssyncset.done $0x0  }
0x11e: {  	[sflag:s19] =	ssyncadd.s32 $0xFFFFC400  }
0x11f: {  	_ =	swait.ge [sflag:s22], $0x4000  }
0x120: {  	[sflag:s22] =	ssyncset.done $0x0  }
0x121: {  	s30 =	rddreg [dreg:$0xd];
	[sflag:s22] =	ssyncadd.s32 $0xFFFFC000  }
0x122: {  	[hbm4b:s30+s4] =	stream.linear.scatter [tilespmem:s13], [sflag:$0x1], $0x3C00, $0x38;
	[tilespmem:$0x1FF00] =	vst v63  }
0x123: {  	_ =	swait.ge [sflag:s14], $0x3C00  }
0x124: {  	s28 =	sadd.s32 $0x1, s28;
	s31 =	rddreg [dreg:$0x13]  }
0x125: {  	p0 =	sne.s32 s28, s31  }
.Ltmp2:
0x126: {  	_ = 	snop;
	(pc) =	sbr.rel @p0 .LBB2_1-.Ltmp2, $3  }
0x127: {  	_ =	sdelay $0x1  }
0x128: {  	[sflag:s14] =	ssyncset.done $0x0  }
0x129: {  	[sflag:s14] =	ssyncadd.s32 $0xFFFFC400  }
0x12a: {  	_ =	sfence.sel $0x180000  }
0x12b: {  	[bflag:$0x0] =	sbarrier.arrive $0xFFFF  }
0x12c: {  	_ =	strace $0x90000053  }
0x12d: {  	s0 =	stileid.u32;
	[bflag:$0x2] =	sbarrier.arrive $0xFFFF  }
0x12e: {  	p0 =	sne.s32 s0, $0x0;
	s0 =	rddreg [dreg:$0x3]  }
0x12f: {  	s0 =	sadd.s32 @!p0 $0x100000, s0  }
0x130: {  	[sflag:s0] =	ssyncadd.tile.s32 @!p0 $0x1;
	_ =	shalt  }
.Lfunc_end2:
_tile_overlayer_lowered:
.L_overlay_start_2:
0x131: {  	(tag) =	ssettag $0x2  }
0x132: {  	s0 =	rddreg [dreg:$0x0];
	s2 =	stileid.u32  }
0x133: {  	s1 =	rddreg [dreg:$0x1];
	p0 =	sne.s32 s2, $0x0  }
0x134: {  	s3 =	rddreg [dreg:$0x2];
	[bflag:$0x3] =	sbarrier.arrive $0xFFFF;
	s2 =	simm.s32 @!p0 $0x1C07  }
0x135: {  	[timem:s3], [sflag:s2] =	dma.local @!p0 [hbm:s0], s1  }
0x136: {  	s0 =	simm.s32 @!p0 $0x7  }
0x137: {  	_ =	swait.ge @!p0 [sflag:s0], s1  }
0x138: {  	s1 =	ssub.s32 @!p0 $0x0, s1;
	[sflag:s0] =	ssyncset.done @!p0 $0x0  }
0x139: {  	[sflag:s0] =	ssyncadd.s32 @!p0 s1  }
0x13a: {  	[bflag:$0x3] =	sbarrier.arrive $0xFFFF  }
0x13b: {  	_ =	shalt  }

</sc_bundles>
